<compile_context>
chip_gen: v7x
topology: tpu7x:2x2x1
jax: 0.10.2.dev20260603
libtpu: 0.0.44.dev20260713+nightly
codegen_flags: <defaults>
</compile_context>

<pallas_src>
import functools

import jax
import jax.numpy as jnp
from jax import lax
from jax.experimental import pallas as pl
from jax.experimental.pallas import tpu as pltpu
from jax.experimental.pallas import tpu_sc as plsc

N_NODES = 10000
N_EDGES = 320000
F = 64
FP = 64
EPS_BN = 1e-5

NC, NS = 2, 16
NW = NC * NS
B_EDGE = 80
EPT = N_EDGES // NW
G_TILE = EPT // B_EDGE
NBUF = 5
AGG_ROWS = 10240
ROWS_PER_TILE = AGG_ROWS // NS
ZCHUNK = 64
FD = 128


def _sc_agg_body(hw, ei4, out, agg, src_blk, dst_blk, rows, zbuf, dbuf, sem):
    c = lax.axis_index("c")
    s = lax.axis_index("s")
    wid = c * NS + s

    pltpu.sync_copy(ei4.at[0, wid], src_blk)
    pltpu.sync_copy(ei4.at[1, wid], dst_blk)

    zero = jnp.zeros((16,), jnp.float32)

    def zrow(r, carry):
        for c16 in range(FP // 16):
            zbuf[r, pl.ds(c16 * 16, 16)] = zero
        return carry

    lax.fori_loop(0, ZCHUNK, zrow, 0)

    def zrow_d(r, carry):
        for c16 in range(FD // 16):
            dbuf[r, pl.ds(c16 * 16, 16)] = zero
        return carry

    lax.fori_loop(0, ZCHUNK, zrow_d, 0)
    for i in range(ROWS_PER_TILE // ZCHUNK):
        pltpu.sync_copy(
            zbuf, agg.at[pl.ds(s * ROWS_PER_TILE + i * ZCHUNK, ZCHUNK)])
    plsc.subcore_barrier()

    def _wait_gather(b):
        pltpu.make_async_copy(
            hw.at[pl.ds(0, B_EDGE)], rows.at[b], sem.at[b]).wait()

    for b in range(NBUF):
        pltpu.async_copy(hw.at[src_blk.at[b]], rows.at[b], sem.at[b])

    def step(j, carry):
        for b in range(NBUF):
            g = j * NBUF + b
            _wait_gather(b)
            pltpu.sync_copy(rows.at[b], agg.at[dst_blk.at[g]], add=True)
            pltpu.async_copy(hw.at[src_blk.at[g + NBUF]], rows.at[b],
                             sem.at[b])
        return carry

    lax.fori_loop(0, G_TILE // NBUF - 1, step, 0)
    for b in range(NBUF):
        g = G_TILE - NBUF + b
        _wait_gather(b)
        pltpu.sync_copy(rows.at[b], agg.at[dst_blk.at[g]], add=True)
    plsc.subcore_barrier()

    for i in range(ROWS_PER_TILE // ZCHUNK):
        sl = pl.ds(s * ROWS_PER_TILE + i * ZCHUNK, ZCHUNK)
        pltpu.sync_copy(agg.at[sl], dbuf.at[:, pl.ds(0, F)])
        pltpu.sync_copy(dbuf, out.at[c].at[sl])


@functools.cache
def _sc_agg_kernel():
    return pl.kernel(
        _sc_agg_body,
        out_type=jax.ShapeDtypeStruct((NC, AGG_ROWS, FD), jnp.float32),
        mesh=plsc.VectorSubcoreMesh(
            core_axis_name="c", subcore_axis_name="s",
            num_cores=NC, num_subcores=NS),
        compiler_params=pltpu.CompilerParams(use_tc_tiling_on_sc=False),
        scratch_types=[
            pltpu.VMEM_SHARED((AGG_ROWS, FP), jnp.float32),
            pltpu.VMEM((G_TILE, B_EDGE), jnp.int32),
            pltpu.VMEM((G_TILE, B_EDGE), jnp.int32),
            pltpu.VMEM((NBUF, B_EDGE, FP), jnp.float32),
            pltpu.VMEM((ZCHUNK, FP), jnp.float32),
            pltpu.VMEM((ZCHUNK, FD), jnp.float32),
            pltpu.SemaphoreType.DMA((NBUF,)),
        ],
    )


def _sc_agg(hw, ei4):
    return _sc_agg_kernel()(hw, ei4)


def _mm_body(x, w, b, hw):
    hw[...] = jnp.dot(x[...], w[...], preferred_element_type=jnp.float32) + b[...]


def _mm_relu_body(x, w, b, res):
    res[...] = jnp.maximum(
        jnp.dot(x[...], w[...], preferred_element_type=jnp.float32) + b[...], 0.0)


def _bn(t, g, be):
    mean = jnp.mean(t, axis=0, keepdims=True)
    var = jnp.mean(t * t, axis=0, keepdims=True) - mean * mean
    return (t - mean) * lax.rsqrt(var + EPS_BN) * g + be


def _k2_body(agg, res, g, be, w, b, hw, hout):
    t = jnp.maximum(agg[0, :N_NODES, :F] + agg[1, :N_NODES, :F], 0.0) + res[...]
    h = _bn(t, g[...], be[...])
    hw[...] = jnp.dot(h, w[...], preferred_element_type=jnp.float32) + b[...]
    hout[...] = h


def _k3_body(agg, res, g, be, wd, bd, out):
    t = jnp.maximum(agg[0, :N_NODES, :F] + agg[1, :N_NODES, :F], 0.0) + res[...]
    h = _bn(t, g[...], be[...])
    logits = jnp.dot(h, wd[...], preferred_element_type=jnp.float32) + bd[...]
    m = jnp.max(logits, axis=1, keepdims=True)
    e = jnp.exp(logits - m)
    out[...] = e / jnp.sum(e, axis=1, keepdims=True)


def _tc_call(body, out_shapes):
    return pl.pallas_call(
        body,
        out_shape=[jax.ShapeDtypeStruct(s, jnp.float32) for s in out_shapes])


def _pad_cols(a, width=FP):
    return jnp.pad(a, ((0, 0), (0, width - a.shape[1])))


def kernel(in_feat, edge_index, W0, b0, Wr0, br0, g0, be0,
           W1, b1, Wr1, br1, g1, be1, Wd, bd):
    ei4 = edge_index.reshape(2, NW, G_TILE, B_EDGE)
    b0p = _pad_cols(b0.reshape(1, F))
    b1p = _pad_cols(b1.reshape(1, F))

    hw0, = _tc_call(_mm_body, [(N_NODES, FP)])(in_feat, _pad_cols(W0), b0p)
    agg0 = _sc_agg(hw0, ei4)
    res0, = _tc_call(_mm_relu_body, [(N_NODES, F)])(
        in_feat, Wr0, br0.reshape(1, F))

    hw1, h1 = _tc_call(_k2_body, [(N_NODES, FP), (N_NODES, F)])(
        agg0, res0, g0.reshape(1, F), be0.reshape(1, F), _pad_cols(W1), b1p)
    agg1 = _sc_agg(hw1, ei4)
    res1, = _tc_call(_mm_relu_body, [(N_NODES, F)])(
        h1, Wr1, br1.reshape(1, F))

    out, = _tc_call(_k3_body, [(N_NODES, 2)])(
        agg1, res1, g1.reshape(1, F), be1.reshape(1, F),
        Wd, bd.reshape(1, 2))
    return out

# --- scband reference (transcript-rebuilt; emitter-appended) ---
"""Pipeline reference for scband-gnn-31782757990543 (READ-ONLY COPY).

The authoritative reference and input builder live on the scoring server;
editing this copy changes nothing except your own understanding.
"""

import jax, jax.numpy as jnp
import numpy as np

N = 10000
E = 320000
D_IN = 128
LAYERS = [64, 64]
EPS = 1e-5

def setup_inputs(seed: int = 0) -> dict:
    key = jax.random.key(seed)
    ks = jax.random.split(key, 32)
    inp = {}
    inp['in_feat'] = jax.random.normal(ks[0], (N, D_IN), dtype=jnp.float32)
    inp['edge_index'] = jax.random.randint(ks[1], (2, E), 0, N, dtype=jnp.int32)
    dims = [D_IN] + LAYERS
    ki = 2
    for i in range(len(LAYERS)):
        di, do = dims[i], dims[i + 1]
        s = 1.0 / np.sqrt(di)
        inp['W%d' % i] = jax.random.uniform(ks[ki], (di, do), jnp.float32, -s, s); ki += 1
        inp['b%d' % i] = jnp.zeros((do,), jnp.float32)
        inp['Wr%d' % i] = jax.random.uniform(ks[ki], (di, do), jnp.float32, -s, s); ki += 1
        inp['br%d' % i] = jnp.zeros((do,), jnp.float32)
        inp['g%d' % i] = jnp.ones((do,), jnp.float32)
        inp['be%d' % i] = jnp.zeros((do,), jnp.float32)
    sd = 1.0 / np.sqrt(LAYERS[-1])
    inp['Wd'] = jax.random.uniform(ks[ki], (LAYERS[-1], 2), jnp.float32, -sd, sd)
    inp['bd'] = jnp.zeros((2,), jnp.float32)
    return inp

def reference(in_feat, edge_index, W0, b0, Wr0, br0, g0, be0, W1, b1, Wr1, br1, g1, be1, Wd, bd):
    src = edge_index[0]
    dst = edge_index[1]
    h = in_feat
    layer_params = [(W0, b0, Wr0, br0, g0, be0), (W1, b1, Wr1, br1, g1, be1)]
    for (W, b, Wr, br, g, be) in layer_params:
        # GraphConv (norm='none'): sum-aggregate messages of h@W, then activation
        hw = h @ W + b
        msg = jnp.take(hw, src, axis=0)
        agg = jax.ops.segment_sum(msg, dst, num_segments=N)
        new_h = jax.nn.relu(agg)
        # residual connection: activation(res_linear(h))
        res = jax.nn.relu(h @ Wr + br)
        new_h = new_h + res
        # dropout omitted (eval / deterministic reference)
        # batchnorm (training-mode batch statistics)
        mean = jnp.mean(new_h, axis=0)
        var = jnp.var(new_h, axis=0)
        new_h = (new_h - mean) / jnp.sqrt(var + EPS) * g + be
        h = new_h
    logits = h @ Wd + bd
    return jax.nn.softmax(logits, axis=1)

if __name__ == "__main__":
    import jax
    _d = setup_inputs()
    print(jax.jit(kernel)(*tuple(_d.values())))

</pallas_src>

<mosaic_0001>
#map = affine_map<(d0, d1) -> (0, 0)>
#map1 = affine_map<(d0, d1) -> (0, 0, 0, 0)>
#map2 = affine_map<(d0, d1) -> (0, 0, 0)>
module attributes {stable_mosaic.version = 14 : i64} {
  func.func @_sc_agg_body(%arg0: i32, %arg1: i32, %arg2: memref<10000x64xf32, #tpu.memory_space<hbm>>, %arg3: memref<2x32x125x80xi32, #tpu.memory_space<hbm>>, %arg4: memref<2x10240x128xf32, #tpu.memory_space<hbm>>, %arg5: memref<10240x64xf32, #tpu.memory_space<vmem_shared>>, %arg6: memref<125x80xi32, #tpu.memory_space<vmem>>, %arg7: memref<125x80xi32, #tpu.memory_space<vmem>>, %arg8: memref<5x80x64xf32, #tpu.memory_space<vmem>>, %arg9: memref<64x64xf32, #tpu.memory_space<vmem>>, %arg10: memref<64x128xf32, #tpu.memory_space<vmem>>, %arg11: memref<5x!tpu.dma_semaphore, #tpu.memory_space<semaphore_mem>>) attributes {dimension_semantics = [#tpu.dimension_semantics<core_parallel>, #tpu.dimension_semantics<subcore_parallel>], iteration_bounds = array<i64: 2, 16>, scalar_prefetch = 0 : i64, scratch_operands = 7 : i64, tpu.core_type = #tpu.core_type<sc_vector_subcore>, window_params = [{transform_indices = #map}, {transform_indices = #map1}, {transform_indices = #map2}]} {
    %mul3A = arith.constant 16 : i32
    %mul3A_0 = arith.muli %arg0, %mul3A : i32
    %add3A = arith.addi %mul3A_0, %arg1 : i32
    %run_scoped3A = arith.constant 0 : i32
    "tpu.region"() ({
      %run_scoped3A_274 = tpu.sem_alloc : memref<!tpu.dma_semaphore, #tpu.memory_space<semaphore_mem>>
      %dma_start3A_275 = arith.constant 0 : i32
      %dma_start3A_276 = arith.constant 0 : i32
      %dma_start3A_277 = tpu.memref_slice %arg3[%run_scoped3A, %add3A, %dma_start3A_275, %dma_start3A_276] : memref<2x32x125x80xi32, #tpu.memory_space<hbm>> -> memref<1x1x125x80xi32, #tpu.memory_space<hbm>>
      %dma_start3A_278 = tpu.memref_squeeze %dma_start3A_277 : memref<1x1x125x80xi32, #tpu.memory_space<hbm>> -> memref<125x80xi32, #tpu.memory_space<hbm>>
      %dma_start3A_279 = arith.constant 0 : i32
      %dma_start3A_280 = arith.constant 0 : i32
      %dma_start3A_281 = tpu.memref_slice %arg3[%run_scoped3A, %add3A, %dma_start3A_279, %dma_start3A_280] : memref<2x32x125x80xi32, #tpu.memory_space<hbm>> -> memref<1x1x125x80xi32, #tpu.memory_space<hbm>>
      %dma_start3A_282 = tpu.memref_squeeze %dma_start3A_281 : memref<1x1x125x80xi32, #tpu.memory_space<hbm>> -> memref<125x80xi32, #tpu.memory_space<hbm>>
      tpu.enqueue_dma source(%dma_start3A_282 : memref<125x80xi32, #tpu.memory_space<hbm>>) target(%arg6 : memref<125x80xi32, #tpu.memory_space<vmem>>) target_semaphore(%run_scoped3A_274 : memref<!tpu.dma_semaphore, #tpu.memory_space<semaphore_mem>>)
      %dma_wait3A_283 = arith.constant 0 : i32
      %dma_wait3A_284 = arith.constant 0 : i32
      %dma_wait3A_285 = tpu.memref_slice %arg3[%run_scoped3A, %add3A, %dma_wait3A_283, %dma_wait3A_284] : memref<2x32x125x80xi32, #tpu.memory_space<hbm>> -> memref<1x1x125x80xi32, #tpu.memory_space<hbm>>
      %dma_wait3A_286 = tpu.memref_squeeze %dma_wait3A_285 : memref<1x1x125x80xi32, #tpu.memory_space<hbm>> -> memref<125x80xi32, #tpu.memory_space<hbm>>
      %dma_wait3A_287 = arith.constant 0 : i32
      %dma_wait3A_288 = arith.constant 0 : i32
      %dma_wait3A_289 = tpu.memref_slice %arg3[%run_scoped3A, %add3A, %dma_wait3A_287, %dma_wait3A_288] : memref<2x32x125x80xi32, #tpu.memory_space<hbm>> -> memref<1x1x125x80xi32, #tpu.memory_space<hbm>>
      %dma_wait3A_290 = tpu.memref_squeeze %dma_wait3A_289 : memref<1x1x125x80xi32, #tpu.memory_space<hbm>> -> memref<125x80xi32, #tpu.memory_space<hbm>>
      tpu.wait_dma2 semaphore(%run_scoped3A_274 : memref<!tpu.dma_semaphore, #tpu.memory_space<semaphore_mem>>) src(%dma_wait3A_290 : memref<125x80xi32, #tpu.memory_space<hbm>>) dst(%arg6 : memref<125x80xi32, #tpu.memory_space<vmem>>)
      tpu.yield
    }) : () -> ()
    %run_scoped3A_1 = arith.constant 1 : i32
    "tpu.region"() ({
      %run_scoped3A_274 = tpu.sem_alloc : memref<!tpu.dma_semaphore, #tpu.memory_space<semaphore_mem>>
      %dma_start3A_275 = arith.constant 0 : i32
      %dma_start3A_276 = arith.constant 0 : i32
      %dma_start3A_277 = tpu.memref_slice %arg3[%run_scoped3A_1, %add3A, %dma_start3A_275, %dma_start3A_276] : memref<2x32x125x80xi32, #tpu.memory_space<hbm>> -> memref<1x1x125x80xi32, #tpu.memory_space<hbm>>
      %dma_start3A_278 = tpu.memref_squeeze %dma_start3A_277 : memref<1x1x125x80xi32, #tpu.memory_space<hbm>> -> memref<125x80xi32, #tpu.memory_space<hbm>>
      %dma_start3A_279 = arith.constant 0 : i32
      %dma_start3A_280 = arith.constant 0 : i32
      %dma_start3A_281 = tpu.memref_slice %arg3[%run_scoped3A_1, %add3A, %dma_start3A_279, %dma_start3A_280] : memref<2x32x125x80xi32, #tpu.memory_space<hbm>> -> memref<1x1x125x80xi32, #tpu.memory_space<hbm>>
      %dma_start3A_282 = tpu.memref_squeeze %dma_start3A_281 : memref<1x1x125x80xi32, #tpu.memory_space<hbm>> -> memref<125x80xi32, #tpu.memory_space<hbm>>
      tpu.enqueue_dma source(%dma_start3A_282 : memref<125x80xi32, #tpu.memory_space<hbm>>) target(%arg7 : memref<125x80xi32, #tpu.memory_space<vmem>>) target_semaphore(%run_scoped3A_274 : memref<!tpu.dma_semaphore, #tpu.memory_space<semaphore_mem>>)
      %dma_wait3A_283 = arith.constant 0 : i32
      %dma_wait3A_284 = arith.constant 0 : i32
      %dma_wait3A_285 = tpu.memref_slice %arg3[%run_scoped3A_1, %add3A, %dma_wait3A_283, %dma_wait3A_284] : memref<2x32x125x80xi32, #tpu.memory_space<hbm>> -> memref<1x1x125x80xi32, #tpu.memory_space<hbm>>
      %dma_wait3A_286 = tpu.memref_squeeze %dma_wait3A_285 : memref<1x1x125x80xi32, #tpu.memory_space<hbm>> -> memref<125x80xi32, #tpu.memory_space<hbm>>
      %dma_wait3A_287 = arith.constant 0 : i32
      %dma_wait3A_288 = arith.constant 0 : i32
      %dma_wait3A_289 = tpu.memref_slice %arg3[%run_scoped3A_1, %add3A, %dma_wait3A_287, %dma_wait3A_288] : memref<2x32x125x80xi32, #tpu.memory_space<hbm>> -> memref<1x1x125x80xi32, #tpu.memory_space<hbm>>
      %dma_wait3A_290 = tpu.memref_squeeze %dma_wait3A_289 : memref<1x1x125x80xi32, #tpu.memory_space<hbm>> -> memref<125x80xi32, #tpu.memory_space<hbm>>
      tpu.wait_dma2 semaphore(%run_scoped3A_274 : memref<!tpu.dma_semaphore, #tpu.memory_space<semaphore_mem>>) src(%dma_wait3A_290 : memref<125x80xi32, #tpu.memory_space<hbm>>) dst(%arg7 : memref<125x80xi32, #tpu.memory_space<vmem>>)
      tpu.yield
    }) : () -> ()
    %broadcast_in_dim3A = arith.constant 0.000000e+00 : f32
    %broadcast_in_dim3A_2 = vector.broadcast %broadcast_in_dim3A : f32 to vector<16xf32>
    %scan3A = arith.constant 0 : i32
    %scan3A_3 = arith.constant 0 : i32
    %scan3A_4 = arith.constant 64 : i32
    %scan3A_5 = arith.addi %scan3A_3, %scan3A_4 : i32
    %scan3A_6 = arith.constant 1 : i32
    scf.for %scan3A_274 = %scan3A_3 to %scan3A_5 step %scan3A_6  : i32 {
      %swap3A = arith.index_cast %scan3A_274 : i32 to index
      %swap3A_275 = arith.constant 0 : index
      %swap3A_276 = tpu.vector_load %arg9[%swap3A, %swap3A_275] {strides = array<i32>} : memref<64x64xf32, #tpu.memory_space<vmem>>, vector<1x16xf32>,
      %swap3A_277 = vector.shape_cast %swap3A_276 : vector<1x16xf32> to vector<16xf32>
      %swap3A_278 = vector.shape_cast %broadcast_in_dim3A_2 : vector<16xf32> to vector<1x16xf32>
      tpu.vector_store %arg9[%swap3A, %swap3A_275], %swap3A_278 {strides = array<i32>} : memref<64x64xf32, #tpu.memory_space<vmem>>, vector<1x16xf32>,
      %swap3A_279 = arith.index_cast %scan3A_274 : i32 to index
      %swap3A_280 = arith.constant 16 : index
      %swap3A_281 = tpu.vector_load %arg9[%swap3A_279, %swap3A_280] {strides = array<i32>} : memref<64x64xf32, #tpu.memory_space<vmem>>, vector<1x16xf32>,
      %swap3A_282 = vector.shape_cast %swap3A_281 : vector<1x16xf32> to vector<16xf32>
      %swap3A_283 = vector.shape_cast %broadcast_in_dim3A_2 : vector<16xf32> to vector<1x16xf32>
      tpu.vector_store %arg9[%swap3A_279, %swap3A_280], %swap3A_283 {strides = array<i32>} : memref<64x64xf32, #tpu.memory_space<vmem>>, vector<1x16xf32>,
      %swap3A_284 = arith.index_cast %scan3A_274 : i32 to index
      %swap3A_285 = arith.constant 32 : index
      %swap3A_286 = tpu.vector_load %arg9[%swap3A_284, %swap3A_285] {strides = array<i32>} : memref<64x64xf32, #tpu.memory_space<vmem>>, vector<1x16xf32>,
      %swap3A_287 = vector.shape_cast %swap3A_286 : vector<1x16xf32> to vector<16xf32>
      %swap3A_288 = vector.shape_cast %broadcast_in_dim3A_2 : vector<16xf32> to vector<1x16xf32>
      tpu.vector_store %arg9[%swap3A_284, %swap3A_285], %swap3A_288 {strides = array<i32>} : memref<64x64xf32, #tpu.memory_space<vmem>>, vector<1x16xf32>,
      %swap3A_289 = arith.index_cast %scan3A_274 : i32 to index
      %swap3A_290 = arith.constant 48 : index
      %swap3A_291 = tpu.vector_load %arg9[%swap3A_289, %swap3A_290] {strides = array<i32>} : memref<64x64xf32, #tpu.memory_space<vmem>>, vector<1x16xf32>,
      %swap3A_292 = vector.shape_cast %swap3A_291 : vector<1x16xf32> to vector<16xf32>
      %swap3A_293 = vector.shape_cast %broadcast_in_dim3A_2 : vector<16xf32> to vector<1x16xf32>
      tpu.vector_store %arg9[%swap3A_289, %swap3A_290], %swap3A_293 {strides = array<i32>} : memref<64x64xf32, #tpu.memory_space<vmem>>, vector<1x16xf32>,
    }
    %scan3A_7 = arith.constant 64 : i32
    %scan3A_8 = arith.constant 0 : i32
    %scan3A_9 = arith.constant 0 : i32
    %scan3A_10 = arith.constant 64 : i32
    %scan3A_11 = arith.addi %scan3A_9, %scan3A_10 : i32
    %scan3A_12 = arith.constant 1 : i32
    scf.for %scan3A_274 = %scan3A_9 to %scan3A_11 step %scan3A_12  : i32 {
      %swap3A = arith.index_cast %scan3A_274 : i32 to index
      %swap3A_275 = arith.constant 0 : index
      %swap3A_276 = tpu.vector_load %arg10[%swap3A, %swap3A_275] {strides = array<i32>} : memref<64x128xf32, #tpu.memory_space<vmem>>, vector<1x16xf32>,
      %swap3A_277 = vector.shape_cast %swap3A_276 : vector<1x16xf32> to vector<16xf32>
      %swap3A_278 = vector.shape_cast %broadcast_in_dim3A_2 : vector<16xf32> to vector<1x16xf32>
      tpu.vector_store %arg10[%swap3A, %swap3A_275], %swap3A_278 {strides = array<i32>} : memref<64x128xf32, #tpu.memory_space<vmem>>, vector<1x16xf32>,
      %swap3A_279 = arith.index_cast %scan3A_274 : i32 to index
      %swap3A_280 = arith.constant 16 : index
      %swap3A_281 = tpu.vector_load %arg10[%swap3A_279, %swap3A_280] {strides = array<i32>} : memref<64x128xf32, #tpu.memory_space<vmem>>, vector<1x16xf32>,
      %swap3A_282 = vector.shape_cast %swap3A_281 : vector<1x16xf32> to vector<16xf32>
      %swap3A_283 = vector.shape_cast %broadcast_in_dim3A_2 : vector<16xf32> to vector<1x16xf32>
      tpu.vector_store %arg10[%swap3A_279, %swap3A_280], %swap3A_283 {strides = array<i32>} : memref<64x128xf32, #tpu.memory_space<vmem>>, vector<1x16xf32>,
      %swap3A_284 = arith.index_cast %scan3A_274 : i32 to index
      %swap3A_285 = arith.constant 32 : index
      %swap3A_286 = tpu.vector_load %arg10[%swap3A_284, %swap3A_285] {strides = array<i32>} : memref<64x128xf32, #tpu.memory_space<vmem>>, vector<1x16xf32>,
      %swap3A_287 = vector.shape_cast %swap3A_286 : vector<1x16xf32> to vector<16xf32>
      %swap3A_288 = vector.shape_cast %broadcast_in_dim3A_2 : vector<16xf32> to vector<1x16xf32>
      tpu.vector_store %arg10[%swap3A_284, %swap3A_285], %swap3A_288 {strides = array<i32>} : memref<64x128xf32, #tpu.memory_space<vmem>>, vector<1x16xf32>,
      %swap3A_289 = arith.index_cast %scan3A_274 : i32 to index
      %swap3A_290 = arith.constant 48 : index
      %swap3A_291 = tpu.vector_load %arg10[%swap3A_289, %swap3A_290] {strides = array<i32>} : memref<64x128xf32, #tpu.memory_space<vmem>>, vector<1x16xf32>,
      %swap3A_292 = vector.shape_cast %swap3A_291 : vector<1x16xf32> to vector<16xf32>
      %swap3A_293 = vector.shape_cast %broadcast_in_dim3A_2 : vector<16xf32> to vector<1x16xf32>
      tpu.vector_store %arg10[%swap3A_289, %swap3A_290], %swap3A_293 {strides = array<i32>} : memref<64x128xf32, #tpu.memory_space<vmem>>, vector<1x16xf32>,
      %swap3A_294 = arith.index_cast %scan3A_274 : i32 to index
      %swap3A_295 = arith.constant 64 : index
      %swap3A_296 = tpu.vector_load %arg10[%swap3A_294, %swap3A_295] {strides = array<i32>} : memref<64x128xf32, #tpu.memory_space<vmem>>, vector<1x16xf32>,
      %swap3A_297 = vector.shape_cast %swap3A_296 : vector<1x16xf32> to vector<16xf32>
      %swap3A_298 = vector.shape_cast %broadcast_in_dim3A_2 : vector<16xf32> to vector<1x16xf32>
      tpu.vector_store %arg10[%swap3A_294, %swap3A_295], %swap3A_298 {strides = array<i32>} : memref<64x128xf32, #tpu.memory_space<vmem>>, vector<1x16xf32>,
      %swap3A_299 = arith.index_cast %scan3A_274 : i32 to index
      %swap3A_300 = arith.constant 80 : index
      %swap3A_301 = tpu.vector_load %arg10[%swap3A_299, %swap3A_300] {strides = array<i32>} : memref<64x128xf32, #tpu.memory_space<vmem>>, vector<1x16xf32>,
      %swap3A_302 = vector.shape_cast %swap3A_301 : vector<1x16xf32> to vector<16xf32>
      %swap3A_303 = vector.shape_cast %broadcast_in_dim3A_2 : vector<16xf32> to vector<1x16xf32>
      tpu.vector_store %arg10[%swap3A_299, %swap3A_300], %swap3A_303 {strides = array<i32>} : memref<64x128xf32, #tpu.memory_space<vmem>>, vector<1x16xf32>,
      %swap3A_304 = arith.index_cast %scan3A_274 : i32 to index
      %swap3A_305 = arith.constant 96 : index
      %swap3A_306 = tpu.vector_load %arg10[%swap3A_304, %swap3A_305] {strides = array<i32>} : memref<64x128xf32, #tpu.memory_space<vmem>>, vector<1x16xf32>,
      %swap3A_307 = vector.shape_cast %swap3A_306 : vector<1x16xf32> to vector<16xf32>
      %swap3A_308 = vector.shape_cast %broadcast_in_dim3A_2 : vector<16xf32> to vector<1x16xf32>
      tpu.vector_store %arg10[%swap3A_304, %swap3A_305], %swap3A_308 {strides = array<i32>} : memref<64x128xf32, #tpu.memory_space<vmem>>, vector<1x16xf32>,
      %swap3A_309 = arith.index_cast %scan3A_274 : i32 to index
      %swap3A_310 = arith.constant 112 : index
      %swap3A_311 = tpu.vector_load %arg10[%swap3A_309, %swap3A_310] {strides = array<i32>} : memref<64x128xf32, #tpu.memory_space<vmem>>, vector<1x16xf32>,
      %swap3A_312 = vector.shape_cast %swap3A_311 : vector<1x16xf32> to vector<16xf32>
      %swap3A_313 = vector.shape_cast %broadcast_in_dim3A_2 : vector<16xf32> to vector<1x16xf32>
      tpu.vector_store %arg10[%swap3A_309, %swap3A_310], %swap3A_313 {strides = array<i32>} : memref<64x128xf32, #tpu.memory_space<vmem>>, vector<1x16xf32>,
    }
    %scan3A_13 = arith.constant 64 : i32
    %mul3A_14 = arith.constant 640 : i32
    %mul3A_15 = arith.muli %arg1, %mul3A_14 : i32
    %add3A_16 = arith.constant 0 : i32
    %add3A_17 = arith.addi %mul3A_15, %add3A_16 : i32
    "tpu.region"() ({
      %run_scoped3A_274 = tpu.sem_alloc : memref<!tpu.dma_semaphore, #tpu.memory_space<semaphore_mem>>
      %dma_start3A_275 = arith.constant 0 : i32
      %dma_start3A_276 = tpu.memref_slice %arg5[%add3A_17, %dma_start3A_275] : memref<10240x64xf32, #tpu.memory_space<vmem_shared>> -> memref<64x64xf32, #tpu.memory_space<vmem_shared>>
      %dma_start3A_277 = arith.constant 0 : i32
      %dma_start3A_278 = tpu.memref_slice %arg5[%add3A_17, %dma_start3A_277] : memref<10240x64xf32, #tpu.memory_space<vmem_shared>> -> memref<64x64xf32, #tpu.memory_space<vmem_shared>>
      tpu.enqueue_dma source(%arg9 : memref<64x64xf32, #tpu.memory_space<vmem>>) target(%dma_start3A_278 : memref<64x64xf32, #tpu.memory_space<vmem_shared>>) target_semaphore(%run_scoped3A_274 : memref<!tpu.dma_semaphore, #tpu.memory_space<semaphore_mem>>)
      %dma_wait3A_279 = arith.constant 0 : i32
      %dma_wait3A_280 = tpu.memref_slice %arg5[%add3A_17, %dma_wait3A_279] : memref<10240x64xf32, #tpu.memory_space<vmem_shared>> -> memref<64x64xf32, #tpu.memory_space<vmem_shared>>
      %dma_wait3A_281 = arith.constant 0 : i32
      %dma_wait3A_282 = tpu.memref_slice %arg5[%add3A_17, %dma_wait3A_281] : memref<10240x64xf32, #tpu.memory_space<vmem_shared>> -> memref<64x64xf32, #tpu.memory_space<vmem_shared>>
      tpu.wait_dma2 semaphore(%run_scoped3A_274 : memref<!tpu.dma_semaphore, #tpu.memory_space<semaphore_mem>>) src(%arg9 : memref<64x64xf32, #tpu.memory_space<vmem>>) dst(%dma_wait3A_282 : memref<64x64xf32, #tpu.memory_space<vmem_shared>>)
      tpu.yield
    }) : () -> ()
    %mul3A_18 = arith.constant 640 : i32
    %mul3A_19 = arith.muli %arg1, %mul3A_18 : i32
    %add3A_20 = arith.constant 64 : i32
    %add3A_21 = arith.addi %mul3A_19, %add3A_20 : i32
    "tpu.region"() ({
      %run_scoped3A_274 = tpu.sem_alloc : memref<!tpu.dma_semaphore, #tpu.memory_space<semaphore_mem>>
      %dma_start3A_275 = arith.constant 0 : i32
      %dma_start3A_276 = tpu.memref_slice %arg5[%add3A_21, %dma_start3A_275] : memref<10240x64xf32, #tpu.memory_space<vmem_shared>> -> memref<64x64xf32, #tpu.memory_space<vmem_shared>>
      %dma_start3A_277 = arith.constant 0 : i32
      %dma_start3A_278 = tpu.memref_slice %arg5[%add3A_21, %dma_start3A_277] : memref<10240x64xf32, #tpu.memory_space<vmem_shared>> -> memref<64x64xf32, #tpu.memory_space<vmem_shared>>
      tpu.enqueue_dma source(%arg9 : memref<64x64xf32, #tpu.memory_space<vmem>>) target(%dma_start3A_278 : memref<64x64xf32, #tpu.memory_space<vmem_shared>>) target_semaphore(%run_scoped3A_274 : memref<!tpu.dma_semaphore, #tpu.memory_space<semaphore_mem>>)
      %dma_wait3A_279 = arith.constant 0 : i32
      %dma_wait3A_280 = tpu.memref_slice %arg5[%add3A_21, %dma_wait3A_279] : memref<10240x64xf32, #tpu.memory_space<vmem_shared>> -> memref<64x64xf32, #tpu.memory_space<vmem_shared>>
      %dma_wait3A_281 = arith.constant 0 : i32
      %dma_wait3A_282 = tpu.memref_slice %arg5[%add3A_21, %dma_wait3A_281] : memref<10240x64xf32, #tpu.memory_space<vmem_shared>> -> memref<64x64xf32, #tpu.memory_space<vmem_shared>>
      tpu.wait_dma2 semaphore(%run_scoped3A_274 : memref<!tpu.dma_semaphore, #tpu.memory_space<semaphore_mem>>) src(%arg9 : memref<64x64xf32, #tpu.memory_space<vmem>>) dst(%dma_wait3A_282 : memref<64x64xf32, #tpu.memory_space<vmem_shared>>)
      tpu.yield
    }) : () -> ()
    %mul3A_22 = arith.constant 640 : i32
    %mul3A_23 = arith.muli %arg1, %mul3A_22 : i32
    %add3A_24 = arith.constant 128 : i32
    %add3A_25 = arith.addi %mul3A_23, %add3A_24 : i32
    "tpu.region"() ({
      %run_scoped3A_274 = tpu.sem_alloc : memref<!tpu.dma_semaphore, #tpu.memory_space<semaphore_mem>>
      %dma_start3A_275 = arith.constant 0 : i32
      %dma_start3A_276 = tpu.memref_slice %arg5[%add3A_25, %dma_start3A_275] : memref<10240x64xf32, #tpu.memory_space<vmem_shared>> -> memref<64x64xf32, #tpu.memory_space<vmem_shared>>
      %dma_start3A_277 = arith.constant 0 : i32
      %dma_start3A_278 = tpu.memref_slice %arg5[%add3A_25, %dma_start3A_277] : memref<10240x64xf32, #tpu.memory_space<vmem_shared>> -> memref<64x64xf32, #tpu.memory_space<vmem_shared>>
      tpu.enqueue_dma source(%arg9 : memref<64x64xf32, #tpu.memory_space<vmem>>) target(%dma_start3A_278 : memref<64x64xf32, #tpu.memory_space<vmem_shared>>) target_semaphore(%run_scoped3A_274 : memref<!tpu.dma_semaphore, #tpu.memory_space<semaphore_mem>>)
      %dma_wait3A_279 = arith.constant 0 : i32
      %dma_wait3A_280 = tpu.memref_slice %arg5[%add3A_25, %dma_wait3A_279] : memref<10240x64xf32, #tpu.memory_space<vmem_shared>> -> memref<64x64xf32, #tpu.memory_space<vmem_shared>>
      %dma_wait3A_281 = arith.constant 0 : i32
      %dma_wait3A_282 = tpu.memref_slice %arg5[%add3A_25, %dma_wait3A_281] : memref<10240x64xf32, #tpu.memory_space<vmem_shared>> -> memref<64x64xf32, #tpu.memory_space<vmem_shared>>
      tpu.wait_dma2 semaphore(%run_scoped3A_274 : memref<!tpu.dma_semaphore, #tpu.memory_space<semaphore_mem>>) src(%arg9 : memref<64x64xf32, #tpu.memory_space<vmem>>) dst(%dma_wait3A_282 : memref<64x64xf32, #tpu.memory_space<vmem_shared>>)
      tpu.yield
    }) : () -> ()
    %mul3A_26 = arith.constant 640 : i32
    %mul3A_27 = arith.muli %arg1, %mul3A_26 : i32
    %add3A_28 = arith.constant 192 : i32
    %add3A_29 = arith.addi %mul3A_27, %add3A_28 : i32
    "tpu.region"() ({
      %run_scoped3A_274 = tpu.sem_alloc : memref<!tpu.dma_semaphore, #tpu.memory_space<semaphore_mem>>
      %dma_start3A_275 = arith.constant 0 : i32
      %dma_start3A_276 = tpu.memref_slice %arg5[%add3A_29, %dma_start3A_275] : memref<10240x64xf32, #tpu.memory_space<vmem_shared>> -> memref<64x64xf32, #tpu.memory_space<vmem_shared>>
      %dma_start3A_277 = arith.constant 0 : i32
      %dma_start3A_278 = tpu.memref_slice %arg5[%add3A_29, %dma_start3A_277] : memref<10240x64xf32, #tpu.memory_space<vmem_shared>> -> memref<64x64xf32, #tpu.memory_space<vmem_shared>>
      tpu.enqueue_dma source(%arg9 : memref<64x64xf32, #tpu.memory_space<vmem>>) target(%dma_start3A_278 : memref<64x64xf32, #tpu.memory_space<vmem_shared>>) target_semaphore(%run_scoped3A_274 : memref<!tpu.dma_semaphore, #tpu.memory_space<semaphore_mem>>)
      %dma_wait3A_279 = arith.constant 0 : i32
      %dma_wait3A_280 = tpu.memref_slice %arg5[%add3A_29, %dma_wait3A_279] : memref<10240x64xf32, #tpu.memory_space<vmem_shared>> -> memref<64x64xf32, #tpu.memory_space<vmem_shared>>
      %dma_wait3A_281 = arith.constant 0 : i32
      %dma_wait3A_282 = tpu.memref_slice %arg5[%add3A_29, %dma_wait3A_281] : memref<10240x64xf32, #tpu.memory_space<vmem_shared>> -> memref<64x64xf32, #tpu.memory_space<vmem_shared>>
      tpu.wait_dma2 semaphore(%run_scoped3A_274 : memref<!tpu.dma_semaphore, #tpu.memory_space<semaphore_mem>>) src(%arg9 : memref<64x64xf32, #tpu.memory_space<vmem>>) dst(%dma_wait3A_282 : memref<64x64xf32, #tpu.memory_space<vmem_shared>>)
      tpu.yield
    }) : () -> ()
    %mul3A_30 = arith.constant 640 : i32
    %mul3A_31 = arith.muli %arg1, %mul3A_30 : i32
    %add3A_32 = arith.constant 256 : i32
    %add3A_33 = arith.addi %mul3A_31, %add3A_32 : i32
    "tpu.region"() ({
      %run_scoped3A_274 = tpu.sem_alloc : memref<!tpu.dma_semaphore, #tpu.memory_space<semaphore_mem>>
      %dma_start3A_275 = arith.constant 0 : i32
      %dma_start3A_276 = tpu.memref_slice %arg5[%add3A_33, %dma_start3A_275] : memref<10240x64xf32, #tpu.memory_space<vmem_shared>> -> memref<64x64xf32, #tpu.memory_space<vmem_shared>>
      %dma_start3A_277 = arith.constant 0 : i32
      %dma_start3A_278 = tpu.memref_slice %arg5[%add3A_33, %dma_start3A_277] : memref<10240x64xf32, #tpu.memory_space<vmem_shared>> -> memref<64x64xf32, #tpu.memory_space<vmem_shared>>
      tpu.enqueue_dma source(%arg9 : memref<64x64xf32, #tpu.memory_space<vmem>>) target(%dma_start3A_278 : memref<64x64xf32, #tpu.memory_space<vmem_shared>>) target_semaphore(%run_scoped3A_274 : memref<!tpu.dma_semaphore, #tpu.memory_space<semaphore_mem>>)
      %dma_wait3A_279 = arith.constant 0 : i32
      %dma_wait3A_280 = tpu.memref_slice %arg5[%add3A_33, %dma_wait3A_279] : memref<10240x64xf32, #tpu.memory_space<vmem_shared>> -> memref<64x64xf32, #tpu.memory_space<vmem_shared>>
      %dma_wait3A_281 = arith.constant 0 : i32
      %dma_wait3A_282 = tpu.memref_slice %arg5[%add3A_33, %dma_wait3A_281] : memref<10240x64xf32, #tpu.memory_space<vmem_shared>> -> memref<64x64xf32, #tpu.memory_space<vmem_shared>>
      tpu.wait_dma2 semaphore(%run_scoped3A_274 : memref<!tpu.dma_semaphore, #tpu.memory_space<semaphore_mem>>) src(%arg9 : memref<64x64xf32, #tpu.memory_space<vmem>>) dst(%dma_wait3A_282 : memref<64x64xf32, #tpu.memory_space<vmem_shared>>)
      tpu.yield
    }) : () -> ()
    %mul3A_34 = arith.constant 640 : i32
    %mul3A_35 = arith.muli %arg1, %mul3A_34 : i32
    %add3A_36 = arith.constant 320 : i32
    %add3A_37 = arith.addi %mul3A_35, %add3A_36 : i32
    "tpu.region"() ({
      %run_scoped3A_274 = tpu.sem_alloc : memref<!tpu.dma_semaphore, #tpu.memory_space<semaphore_mem>>
      %dma_start3A_275 = arith.constant 0 : i32
      %dma_start3A_276 = tpu.memref_slice %arg5[%add3A_37, %dma_start3A_275] : memref<10240x64xf32, #tpu.memory_space<vmem_shared>> -> memref<64x64xf32, #tpu.memory_space<vmem_shared>>
      %dma_start3A_277 = arith.constant 0 : i32
      %dma_start3A_278 = tpu.memref_slice %arg5[%add3A_37, %dma_start3A_277] : memref<10240x64xf32, #tpu.memory_space<vmem_shared>> -> memref<64x64xf32, #tpu.memory_space<vmem_shared>>
      tpu.enqueue_dma source(%arg9 : memref<64x64xf32, #tpu.memory_space<vmem>>) target(%dma_start3A_278 : memref<64x64xf32, #tpu.memory_space<vmem_shared>>) target_semaphore(%run_scoped3A_274 : memref<!tpu.dma_semaphore, #tpu.memory_space<semaphore_mem>>)
      %dma_wait3A_279 = arith.constant 0 : i32
      %dma_wait3A_280 = tpu.memref_slice %arg5[%add3A_37, %dma_wait3A_279] : memref<10240x64xf32, #tpu.memory_space<vmem_shared>> -> memref<64x64xf32, #tpu.memory_space<vmem_shared>>
      %dma_wait3A_281 = arith.constant 0 : i32
      %dma_wait3A_282 = tpu.memref_slice %arg5[%add3A_37, %dma_wait3A_281] : memref<10240x64xf32, #tpu.memory_space<vmem_shared>> -> memref<64x64xf32, #tpu.memory_space<vmem_shared>>
      tpu.wait_dma2 semaphore(%run_scoped3A_274 : memref<!tpu.dma_semaphore, #tpu.memory_space<semaphore_mem>>) src(%arg9 : memref<64x64xf32, #tpu.memory_space<vmem>>) dst(%dma_wait3A_282 : memref<64x64xf32, #tpu.memory_space<vmem_shared>>)
      tpu.yield
    }) : () -> ()
    %mul3A_38 = arith.constant 640 : i32
    %mul3A_39 = arith.muli %arg1, %mul3A_38 : i32
    %add3A_40 = arith.constant 384 : i32
    %add3A_41 = arith.addi %mul3A_39, %add3A_40 : i32
    "tpu.region"() ({
      %run_scoped3A_274 = tpu.sem_alloc : memref<!tpu.dma_semaphore, #tpu.memory_space<semaphore_mem>>
      %dma_start3A_275 = arith.constant 0 : i32
      %dma_start3A_276 = tpu.memref_slice %arg5[%add3A_41, %dma_start3A_275] : memref<10240x64xf32, #tpu.memory_space<vmem_shared>> -> memref<64x64xf32, #tpu.memory_space<vmem_shared>>
      %dma_start3A_277 = arith.constant 0 : i32
      %dma_start3A_278 = tpu.memref_slice %arg5[%add3A_41, %dma_start3A_277] : memref<10240x64xf32, #tpu.memory_space<vmem_shared>> -> memref<64x64xf32, #tpu.memory_space<vmem_shared>>
      tpu.enqueue_dma source(%arg9 : memref<64x64xf32, #tpu.memory_space<vmem>>) target(%dma_start3A_278 : memref<64x64xf32, #tpu.memory_space<vmem_shared>>) target_semaphore(%run_scoped3A_274 : memref<!tpu.dma_semaphore, #tpu.memory_space<semaphore_mem>>)
      %dma_wait3A_279 = arith.constant 0 : i32
      %dma_wait3A_280 = tpu.memref_slice %arg5[%add3A_41, %dma_wait3A_279] : memref<10240x64xf32, #tpu.memory_space<vmem_shared>> -> memref<64x64xf32, #tpu.memory_space<vmem_shared>>
      %dma_wait3A_281 = arith.constant 0 : i32
      %dma_wait3A_282 = tpu.memref_slice %arg5[%add3A_41, %dma_wait3A_281] : memref<10240x64xf32, #tpu.memory_space<vmem_shared>> -> memref<64x64xf32, #tpu.memory_space<vmem_shared>>
      tpu.wait_dma2 semaphore(%run_scoped3A_274 : memref<!tpu.dma_semaphore, #tpu.memory_space<semaphore_mem>>) src(%arg9 : memref<64x64xf32, #tpu.memory_space<vmem>>) dst(%dma_wait3A_282 : memref<64x64xf32, #tpu.memory_space<vmem_shared>>)
      tpu.yield
    }) : () -> ()
    %mul3A_42 = arith.constant 640 : i32
    %mul3A_43 = arith.muli %arg1, %mul3A_42 : i32
    %add3A_44 = arith.constant 448 : i32
    %add3A_45 = arith.addi %mul3A_43, %add3A_44 : i32
    "tpu.region"() ({
      %run_scoped3A_274 = tpu.sem_alloc : memref<!tpu.dma_semaphore, #tpu.memory_space<semaphore_mem>>
      %dma_start3A_275 = arith.constant 0 : i32
      %dma_start3A_276 = tpu.memref_slice %arg5[%add3A_45, %dma_start3A_275] : memref<10240x64xf32, #tpu.memory_space<vmem_shared>> -> memref<64x64xf32, #tpu.memory_space<vmem_shared>>
      %dma_start3A_277 = arith.constant 0 : i32
      %dma_start3A_278 = tpu.memref_slice %arg5[%add3A_45, %dma_start3A_277] : memref<10240x64xf32, #tpu.memory_space<vmem_shared>> -> memref<64x64xf32, #tpu.memory_space<vmem_shared>>
      tpu.enqueue_dma source(%arg9 : memref<64x64xf32, #tpu.memory_space<vmem>>) target(%dma_start3A_278 : memref<64x64xf32, #tpu.memory_space<vmem_shared>>) target_semaphore(%run_scoped3A_274 : memref<!tpu.dma_semaphore, #tpu.memory_space<semaphore_mem>>)
      %dma_wait3A_279 = arith.constant 0 : i32
      %dma_wait3A_280 = tpu.memref_slice %arg5[%add3A_45, %dma_wait3A_279] : memref<10240x64xf32, #tpu.memory_space<vmem_shared>> -> memref<64x64xf32, #tpu.memory_space<vmem_shared>>
      %dma_wait3A_281 = arith.constant 0 : i32
      %dma_wait3A_282 = tpu.memref_slice %arg5[%add3A_45, %dma_wait3A_281] : memref<10240x64xf32, #tpu.memory_space<vmem_shared>> -> memref<64x64xf32, #tpu.memory_space<vmem_shared>>
      tpu.wait_dma2 semaphore(%run_scoped3A_274 : memref<!tpu.dma_semaphore, #tpu.memory_space<semaphore_mem>>) src(%arg9 : memref<64x64xf32, #tpu.memory_space<vmem>>) dst(%dma_wait3A_282 : memref<64x64xf32, #tpu.memory_space<vmem_shared>>)
      tpu.yield
    }) : () -> ()
    %mul3A_46 = arith.constant 640 : i32
    %mul3A_47 = arith.muli %arg1, %mul3A_46 : i32
    %add3A_48 = arith.constant 512 : i32
    %add3A_49 = arith.addi %mul3A_47, %add3A_48 : i32
    "tpu.region"() ({
      %run_scoped3A_274 = tpu.sem_alloc : memref<!tpu.dma_semaphore, #tpu.memory_space<semaphore_mem>>
      %dma_start3A_275 = arith.constant 0 : i32
      %dma_start3A_276 = tpu.memref_slice %arg5[%add3A_49, %dma_start3A_275] : memref<10240x64xf32, #tpu.memory_space<vmem_shared>> -> memref<64x64xf32, #tpu.memory_space<vmem_shared>>
      %dma_start3A_277 = arith.constant 0 : i32
      %dma_start3A_278 = tpu.memref_slice %arg5[%add3A_49, %dma_start3A_277] : memref<10240x64xf32, #tpu.memory_space<vmem_shared>> -> memref<64x64xf32, #tpu.memory_space<vmem_shared>>
      tpu.enqueue_dma source(%arg9 : memref<64x64xf32, #tpu.memory_space<vmem>>) target(%dma_start3A_278 : memref<64x64xf32, #tpu.memory_space<vmem_shared>>) target_semaphore(%run_scoped3A_274 : memref<!tpu.dma_semaphore, #tpu.memory_space<semaphore_mem>>)
      %dma_wait3A_279 = arith.constant 0 : i32
      %dma_wait3A_280 = tpu.memref_slice %arg5[%add3A_49, %dma_wait3A_279] : memref<10240x64xf32, #tpu.memory_space<vmem_shared>> -> memref<64x64xf32, #tpu.memory_space<vmem_shared>>
      %dma_wait3A_281 = arith.constant 0 : i32
      %dma_wait3A_282 = tpu.memref_slice %arg5[%add3A_49, %dma_wait3A_281] : memref<10240x64xf32, #tpu.memory_space<vmem_shared>> -> memref<64x64xf32, #tpu.memory_space<vmem_shared>>
      tpu.wait_dma2 semaphore(%run_scoped3A_274 : memref<!tpu.dma_semaphore, #tpu.memory_space<semaphore_mem>>) src(%arg9 : memref<64x64xf32, #tpu.memory_space<vmem>>) dst(%dma_wait3A_282 : memref<64x64xf32, #tpu.memory_space<vmem_shared>>)
      tpu.yield
    }) : () -> ()
    %mul3A_50 = arith.constant 640 : i32
    %mul3A_51 = arith.muli %arg1, %mul3A_50 : i32
    %add3A_52 = arith.constant 576 : i32
    %add3A_53 = arith.addi %mul3A_51, %add3A_52 : i32
    "tpu.region"() ({
      %run_scoped3A_274 = tpu.sem_alloc : memref<!tpu.dma_semaphore, #tpu.memory_space<semaphore_mem>>
      %dma_start3A_275 = arith.constant 0 : i32
      %dma_start3A_276 = tpu.memref_slice %arg5[%add3A_53, %dma_start3A_275] : memref<10240x64xf32, #tpu.memory_space<vmem_shared>> -> memref<64x64xf32, #tpu.memory_space<vmem_shared>>
      %dma_start3A_277 = arith.constant 0 : i32
      %dma_start3A_278 = tpu.memref_slice %arg5[%add3A_53, %dma_start3A_277] : memref<10240x64xf32, #tpu.memory_space<vmem_shared>> -> memref<64x64xf32, #tpu.memory_space<vmem_shared>>
      tpu.enqueue_dma source(%arg9 : memref<64x64xf32, #tpu.memory_space<vmem>>) target(%dma_start3A_278 : memref<64x64xf32, #tpu.memory_space<vmem_shared>>) target_semaphore(%run_scoped3A_274 : memref<!tpu.dma_semaphore, #tpu.memory_space<semaphore_mem>>)
      %dma_wait3A_279 = arith.constant 0 : i32
      %dma_wait3A_280 = tpu.memref_slice %arg5[%add3A_53, %dma_wait3A_279] : memref<10240x64xf32, #tpu.memory_space<vmem_shared>> -> memref<64x64xf32, #tpu.memory_space<vmem_shared>>
      %dma_wait3A_281 = arith.constant 0 : i32
      %dma_wait3A_282 = tpu.memref_slice %arg5[%add3A_53, %dma_wait3A_281] : memref<10240x64xf32, #tpu.memory_space<vmem_shared>> -> memref<64x64xf32, #tpu.memory_space<vmem_shared>>
      tpu.wait_dma2 semaphore(%run_scoped3A_274 : memref<!tpu.dma_semaphore, #tpu.memory_space<semaphore_mem>>) src(%arg9 : memref<64x64xf32, #tpu.memory_space<vmem>>) dst(%dma_wait3A_282 : memref<64x64xf32, #tpu.memory_space<vmem_shared>>)
      tpu.yield
    }) : () -> ()
    %barrier3A = arith.constant 0 : index
    tpu.barrier barrier_id(%barrier3A)
    %dma_start3A = arith.constant 0 : i32
    %dma_start3A_54 = arith.constant 0 : i32
    %dma_start3A_55 = arith.constant 0 : i32
    %dma_start3A_56 = arith.constant 0 : i32
    %dma_start3A_57 = arith.constant 0 : i32
    %dma_start3A_58 = tpu.memref_slice %arg8[%dma_start3A_54, %dma_start3A_56, %dma_start3A_57] : memref<5x80x64xf32, #tpu.memory_space<vmem>> -> memref<1x80x64xf32, #tpu.memory_space<vmem>>
    %dma_start3A_59 = tpu.memref_squeeze %dma_start3A_58 : memref<1x80x64xf32, #tpu.memory_space<vmem>> -> memref<80x64xf32, #tpu.memory_space<vmem>>
    %dma_start3A_60 = arith.constant 0 : i32
    %dma_start3A_61 = tpu.memref_slice %arg6[%dma_start3A, %dma_start3A_60] : memref<125x80xi32, #tpu.memory_space<vmem>> -> memref<1x80xi32, #tpu.memory_space<vmem>>
    %dma_start3A_62 = tpu.memref_squeeze %dma_start3A_61 : memref<1x80xi32, #tpu.memory_space<vmem>> -> memref<80xi32, #tpu.memory_space<vmem>>
    %dma_start3A_63 = arith.constant 0 : i32
    %dma_start3A_64 = arith.constant 0 : i32
    %dma_start3A_65 = tpu.memref_slice %arg2[%dma_start3A_63, %dma_start3A_64] : memref<10000x64xf32, #tpu.memory_space<hbm>> -> memref<10000x64xf32, #tpu.memory_space<hbm>>
    %dma_start3A_66 = tpu.memref_slice %arg11[%dma_start3A_55] : memref<5x!tpu.dma_semaphore, #tpu.memory_space<semaphore_mem>> -> memref<1x!tpu.dma_semaphore, #tpu.memory_space<semaphore_mem>>
    %dma_start3A_67 = tpu.memref_squeeze %dma_start3A_66 : memref<1x!tpu.dma_semaphore, #tpu.memory_space<semaphore_mem>> -> memref<!tpu.dma_semaphore, #tpu.memory_space<semaphore_mem>>
    tpu.enqueue_indirect_dma source(%dma_start3A_65 : memref<10000x64xf32, #tpu.memory_space<hbm>>) target(%dma_start3A_59 : memref<80x64xf32, #tpu.memory_space<vmem>>) offsets(%dma_start3A_62 : memref<80xi32, #tpu.memory_space<vmem>>) semaphore(%dma_start3A_67 : memref<!tpu.dma_semaphore, #tpu.memory_space<semaphore_mem>>)
    %dma_start3A_68 = arith.constant 1 : i32
    %dma_start3A_69 = arith.constant 1 : i32
    %dma_start3A_70 = arith.constant 1 : i32
    %dma_start3A_71 = arith.constant 0 : i32
    %dma_start3A_72 = arith.constant 0 : i32
    %dma_start3A_73 = tpu.memref_slice %arg8[%dma_start3A_69, %dma_start3A_71, %dma_start3A_72] : memref<5x80x64xf32, #tpu.memory_space<vmem>> -> memref<1x80x64xf32, #tpu.memory_space<vmem>>
    %dma_start3A_74 = tpu.memref_squeeze %dma_start3A_73 : memref<1x80x64xf32, #tpu.memory_space<vmem>> -> memref<80x64xf32, #tpu.memory_space<vmem>>
    %dma_start3A_75 = arith.constant 0 : i32
    %dma_start3A_76 = tpu.memref_slice %arg6[%dma_start3A_68, %dma_start3A_75] : memref<125x80xi32, #tpu.memory_space<vmem>> -> memref<1x80xi32, #tpu.memory_space<vmem>>
    %dma_start3A_77 = tpu.memref_squeeze %dma_start3A_76 : memref<1x80xi32, #tpu.memory_space<vmem>> -> memref<80xi32, #tpu.memory_space<vmem>>
    %dma_start3A_78 = arith.constant 0 : i32
    %dma_start3A_79 = arith.constant 0 : i32
    %dma_start3A_80 = tpu.memref_slice %arg2[%dma_start3A_78, %dma_start3A_79] : memref<10000x64xf32, #tpu.memory_space<hbm>> -> memref<10000x64xf32, #tpu.memory_space<hbm>>
    %dma_start3A_81 = tpu.memref_slice %arg11[%dma_start3A_70] : memref<5x!tpu.dma_semaphore, #tpu.memory_space<semaphore_mem>> -> memref<1x!tpu.dma_semaphore, #tpu.memory_space<semaphore_mem>>
    %dma_start3A_82 = tpu.memref_squeeze %dma_start3A_81 : memref<1x!tpu.dma_semaphore, #tpu.memory_space<semaphore_mem>> -> memref<!tpu.dma_semaphore, #tpu.memory_space<semaphore_mem>>
    tpu.enqueue_indirect_dma source(%dma_start3A_80 : memref<10000x64xf32, #tpu.memory_space<hbm>>) target(%dma_start3A_74 : memref<80x64xf32, #tpu.memory_space<vmem>>) offsets(%dma_start3A_77 : memref<80xi32, #tpu.memory_space<vmem>>) semaphore(%dma_start3A_82 : memref<!tpu.dma_semaphore, #tpu.memory_space<semaphore_mem>>)
    %dma_start3A_83 = arith.constant 2 : i32
    %dma_start3A_84 = arith.constant 2 : i32
    %dma_start3A_85 = arith.constant 2 : i32
    %dma_start3A_86 = arith.constant 0 : i32
    %dma_start3A_87 = arith.constant 0 : i32
    %dma_start3A_88 = tpu.memref_slice %arg8[%dma_start3A_84, %dma_start3A_86, %dma_start3A_87] : memref<5x80x64xf32, #tpu.memory_space<vmem>> -> memref<1x80x64xf32, #tpu.memory_space<vmem>>
    %dma_start3A_89 = tpu.memref_squeeze %dma_start3A_88 : memref<1x80x64xf32, #tpu.memory_space<vmem>> -> memref<80x64xf32, #tpu.memory_space<vmem>>
    %dma_start3A_90 = arith.constant 0 : i32
    %dma_start3A_91 = tpu.memref_slice %arg6[%dma_start3A_83, %dma_start3A_90] : memref<125x80xi32, #tpu.memory_space<vmem>> -> memref<1x80xi32, #tpu.memory_space<vmem>>
    %dma_start3A_92 = tpu.memref_squeeze %dma_start3A_91 : memref<1x80xi32, #tpu.memory_space<vmem>> -> memref<80xi32, #tpu.memory_space<vmem>>
    %dma_start3A_93 = arith.constant 0 : i32
    %dma_start3A_94 = arith.constant 0 : i32
    %dma_start3A_95 = tpu.memref_slice %arg2[%dma_start3A_93, %dma_start3A_94] : memref<10000x64xf32, #tpu.memory_space<hbm>> -> memref<10000x64xf32, #tpu.memory_space<hbm>>
    %dma_start3A_96 = tpu.memref_slice %arg11[%dma_start3A_85] : memref<5x!tpu.dma_semaphore, #tpu.memory_space<semaphore_mem>> -> memref<1x!tpu.dma_semaphore, #tpu.memory_space<semaphore_mem>>
    %dma_start3A_97 = tpu.memref_squeeze %dma_start3A_96 : memref<1x!tpu.dma_semaphore, #tpu.memory_space<semaphore_mem>> -> memref<!tpu.dma_semaphore, #tpu.memory_space<semaphore_mem>>
    tpu.enqueue_indirect_dma source(%dma_start3A_95 : memref<10000x64xf32, #tpu.memory_space<hbm>>) target(%dma_start3A_89 : memref<80x64xf32, #tpu.memory_space<vmem>>) offsets(%dma_start3A_92 : memref<80xi32, #tpu.memory_space<vmem>>) semaphore(%dma_start3A_97 : memref<!tpu.dma_semaphore, #tpu.memory_space<semaphore_mem>>)
    %dma_start3A_98 = arith.constant 3 : i32
    %dma_start3A_99 = arith.constant 3 : i32
    %dma_start3A_100 = arith.constant 3 : i32
    %dma_start3A_101 = arith.constant 0 : i32
    %dma_start3A_102 = arith.constant 0 : i32
    %dma_start3A_103 = tpu.memref_slice %arg8[%dma_start3A_99, %dma_start3A_101, %dma_start3A_102] : memref<5x80x64xf32, #tpu.memory_space<vmem>> -> memref<1x80x64xf32, #tpu.memory_space<vmem>>
    %dma_start3A_104 = tpu.memref_squeeze %dma_start3A_103 : memref<1x80x64xf32, #tpu.memory_space<vmem>> -> memref<80x64xf32, #tpu.memory_space<vmem>>
    %dma_start3A_105 = arith.constant 0 : i32
    %dma_start3A_106 = tpu.memref_slice %arg6[%dma_start3A_98, %dma_start3A_105] : memref<125x80xi32, #tpu.memory_space<vmem>> -> memref<1x80xi32, #tpu.memory_space<vmem>>
    %dma_start3A_107 = tpu.memref_squeeze %dma_start3A_106 : memref<1x80xi32, #tpu.memory_space<vmem>> -> memref<80xi32, #tpu.memory_space<vmem>>
    %dma_start3A_108 = arith.constant 0 : i32
    %dma_start3A_109 = arith.constant 0 : i32
    %dma_start3A_110 = tpu.memref_slice %arg2[%dma_start3A_108, %dma_start3A_109] : memref<10000x64xf32, #tpu.memory_space<hbm>> -> memref<10000x64xf32, #tpu.memory_space<hbm>>
    %dma_start3A_111 = tpu.memref_slice %arg11[%dma_start3A_100] : memref<5x!tpu.dma_semaphore, #tpu.memory_space<semaphore_mem>> -> memref<1x!tpu.dma_semaphore, #tpu.memory_space<semaphore_mem>>
    %dma_start3A_112 = tpu.memref_squeeze %dma_start3A_111 : memref<1x!tpu.dma_semaphore, #tpu.memory_space<semaphore_mem>> -> memref<!tpu.dma_semaphore, #tpu.memory_space<semaphore_mem>>
    tpu.enqueue_indirect_dma source(%dma_start3A_110 : memref<10000x64xf32, #tpu.memory_space<hbm>>) target(%dma_start3A_104 : memref<80x64xf32, #tpu.memory_space<vmem>>) offsets(%dma_start3A_107 : memref<80xi32, #tpu.memory_space<vmem>>) semaphore(%dma_start3A_112 : memref<!tpu.dma_semaphore, #tpu.memory_space<semaphore_mem>>)
    %dma_start3A_113 = arith.constant 4 : i32
    %dma_start3A_114 = arith.constant 4 : i32
    %dma_start3A_115 = arith.constant 4 : i32
    %dma_start3A_116 = arith.constant 0 : i32
    %dma_start3A_117 = arith.constant 0 : i32
    %dma_start3A_118 = tpu.memref_slice %arg8[%dma_start3A_114, %dma_start3A_116, %dma_start3A_117] : memref<5x80x64xf32, #tpu.memory_space<vmem>> -> memref<1x80x64xf32, #tpu.memory_space<vmem>>
    %dma_start3A_119 = tpu.memref_squeeze %dma_start3A_118 : memref<1x80x64xf32, #tpu.memory_space<vmem>> -> memref<80x64xf32, #tpu.memory_space<vmem>>
    %dma_start3A_120 = arith.constant 0 : i32
    %dma_start3A_121 = tpu.memref_slice %arg6[%dma_start3A_113, %dma_start3A_120] : memref<125x80xi32, #tpu.memory_space<vmem>> -> memref<1x80xi32, #tpu.memory_space<vmem>>
    %dma_start3A_122 = tpu.memref_squeeze %dma_start3A_121 : memref<1x80xi32, #tpu.memory_space<vmem>> -> memref<80xi32, #tpu.memory_space<vmem>>
    %dma_start3A_123 = arith.constant 0 : i32
    %dma_start3A_124 = arith.constant 0 : i32
    %dma_start3A_125 = tpu.memref_slice %arg2[%dma_start3A_123, %dma_start3A_124] : memref<10000x64xf32, #tpu.memory_space<hbm>> -> memref<10000x64xf32, #tpu.memory_space<hbm>>
    %dma_start3A_126 = tpu.memref_slice %arg11[%dma_start3A_115] : memref<5x!tpu.dma_semaphore, #tpu.memory_space<semaphore_mem>> -> memref<1x!tpu.dma_semaphore, #tpu.memory_space<semaphore_mem>>
    %dma_start3A_127 = tpu.memref_squeeze %dma_start3A_126 : memref<1x!tpu.dma_semaphore, #tpu.memory_space<semaphore_mem>> -> memref<!tpu.dma_semaphore, #tpu.memory_space<semaphore_mem>>
    tpu.enqueue_indirect_dma source(%dma_start3A_125 : memref<10000x64xf32, #tpu.memory_space<hbm>>) target(%dma_start3A_119 : memref<80x64xf32, #tpu.memory_space<vmem>>) offsets(%dma_start3A_122 : memref<80xi32, #tpu.memory_space<vmem>>) semaphore(%dma_start3A_127 : memref<!tpu.dma_semaphore, #tpu.memory_space<semaphore_mem>>)
    %scan3A_128 = arith.constant 0 : i32
    %scan3A_129 = arith.constant 0 : i32
    %scan3A_130 = arith.constant 24 : i32
    %scan3A_131 = arith.addi %scan3A_129, %scan3A_130 : i32
    %scan3A_132 = arith.constant 1 : i32
    scf.for %scan3A_274 = %scan3A_129 to %scan3A_131 step %scan3A_132  : i32 {
      %mul3A_275 = arith.constant 5 : i32
      %mul3A_276 = arith.muli %scan3A_274, %mul3A_275 : i32
      %add3A_277 = arith.constant 0 : i32
      %add3A_278 = arith.addi %mul3A_276, %add3A_277 : i32
      %dma_wait3A_279 = arith.constant 0 : i32
      %dma_wait3A_280 = arith.constant 0 : i32
      %dma_wait3A_281 = arith.constant 0 : i32
      %dma_wait3A_282 = arith.constant 0 : i32
      %dma_wait3A_283 = tpu.memref_slice %arg8[%dma_wait3A_279, %dma_wait3A_281, %dma_wait3A_282] : memref<5x80x64xf32, #tpu.memory_space<vmem>> -> memref<1x80x64xf32, #tpu.memory_space<vmem>>
      %dma_wait3A_284 = tpu.memref_squeeze %dma_wait3A_283 : memref<1x80x64xf32, #tpu.memory_space<vmem>> -> memref<80x64xf32, #tpu.memory_space<vmem>>
      %dma_wait3A_285 = arith.constant 0 : i32
      %dma_wait3A_286 = arith.constant 0 : i32
      %dma_wait3A_287 = tpu.memref_slice %arg2[%dma_wait3A_285, %dma_wait3A_286] : memref<10000x64xf32, #tpu.memory_space<hbm>> -> memref<80x64xf32, #tpu.memory_space<hbm>>
      %dma_wait3A_288 = tpu.memref_slice %arg11[%dma_wait3A_280] : memref<5x!tpu.dma_semaphore, #tpu.memory_space<semaphore_mem>> -> memref<1x!tpu.dma_semaphore, #tpu.memory_space<semaphore_mem>>
      %dma_wait3A_289 = tpu.memref_squeeze %dma_wait3A_288 : memref<1x!tpu.dma_semaphore, #tpu.memory_space<semaphore_mem>> -> memref<!tpu.dma_semaphore, #tpu.memory_space<semaphore_mem>>
      %dma_wait3A_290 = arith.constant 0 : i32
      %dma_wait3A_291 = arith.constant 0 : i32
      %dma_wait3A_292 = tpu.memref_slice %arg8[%dma_wait3A_279, %dma_wait3A_290, %dma_wait3A_291] : memref<5x80x64xf32, #tpu.memory_space<vmem>> -> memref<1x80x64xf32, #tpu.memory_space<vmem>>
      %dma_wait3A_293 = tpu.memref_squeeze %dma_wait3A_292 : memref<1x80x64xf32, #tpu.memory_space<vmem>> -> memref<80x64xf32, #tpu.memory_space<vmem>>
      %dma_wait3A_294 = arith.constant 0 : i32
      %dma_wait3A_295 = arith.constant 0 : i32
      %dma_wait3A_296 = tpu.memref_slice %arg2[%dma_wait3A_294, %dma_wait3A_295] : memref<10000x64xf32, #tpu.memory_space<hbm>> -> memref<80x64xf32, #tpu.memory_space<hbm>>
      tpu.wait_dma2 semaphore(%dma_wait3A_289 : memref<!tpu.dma_semaphore, #tpu.memory_space<semaphore_mem>>) src(%dma_wait3A_296 : memref<80x64xf32, #tpu.memory_space<hbm>>) dst(%dma_wait3A_293 : memref<80x64xf32, #tpu.memory_space<vmem>>)
      %run_scoped3A_297 = arith.constant 0 : i32
      "tpu.region"() ({
        %run_scoped3A_470 = tpu.sem_alloc : memref<!tpu.dma_semaphore, #tpu.memory_space<semaphore_mem>>
        %dma_start3A_471 = arith.constant 0 : i32
        %dma_start3A_472 = arith.constant 0 : i32
        %dma_start3A_473 = tpu.memref_slice %arg8[%run_scoped3A_297, %dma_start3A_471, %dma_start3A_472] : memref<5x80x64xf32, #tpu.memory_space<vmem>> -> memref<1x80x64xf32, #tpu.memory_space<vmem>>
        %dma_start3A_474 = tpu.memref_squeeze %dma_start3A_473 : memref<1x80x64xf32, #tpu.memory_space<vmem>> -> memref<80x64xf32, #tpu.memory_space<vmem>>
        %dma_start3A_475 = arith.constant 0 : i32
        %dma_start3A_476 = tpu.memref_slice %arg7[%add3A_278, %dma_start3A_475] : memref<125x80xi32, #tpu.memory_space<vmem>> -> memref<1x80xi32, #tpu.memory_space<vmem>>
        %dma_start3A_477 = tpu.memref_squeeze %dma_start3A_476 : memref<1x80xi32, #tpu.memory_space<vmem>> -> memref<80xi32, #tpu.memory_space<vmem>>
        %dma_start3A_478 = arith.constant 0 : i32
        %dma_start3A_479 = arith.constant 0 : i32
        %dma_start3A_480 = tpu.memref_slice %arg5[%dma_start3A_478, %dma_start3A_479] : memref<10240x64xf32, #tpu.memory_space<vmem_shared>> -> memref<10240x64xf32, #tpu.memory_space<vmem_shared>>
        tpu.enqueue_indirect_dma source(%dma_start3A_474 : memref<80x64xf32, #tpu.memory_space<vmem>>) target(%dma_start3A_480 : memref<10240x64xf32, #tpu.memory_space<vmem_shared>>) offsets(%dma_start3A_477 : memref<80xi32, #tpu.memory_space<vmem>>) semaphore(%run_scoped3A_470 : memref<!tpu.dma_semaphore, #tpu.memory_space<semaphore_mem>>) {add = true}
        %dma_wait3A_481 = arith.constant 0 : i32
        %dma_wait3A_482 = arith.constant 0 : i32
        %dma_wait3A_483 = tpu.memref_slice %arg8[%run_scoped3A_297, %dma_wait3A_481, %dma_wait3A_482] : memref<5x80x64xf32, #tpu.memory_space<vmem>> -> memref<1x80x64xf32, #tpu.memory_space<vmem>>
        %dma_wait3A_484 = tpu.memref_squeeze %dma_wait3A_483 : memref<1x80x64xf32, #tpu.memory_space<vmem>> -> memref<80x64xf32, #tpu.memory_space<vmem>>
        %dma_wait3A_485 = arith.constant 0 : i32
        %dma_wait3A_486 = tpu.memref_slice %arg7[%add3A_278, %dma_wait3A_485] : memref<125x80xi32, #tpu.memory_space<vmem>> -> memref<1x80xi32, #tpu.memory_space<vmem>>
        %dma_wait3A_487 = tpu.memref_squeeze %dma_wait3A_486 : memref<1x80xi32, #tpu.memory_space<vmem>> -> memref<80xi32, #tpu.memory_space<vmem>>
        %dma_wait3A_488 = arith.constant 0 : i32
        %dma_wait3A_489 = arith.constant 0 : i32
        %dma_wait3A_490 = tpu.memref_slice %arg5[%dma_wait3A_488, %dma_wait3A_489] : memref<10240x64xf32, #tpu.memory_space<vmem_shared>> -> memref<10240x64xf32, #tpu.memory_space<vmem_shared>>
        tpu.wait_indirect_dma semaphore(%run_scoped3A_470 : memref<!tpu.dma_semaphore, #tpu.memory_space<semaphore_mem>>) src(%dma_wait3A_484 : memref<80x64xf32, #tpu.memory_space<vmem>>) dst(%dma_wait3A_490 : memref<10240x64xf32, #tpu.memory_space<vmem_shared>>)
        tpu.yield
      }) : () -> ()
      %add3A_298 = arith.constant 5 : i32
      %add3A_299 = arith.addi %add3A_278, %add3A_298 : i32
      %dma_start3A_300 = arith.constant 0 : i32
      %dma_start3A_301 = arith.constant 0 : i32
      %dma_start3A_302 = arith.constant 0 : i32
      %dma_start3A_303 = arith.constant 0 : i32
      %dma_start3A_304 = tpu.memref_slice %arg8[%dma_start3A_300, %dma_start3A_302, %dma_start3A_303] : memref<5x80x64xf32, #tpu.memory_space<vmem>> -> memref<1x80x64xf32, #tpu.memory_space<vmem>>
      %dma_start3A_305 = tpu.memref_squeeze %dma_start3A_304 : memref<1x80x64xf32, #tpu.memory_space<vmem>> -> memref<80x64xf32, #tpu.memory_space<vmem>>
      %dma_start3A_306 = arith.constant 0 : i32
      %dma_start3A_307 = tpu.memref_slice %arg6[%add3A_299, %dma_start3A_306] : memref<125x80xi32, #tpu.memory_space<vmem>> -> memref<1x80xi32, #tpu.memory_space<vmem>>
      %dma_start3A_308 = tpu.memref_squeeze %dma_start3A_307 : memref<1x80xi32, #tpu.memory_space<vmem>> -> memref<80xi32, #tpu.memory_space<vmem>>
      %dma_start3A_309 = arith.constant 0 : i32
      %dma_start3A_310 = arith.constant 0 : i32
      %dma_start3A_311 = tpu.memref_slice %arg2[%dma_start3A_309, %dma_start3A_310] : memref<10000x64xf32, #tpu.memory_space<hbm>> -> memref<10000x64xf32, #tpu.memory_space<hbm>>
      %dma_start3A_312 = tpu.memref_slice %arg11[%dma_start3A_301] : memref<5x!tpu.dma_semaphore, #tpu.memory_space<semaphore_mem>> -> memref<1x!tpu.dma_semaphore, #tpu.memory_space<semaphore_mem>>
      %dma_start3A_313 = tpu.memref_squeeze %dma_start3A_312 : memref<1x!tpu.dma_semaphore, #tpu.memory_space<semaphore_mem>> -> memref<!tpu.dma_semaphore, #tpu.memory_space<semaphore_mem>>
      tpu.enqueue_indirect_dma source(%dma_start3A_311 : memref<10000x64xf32, #tpu.memory_space<hbm>>) target(%dma_start3A_305 : memref<80x64xf32, #tpu.memory_space<vmem>>) offsets(%dma_start3A_308 : memref<80xi32, #tpu.memory_space<vmem>>) semaphore(%dma_start3A_313 : memref<!tpu.dma_semaphore, #tpu.memory_space<semaphore_mem>>)
      %mul3A_314 = arith.constant 5 : i32
      %mul3A_315 = arith.muli %scan3A_274, %mul3A_314 : i32
      %add3A_316 = arith.constant 1 : i32
      %add3A_317 = arith.addi %mul3A_315, %add3A_316 : i32
      %dma_wait3A_318 = arith.constant 1 : i32
      %dma_wait3A_319 = arith.constant 1 : i32
      %dma_wait3A_320 = arith.constant 0 : i32
      %dma_wait3A_321 = arith.constant 0 : i32
      %dma_wait3A_322 = tpu.memref_slice %arg8[%dma_wait3A_318, %dma_wait3A_320, %dma_wait3A_321] : memref<5x80x64xf32, #tpu.memory_space<vmem>> -> memref<1x80x64xf32, #tpu.memory_space<vmem>>
      %dma_wait3A_323 = tpu.memref_squeeze %dma_wait3A_322 : memref<1x80x64xf32, #tpu.memory_space<vmem>> -> memref<80x64xf32, #tpu.memory_space<vmem>>
      %dma_wait3A_324 = arith.constant 0 : i32
      %dma_wait3A_325 = arith.constant 0 : i32
      %dma_wait3A_326 = tpu.memref_slice %arg2[%dma_wait3A_324, %dma_wait3A_325] : memref<10000x64xf32, #tpu.memory_space<hbm>> -> memref<80x64xf32, #tpu.memory_space<hbm>>
      %dma_wait3A_327 = tpu.memref_slice %arg11[%dma_wait3A_319] : memref<5x!tpu.dma_semaphore, #tpu.memory_space<semaphore_mem>> -> memref<1x!tpu.dma_semaphore, #tpu.memory_space<semaphore_mem>>
      %dma_wait3A_328 = tpu.memref_squeeze %dma_wait3A_327 : memref<1x!tpu.dma_semaphore, #tpu.memory_space<semaphore_mem>> -> memref<!tpu.dma_semaphore, #tpu.memory_space<semaphore_mem>>
      %dma_wait3A_329 = arith.constant 0 : i32
      %dma_wait3A_330 = arith.constant 0 : i32
      %dma_wait3A_331 = tpu.memref_slice %arg8[%dma_wait3A_318, %dma_wait3A_329, %dma_wait3A_330] : memref<5x80x64xf32, #tpu.memory_space<vmem>> -> memref<1x80x64xf32, #tpu.memory_space<vmem>>
      %dma_wait3A_332 = tpu.memref_squeeze %dma_wait3A_331 : memref<1x80x64xf32, #tpu.memory_space<vmem>> -> memref<80x64xf32, #tpu.memory_space<vmem>>
      %dma_wait3A_333 = arith.constant 0 : i32
      %dma_wait3A_334 = arith.constant 0 : i32
      %dma_wait3A_335 = tpu.memref_slice %arg2[%dma_wait3A_333, %dma_wait3A_334] : memref<10000x64xf32, #tpu.memory_space<hbm>> -> memref<80x64xf32, #tpu.memory_space<hbm>>
      tpu.wait_dma2 semaphore(%dma_wait3A_328 : memref<!tpu.dma_semaphore, #tpu.memory_space<semaphore_mem>>) src(%dma_wait3A_335 : memref<80x64xf32, #tpu.memory_space<hbm>>) dst(%dma_wait3A_332 : memref<80x64xf32, #tpu.memory_space<vmem>>)
      %run_scoped3A_336 = arith.constant 1 : i32
      "tpu.region"() ({
        %run_scoped3A_470 = tpu.sem_alloc : memref<!tpu.dma_semaphore, #tpu.memory_space<semaphore_mem>>
        %dma_start3A_471 = arith.constant 0 : i32
        %dma_start3A_472 = arith.constant 0 : i32
        %dma_start3A_473 = tpu.memref_slice %arg8[%run_scoped3A_336, %dma_start3A_471, %dma_start3A_472] : memref<5x80x64xf32, #tpu.memory_space<vmem>> -> memref<1x80x64xf32, #tpu.memory_space<vmem>>
        %dma_start3A_474 = tpu.memref_squeeze %dma_start3A_473 : memref<1x80x64xf32, #tpu.memory_space<vmem>> -> memref<80x64xf32, #tpu.memory_space<vmem>>
        %dma_start3A_475 = arith.constant 0 : i32
        %dma_start3A_476 = tpu.memref_slice %arg7[%add3A_317, %dma_start3A_475] : memref<125x80xi32, #tpu.memory_space<vmem>> -> memref<1x80xi32, #tpu.memory_space<vmem>>
        %dma_start3A_477 = tpu.memref_squeeze %dma_start3A_476 : memref<1x80xi32, #tpu.memory_space<vmem>> -> memref<80xi32, #tpu.memory_space<vmem>>
        %dma_start3A_478 = arith.constant 0 : i32
        %dma_start3A_479 = arith.constant 0 : i32
        %dma_start3A_480 = tpu.memref_slice %arg5[%dma_start3A_478, %dma_start3A_479] : memref<10240x64xf32, #tpu.memory_space<vmem_shared>> -> memref<10240x64xf32, #tpu.memory_space<vmem_shared>>
        tpu.enqueue_indirect_dma source(%dma_start3A_474 : memref<80x64xf32, #tpu.memory_space<vmem>>) target(%dma_start3A_480 : memref<10240x64xf32, #tpu.memory_space<vmem_shared>>) offsets(%dma_start3A_477 : memref<80xi32, #tpu.memory_space<vmem>>) semaphore(%run_scoped3A_470 : memref<!tpu.dma_semaphore, #tpu.memory_space<semaphore_mem>>) {add = true}
        %dma_wait3A_481 = arith.constant 0 : i32
        %dma_wait3A_482 = arith.constant 0 : i32
        %dma_wait3A_483 = tpu.memref_slice %arg8[%run_scoped3A_336, %dma_wait3A_481, %dma_wait3A_482] : memref<5x80x64xf32, #tpu.memory_space<vmem>> -> memref<1x80x64xf32, #tpu.memory_space<vmem>>
        %dma_wait3A_484 = tpu.memref_squeeze %dma_wait3A_483 : memref<1x80x64xf32, #tpu.memory_space<vmem>> -> memref<80x64xf32, #tpu.memory_space<vmem>>
        %dma_wait3A_485 = arith.constant 0 : i32
        %dma_wait3A_486 = tpu.memref_slice %arg7[%add3A_317, %dma_wait3A_485] : memref<125x80xi32, #tpu.memory_space<vmem>> -> memref<1x80xi32, #tpu.memory_space<vmem>>
        %dma_wait3A_487 = tpu.memref_squeeze %dma_wait3A_486 : memref<1x80xi32, #tpu.memory_space<vmem>> -> memref<80xi32, #tpu.memory_space<vmem>>
        %dma_wait3A_488 = arith.constant 0 : i32
        %dma_wait3A_489 = arith.constant 0 : i32
        %dma_wait3A_490 = tpu.memref_slice %arg5[%dma_wait3A_488, %dma_wait3A_489] : memref<10240x64xf32, #tpu.memory_space<vmem_shared>> -> memref<10240x64xf32, #tpu.memory_space<vmem_shared>>
        tpu.wait_indirect_dma semaphore(%run_scoped3A_470 : memref<!tpu.dma_semaphore, #tpu.memory_space<semaphore_mem>>) src(%dma_wait3A_484 : memref<80x64xf32, #tpu.memory_space<vmem>>) dst(%dma_wait3A_490 : memref<10240x64xf32, #tpu.memory_space<vmem_shared>>)
        tpu.yield
      }) : () -> ()
      %add3A_337 = arith.constant 5 : i32
      %add3A_338 = arith.addi %add3A_317, %add3A_337 : i32
      %dma_start3A_339 = arith.constant 1 : i32
      %dma_start3A_340 = arith.constant 1 : i32
      %dma_start3A_341 = arith.constant 0 : i32
      %dma_start3A_342 = arith.constant 0 : i32
      %dma_start3A_343 = tpu.memref_slice %arg8[%dma_start3A_339, %dma_start3A_341, %dma_start3A_342] : memref<5x80x64xf32, #tpu.memory_space<vmem>> -> memref<1x80x64xf32, #tpu.memory_space<vmem>>
      %dma_start3A_344 = tpu.memref_squeeze %dma_start3A_343 : memref<1x80x64xf32, #tpu.memory_space<vmem>> -> memref<80x64xf32, #tpu.memory_space<vmem>>
      %dma_start3A_345 = arith.constant 0 : i32
      %dma_start3A_346 = tpu.memref_slice %arg6[%add3A_338, %dma_start3A_345] : memref<125x80xi32, #tpu.memory_space<vmem>> -> memref<1x80xi32, #tpu.memory_space<vmem>>
      %dma_start3A_347 = tpu.memref_squeeze %dma_start3A_346 : memref<1x80xi32, #tpu.memory_space<vmem>> -> memref<80xi32, #tpu.memory_space<vmem>>
      %dma_start3A_348 = arith.constant 0 : i32
      %dma_start3A_349 = arith.constant 0 : i32
      %dma_start3A_350 = tpu.memref_slice %arg2[%dma_start3A_348, %dma_start3A_349] : memref<10000x64xf32, #tpu.memory_space<hbm>> -> memref<10000x64xf32, #tpu.memory_space<hbm>>
      %dma_start3A_351 = tpu.memref_slice %arg11[%dma_start3A_340] : memref<5x!tpu.dma_semaphore, #tpu.memory_space<semaphore_mem>> -> memref<1x!tpu.dma_semaphore, #tpu.memory_space<semaphore_mem>>
      %dma_start3A_352 = tpu.memref_squeeze %dma_start3A_351 : memref<1x!tpu.dma_semaphore, #tpu.memory_space<semaphore_mem>> -> memref<!tpu.dma_semaphore, #tpu.memory_space<semaphore_mem>>
      tpu.enqueue_indirect_dma source(%dma_start3A_350 : memref<10000x64xf32, #tpu.memory_space<hbm>>) target(%dma_start3A_344 : memref<80x64xf32, #tpu.memory_space<vmem>>) offsets(%dma_start3A_347 : memref<80xi32, #tpu.memory_space<vmem>>) semaphore(%dma_start3A_352 : memref<!tpu.dma_semaphore, #tpu.memory_space<semaphore_mem>>)
      %mul3A_353 = arith.constant 5 : i32
      %mul3A_354 = arith.muli %scan3A_274, %mul3A_353 : i32
      %add3A_355 = arith.constant 2 : i32
      %add3A_356 = arith.addi %mul3A_354, %add3A_355 : i32
      %dma_wait3A_357 = arith.constant 2 : i32
      %dma_wait3A_358 = arith.constant 2 : i32
      %dma_wait3A_359 = arith.constant 0 : i32
      %dma_wait3A_360 = arith.constant 0 : i32
      %dma_wait3A_361 = tpu.memref_slice %arg8[%dma_wait3A_357, %dma_wait3A_359, %dma_wait3A_360] : memref<5x80x64xf32, #tpu.memory_space<vmem>> -> memref<1x80x64xf32, #tpu.memory_space<vmem>>
      %dma_wait3A_362 = tpu.memref_squeeze %dma_wait3A_361 : memref<1x80x64xf32, #tpu.memory_space<vmem>> -> memref<80x64xf32, #tpu.memory_space<vmem>>
      %dma_wait3A_363 = arith.constant 0 : i32
      %dma_wait3A_364 = arith.constant 0 : i32
      %dma_wait3A_365 = tpu.memref_slice %arg2[%dma_wait3A_363, %dma_wait3A_364] : memref<10000x64xf32, #tpu.memory_space<hbm>> -> memref<80x64xf32, #tpu.memory_space<hbm>>
      %dma_wait3A_366 = tpu.memref_slice %arg11[%dma_wait3A_358] : memref<5x!tpu.dma_semaphore, #tpu.memory_space<semaphore_mem>> -> memref<1x!tpu.dma_semaphore, #tpu.memory_space<semaphore_mem>>
      %dma_wait3A_367 = tpu.memref_squeeze %dma_wait3A_366 : memref<1x!tpu.dma_semaphore, #tpu.memory_space<semaphore_mem>> -> memref<!tpu.dma_semaphore, #tpu.memory_space<semaphore_mem>>
      %dma_wait3A_368 = arith.constant 0 : i32
      %dma_wait3A_369 = arith.constant 0 : i32
      %dma_wait3A_370 = tpu.memref_slice %arg8[%dma_wait3A_357, %dma_wait3A_368, %dma_wait3A_369] : memref<5x80x64xf32, #tpu.memory_space<vmem>> -> memref<1x80x64xf32, #tpu.memory_space<vmem>>
      %dma_wait3A_371 = tpu.memref_squeeze %dma_wait3A_370 : memref<1x80x64xf32, #tpu.memory_space<vmem>> -> memref<80x64xf32, #tpu.memory_space<vmem>>
      %dma_wait3A_372 = arith.constant 0 : i32
      %dma_wait3A_373 = arith.constant 0 : i32
      %dma_wait3A_374 = tpu.memref_slice %arg2[%dma_wait3A_372, %dma_wait3A_373] : memref<10000x64xf32, #tpu.memory_space<hbm>> -> memref<80x64xf32, #tpu.memory_space<hbm>>
      tpu.wait_dma2 semaphore(%dma_wait3A_367 : memref<!tpu.dma_semaphore, #tpu.memory_space<semaphore_mem>>) src(%dma_wait3A_374 : memref<80x64xf32, #tpu.memory_space<hbm>>) dst(%dma_wait3A_371 : memref<80x64xf32, #tpu.memory_space<vmem>>)
      %run_scoped3A_375 = arith.constant 2 : i32
      "tpu.region"() ({
        %run_scoped3A_470 = tpu.sem_alloc : memref<!tpu.dma_semaphore, #tpu.memory_space<semaphore_mem>>
        %dma_start3A_471 = arith.constant 0 : i32
        %dma_start3A_472 = arith.constant 0 : i32
        %dma_start3A_473 = tpu.memref_slice %arg8[%run_scoped3A_375, %dma_start3A_471, %dma_start3A_472] : memref<5x80x64xf32, #tpu.memory_space<vmem>> -> memref<1x80x64xf32, #tpu.memory_space<vmem>>
        %dma_start3A_474 = tpu.memref_squeeze %dma_start3A_473 : memref<1x80x64xf32, #tpu.memory_space<vmem>> -> memref<80x64xf32, #tpu.memory_space<vmem>>
        %dma_start3A_475 = arith.constant 0 : i32
        %dma_start3A_476 = tpu.memref_slice %arg7[%add3A_356, %dma_start3A_475] : memref<125x80xi32, #tpu.memory_space<vmem>> -> memref<1x80xi32, #tpu.memory_space<vmem>>
        %dma_start3A_477 = tpu.memref_squeeze %dma_start3A_476 : memref<1x80xi32, #tpu.memory_space<vmem>> -> memref<80xi32, #tpu.memory_space<vmem>>
        %dma_start3A_478 = arith.constant 0 : i32
        %dma_start3A_479 = arith.constant 0 : i32
        %dma_start3A_480 = tpu.memref_slice %arg5[%dma_start3A_478, %dma_start3A_479] : memref<10240x64xf32, #tpu.memory_space<vmem_shared>> -> memref<10240x64xf32, #tpu.memory_space<vmem_shared>>
        tpu.enqueue_indirect_dma source(%dma_start3A_474 : memref<80x64xf32, #tpu.memory_space<vmem>>) target(%dma_start3A_480 : memref<10240x64xf32, #tpu.memory_space<vmem_shared>>) offsets(%dma_start3A_477 : memref<80xi32, #tpu.memory_space<vmem>>) semaphore(%run_scoped3A_470 : memref<!tpu.dma_semaphore, #tpu.memory_space<semaphore_mem>>) {add = true}
        %dma_wait3A_481 = arith.constant 0 : i32
        %dma_wait3A_482 = arith.constant 0 : i32
        %dma_wait3A_483 = tpu.memref_slice %arg8[%run_scoped3A_375, %dma_wait3A_481, %dma_wait3A_482] : memref<5x80x64xf32, #tpu.memory_space<vmem>> -> memref<1x80x64xf32, #tpu.memory_space<vmem>>
        %dma_wait3A_484 = tpu.memref_squeeze %dma_wait3A_483 : memref<1x80x64xf32, #tpu.memory_space<vmem>> -> memref<80x64xf32, #tpu.memory_space<vmem>>
        %dma_wait3A_485 = arith.constant 0 : i32
        %dma_wait3A_486 = tpu.memref_slice %arg7[%add3A_356, %dma_wait3A_485] : memref<125x80xi32, #tpu.memory_space<vmem>> -> memref<1x80xi32, #tpu.memory_space<vmem>>
        %dma_wait3A_487 = tpu.memref_squeeze %dma_wait3A_486 : memref<1x80xi32, #tpu.memory_space<vmem>> -> memref<80xi32, #tpu.memory_space<vmem>>
        %dma_wait3A_488 = arith.constant 0 : i32
        %dma_wait3A_489 = arith.constant 0 : i32
        %dma_wait3A_490 = tpu.memref_slice %arg5[%dma_wait3A_488, %dma_wait3A_489] : memref<10240x64xf32, #tpu.memory_space<vmem_shared>> -> memref<10240x64xf32, #tpu.memory_space<vmem_shared>>
        tpu.wait_indirect_dma semaphore(%run_scoped3A_470 : memref<!tpu.dma_semaphore, #tpu.memory_space<semaphore_mem>>) src(%dma_wait3A_484 : memref<80x64xf32, #tpu.memory_space<vmem>>) dst(%dma_wait3A_490 : memref<10240x64xf32, #tpu.memory_space<vmem_shared>>)
        tpu.yield
      }) : () -> ()
      %add3A_376 = arith.constant 5 : i32
      %add3A_377 = arith.addi %add3A_356, %add3A_376 : i32
      %dma_start3A_378 = arith.constant 2 : i32
      %dma_start3A_379 = arith.constant 2 : i32
      %dma_start3A_380 = arith.constant 0 : i32
      %dma_start3A_381 = arith.constant 0 : i32
      %dma_start3A_382 = tpu.memref_slice %arg8[%dma_start3A_378, %dma_start3A_380, %dma_start3A_381] : memref<5x80x64xf32, #tpu.memory_space<vmem>> -> memref<1x80x64xf32, #tpu.memory_space<vmem>>
      %dma_start3A_383 = tpu.memref_squeeze %dma_start3A_382 : memref<1x80x64xf32, #tpu.memory_space<vmem>> -> memref<80x64xf32, #tpu.memory_space<vmem>>
      %dma_start3A_384 = arith.constant 0 : i32
      %dma_start3A_385 = tpu.memref_slice %arg6[%add3A_377, %dma_start3A_384] : memref<125x80xi32, #tpu.memory_space<vmem>> -> memref<1x80xi32, #tpu.memory_space<vmem>>
      %dma_start3A_386 = tpu.memref_squeeze %dma_start3A_385 : memref<1x80xi32, #tpu.memory_space<vmem>> -> memref<80xi32, #tpu.memory_space<vmem>>
      %dma_start3A_387 = arith.constant 0 : i32
      %dma_start3A_388 = arith.constant 0 : i32
      %dma_start3A_389 = tpu.memref_slice %arg2[%dma_start3A_387, %dma_start3A_388] : memref<10000x64xf32, #tpu.memory_space<hbm>> -> memref<10000x64xf32, #tpu.memory_space<hbm>>
      %dma_start3A_390 = tpu.memref_slice %arg11[%dma_start3A_379] : memref<5x!tpu.dma_semaphore, #tpu.memory_space<semaphore_mem>> -> memref<1x!tpu.dma_semaphore, #tpu.memory_space<semaphore_mem>>
      %dma_start3A_391 = tpu.memref_squeeze %dma_start3A_390 : memref<1x!tpu.dma_semaphore, #tpu.memory_space<semaphore_mem>> -> memref<!tpu.dma_semaphore, #tpu.memory_space<semaphore_mem>>
      tpu.enqueue_indirect_dma source(%dma_start3A_389 : memref<10000x64xf32, #tpu.memory_space<hbm>>) target(%dma_start3A_383 : memref<80x64xf32, #tpu.memory_space<vmem>>) offsets(%dma_start3A_386 : memref<80xi32, #tpu.memory_space<vmem>>) semaphore(%dma_start3A_391 : memref<!tpu.dma_semaphore, #tpu.memory_space<semaphore_mem>>)
      %mul3A_392 = arith.constant 5 : i32
      %mul3A_393 = arith.muli %scan3A_274, %mul3A_392 : i32
      %add3A_394 = arith.constant 3 : i32
      %add3A_395 = arith.addi %mul3A_393, %add3A_394 : i32
      %dma_wait3A_396 = arith.constant 3 : i32
      %dma_wait3A_397 = arith.constant 3 : i32
      %dma_wait3A_398 = arith.constant 0 : i32
      %dma_wait3A_399 = arith.constant 0 : i32
      %dma_wait3A_400 = tpu.memref_slice %arg8[%dma_wait3A_396, %dma_wait3A_398, %dma_wait3A_399] : memref<5x80x64xf32, #tpu.memory_space<vmem>> -> memref<1x80x64xf32, #tpu.memory_space<vmem>>
      %dma_wait3A_401 = tpu.memref_squeeze %dma_wait3A_400 : memref<1x80x64xf32, #tpu.memory_space<vmem>> -> memref<80x64xf32, #tpu.memory_space<vmem>>
      %dma_wait3A_402 = arith.constant 0 : i32
      %dma_wait3A_403 = arith.constant 0 : i32
      %dma_wait3A_404 = tpu.memref_slice %arg2[%dma_wait3A_402, %dma_wait3A_403] : memref<10000x64xf32, #tpu.memory_space<hbm>> -> memref<80x64xf32, #tpu.memory_space<hbm>>
      %dma_wait3A_405 = tpu.memref_slice %arg11[%dma_wait3A_397] : memref<5x!tpu.dma_semaphore, #tpu.memory_space<semaphore_mem>> -> memref<1x!tpu.dma_semaphore, #tpu.memory_space<semaphore_mem>>
      %dma_wait3A_406 = tpu.memref_squeeze %dma_wait3A_405 : memref<1x!tpu.dma_semaphore, #tpu.memory_space<semaphore_mem>> -> memref<!tpu.dma_semaphore, #tpu.memory_space<semaphore_mem>>
      %dma_wait3A_407 = arith.constant 0 : i32
      %dma_wait3A_408 = arith.constant 0 : i32
      %dma_wait3A_409 = tpu.memref_slice %arg8[%dma_wait3A_396, %dma_wait3A_407, %dma_wait3A_408] : memref<5x80x64xf32, #tpu.memory_space<vmem>> -> memref<1x80x64xf32, #tpu.memory_space<vmem>>
      %dma_wait3A_410 = tpu.memref_squeeze %dma_wait3A_409 : memref<1x80x64xf32, #tpu.memory_space<vmem>> -> memref<80x64xf32, #tpu.memory_space<vmem>>
      %dma_wait3A_411 = arith.constant 0 : i32
      %dma_wait3A_412 = arith.constant 0 : i32
      %dma_wait3A_413 = tpu.memref_slice %arg2[%dma_wait3A_411, %dma_wait3A_412] : memref<10000x64xf32, #tpu.memory_space<hbm>> -> memref<80x64xf32, #tpu.memory_space<hbm>>
      tpu.wait_dma2 semaphore(%dma_wait3A_406 : memref<!tpu.dma_semaphore, #tpu.memory_space<semaphore_mem>>) src(%dma_wait3A_413 : memref<80x64xf32, #tpu.memory_space<hbm>>) dst(%dma_wait3A_410 : memref<80x64xf32, #tpu.memory_space<vmem>>)
      %run_scoped3A_414 = arith.constant 3 : i32
      "tpu.region"() ({
        %run_scoped3A_470 = tpu.sem_alloc : memref<!tpu.dma_semaphore, #tpu.memory_space<semaphore_mem>>
        %dma_start3A_471 = arith.constant 0 : i32
        %dma_start3A_472 = arith.constant 0 : i32
        %dma_start3A_473 = tpu.memref_slice %arg8[%run_scoped3A_414, %dma_start3A_471, %dma_start3A_472] : memref<5x80x64xf32, #tpu.memory_space<vmem>> -> memref<1x80x64xf32, #tpu.memory_space<vmem>>
        %dma_start3A_474 = tpu.memref_squeeze %dma_start3A_473 : memref<1x80x64xf32, #tpu.memory_space<vmem>> -> memref<80x64xf32, #tpu.memory_space<vmem>>
        %dma_start3A_475 = arith.constant 0 : i32
        %dma_start3A_476 = tpu.memref_slice %arg7[%add3A_395, %dma_start3A_475] : memref<125x80xi32, #tpu.memory_space<vmem>> -> memref<1x80xi32, #tpu.memory_space<vmem>>
        %dma_start3A_477 = tpu.memref_squeeze %dma_start3A_476 : memref<1x80xi32, #tpu.memory_space<vmem>> -> memref<80xi32, #tpu.memory_space<vmem>>
        %dma_start3A_478 = arith.constant 0 : i32
        %dma_start3A_479 = arith.constant 0 : i32
        %dma_start3A_480 = tpu.memref_slice %arg5[%dma_start3A_478, %dma_start3A_479] : memref<10240x64xf32, #tpu.memory_space<vmem_shared>> -> memref<10240x64xf32, #tpu.memory_space<vmem_shared>>
        tpu.enqueue_indirect_dma source(%dma_start3A_474 : memref<80x64xf32, #tpu.memory_space<vmem>>) target(%dma_start3A_480 : memref<10240x64xf32, #tpu.memory_space<vmem_shared>>) offsets(%dma_start3A_477 : memref<80xi32, #tpu.memory_space<vmem>>) semaphore(%run_scoped3A_470 : memref<!tpu.dma_semaphore, #tpu.memory_space<semaphore_mem>>) {add = true}
        %dma_wait3A_481 = arith.constant 0 : i32
        %dma_wait3A_482 = arith.constant 0 : i32
        %dma_wait3A_483 = tpu.memref_slice %arg8[%run_scoped3A_414, %dma_wait3A_481, %dma_wait3A_482] : memref<5x80x64xf32, #tpu.memory_space<vmem>> -> memref<1x80x64xf32, #tpu.memory_space<vmem>>
        %dma_wait3A_484 = tpu.memref_squeeze %dma_wait3A_483 : memref<1x80x64xf32, #tpu.memory_space<vmem>> -> memref<80x64xf32, #tpu.memory_space<vmem>>
        %dma_wait3A_485 = arith.constant 0 : i32
        %dma_wait3A_486 = tpu.memref_slice %arg7[%add3A_395, %dma_wait3A_485] : memref<125x80xi32, #tpu.memory_space<vmem>> -> memref<1x80xi32, #tpu.memory_space<vmem>>
        %dma_wait3A_487 = tpu.memref_squeeze %dma_wait3A_486 : memref<1x80xi32, #tpu.memory_space<vmem>> -> memref<80xi32, #tpu.memory_space<vmem>>
        %dma_wait3A_488 = arith.constant 0 : i32
        %dma_wait3A_489 = arith.constant 0 : i32
        %dma_wait3A_490 = tpu.memref_slice %arg5[%dma_wait3A_488, %dma_wait3A_489] : memref<10240x64xf32, #tpu.memory_space<vmem_shared>> -> memref<10240x64xf32, #tpu.memory_space<vmem_shared>>
        tpu.wait_indirect_dma semaphore(%run_scoped3A_470 : memref<!tpu.dma_semaphore, #tpu.memory_space<semaphore_mem>>) src(%dma_wait3A_484 : memref<80x64xf32, #tpu.memory_space<vmem>>) dst(%dma_wait3A_490 : memref<10240x64xf32, #tpu.memory_space<vmem_shared>>)
        tpu.yield
      }) : () -> ()
      %add3A_415 = arith.constant 5 : i32
      %add3A_416 = arith.addi %add3A_395, %add3A_415 : i32
      %dma_start3A_417 = arith.constant 3 : i32
      %dma_start3A_418 = arith.constant 3 : i32
      %dma_start3A_419 = arith.constant 0 : i32
      %dma_start3A_420 = arith.constant 0 : i32
      %dma_start3A_421 = tpu.memref_slice %arg8[%dma_start3A_417, %dma_start3A_419, %dma_start3A_420] : memref<5x80x64xf32, #tpu.memory_space<vmem>> -> memref<1x80x64xf32, #tpu.memory_space<vmem>>
      %dma_start3A_422 = tpu.memref_squeeze %dma_start3A_421 : memref<1x80x64xf32, #tpu.memory_space<vmem>> -> memref<80x64xf32, #tpu.memory_space<vmem>>
      %dma_start3A_423 = arith.constant 0 : i32
      %dma_start3A_424 = tpu.memref_slice %arg6[%add3A_416, %dma_start3A_423] : memref<125x80xi32, #tpu.memory_space<vmem>> -> memref<1x80xi32, #tpu.memory_space<vmem>>
      %dma_start3A_425 = tpu.memref_squeeze %dma_start3A_424 : memref<1x80xi32, #tpu.memory_space<vmem>> -> memref<80xi32, #tpu.memory_space<vmem>>
      %dma_start3A_426 = arith.constant 0 : i32
      %dma_start3A_427 = arith.constant 0 : i32
      %dma_start3A_428 = tpu.memref_slice %arg2[%dma_start3A_426, %dma_start3A_427] : memref<10000x64xf32, #tpu.memory_space<hbm>> -> memref<10000x64xf32, #tpu.memory_space<hbm>>
      %dma_start3A_429 = tpu.memref_slice %arg11[%dma_start3A_418] : memref<5x!tpu.dma_semaphore, #tpu.memory_space<semaphore_mem>> -> memref<1x!tpu.dma_semaphore, #tpu.memory_space<semaphore_mem>>
      %dma_start3A_430 = tpu.memref_squeeze %dma_start3A_429 : memref<1x!tpu.dma_semaphore, #tpu.memory_space<semaphore_mem>> -> memref<!tpu.dma_semaphore, #tpu.memory_space<semaphore_mem>>
      tpu.enqueue_indirect_dma source(%dma_start3A_428 : memref<10000x64xf32, #tpu.memory_space<hbm>>) target(%dma_start3A_422 : memref<80x64xf32, #tpu.memory_space<vmem>>) offsets(%dma_start3A_425 : memref<80xi32, #tpu.memory_space<vmem>>) semaphore(%dma_start3A_430 : memref<!tpu.dma_semaphore, #tpu.memory_space<semaphore_mem>>)
      %mul3A_431 = arith.constant 5 : i32
      %mul3A_432 = arith.muli %scan3A_274, %mul3A_431 : i32
      %add3A_433 = arith.constant 4 : i32
      %add3A_434 = arith.addi %mul3A_432, %add3A_433 : i32
      %dma_wait3A_435 = arith.constant 4 : i32
      %dma_wait3A_436 = arith.constant 4 : i32
      %dma_wait3A_437 = arith.constant 0 : i32
      %dma_wait3A_438 = arith.constant 0 : i32
      %dma_wait3A_439 = tpu.memref_slice %arg8[%dma_wait3A_435, %dma_wait3A_437, %dma_wait3A_438] : memref<5x80x64xf32, #tpu.memory_space<vmem>> -> memref<1x80x64xf32, #tpu.memory_space<vmem>>
      %dma_wait3A_440 = tpu.memref_squeeze %dma_wait3A_439 : memref<1x80x64xf32, #tpu.memory_space<vmem>> -> memref<80x64xf32, #tpu.memory_space<vmem>>
      %dma_wait3A_441 = arith.constant 0 : i32
      %dma_wait3A_442 = arith.constant 0 : i32
      %dma_wait3A_443 = tpu.memref_slice %arg2[%dma_wait3A_441, %dma_wait3A_442] : memref<10000x64xf32, #tpu.memory_space<hbm>> -> memref<80x64xf32, #tpu.memory_space<hbm>>
      %dma_wait3A_444 = tpu.memref_slice %arg11[%dma_wait3A_436] : memref<5x!tpu.dma_semaphore, #tpu.memory_space<semaphore_mem>> -> memref<1x!tpu.dma_semaphore, #tpu.memory_space<semaphore_mem>>
      %dma_wait3A_445 = tpu.memref_squeeze %dma_wait3A_444 : memref<1x!tpu.dma_semaphore, #tpu.memory_space<semaphore_mem>> -> memref<!tpu.dma_semaphore, #tpu.memory_space<semaphore_mem>>
      %dma_wait3A_446 = arith.constant 0 : i32
      %dma_wait3A_447 = arith.constant 0 : i32
      %dma_wait3A_448 = tpu.memref_slice %arg8[%dma_wait3A_435, %dma_wait3A_446, %dma_wait3A_447] : memref<5x80x64xf32, #tpu.memory_space<vmem>> -> memref<1x80x64xf32, #tpu.memory_space<vmem>>
      %dma_wait3A_449 = tpu.memref_squeeze %dma_wait3A_448 : memref<1x80x64xf32, #tpu.memory_space<vmem>> -> memref<80x64xf32, #tpu.memory_space<vmem>>
      %dma_wait3A_450 = arith.constant 0 : i32
      %dma_wait3A_451 = arith.constant 0 : i32
      %dma_wait3A_452 = tpu.memref_slice %arg2[%dma_wait3A_450, %dma_wait3A_451] : memref<10000x64xf32, #tpu.memory_space<hbm>> -> memref<80x64xf32, #tpu.memory_space<hbm>>
      tpu.wait_dma2 semaphore(%dma_wait3A_445 : memref<!tpu.dma_semaphore, #tpu.memory_space<semaphore_mem>>) src(%dma_wait3A_452 : memref<80x64xf32, #tpu.memory_space<hbm>>) dst(%dma_wait3A_449 : memref<80x64xf32, #tpu.memory_space<vmem>>)
      %run_scoped3A_453 = arith.constant 4 : i32
      "tpu.region"() ({
        %run_scoped3A_470 = tpu.sem_alloc : memref<!tpu.dma_semaphore, #tpu.memory_space<semaphore_mem>>
        %dma_start3A_471 = arith.constant 0 : i32
        %dma_start3A_472 = arith.constant 0 : i32
        %dma_start3A_473 = tpu.memref_slice %arg8[%run_scoped3A_453, %dma_start3A_471, %dma_start3A_472] : memref<5x80x64xf32, #tpu.memory_space<vmem>> -> memref<1x80x64xf32, #tpu.memory_space<vmem>>
        %dma_start3A_474 = tpu.memref_squeeze %dma_start3A_473 : memref<1x80x64xf32, #tpu.memory_space<vmem>> -> memref<80x64xf32, #tpu.memory_space<vmem>>
        %dma_start3A_475 = arith.constant 0 : i32
        %dma_start3A_476 = tpu.memref_slice %arg7[%add3A_434, %dma_start3A_475] : memref<125x80xi32, #tpu.memory_space<vmem>> -> memref<1x80xi32, #tpu.memory_space<vmem>>
        %dma_start3A_477 = tpu.memref_squeeze %dma_start3A_476 : memref<1x80xi32, #tpu.memory_space<vmem>> -> memref<80xi32, #tpu.memory_space<vmem>>
        %dma_start3A_478 = arith.constant 0 : i32
        %dma_start3A_479 = arith.constant 0 : i32
        %dma_start3A_480 = tpu.memref_slice %arg5[%dma_start3A_478, %dma_start3A_479] : memref<10240x64xf32, #tpu.memory_space<vmem_shared>> -> memref<10240x64xf32, #tpu.memory_space<vmem_shared>>
        tpu.enqueue_indirect_dma source(%dma_start3A_474 : memref<80x64xf32, #tpu.memory_space<vmem>>) target(%dma_start3A_480 : memref<10240x64xf32, #tpu.memory_space<vmem_shared>>) offsets(%dma_start3A_477 : memref<80xi32, #tpu.memory_space<vmem>>) semaphore(%run_scoped3A_470 : memref<!tpu.dma_semaphore, #tpu.memory_space<semaphore_mem>>) {add = true}
        %dma_wait3A_481 = arith.constant 0 : i32
        %dma_wait3A_482 = arith.constant 0 : i32
        %dma_wait3A_483 = tpu.memref_slice %arg8[%run_scoped3A_453, %dma_wait3A_481, %dma_wait3A_482] : memref<5x80x64xf32, #tpu.memory_space<vmem>> -> memref<1x80x64xf32, #tpu.memory_space<vmem>>
        %dma_wait3A_484 = tpu.memref_squeeze %dma_wait3A_483 : memref<1x80x64xf32, #tpu.memory_space<vmem>> -> memref<80x64xf32, #tpu.memory_space<vmem>>
        %dma_wait3A_485 = arith.constant 0 : i32
        %dma_wait3A_486 = tpu.memref_slice %arg7[%add3A_434, %dma_wait3A_485] : memref<125x80xi32, #tpu.memory_space<vmem>> -> memref<1x80xi32, #tpu.memory_space<vmem>>
        %dma_wait3A_487 = tpu.memref_squeeze %dma_wait3A_486 : memref<1x80xi32, #tpu.memory_space<vmem>> -> memref<80xi32, #tpu.memory_space<vmem>>
        %dma_wait3A_488 = arith.constant 0 : i32
        %dma_wait3A_489 = arith.constant 0 : i32
        %dma_wait3A_490 = tpu.memref_slice %arg5[%dma_wait3A_488, %dma_wait3A_489] : memref<10240x64xf32, #tpu.memory_space<vmem_shared>> -> memref<10240x64xf32, #tpu.memory_space<vmem_shared>>
        tpu.wait_indirect_dma semaphore(%run_scoped3A_470 : memref<!tpu.dma_semaphore, #tpu.memory_space<semaphore_mem>>) src(%dma_wait3A_484 : memref<80x64xf32, #tpu.memory_space<vmem>>) dst(%dma_wait3A_490 : memref<10240x64xf32, #tpu.memory_space<vmem_shared>>)
        tpu.yield
      }) : () -> ()
      %add3A_454 = arith.constant 5 : i32
      %add3A_455 = arith.addi %add3A_434, %add3A_454 : i32
      %dma_start3A_456 = arith.constant 4 : i32
      %dma_start3A_457 = arith.constant 4 : i32
      %dma_start3A_458 = arith.constant 0 : i32
      %dma_start3A_459 = arith.constant 0 : i32
      %dma_start3A_460 = tpu.memref_slice %arg8[%dma_start3A_456, %dma_start3A_458, %dma_start3A_459] : memref<5x80x64xf32, #tpu.memory_space<vmem>> -> memref<1x80x64xf32, #tpu.memory_space<vmem>>
      %dma_start3A_461 = tpu.memref_squeeze %dma_start3A_460 : memref<1x80x64xf32, #tpu.memory_space<vmem>> -> memref<80x64xf32, #tpu.memory_space<vmem>>
      %dma_start3A_462 = arith.constant 0 : i32
      %dma_start3A_463 = tpu.memref_slice %arg6[%add3A_455, %dma_start3A_462] : memref<125x80xi32, #tpu.memory_space<vmem>> -> memref<1x80xi32, #tpu.memory_space<vmem>>
      %dma_start3A_464 = tpu.memref_squeeze %dma_start3A_463 : memref<1x80xi32, #tpu.memory_space<vmem>> -> memref<80xi32, #tpu.memory_space<vmem>>
      %dma_start3A_465 = arith.constant 0 : i32
      %dma_start3A_466 = arith.constant 0 : i32
      %dma_start3A_467 = tpu.memref_slice %arg2[%dma_start3A_465, %dma_start3A_466] : memref<10000x64xf32, #tpu.memory_space<hbm>> -> memref<10000x64xf32, #tpu.memory_space<hbm>>
      %dma_start3A_468 = tpu.memref_slice %arg11[%dma_start3A_457] : memref<5x!tpu.dma_semaphore, #tpu.memory_space<semaphore_mem>> -> memref<1x!tpu.dma_semaphore, #tpu.memory_space<semaphore_mem>>
      %dma_start3A_469 = tpu.memref_squeeze %dma_start3A_468 : memref<1x!tpu.dma_semaphore, #tpu.memory_space<semaphore_mem>> -> memref<!tpu.dma_semaphore, #tpu.memory_space<semaphore_mem>>
      tpu.enqueue_indirect_dma source(%dma_start3A_467 : memref<10000x64xf32, #tpu.memory_space<hbm>>) target(%dma_start3A_461 : memref<80x64xf32, #tpu.memory_space<vmem>>) offsets(%dma_start3A_464 : memref<80xi32, #tpu.memory_space<vmem>>) semaphore(%dma_start3A_469 : memref<!tpu.dma_semaphore, #tpu.memory_space<semaphore_mem>>)
    }
    %scan3A_133 = arith.constant 24 : i32
    %dma_wait3A = arith.constant 0 : i32
    %dma_wait3A_134 = arith.constant 0 : i32
    %dma_wait3A_135 = arith.constant 0 : i32
    %dma_wait3A_136 = arith.constant 0 : i32
    %dma_wait3A_137 = tpu.memref_slice %arg8[%dma_wait3A, %dma_wait3A_135, %dma_wait3A_136] : memref<5x80x64xf32, #tpu.memory_space<vmem>> -> memref<1x80x64xf32, #tpu.memory_space<vmem>>
    %dma_wait3A_138 = tpu.memref_squeeze %dma_wait3A_137 : memref<1x80x64xf32, #tpu.memory_space<vmem>> -> memref<80x64xf32, #tpu.memory_space<vmem>>
    %dma_wait3A_139 = arith.constant 0 : i32
    %dma_wait3A_140 = arith.constant 0 : i32
    %dma_wait3A_141 = tpu.memref_slice %arg2[%dma_wait3A_139, %dma_wait3A_140] : memref<10000x64xf32, #tpu.memory_space<hbm>> -> memref<80x64xf32, #tpu.memory_space<hbm>>
    %dma_wait3A_142 = tpu.memref_slice %arg11[%dma_wait3A_134] : memref<5x!tpu.dma_semaphore, #tpu.memory_space<semaphore_mem>> -> memref<1x!tpu.dma_semaphore, #tpu.memory_space<semaphore_mem>>
    %dma_wait3A_143 = tpu.memref_squeeze %dma_wait3A_142 : memref<1x!tpu.dma_semaphore, #tpu.memory_space<semaphore_mem>> -> memref<!tpu.dma_semaphore, #tpu.memory_space<semaphore_mem>>
    %dma_wait3A_144 = arith.constant 0 : i32
    %dma_wait3A_145 = arith.constant 0 : i32
    %dma_wait3A_146 = tpu.memref_slice %arg8[%dma_wait3A, %dma_wait3A_144, %dma_wait3A_145] : memref<5x80x64xf32, #tpu.memory_space<vmem>> -> memref<1x80x64xf32, #tpu.memory_space<vmem>>
    %dma_wait3A_147 = tpu.memref_squeeze %dma_wait3A_146 : memref<1x80x64xf32, #tpu.memory_space<vmem>> -> memref<80x64xf32, #tpu.memory_space<vmem>>
    %dma_wait3A_148 = arith.constant 0 : i32
    %dma_wait3A_149 = arith.constant 0 : i32
    %dma_wait3A_150 = tpu.memref_slice %arg2[%dma_wait3A_148, %dma_wait3A_149] : memref<10000x64xf32, #tpu.memory_space<hbm>> -> memref<80x64xf32, #tpu.memory_space<hbm>>
    tpu.wait_dma2 semaphore(%dma_wait3A_143 : memref<!tpu.dma_semaphore, #tpu.memory_space<semaphore_mem>>) src(%dma_wait3A_150 : memref<80x64xf32, #tpu.memory_space<hbm>>) dst(%dma_wait3A_147 : memref<80x64xf32, #tpu.memory_space<vmem>>)
    %run_scoped3A_151 = arith.constant 0 : i32
    %run_scoped3A_152 = arith.constant 120 : i32
    "tpu.region"() ({
      %run_scoped3A_274 = tpu.sem_alloc : memref<!tpu.dma_semaphore, #tpu.memory_space<semaphore_mem>>
      %dma_start3A_275 = arith.constant 0 : i32
      %dma_start3A_276 = arith.constant 0 : i32
      %dma_start3A_277 = tpu.memref_slice %arg8[%run_scoped3A_151, %dma_start3A_275, %dma_start3A_276] : memref<5x80x64xf32, #tpu.memory_space<vmem>> -> memref<1x80x64xf32, #tpu.memory_space<vmem>>
      %dma_start3A_278 = tpu.memref_squeeze %dma_start3A_277 : memref<1x80x64xf32, #tpu.memory_space<vmem>> -> memref<80x64xf32, #tpu.memory_space<vmem>>
      %dma_start3A_279 = arith.constant 0 : i32
      %dma_start3A_280 = tpu.memref_slice %arg7[%run_scoped3A_152, %dma_start3A_279] : memref<125x80xi32, #tpu.memory_space<vmem>> -> memref<1x80xi32, #tpu.memory_space<vmem>>
      %dma_start3A_281 = tpu.memref_squeeze %dma_start3A_280 : memref<1x80xi32, #tpu.memory_space<vmem>> -> memref<80xi32, #tpu.memory_space<vmem>>
      %dma_start3A_282 = arith.constant 0 : i32
      %dma_start3A_283 = arith.constant 0 : i32
      %dma_start3A_284 = tpu.memref_slice %arg5[%dma_start3A_282, %dma_start3A_283] : memref<10240x64xf32, #tpu.memory_space<vmem_shared>> -> memref<10240x64xf32, #tpu.memory_space<vmem_shared>>
      tpu.enqueue_indirect_dma source(%dma_start3A_278 : memref<80x64xf32, #tpu.memory_space<vmem>>) target(%dma_start3A_284 : memref<10240x64xf32, #tpu.memory_space<vmem_shared>>) offsets(%dma_start3A_281 : memref<80xi32, #tpu.memory_space<vmem>>) semaphore(%run_scoped3A_274 : memref<!tpu.dma_semaphore, #tpu.memory_space<semaphore_mem>>) {add = true}
      %dma_wait3A_285 = arith.constant 0 : i32
      %dma_wait3A_286 = arith.constant 0 : i32
      %dma_wait3A_287 = tpu.memref_slice %arg8[%run_scoped3A_151, %dma_wait3A_285, %dma_wait3A_286] : memref<5x80x64xf32, #tpu.memory_space<vmem>> -> memref<1x80x64xf32, #tpu.memory_space<vmem>>
      %dma_wait3A_288 = tpu.memref_squeeze %dma_wait3A_287 : memref<1x80x64xf32, #tpu.memory_space<vmem>> -> memref<80x64xf32, #tpu.memory_space<vmem>>
      %dma_wait3A_289 = arith.constant 0 : i32
      %dma_wait3A_290 = tpu.memref_slice %arg7[%run_scoped3A_152, %dma_wait3A_289] : memref<125x80xi32, #tpu.memory_space<vmem>> -> memref<1x80xi32, #tpu.memory_space<vmem>>
      %dma_wait3A_291 = tpu.memref_squeeze %dma_wait3A_290 : memref<1x80xi32, #tpu.memory_space<vmem>> -> memref<80xi32, #tpu.memory_space<vmem>>
      %dma_wait3A_292 = arith.constant 0 : i32
      %dma_wait3A_293 = arith.constant 0 : i32
      %dma_wait3A_294 = tpu.memref_slice %arg5[%dma_wait3A_292, %dma_wait3A_293] : memref<10240x64xf32, #tpu.memory_space<vmem_shared>> -> memref<10240x64xf32, #tpu.memory_space<vmem_shared>>
      tpu.wait_indirect_dma semaphore(%run_scoped3A_274 : memref<!tpu.dma_semaphore, #tpu.memory_space<semaphore_mem>>) src(%dma_wait3A_288 : memref<80x64xf32, #tpu.memory_space<vmem>>) dst(%dma_wait3A_294 : memref<10240x64xf32, #tpu.memory_space<vmem_shared>>)
      tpu.yield
    }) : () -> ()
    %dma_wait3A_153 = arith.constant 1 : i32
    %dma_wait3A_154 = arith.constant 1 : i32
    %dma_wait3A_155 = arith.constant 0 : i32
    %dma_wait3A_156 = arith.constant 0 : i32
    %dma_wait3A_157 = tpu.memref_slice %arg8[%dma_wait3A_153, %dma_wait3A_155, %dma_wait3A_156] : memref<5x80x64xf32, #tpu.memory_space<vmem>> -> memref<1x80x64xf32, #tpu.memory_space<vmem>>
    %dma_wait3A_158 = tpu.memref_squeeze %dma_wait3A_157 : memref<1x80x64xf32, #tpu.memory_space<vmem>> -> memref<80x64xf32, #tpu.memory_space<vmem>>
    %dma_wait3A_159 = arith.constant 0 : i32
    %dma_wait3A_160 = arith.constant 0 : i32
    %dma_wait3A_161 = tpu.memref_slice %arg2[%dma_wait3A_159, %dma_wait3A_160] : memref<10000x64xf32, #tpu.memory_space<hbm>> -> memref<80x64xf32, #tpu.memory_space<hbm>>
    %dma_wait3A_162 = tpu.memref_slice %arg11[%dma_wait3A_154] : memref<5x!tpu.dma_semaphore, #tpu.memory_space<semaphore_mem>> -> memref<1x!tpu.dma_semaphore, #tpu.memory_space<semaphore_mem>>
    %dma_wait3A_163 = tpu.memref_squeeze %dma_wait3A_162 : memref<1x!tpu.dma_semaphore, #tpu.memory_space<semaphore_mem>> -> memref<!tpu.dma_semaphore, #tpu.memory_space<semaphore_mem>>
    %dma_wait3A_164 = arith.constant 0 : i32
    %dma_wait3A_165 = arith.constant 0 : i32
    %dma_wait3A_166 = tpu.memref_slice %arg8[%dma_wait3A_153, %dma_wait3A_164, %dma_wait3A_165] : memref<5x80x64xf32, #tpu.memory_space<vmem>> -> memref<1x80x64xf32, #tpu.memory_space<vmem>>
    %dma_wait3A_167 = tpu.memref_squeeze %dma_wait3A_166 : memref<1x80x64xf32, #tpu.memory_space<vmem>> -> memref<80x64xf32, #tpu.memory_space<vmem>>
    %dma_wait3A_168 = arith.constant 0 : i32
    %dma_wait3A_169 = arith.constant 0 : i32
    %dma_wait3A_170 = tpu.memref_slice %arg2[%dma_wait3A_168, %dma_wait3A_169] : memref<10000x64xf32, #tpu.memory_space<hbm>> -> memref<80x64xf32, #tpu.memory_space<hbm>>
    tpu.wait_dma2 semaphore(%dma_wait3A_163 : memref<!tpu.dma_semaphore, #tpu.memory_space<semaphore_mem>>) src(%dma_wait3A_170 : memref<80x64xf32, #tpu.memory_space<hbm>>) dst(%dma_wait3A_167 : memref<80x64xf32, #tpu.memory_space<vmem>>)
    %run_scoped3A_171 = arith.constant 1 : i32
    %run_scoped3A_172 = arith.constant 121 : i32
    "tpu.region"() ({
      %run_scoped3A_274 = tpu.sem_alloc : memref<!tpu.dma_semaphore, #tpu.memory_space<semaphore_mem>>
      %dma_start3A_275 = arith.constant 0 : i32
      %dma_start3A_276 = arith.constant 0 : i32
      %dma_start3A_277 = tpu.memref_slice %arg8[%run_scoped3A_171, %dma_start3A_275, %dma_start3A_276] : memref<5x80x64xf32, #tpu.memory_space<vmem>> -> memref<1x80x64xf32, #tpu.memory_space<vmem>>
      %dma_start3A_278 = tpu.memref_squeeze %dma_start3A_277 : memref<1x80x64xf32, #tpu.memory_space<vmem>> -> memref<80x64xf32, #tpu.memory_space<vmem>>
      %dma_start3A_279 = arith.constant 0 : i32
      %dma_start3A_280 = tpu.memref_slice %arg7[%run_scoped3A_172, %dma_start3A_279] : memref<125x80xi32, #tpu.memory_space<vmem>> -> memref<1x80xi32, #tpu.memory_space<vmem>>
      %dma_start3A_281 = tpu.memref_squeeze %dma_start3A_280 : memref<1x80xi32, #tpu.memory_space<vmem>> -> memref<80xi32, #tpu.memory_space<vmem>>
      %dma_start3A_282 = arith.constant 0 : i32
      %dma_start3A_283 = arith.constant 0 : i32
      %dma_start3A_284 = tpu.memref_slice %arg5[%dma_start3A_282, %dma_start3A_283] : memref<10240x64xf32, #tpu.memory_space<vmem_shared>> -> memref<10240x64xf32, #tpu.memory_space<vmem_shared>>
      tpu.enqueue_indirect_dma source(%dma_start3A_278 : memref<80x64xf32, #tpu.memory_space<vmem>>) target(%dma_start3A_284 : memref<10240x64xf32, #tpu.memory_space<vmem_shared>>) offsets(%dma_start3A_281 : memref<80xi32, #tpu.memory_space<vmem>>) semaphore(%run_scoped3A_274 : memref<!tpu.dma_semaphore, #tpu.memory_space<semaphore_mem>>) {add = true}
      %dma_wait3A_285 = arith.constant 0 : i32
      %dma_wait3A_286 = arith.constant 0 : i32
      %dma_wait3A_287 = tpu.memref_slice %arg8[%run_scoped3A_171, %dma_wait3A_285, %dma_wait3A_286] : memref<5x80x64xf32, #tpu.memory_space<vmem>> -> memref<1x80x64xf32, #tpu.memory_space<vmem>>
      %dma_wait3A_288 = tpu.memref_squeeze %dma_wait3A_287 : memref<1x80x64xf32, #tpu.memory_space<vmem>> -> memref<80x64xf32, #tpu.memory_space<vmem>>
      %dma_wait3A_289 = arith.constant 0 : i32
      %dma_wait3A_290 = tpu.memref_slice %arg7[%run_scoped3A_172, %dma_wait3A_289] : memref<125x80xi32, #tpu.memory_space<vmem>> -> memref<1x80xi32, #tpu.memory_space<vmem>>
      %dma_wait3A_291 = tpu.memref_squeeze %dma_wait3A_290 : memref<1x80xi32, #tpu.memory_space<vmem>> -> memref<80xi32, #tpu.memory_space<vmem>>
      %dma_wait3A_292 = arith.constant 0 : i32
      %dma_wait3A_293 = arith.constant 0 : i32
      %dma_wait3A_294 = tpu.memref_slice %arg5[%dma_wait3A_292, %dma_wait3A_293] : memref<10240x64xf32, #tpu.memory_space<vmem_shared>> -> memref<10240x64xf32, #tpu.memory_space<vmem_shared>>
      tpu.wait_indirect_dma semaphore(%run_scoped3A_274 : memref<!tpu.dma_semaphore, #tpu.memory_space<semaphore_mem>>) src(%dma_wait3A_288 : memref<80x64xf32, #tpu.memory_space<vmem>>) dst(%dma_wait3A_294 : memref<10240x64xf32, #tpu.memory_space<vmem_shared>>)
      tpu.yield
    }) : () -> ()
    %dma_wait3A_173 = arith.constant 2 : i32
    %dma_wait3A_174 = arith.constant 2 : i32
    %dma_wait3A_175 = arith.constant 0 : i32
    %dma_wait3A_176 = arith.constant 0 : i32
    %dma_wait3A_177 = tpu.memref_slice %arg8[%dma_wait3A_173, %dma_wait3A_175, %dma_wait3A_176] : memref<5x80x64xf32, #tpu.memory_space<vmem>> -> memref<1x80x64xf32, #tpu.memory_space<vmem>>
    %dma_wait3A_178 = tpu.memref_squeeze %dma_wait3A_177 : memref<1x80x64xf32, #tpu.memory_space<vmem>> -> memref<80x64xf32, #tpu.memory_space<vmem>>
    %dma_wait3A_179 = arith.constant 0 : i32
    %dma_wait3A_180 = arith.constant 0 : i32
    %dma_wait3A_181 = tpu.memref_slice %arg2[%dma_wait3A_179, %dma_wait3A_180] : memref<10000x64xf32, #tpu.memory_space<hbm>> -> memref<80x64xf32, #tpu.memory_space<hbm>>
    %dma_wait3A_182 = tpu.memref_slice %arg11[%dma_wait3A_174] : memref<5x!tpu.dma_semaphore, #tpu.memory_space<semaphore_mem>> -> memref<1x!tpu.dma_semaphore, #tpu.memory_space<semaphore_mem>>
    %dma_wait3A_183 = tpu.memref_squeeze %dma_wait3A_182 : memref<1x!tpu.dma_semaphore, #tpu.memory_space<semaphore_mem>> -> memref<!tpu.dma_semaphore, #tpu.memory_space<semaphore_mem>>
    %dma_wait3A_184 = arith.constant 0 : i32
    %dma_wait3A_185 = arith.constant 0 : i32
    %dma_wait3A_186 = tpu.memref_slice %arg8[%dma_wait3A_173, %dma_wait3A_184, %dma_wait3A_185] : memref<5x80x64xf32, #tpu.memory_space<vmem>> -> memref<1x80x64xf32, #tpu.memory_space<vmem>>
    %dma_wait3A_187 = tpu.memref_squeeze %dma_wait3A_186 : memref<1x80x64xf32, #tpu.memory_space<vmem>> -> memref<80x64xf32, #tpu.memory_space<vmem>>
    %dma_wait3A_188 = arith.constant 0 : i32
    %dma_wait3A_189 = arith.constant 0 : i32
    %dma_wait3A_190 = tpu.memref_slice %arg2[%dma_wait3A_188, %dma_wait3A_189] : memref<10000x64xf32, #tpu.memory_space<hbm>> -> memref<80x64xf32, #tpu.memory_space<hbm>>
    tpu.wait_dma2 semaphore(%dma_wait3A_183 : memref<!tpu.dma_semaphore, #tpu.memory_space<semaphore_mem>>) src(%dma_wait3A_190 : memref<80x64xf32, #tpu.memory_space<hbm>>) dst(%dma_wait3A_187 : memref<80x64xf32, #tpu.memory_space<vmem>>)
    %run_scoped3A_191 = arith.constant 2 : i32
    %run_scoped3A_192 = arith.constant 122 : i32
    "tpu.region"() ({
      %run_scoped3A_274 = tpu.sem_alloc : memref<!tpu.dma_semaphore, #tpu.memory_space<semaphore_mem>>
      %dma_start3A_275 = arith.constant 0 : i32
      %dma_start3A_276 = arith.constant 0 : i32
      %dma_start3A_277 = tpu.memref_slice %arg8[%run_scoped3A_191, %dma_start3A_275, %dma_start3A_276] : memref<5x80x64xf32, #tpu.memory_space<vmem>> -> memref<1x80x64xf32, #tpu.memory_space<vmem>>
      %dma_start3A_278 = tpu.memref_squeeze %dma_start3A_277 : memref<1x80x64xf32, #tpu.memory_space<vmem>> -> memref<80x64xf32, #tpu.memory_space<vmem>>
      %dma_start3A_279 = arith.constant 0 : i32
      %dma_start3A_280 = tpu.memref_slice %arg7[%run_scoped3A_192, %dma_start3A_279] : memref<125x80xi32, #tpu.memory_space<vmem>> -> memref<1x80xi32, #tpu.memory_space<vmem>>
      %dma_start3A_281 = tpu.memref_squeeze %dma_start3A_280 : memref<1x80xi32, #tpu.memory_space<vmem>> -> memref<80xi32, #tpu.memory_space<vmem>>
      %dma_start3A_282 = arith.constant 0 : i32
      %dma_start3A_283 = arith.constant 0 : i32
      %dma_start3A_284 = tpu.memref_slice %arg5[%dma_start3A_282, %dma_start3A_283] : memref<10240x64xf32, #tpu.memory_space<vmem_shared>> -> memref<10240x64xf32, #tpu.memory_space<vmem_shared>>
      tpu.enqueue_indirect_dma source(%dma_start3A_278 : memref<80x64xf32, #tpu.memory_space<vmem>>) target(%dma_start3A_284 : memref<10240x64xf32, #tpu.memory_space<vmem_shared>>) offsets(%dma_start3A_281 : memref<80xi32, #tpu.memory_space<vmem>>) semaphore(%run_scoped3A_274 : memref<!tpu.dma_semaphore, #tpu.memory_space<semaphore_mem>>) {add = true}
      %dma_wait3A_285 = arith.constant 0 : i32
      %dma_wait3A_286 = arith.constant 0 : i32
      %dma_wait3A_287 = tpu.memref_slice %arg8[%run_scoped3A_191, %dma_wait3A_285, %dma_wait3A_286] : memref<5x80x64xf32, #tpu.memory_space<vmem>> -> memref<1x80x64xf32, #tpu.memory_space<vmem>>
      %dma_wait3A_288 = tpu.memref_squeeze %dma_wait3A_287 : memref<1x80x64xf32, #tpu.memory_space<vmem>> -> memref<80x64xf32, #tpu.memory_space<vmem>>
      %dma_wait3A_289 = arith.constant 0 : i32
      %dma_wait3A_290 = tpu.memref_slice %arg7[%run_scoped3A_192, %dma_wait3A_289] : memref<125x80xi32, #tpu.memory_space<vmem>> -> memref<1x80xi32, #tpu.memory_space<vmem>>
      %dma_wait3A_291 = tpu.memref_squeeze %dma_wait3A_290 : memref<1x80xi32, #tpu.memory_space<vmem>> -> memref<80xi32, #tpu.memory_space<vmem>>
      %dma_wait3A_292 = arith.constant 0 : i32
      %dma_wait3A_293 = arith.constant 0 : i32
      %dma_wait3A_294 = tpu.memref_slice %arg5[%dma_wait3A_292, %dma_wait3A_293] : memref<10240x64xf32, #tpu.memory_space<vmem_shared>> -> memref<10240x64xf32, #tpu.memory_space<vmem_shared>>
      tpu.wait_indirect_dma semaphore(%run_scoped3A_274 : memref<!tpu.dma_semaphore, #tpu.memory_space<semaphore_mem>>) src(%dma_wait3A_288 : memref<80x64xf32, #tpu.memory_space<vmem>>) dst(%dma_wait3A_294 : memref<10240x64xf32, #tpu.memory_space<vmem_shared>>)
      tpu.yield
    }) : () -> ()
    %dma_wait3A_193 = arith.constant 3 : i32
    %dma_wait3A_194 = arith.constant 3 : i32
    %dma_wait3A_195 = arith.constant 0 : i32
    %dma_wait3A_196 = arith.constant 0 : i32
    %dma_wait3A_197 = tpu.memref_slice %arg8[%dma_wait3A_193, %dma_wait3A_195, %dma_wait3A_196] : memref<5x80x64xf32, #tpu.memory_space<vmem>> -> memref<1x80x64xf32, #tpu.memory_space<vmem>>
    %dma_wait3A_198 = tpu.memref_squeeze %dma_wait3A_197 : memref<1x80x64xf32, #tpu.memory_space<vmem>> -> memref<80x64xf32, #tpu.memory_space<vmem>>
    %dma_wait3A_199 = arith.constant 0 : i32
    %dma_wait3A_200 = arith.constant 0 : i32
    %dma_wait3A_201 = tpu.memref_slice %arg2[%dma_wait3A_199, %dma_wait3A_200] : memref<10000x64xf32, #tpu.memory_space<hbm>> -> memref<80x64xf32, #tpu.memory_space<hbm>>
    %dma_wait3A_202 = tpu.memref_slice %arg11[%dma_wait3A_194] : memref<5x!tpu.dma_semaphore, #tpu.memory_space<semaphore_mem>> -> memref<1x!tpu.dma_semaphore, #tpu.memory_space<semaphore_mem>>
    %dma_wait3A_203 = tpu.memref_squeeze %dma_wait3A_202 : memref<1x!tpu.dma_semaphore, #tpu.memory_space<semaphore_mem>> -> memref<!tpu.dma_semaphore, #tpu.memory_space<semaphore_mem>>
    %dma_wait3A_204 = arith.constant 0 : i32
    %dma_wait3A_205 = arith.constant 0 : i32
    %dma_wait3A_206 = tpu.memref_slice %arg8[%dma_wait3A_193, %dma_wait3A_204, %dma_wait3A_205] : memref<5x80x64xf32, #tpu.memory_space<vmem>> -> memref<1x80x64xf32, #tpu.memory_space<vmem>>
    %dma_wait3A_207 = tpu.memref_squeeze %dma_wait3A_206 : memref<1x80x64xf32, #tpu.memory_space<vmem>> -> memref<80x64xf32, #tpu.memory_space<vmem>>
    %dma_wait3A_208 = arith.constant 0 : i32
    %dma_wait3A_209 = arith.constant 0 : i32
    %dma_wait3A_210 = tpu.memref_slice %arg2[%dma_wait3A_208, %dma_wait3A_209] : memref<10000x64xf32, #tpu.memory_space<hbm>> -> memref<80x64xf32, #tpu.memory_space<hbm>>
    tpu.wait_dma2 semaphore(%dma_wait3A_203 : memref<!tpu.dma_semaphore, #tpu.memory_space<semaphore_mem>>) src(%dma_wait3A_210 : memref<80x64xf32, #tpu.memory_space<hbm>>) dst(%dma_wait3A_207 : memref<80x64xf32, #tpu.memory_space<vmem>>)
    %run_scoped3A_211 = arith.constant 3 : i32
    %run_scoped3A_212 = arith.constant 123 : i32
    "tpu.region"() ({
      %run_scoped3A_274 = tpu.sem_alloc : memref<!tpu.dma_semaphore, #tpu.memory_space<semaphore_mem>>
      %dma_start3A_275 = arith.constant 0 : i32
      %dma_start3A_276 = arith.constant 0 : i32
      %dma_start3A_277 = tpu.memref_slice %arg8[%run_scoped3A_211, %dma_start3A_275, %dma_start3A_276] : memref<5x80x64xf32, #tpu.memory_space<vmem>> -> memref<1x80x64xf32, #tpu.memory_space<vmem>>
      %dma_start3A_278 = tpu.memref_squeeze %dma_start3A_277 : memref<1x80x64xf32, #tpu.memory_space<vmem>> -> memref<80x64xf32, #tpu.memory_space<vmem>>
      %dma_start3A_279 = arith.constant 0 : i32
      %dma_start3A_280 = tpu.memref_slice %arg7[%run_scoped3A_212, %dma_start3A_279] : memref<125x80xi32, #tpu.memory_space<vmem>> -> memref<1x80xi32, #tpu.memory_space<vmem>>
      %dma_start3A_281 = tpu.memref_squeeze %dma_start3A_280 : memref<1x80xi32, #tpu.memory_space<vmem>> -> memref<80xi32, #tpu.memory_space<vmem>>
      %dma_start3A_282 = arith.constant 0 : i32
      %dma_start3A_283 = arith.constant 0 : i32
      %dma_start3A_284 = tpu.memref_slice %arg5[%dma_start3A_282, %dma_start3A_283] : memref<10240x64xf32, #tpu.memory_space<vmem_shared>> -> memref<10240x64xf32, #tpu.memory_space<vmem_shared>>
      tpu.enqueue_indirect_dma source(%dma_start3A_278 : memref<80x64xf32, #tpu.memory_space<vmem>>) target(%dma_start3A_284 : memref<10240x64xf32, #tpu.memory_space<vmem_shared>>) offsets(%dma_start3A_281 : memref<80xi32, #tpu.memory_space<vmem>>) semaphore(%run_scoped3A_274 : memref<!tpu.dma_semaphore, #tpu.memory_space<semaphore_mem>>) {add = true}
      %dma_wait3A_285 = arith.constant 0 : i32
      %dma_wait3A_286 = arith.constant 0 : i32
      %dma_wait3A_287 = tpu.memref_slice %arg8[%run_scoped3A_211, %dma_wait3A_285, %dma_wait3A_286] : memref<5x80x64xf32, #tpu.memory_space<vmem>> -> memref<1x80x64xf32, #tpu.memory_space<vmem>>
      %dma_wait3A_288 = tpu.memref_squeeze %dma_wait3A_287 : memref<1x80x64xf32, #tpu.memory_space<vmem>> -> memref<80x64xf32, #tpu.memory_space<vmem>>
      %dma_wait3A_289 = arith.constant 0 : i32
      %dma_wait3A_290 = tpu.memref_slice %arg7[%run_scoped3A_212, %dma_wait3A_289] : memref<125x80xi32, #tpu.memory_space<vmem>> -> memref<1x80xi32, #tpu.memory_space<vmem>>
      %dma_wait3A_291 = tpu.memref_squeeze %dma_wait3A_290 : memref<1x80xi32, #tpu.memory_space<vmem>> -> memref<80xi32, #tpu.memory_space<vmem>>
      %dma_wait3A_292 = arith.constant 0 : i32
      %dma_wait3A_293 = arith.constant 0 : i32
      %dma_wait3A_294 = tpu.memref_slice %arg5[%dma_wait3A_292, %dma_wait3A_293] : memref<10240x64xf32, #tpu.memory_space<vmem_shared>> -> memref<10240x64xf32, #tpu.memory_space<vmem_shared>>
      tpu.wait_indirect_dma semaphore(%run_scoped3A_274 : memref<!tpu.dma_semaphore, #tpu.memory_space<semaphore_mem>>) src(%dma_wait3A_288 : memref<80x64xf32, #tpu.memory_space<vmem>>) dst(%dma_wait3A_294 : memref<10240x64xf32, #tpu.memory_space<vmem_shared>>)
      tpu.yield
    }) : () -> ()
    %dma_wait3A_213 = arith.constant 4 : i32
    %dma_wait3A_214 = arith.constant 4 : i32
    %dma_wait3A_215 = arith.constant 0 : i32
    %dma_wait3A_216 = arith.constant 0 : i32
    %dma_wait3A_217 = tpu.memref_slice %arg8[%dma_wait3A_213, %dma_wait3A_215, %dma_wait3A_216] : memref<5x80x64xf32, #tpu.memory_space<vmem>> -> memref<1x80x64xf32, #tpu.memory_space<vmem>>
    %dma_wait3A_218 = tpu.memref_squeeze %dma_wait3A_217 : memref<1x80x64xf32, #tpu.memory_space<vmem>> -> memref<80x64xf32, #tpu.memory_space<vmem>>
    %dma_wait3A_219 = arith.constant 0 : i32
    %dma_wait3A_220 = arith.constant 0 : i32
    %dma_wait3A_221 = tpu.memref_slice %arg2[%dma_wait3A_219, %dma_wait3A_220] : memref<10000x64xf32, #tpu.memory_space<hbm>> -> memref<80x64xf32, #tpu.memory_space<hbm>>
    %dma_wait3A_222 = tpu.memref_slice %arg11[%dma_wait3A_214] : memref<5x!tpu.dma_semaphore, #tpu.memory_space<semaphore_mem>> -> memref<1x!tpu.dma_semaphore, #tpu.memory_space<semaphore_mem>>
    %dma_wait3A_223 = tpu.memref_squeeze %dma_wait3A_222 : memref<1x!tpu.dma_semaphore, #tpu.memory_space<semaphore_mem>> -> memref<!tpu.dma_semaphore, #tpu.memory_space<semaphore_mem>>
    %dma_wait3A_224 = arith.constant 0 : i32
    %dma_wait3A_225 = arith.constant 0 : i32
    %dma_wait3A_226 = tpu.memref_slice %arg8[%dma_wait3A_213, %dma_wait3A_224, %dma_wait3A_225] : memref<5x80x64xf32, #tpu.memory_space<vmem>> -> memref<1x80x64xf32, #tpu.memory_space<vmem>>
    %dma_wait3A_227 = tpu.memref_squeeze %dma_wait3A_226 : memref<1x80x64xf32, #tpu.memory_space<vmem>> -> memref<80x64xf32, #tpu.memory_space<vmem>>
    %dma_wait3A_228 = arith.constant 0 : i32
    %dma_wait3A_229 = arith.constant 0 : i32
    %dma_wait3A_230 = tpu.memref_slice %arg2[%dma_wait3A_228, %dma_wait3A_229] : memref<10000x64xf32, #tpu.memory_space<hbm>> -> memref<80x64xf32, #tpu.memory_space<hbm>>
    tpu.wait_dma2 semaphore(%dma_wait3A_223 : memref<!tpu.dma_semaphore, #tpu.memory_space<semaphore_mem>>) src(%dma_wait3A_230 : memref<80x64xf32, #tpu.memory_space<hbm>>) dst(%dma_wait3A_227 : memref<80x64xf32, #tpu.memory_space<vmem>>)
    %run_scoped3A_231 = arith.constant 4 : i32
    %run_scoped3A_232 = arith.constant 124 : i32
    "tpu.region"() ({
      %run_scoped3A_274 = tpu.sem_alloc : memref<!tpu.dma_semaphore, #tpu.memory_space<semaphore_mem>>
      %dma_start3A_275 = arith.constant 0 : i32
      %dma_start3A_276 = arith.constant 0 : i32
      %dma_start3A_277 = tpu.memref_slice %arg8[%run_scoped3A_231, %dma_start3A_275, %dma_start3A_276] : memref<5x80x64xf32, #tpu.memory_space<vmem>> -> memref<1x80x64xf32, #tpu.memory_space<vmem>>
      %dma_start3A_278 = tpu.memref_squeeze %dma_start3A_277 : memref<1x80x64xf32, #tpu.memory_space<vmem>> -> memref<80x64xf32, #tpu.memory_space<vmem>>
      %dma_start3A_279 = arith.constant 0 : i32
      %dma_start3A_280 = tpu.memref_slice %arg7[%run_scoped3A_232, %dma_start3A_279] : memref<125x80xi32, #tpu.memory_space<vmem>> -> memref<1x80xi32, #tpu.memory_space<vmem>>
      %dma_start3A_281 = tpu.memref_squeeze %dma_start3A_280 : memref<1x80xi32, #tpu.memory_space<vmem>> -> memref<80xi32, #tpu.memory_space<vmem>>
      %dma_start3A_282 = arith.constant 0 : i32
      %dma_start3A_283 = arith.constant 0 : i32
      %dma_start3A_284 = tpu.memref_slice %arg5[%dma_start3A_282, %dma_start3A_283] : memref<10240x64xf32, #tpu.memory_space<vmem_shared>> -> memref<10240x64xf32, #tpu.memory_space<vmem_shared>>
      tpu.enqueue_indirect_dma source(%dma_start3A_278 : memref<80x64xf32, #tpu.memory_space<vmem>>) target(%dma_start3A_284 : memref<10240x64xf32, #tpu.memory_space<vmem_shared>>) offsets(%dma_start3A_281 : memref<80xi32, #tpu.memory_space<vmem>>) semaphore(%run_scoped3A_274 : memref<!tpu.dma_semaphore, #tpu.memory_space<semaphore_mem>>) {add = true}
      %dma_wait3A_285 = arith.constant 0 : i32
      %dma_wait3A_286 = arith.constant 0 : i32
      %dma_wait3A_287 = tpu.memref_slice %arg8[%run_scoped3A_231, %dma_wait3A_285, %dma_wait3A_286] : memref<5x80x64xf32, #tpu.memory_space<vmem>> -> memref<1x80x64xf32, #tpu.memory_space<vmem>>
      %dma_wait3A_288 = tpu.memref_squeeze %dma_wait3A_287 : memref<1x80x64xf32, #tpu.memory_space<vmem>> -> memref<80x64xf32, #tpu.memory_space<vmem>>
      %dma_wait3A_289 = arith.constant 0 : i32
      %dma_wait3A_290 = tpu.memref_slice %arg7[%run_scoped3A_232, %dma_wait3A_289] : memref<125x80xi32, #tpu.memory_space<vmem>> -> memref<1x80xi32, #tpu.memory_space<vmem>>
      %dma_wait3A_291 = tpu.memref_squeeze %dma_wait3A_290 : memref<1x80xi32, #tpu.memory_space<vmem>> -> memref<80xi32, #tpu.memory_space<vmem>>
      %dma_wait3A_292 = arith.constant 0 : i32
      %dma_wait3A_293 = arith.constant 0 : i32
      %dma_wait3A_294 = tpu.memref_slice %arg5[%dma_wait3A_292, %dma_wait3A_293] : memref<10240x64xf32, #tpu.memory_space<vmem_shared>> -> memref<10240x64xf32, #tpu.memory_space<vmem_shared>>
      tpu.wait_indirect_dma semaphore(%run_scoped3A_274 : memref<!tpu.dma_semaphore, #tpu.memory_space<semaphore_mem>>) src(%dma_wait3A_288 : memref<80x64xf32, #tpu.memory_space<vmem>>) dst(%dma_wait3A_294 : memref<10240x64xf32, #tpu.memory_space<vmem_shared>>)
      tpu.yield
    }) : () -> ()
    %barrier3A_233 = arith.constant 0 : index
    tpu.barrier barrier_id(%barrier3A_233)
    %mul3A_234 = arith.constant 640 : i32
    %mul3A_235 = arith.muli %arg1, %mul3A_234 : i32
    %add3A_236 = arith.constant 0 : i32
    %add3A_237 = arith.addi %mul3A_235, %add3A_236 : i32
    "tpu.region"() ({
      %run_scoped3A_274 = tpu.sem_alloc : memref<!tpu.dma_semaphore, #tpu.memory_space<semaphore_mem>>
      %dma_start3A_275 = arith.constant 0 : i32
      %dma_start3A_276 = arith.constant 0 : i32
      %dma_start3A_277 = tpu.memref_slice %arg10[%dma_start3A_275, %dma_start3A_276] : memref<64x128xf32, #tpu.memory_space<vmem>> -> memref<64x64xf32, #tpu.memory_space<vmem>>
      %dma_start3A_278 = arith.constant 0 : i32
      %dma_start3A_279 = tpu.memref_slice %arg5[%add3A_237, %dma_start3A_278] : memref<10240x64xf32, #tpu.memory_space<vmem_shared>> -> memref<64x64xf32, #tpu.memory_space<vmem_shared>>
      %dma_start3A_280 = arith.constant 0 : i32
      %dma_start3A_281 = arith.constant 0 : i32
      %dma_start3A_282 = tpu.memref_slice %arg10[%dma_start3A_280, %dma_start3A_281] : memref<64x128xf32, #tpu.memory_space<vmem>> -> memref<64x64xf32, #tpu.memory_space<vmem>>
      %dma_start3A_283 = arith.constant 0 : i32
      %dma_start3A_284 = tpu.memref_slice %arg5[%add3A_237, %dma_start3A_283] : memref<10240x64xf32, #tpu.memory_space<vmem_shared>> -> memref<64x64xf32, #tpu.memory_space<vmem_shared>>
      tpu.enqueue_dma source(%dma_start3A_284 : memref<64x64xf32, #tpu.memory_space<vmem_shared>>) target(%dma_start3A_282 : memref<64x64xf32, #tpu.memory_space<vmem>>) target_semaphore(%run_scoped3A_274 : memref<!tpu.dma_semaphore, #tpu.memory_space<semaphore_mem>>)
      %dma_wait3A_285 = arith.constant 0 : i32
      %dma_wait3A_286 = arith.constant 0 : i32
      %dma_wait3A_287 = tpu.memref_slice %arg10[%dma_wait3A_285, %dma_wait3A_286] : memref<64x128xf32, #tpu.memory_space<vmem>> -> memref<64x64xf32, #tpu.memory_space<vmem>>
      %dma_wait3A_288 = arith.constant 0 : i32
      %dma_wait3A_289 = tpu.memref_slice %arg5[%add3A_237, %dma_wait3A_288] : memref<10240x64xf32, #tpu.memory_space<vmem_shared>> -> memref<64x64xf32, #tpu.memory_space<vmem_shared>>
      %dma_wait3A_290 = arith.constant 0 : i32
      %dma_wait3A_291 = arith.constant 0 : i32
      %dma_wait3A_292 = tpu.memref_slice %arg10[%dma_wait3A_290, %dma_wait3A_291] : memref<64x128xf32, #tpu.memory_space<vmem>> -> memref<64x64xf32, #tpu.memory_space<vmem>>
      %dma_wait3A_293 = arith.constant 0 : i32
      %dma_wait3A_294 = tpu.memref_slice %arg5[%add3A_237, %dma_wait3A_293] : memref<10240x64xf32, #tpu.memory_space<vmem_shared>> -> memref<64x64xf32, #tpu.memory_space<vmem_shared>>
      tpu.wait_dma2 semaphore(%run_scoped3A_274 : memref<!tpu.dma_semaphore, #tpu.memory_space<semaphore_mem>>) src(%dma_wait3A_294 : memref<64x64xf32, #tpu.memory_space<vmem_shared>>) dst(%dma_wait3A_292 : memref<64x64xf32, #tpu.memory_space<vmem>>)
      tpu.yield
    }) : () -> ()
    "tpu.region"() ({
      %run_scoped3A_274 = tpu.sem_alloc : memref<!tpu.dma_semaphore, #tpu.memory_space<semaphore_mem>>
      %dma_start3A_275 = arith.constant 0 : i32
      %dma_start3A_276 = arith.constant 0 : i32
      %dma_start3A_277 = tpu.memref_slice %arg4[%arg0, %dma_start3A_275, %dma_start3A_276] : memref<2x10240x128xf32, #tpu.memory_space<hbm>> -> memref<1x10240x128xf32, #tpu.memory_space<hbm>>
      %dma_start3A_278 = tpu.memref_squeeze %dma_start3A_277 : memref<1x10240x128xf32, #tpu.memory_space<hbm>> -> memref<10240x128xf32, #tpu.memory_space<hbm>>
      %dma_start3A_279 = arith.constant 0 : i32
      %dma_start3A_280 = tpu.memref_slice %dma_start3A_278[%add3A_237, %dma_start3A_279] : memref<10240x128xf32, #tpu.memory_space<hbm>> -> memref<64x128xf32, #tpu.memory_space<hbm>>
      %dma_start3A_281 = arith.constant 0 : i32
      %dma_start3A_282 = arith.constant 0 : i32
      %dma_start3A_283 = tpu.memref_slice %arg4[%arg0, %dma_start3A_281, %dma_start3A_282] : memref<2x10240x128xf32, #tpu.memory_space<hbm>> -> memref<1x10240x128xf32, #tpu.memory_space<hbm>>
      %dma_start3A_284 = tpu.memref_squeeze %dma_start3A_283 : memref<1x10240x128xf32, #tpu.memory_space<hbm>> -> memref<10240x128xf32, #tpu.memory_space<hbm>>
      %dma_start3A_285 = arith.constant 0 : i32
      %dma_start3A_286 = tpu.memref_slice %dma_start3A_284[%add3A_237, %dma_start3A_285] : memref<10240x128xf32, #tpu.memory_space<hbm>> -> memref<64x128xf32, #tpu.memory_space<hbm>>
      tpu.enqueue_dma source(%arg10 : memref<64x128xf32, #tpu.memory_space<vmem>>) target(%dma_start3A_286 : memref<64x128xf32, #tpu.memory_space<hbm>>) target_semaphore(%run_scoped3A_274 : memref<!tpu.dma_semaphore, #tpu.memory_space<semaphore_mem>>)
      %dma_wait3A_287 = arith.constant 0 : i32
      %dma_wait3A_288 = arith.constant 0 : i32
      %dma_wait3A_289 = tpu.memref_slice %arg4[%arg0, %dma_wait3A_287, %dma_wait3A_288] : memref<2x10240x128xf32, #tpu.memory_space<hbm>> -> memref<1x10240x128xf32, #tpu.memory_space<hbm>>
      %dma_wait3A_290 = tpu.memref_squeeze %dma_wait3A_289 : memref<1x10240x128xf32, #tpu.memory_space<hbm>> -> memref<10240x128xf32, #tpu.memory_space<hbm>>
      %dma_wait3A_291 = arith.constant 0 : i32
      %dma_wait3A_292 = tpu.memref_slice %dma_wait3A_290[%add3A_237, %dma_wait3A_291] : memref<10240x128xf32, #tpu.memory_space<hbm>> -> memref<64x128xf32, #tpu.memory_space<hbm>>
      %dma_wait3A_293 = arith.constant 0 : i32
      %dma_wait3A_294 = arith.constant 0 : i32
      %dma_wait3A_295 = tpu.memref_slice %arg4[%arg0, %dma_wait3A_293, %dma_wait3A_294] : memref<2x10240x128xf32, #tpu.memory_space<hbm>> -> memref<1x10240x128xf32, #tpu.memory_space<hbm>>
      %dma_wait3A_296 = tpu.memref_squeeze %dma_wait3A_295 : memref<1x10240x128xf32, #tpu.memory_space<hbm>> -> memref<10240x128xf32, #tpu.memory_space<hbm>>
      %dma_wait3A_297 = arith.constant 0 : i32
      %dma_wait3A_298 = tpu.memref_slice %dma_wait3A_296[%add3A_237, %dma_wait3A_297] : memref<10240x128xf32, #tpu.memory_space<hbm>> -> memref<64x128xf32, #tpu.memory_space<hbm>>
      tpu.wait_dma2 semaphore(%run_scoped3A_274 : memref<!tpu.dma_semaphore, #tpu.memory_space<semaphore_mem>>) src(%arg10 : memref<64x128xf32, #tpu.memory_space<vmem>>) dst(%dma_wait3A_298 : memref<64x128xf32, #tpu.memory_space<hbm>>)
      tpu.yield
    }) : () -> ()
    %mul3A_238 = arith.constant 640 : i32
    %mul3A_239 = arith.muli %arg1, %mul3A_238 : i32
    %add3A_240 = arith.constant 64 : i32
    %add3A_241 = arith.addi %mul3A_239, %add3A_240 : i32
    "tpu.region"() ({
      %run_scoped3A_274 = tpu.sem_alloc : memref<!tpu.dma_semaphore, #tpu.memory_space<semaphore_mem>>
      %dma_start3A_275 = arith.constant 0 : i32
      %dma_start3A_276 = arith.constant 0 : i32
      %dma_start3A_277 = tpu.memref_slice %arg10[%dma_start3A_275, %dma_start3A_276] : memref<64x128xf32, #tpu.memory_space<vmem>> -> memref<64x64xf32, #tpu.memory_space<vmem>>
      %dma_start3A_278 = arith.constant 0 : i32
      %dma_start3A_279 = tpu.memref_slice %arg5[%add3A_241, %dma_start3A_278] : memref<10240x64xf32, #tpu.memory_space<vmem_shared>> -> memref<64x64xf32, #tpu.memory_space<vmem_shared>>
      %dma_start3A_280 = arith.constant 0 : i32
      %dma_start3A_281 = arith.constant 0 : i32
      %dma_start3A_282 = tpu.memref_slice %arg10[%dma_start3A_280, %dma_start3A_281] : memref<64x128xf32, #tpu.memory_space<vmem>> -> memref<64x64xf32, #tpu.memory_space<vmem>>
      %dma_start3A_283 = arith.constant 0 : i32
      %dma_start3A_284 = tpu.memref_slice %arg5[%add3A_241, %dma_start3A_283] : memref<10240x64xf32, #tpu.memory_space<vmem_shared>> -> memref<64x64xf32, #tpu.memory_space<vmem_shared>>
      tpu.enqueue_dma source(%dma_start3A_284 : memref<64x64xf32, #tpu.memory_space<vmem_shared>>) target(%dma_start3A_282 : memref<64x64xf32, #tpu.memory_space<vmem>>) target_semaphore(%run_scoped3A_274 : memref<!tpu.dma_semaphore, #tpu.memory_space<semaphore_mem>>)
      %dma_wait3A_285 = arith.constant 0 : i32
      %dma_wait3A_286 = arith.constant 0 : i32
      %dma_wait3A_287 = tpu.memref_slice %arg10[%dma_wait3A_285, %dma_wait3A_286] : memref<64x128xf32, #tpu.memory_space<vmem>> -> memref<64x64xf32, #tpu.memory_space<vmem>>
      %dma_wait3A_288 = arith.constant 0 : i32
      %dma_wait3A_289 = tpu.memref_slice %arg5[%add3A_241, %dma_wait3A_288] : memref<10240x64xf32, #tpu.memory_space<vmem_shared>> -> memref<64x64xf32, #tpu.memory_space<vmem_shared>>
      %dma_wait3A_290 = arith.constant 0 : i32
      %dma_wait3A_291 = arith.constant 0 : i32
      %dma_wait3A_292 = tpu.memref_slice %arg10[%dma_wait3A_290, %dma_wait3A_291] : memref<64x128xf32, #tpu.memory_space<vmem>> -> memref<64x64xf32, #tpu.memory_space<vmem>>
      %dma_wait3A_293 = arith.constant 0 : i32
      %dma_wait3A_294 = tpu.memref_slice %arg5[%add3A_241, %dma_wait3A_293] : memref<10240x64xf32, #tpu.memory_space<vmem_shared>> -> memref<64x64xf32, #tpu.memory_space<vmem_shared>>
      tpu.wait_dma2 semaphore(%run_scoped3A_274 : memref<!tpu.dma_semaphore, #tpu.memory_space<semaphore_mem>>) src(%dma_wait3A_294 : memref<64x64xf32, #tpu.memory_space<vmem_shared>>) dst(%dma_wait3A_292 : memref<64x64xf32, #tpu.memory_space<vmem>>)
      tpu.yield
    }) : () -> ()
    "tpu.region"() ({
      %run_scoped3A_274 = tpu.sem_alloc : memref<!tpu.dma_semaphore, #tpu.memory_space<semaphore_mem>>
      %dma_start3A_275 = arith.constant 0 : i32
      %dma_start3A_276 = arith.constant 0 : i32
      %dma_start3A_277 = tpu.memref_slice %arg4[%arg0, %dma_start3A_275, %dma_start3A_276] : memref<2x10240x128xf32, #tpu.memory_space<hbm>> -> memref<1x10240x128xf32, #tpu.memory_space<hbm>>
      %dma_start3A_278 = tpu.memref_squeeze %dma_start3A_277 : memref<1x10240x128xf32, #tpu.memory_space<hbm>> -> memref<10240x128xf32, #tpu.memory_space<hbm>>
      %dma_start3A_279 = arith.constant 0 : i32
      %dma_start3A_280 = tpu.memref_slice %dma_start3A_278[%add3A_241, %dma_start3A_279] : memref<10240x128xf32, #tpu.memory_space<hbm>> -> memref<64x128xf32, #tpu.memory_space<hbm>>
      %dma_start3A_281 = arith.constant 0 : i32
      %dma_start3A_282 = arith.constant 0 : i32
      %dma_start3A_283 = tpu.memref_slice %arg4[%arg0, %dma_start3A_281, %dma_start3A_282] : memref<2x10240x128xf32, #tpu.memory_space<hbm>> -> memref<1x10240x128xf32, #tpu.memory_space<hbm>>
      %dma_start3A_284 = tpu.memref_squeeze %dma_start3A_283 : memref<1x10240x128xf32, #tpu.memory_space<hbm>> -> memref<10240x128xf32, #tpu.memory_space<hbm>>
      %dma_start3A_285 = arith.constant 0 : i32
      %dma_start3A_286 = tpu.memref_slice %dma_start3A_284[%add3A_241, %dma_start3A_285] : memref<10240x128xf32, #tpu.memory_space<hbm>> -> memref<64x128xf32, #tpu.memory_space<hbm>>
      tpu.enqueue_dma source(%arg10 : memref<64x128xf32, #tpu.memory_space<vmem>>) target(%dma_start3A_286 : memref<64x128xf32, #tpu.memory_space<hbm>>) target_semaphore(%run_scoped3A_274 : memref<!tpu.dma_semaphore, #tpu.memory_space<semaphore_mem>>)
      %dma_wait3A_287 = arith.constant 0 : i32
      %dma_wait3A_288 = arith.constant 0 : i32
      %dma_wait3A_289 = tpu.memref_slice %arg4[%arg0, %dma_wait3A_287, %dma_wait3A_288] : memref<2x10240x128xf32, #tpu.memory_space<hbm>> -> memref<1x10240x128xf32, #tpu.memory_space<hbm>>
      %dma_wait3A_290 = tpu.memref_squeeze %dma_wait3A_289 : memref<1x10240x128xf32, #tpu.memory_space<hbm>> -> memref<10240x128xf32, #tpu.memory_space<hbm>>
      %dma_wait3A_291 = arith.constant 0 : i32
      %dma_wait3A_292 = tpu.memref_slice %dma_wait3A_290[%add3A_241, %dma_wait3A_291] : memref<10240x128xf32, #tpu.memory_space<hbm>> -> memref<64x128xf32, #tpu.memory_space<hbm>>
      %dma_wait3A_293 = arith.constant 0 : i32
      %dma_wait3A_294 = arith.constant 0 : i32
      %dma_wait3A_295 = tpu.memref_slice %arg4[%arg0, %dma_wait3A_293, %dma_wait3A_294] : memref<2x10240x128xf32, #tpu.memory_space<hbm>> -> memref<1x10240x128xf32, #tpu.memory_space<hbm>>
      %dma_wait3A_296 = tpu.memref_squeeze %dma_wait3A_295 : memref<1x10240x128xf32, #tpu.memory_space<hbm>> -> memref<10240x128xf32, #tpu.memory_space<hbm>>
      %dma_wait3A_297 = arith.constant 0 : i32
      %dma_wait3A_298 = tpu.memref_slice %dma_wait3A_296[%add3A_241, %dma_wait3A_297] : memref<10240x128xf32, #tpu.memory_space<hbm>> -> memref<64x128xf32, #tpu.memory_space<hbm>>
      tpu.wait_dma2 semaphore(%run_scoped3A_274 : memref<!tpu.dma_semaphore, #tpu.memory_space<semaphore_mem>>) src(%arg10 : memref<64x128xf32, #tpu.memory_space<vmem>>) dst(%dma_wait3A_298 : memref<64x128xf32, #tpu.memory_space<hbm>>)
      tpu.yield
    }) : () -> ()
    %mul3A_242 = arith.constant 640 : i32
    %mul3A_243 = arith.muli %arg1, %mul3A_242 : i32
    %add3A_244 = arith.constant 128 : i32
    %add3A_245 = arith.addi %mul3A_243, %add3A_244 : i32
    "tpu.region"() ({
      %run_scoped3A_274 = tpu.sem_alloc : memref<!tpu.dma_semaphore, #tpu.memory_space<semaphore_mem>>
      %dma_start3A_275 = arith.constant 0 : i32
      %dma_start3A_276 = arith.constant 0 : i32
      %dma_start3A_277 = tpu.memref_slice %arg10[%dma_start3A_275, %dma_start3A_276] : memref<64x128xf32, #tpu.memory_space<vmem>> -> memref<64x64xf32, #tpu.memory_space<vmem>>
      %dma_start3A_278 = arith.constant 0 : i32
      %dma_start3A_279 = tpu.memref_slice %arg5[%add3A_245, %dma_start3A_278] : memref<10240x64xf32, #tpu.memory_space<vmem_shared>> -> memref<64x64xf32, #tpu.memory_space<vmem_shared>>
      %dma_start3A_280 = arith.constant 0 : i32
      %dma_start3A_281 = arith.constant 0 : i32
      %dma_start3A_282 = tpu.memref_slice %arg10[%dma_start3A_280, %dma_start3A_281] : memref<64x128xf32, #tpu.memory_space<vmem>> -> memref<64x64xf32, #tpu.memory_space<vmem>>
      %dma_start3A_283 = arith.constant 0 : i32
      %dma_start3A_284 = tpu.memref_slice %arg5[%add3A_245, %dma_start3A_283] : memref<10240x64xf32, #tpu.memory_space<vmem_shared>> -> memref<64x64xf32, #tpu.memory_space<vmem_shared>>
      tpu.enqueue_dma source(%dma_start3A_284 : memref<64x64xf32, #tpu.memory_space<vmem_shared>>) target(%dma_start3A_282 : memref<64x64xf32, #tpu.memory_space<vmem>>) target_semaphore(%run_scoped3A_274 : memref<!tpu.dma_semaphore, #tpu.memory_space<semaphore_mem>>)
      %dma_wait3A_285 = arith.constant 0 : i32
      %dma_wait3A_286 = arith.constant 0 : i32
      %dma_wait3A_287 = tpu.memref_slice %arg10[%dma_wait3A_285, %dma_wait3A_286] : memref<64x128xf32, #tpu.memory_space<vmem>> -> memref<64x64xf32, #tpu.memory_space<vmem>>
      %dma_wait3A_288 = arith.constant 0 : i32
      %dma_wait3A_289 = tpu.memref_slice %arg5[%add3A_245, %dma_wait3A_288] : memref<10240x64xf32, #tpu.memory_space<vmem_shared>> -> memref<64x64xf32, #tpu.memory_space<vmem_shared>>
      %dma_wait3A_290 = arith.constant 0 : i32
      %dma_wait3A_291 = arith.constant 0 : i32
      %dma_wait3A_292 = tpu.memref_slice %arg10[%dma_wait3A_290, %dma_wait3A_291] : memref<64x128xf32, #tpu.memory_space<vmem>> -> memref<64x64xf32, #tpu.memory_space<vmem>>
      %dma_wait3A_293 = arith.constant 0 : i32
      %dma_wait3A_294 = tpu.memref_slice %arg5[%add3A_245, %dma_wait3A_293] : memref<10240x64xf32, #tpu.memory_space<vmem_shared>> -> memref<64x64xf32, #tpu.memory_space<vmem_shared>>
      tpu.wait_dma2 semaphore(%run_scoped3A_274 : memref<!tpu.dma_semaphore, #tpu.memory_space<semaphore_mem>>) src(%dma_wait3A_294 : memref<64x64xf32, #tpu.memory_space<vmem_shared>>) dst(%dma_wait3A_292 : memref<64x64xf32, #tpu.memory_space<vmem>>)
      tpu.yield
    }) : () -> ()
    "tpu.region"() ({
      %run_scoped3A_274 = tpu.sem_alloc : memref<!tpu.dma_semaphore, #tpu.memory_space<semaphore_mem>>
      %dma_start3A_275 = arith.constant 0 : i32
      %dma_start3A_276 = arith.constant 0 : i32
      %dma_start3A_277 = tpu.memref_slice %arg4[%arg0, %dma_start3A_275, %dma_start3A_276] : memref<2x10240x128xf32, #tpu.memory_space<hbm>> -> memref<1x10240x128xf32, #tpu.memory_space<hbm>>
      %dma_start3A_278 = tpu.memref_squeeze %dma_start3A_277 : memref<1x10240x128xf32, #tpu.memory_space<hbm>> -> memref<10240x128xf32, #tpu.memory_space<hbm>>
      %dma_start3A_279 = arith.constant 0 : i32
      %dma_start3A_280 = tpu.memref_slice %dma_start3A_278[%add3A_245, %dma_start3A_279] : memref<10240x128xf32, #tpu.memory_space<hbm>> -> memref<64x128xf32, #tpu.memory_space<hbm>>
      %dma_start3A_281 = arith.constant 0 : i32
      %dma_start3A_282 = arith.constant 0 : i32
      %dma_start3A_283 = tpu.memref_slice %arg4[%arg0, %dma_start3A_281, %dma_start3A_282] : memref<2x10240x128xf32, #tpu.memory_space<hbm>> -> memref<1x10240x128xf32, #tpu.memory_space<hbm>>
      %dma_start3A_284 = tpu.memref_squeeze %dma_start3A_283 : memref<1x10240x128xf32, #tpu.memory_space<hbm>> -> memref<10240x128xf32, #tpu.memory_space<hbm>>
      %dma_start3A_285 = arith.constant 0 : i32
      %dma_start3A_286 = tpu.memref_slice %dma_start3A_284[%add3A_245, %dma_start3A_285] : memref<10240x128xf32, #tpu.memory_space<hbm>> -> memref<64x128xf32, #tpu.memory_space<hbm>>
      tpu.enqueue_dma source(%arg10 : memref<64x128xf32, #tpu.memory_space<vmem>>) target(%dma_start3A_286 : memref<64x128xf32, #tpu.memory_space<hbm>>) target_semaphore(%run_scoped3A_274 : memref<!tpu.dma_semaphore, #tpu.memory_space<semaphore_mem>>)
      %dma_wait3A_287 = arith.constant 0 : i32
      %dma_wait3A_288 = arith.constant 0 : i32
      %dma_wait3A_289 = tpu.memref_slice %arg4[%arg0, %dma_wait3A_287, %dma_wait3A_288] : memref<2x10240x128xf32, #tpu.memory_space<hbm>> -> memref<1x10240x128xf32, #tpu.memory_space<hbm>>
      %dma_wait3A_290 = tpu.memref_squeeze %dma_wait3A_289 : memref<1x10240x128xf32, #tpu.memory_space<hbm>> -> memref<10240x128xf32, #tpu.memory_space<hbm>>
      %dma_wait3A_291 = arith.constant 0 : i32
      %dma_wait3A_292 = tpu.memref_slice %dma_wait3A_290[%add3A_245, %dma_wait3A_291] : memref<10240x128xf32, #tpu.memory_space<hbm>> -> memref<64x128xf32, #tpu.memory_space<hbm>>
      %dma_wait3A_293 = arith.constant 0 : i32
      %dma_wait3A_294 = arith.constant 0 : i32
      %dma_wait3A_295 = tpu.memref_slice %arg4[%arg0, %dma_wait3A_293, %dma_wait3A_294] : memref<2x10240x128xf32, #tpu.memory_space<hbm>> -> memref<1x10240x128xf32, #tpu.memory_space<hbm>>
      %dma_wait3A_296 = tpu.memref_squeeze %dma_wait3A_295 : memref<1x10240x128xf32, #tpu.memory_space<hbm>> -> memref<10240x128xf32, #tpu.memory_space<hbm>>
      %dma_wait3A_297 = arith.constant 0 : i32
      %dma_wait3A_298 = tpu.memref_slice %dma_wait3A_296[%add3A_245, %dma_wait3A_297] : memref<10240x128xf32, #tpu.memory_space<hbm>> -> memref<64x128xf32, #tpu.memory_space<hbm>>
      tpu.wait_dma2 semaphore(%run_scoped3A_274 : memref<!tpu.dma_semaphore, #tpu.memory_space<semaphore_mem>>) src(%arg10 : memref<64x128xf32, #tpu.memory_space<vmem>>) dst(%dma_wait3A_298 : memref<64x128xf32, #tpu.memory_space<hbm>>)
      tpu.yield
    }) : () -> ()
    %mul3A_246 = arith.constant 640 : i32
    %mul3A_247 = arith.muli %arg1, %mul3A_246 : i32
    %add3A_248 = arith.constant 192 : i32
    %add3A_249 = arith.addi %mul3A_247, %add3A_248 : i32
    "tpu.region"() ({
      %run_scoped3A_274 = tpu.sem_alloc : memref<!tpu.dma_semaphore, #tpu.memory_space<semaphore_mem>>
      %dma_start3A_275 = arith.constant 0 : i32
      %dma_start3A_276 = arith.constant 0 : i32
      %dma_start3A_277 = tpu.memref_slice %arg10[%dma_start3A_275, %dma_start3A_276] : memref<64x128xf32, #tpu.memory_space<vmem>> -> memref<64x64xf32, #tpu.memory_space<vmem>>
      %dma_start3A_278 = arith.constant 0 : i32
      %dma_start3A_279 = tpu.memref_slice %arg5[%add3A_249, %dma_start3A_278] : memref<10240x64xf32, #tpu.memory_space<vmem_shared>> -> memref<64x64xf32, #tpu.memory_space<vmem_shared>>
      %dma_start3A_280 = arith.constant 0 : i32
      %dma_start3A_281 = arith.constant 0 : i32
      %dma_start3A_282 = tpu.memref_slice %arg10[%dma_start3A_280, %dma_start3A_281] : memref<64x128xf32, #tpu.memory_space<vmem>> -> memref<64x64xf32, #tpu.memory_space<vmem>>
      %dma_start3A_283 = arith.constant 0 : i32
      %dma_start3A_284 = tpu.memref_slice %arg5[%add3A_249, %dma_start3A_283] : memref<10240x64xf32, #tpu.memory_space<vmem_shared>> -> memref<64x64xf32, #tpu.memory_space<vmem_shared>>
      tpu.enqueue_dma source(%dma_start3A_284 : memref<64x64xf32, #tpu.memory_space<vmem_shared>>) target(%dma_start3A_282 : memref<64x64xf32, #tpu.memory_space<vmem>>) target_semaphore(%run_scoped3A_274 : memref<!tpu.dma_semaphore, #tpu.memory_space<semaphore_mem>>)
      %dma_wait3A_285 = arith.constant 0 : i32
      %dma_wait3A_286 = arith.constant 0 : i32
      %dma_wait3A_287 = tpu.memref_slice %arg10[%dma_wait3A_285, %dma_wait3A_286] : memref<64x128xf32, #tpu.memory_space<vmem>> -> memref<64x64xf32, #tpu.memory_space<vmem>>
      %dma_wait3A_288 = arith.constant 0 : i32
      %dma_wait3A_289 = tpu.memref_slice %arg5[%add3A_249, %dma_wait3A_288] : memref<10240x64xf32, #tpu.memory_space<vmem_shared>> -> memref<64x64xf32, #tpu.memory_space<vmem_shared>>
      %dma_wait3A_290 = arith.constant 0 : i32
      %dma_wait3A_291 = arith.constant 0 : i32
      %dma_wait3A_292 = tpu.memref_slice %arg10[%dma_wait3A_290, %dma_wait3A_291] : memref<64x128xf32, #tpu.memory_space<vmem>> -> memref<64x64xf32, #tpu.memory_space<vmem>>
      %dma_wait3A_293 = arith.constant 0 : i32
      %dma_wait3A_294 = tpu.memref_slice %arg5[%add3A_249, %dma_wait3A_293] : memref<10240x64xf32, #tpu.memory_space<vmem_shared>> -> memref<64x64xf32, #tpu.memory_space<vmem_shared>>
      tpu.wait_dma2 semaphore(%run_scoped3A_274 : memref<!tpu.dma_semaphore, #tpu.memory_space<semaphore_mem>>) src(%dma_wait3A_294 : memref<64x64xf32, #tpu.memory_space<vmem_shared>>) dst(%dma_wait3A_292 : memref<64x64xf32, #tpu.memory_space<vmem>>)
      tpu.yield
    }) : () -> ()
    "tpu.region"() ({
      %run_scoped3A_274 = tpu.sem_alloc : memref<!tpu.dma_semaphore, #tpu.memory_space<semaphore_mem>>
      %dma_start3A_275 = arith.constant 0 : i32
      %dma_start3A_276 = arith.constant 0 : i32
      %dma_start3A_277 = tpu.memref_slice %arg4[%arg0, %dma_start3A_275, %dma_start3A_276] : memref<2x10240x128xf32, #tpu.memory_space<hbm>> -> memref<1x10240x128xf32, #tpu.memory_space<hbm>>
      %dma_start3A_278 = tpu.memref_squeeze %dma_start3A_277 : memref<1x10240x128xf32, #tpu.memory_space<hbm>> -> memref<10240x128xf32, #tpu.memory_space<hbm>>
      %dma_start3A_279 = arith.constant 0 : i32
      %dma_start3A_280 = tpu.memref_slice %dma_start3A_278[%add3A_249, %dma_start3A_279] : memref<10240x128xf32, #tpu.memory_space<hbm>> -> memref<64x128xf32, #tpu.memory_space<hbm>>
      %dma_start3A_281 = arith.constant 0 : i32
      %dma_start3A_282 = arith.constant 0 : i32
      %dma_start3A_283 = tpu.memref_slice %arg4[%arg0, %dma_start3A_281, %dma_start3A_282] : memref<2x10240x128xf32, #tpu.memory_space<hbm>> -> memref<1x10240x128xf32, #tpu.memory_space<hbm>>
      %dma_start3A_284 = tpu.memref_squeeze %dma_start3A_283 : memref<1x10240x128xf32, #tpu.memory_space<hbm>> -> memref<10240x128xf32, #tpu.memory_space<hbm>>
      %dma_start3A_285 = arith.constant 0 : i32
      %dma_start3A_286 = tpu.memref_slice %dma_start3A_284[%add3A_249, %dma_start3A_285] : memref<10240x128xf32, #tpu.memory_space<hbm>> -> memref<64x128xf32, #tpu.memory_space<hbm>>
      tpu.enqueue_dma source(%arg10 : memref<64x128xf32, #tpu.memory_space<vmem>>) target(%dma_start3A_286 : memref<64x128xf32, #tpu.memory_space<hbm>>) target_semaphore(%run_scoped3A_274 : memref<!tpu.dma_semaphore, #tpu.memory_space<semaphore_mem>>)
      %dma_wait3A_287 = arith.constant 0 : i32
      %dma_wait3A_288 = arith.constant 0 : i32
      %dma_wait3A_289 = tpu.memref_slice %arg4[%arg0, %dma_wait3A_287, %dma_wait3A_288] : memref<2x10240x128xf32, #tpu.memory_space<hbm>> -> memref<1x10240x128xf32, #tpu.memory_space<hbm>>
      %dma_wait3A_290 = tpu.memref_squeeze %dma_wait3A_289 : memref<1x10240x128xf32, #tpu.memory_space<hbm>> -> memref<10240x128xf32, #tpu.memory_space<hbm>>
      %dma_wait3A_291 = arith.constant 0 : i32
      %dma_wait3A_292 = tpu.memref_slice %dma_wait3A_290[%add3A_249, %dma_wait3A_291] : memref<10240x128xf32, #tpu.memory_space<hbm>> -> memref<64x128xf32, #tpu.memory_space<hbm>>
      %dma_wait3A_293 = arith.constant 0 : i32
      %dma_wait3A_294 = arith.constant 0 : i32
      %dma_wait3A_295 = tpu.memref_slice %arg4[%arg0, %dma_wait3A_293, %dma_wait3A_294] : memref<2x10240x128xf32, #tpu.memory_space<hbm>> -> memref<1x10240x128xf32, #tpu.memory_space<hbm>>
      %dma_wait3A_296 = tpu.memref_squeeze %dma_wait3A_295 : memref<1x10240x128xf32, #tpu.memory_space<hbm>> -> memref<10240x128xf32, #tpu.memory_space<hbm>>
      %dma_wait3A_297 = arith.constant 0 : i32
      %dma_wait3A_298 = tpu.memref_slice %dma_wait3A_296[%add3A_249, %dma_wait3A_297] : memref<10240x128xf32, #tpu.memory_space<hbm>> -> memref<64x128xf32, #tpu.memory_space<hbm>>
      tpu.wait_dma2 semaphore(%run_scoped3A_274 : memref<!tpu.dma_semaphore, #tpu.memory_space<semaphore_mem>>) src(%arg10 : memref<64x128xf32, #tpu.memory_space<vmem>>) dst(%dma_wait3A_298 : memref<64x128xf32, #tpu.memory_space<hbm>>)
      tpu.yield
    }) : () -> ()
    %mul3A_250 = arith.constant 640 : i32
    %mul3A_251 = arith.muli %arg1, %mul3A_250 : i32
    %add3A_252 = arith.constant 256 : i32
    %add3A_253 = arith.addi %mul3A_251, %add3A_252 : i32
    "tpu.region"() ({
      %run_scoped3A_274 = tpu.sem_alloc : memref<!tpu.dma_semaphore, #tpu.memory_space<semaphore_mem>>
      %dma_start3A_275 = arith.constant 0 : i32
      %dma_start3A_276 = arith.constant 0 : i32
      %dma_start3A_277 = tpu.memref_slice %arg10[%dma_start3A_275, %dma_start3A_276] : memref<64x128xf32, #tpu.memory_space<vmem>> -> memref<64x64xf32, #tpu.memory_space<vmem>>
      %dma_start3A_278 = arith.constant 0 : i32
      %dma_start3A_279 = tpu.memref_slice %arg5[%add3A_253, %dma_start3A_278] : memref<10240x64xf32, #tpu.memory_space<vmem_shared>> -> memref<64x64xf32, #tpu.memory_space<vmem_shared>>
      %dma_start3A_280 = arith.constant 0 : i32
      %dma_start3A_281 = arith.constant 0 : i32
      %dma_start3A_282 = tpu.memref_slice %arg10[%dma_start3A_280, %dma_start3A_281] : memref<64x128xf32, #tpu.memory_space<vmem>> -> memref<64x64xf32, #tpu.memory_space<vmem>>
      %dma_start3A_283 = arith.constant 0 : i32
      %dma_start3A_284 = tpu.memref_slice %arg5[%add3A_253, %dma_start3A_283] : memref<10240x64xf32, #tpu.memory_space<vmem_shared>> -> memref<64x64xf32, #tpu.memory_space<vmem_shared>>
      tpu.enqueue_dma source(%dma_start3A_284 : memref<64x64xf32, #tpu.memory_space<vmem_shared>>) target(%dma_start3A_282 : memref<64x64xf32, #tpu.memory_space<vmem>>) target_semaphore(%run_scoped3A_274 : memref<!tpu.dma_semaphore, #tpu.memory_space<semaphore_mem>>)
      %dma_wait3A_285 = arith.constant 0 : i32
      %dma_wait3A_286 = arith.constant 0 : i32
      %dma_wait3A_287 = tpu.memref_slice %arg10[%dma_wait3A_285, %dma_wait3A_286] : memref<64x128xf32, #tpu.memory_space<vmem>> -> memref<64x64xf32, #tpu.memory_space<vmem>>
      %dma_wait3A_288 = arith.constant 0 : i32
      %dma_wait3A_289 = tpu.memref_slice %arg5[%add3A_253, %dma_wait3A_288] : memref<10240x64xf32, #tpu.memory_space<vmem_shared>> -> memref<64x64xf32, #tpu.memory_space<vmem_shared>>
      %dma_wait3A_290 = arith.constant 0 : i32
      %dma_wait3A_291 = arith.constant 0 : i32
      %dma_wait3A_292 = tpu.memref_slice %arg10[%dma_wait3A_290, %dma_wait3A_291] : memref<64x128xf32, #tpu.memory_space<vmem>> -> memref<64x64xf32, #tpu.memory_space<vmem>>
      %dma_wait3A_293 = arith.constant 0 : i32
      %dma_wait3A_294 = tpu.memref_slice %arg5[%add3A_253, %dma_wait3A_293] : memref<10240x64xf32, #tpu.memory_space<vmem_shared>> -> memref<64x64xf32, #tpu.memory_space<vmem_shared>>
      tpu.wait_dma2 semaphore(%run_scoped3A_274 : memref<!tpu.dma_semaphore, #tpu.memory_space<semaphore_mem>>) src(%dma_wait3A_294 : memref<64x64xf32, #tpu.memory_space<vmem_shared>>) dst(%dma_wait3A_292 : memref<64x64xf32, #tpu.memory_space<vmem>>)
      tpu.yield
    }) : () -> ()
    "tpu.region"() ({
      %run_scoped3A_274 = tpu.sem_alloc : memref<!tpu.dma_semaphore, #tpu.memory_space<semaphore_mem>>
      %dma_start3A_275 = arith.constant 0 : i32
      %dma_start3A_276 = arith.constant 0 : i32
      %dma_start3A_277 = tpu.memref_slice %arg4[%arg0, %dma_start3A_275, %dma_start3A_276] : memref<2x10240x128xf32, #tpu.memory_space<hbm>> -> memref<1x10240x128xf32, #tpu.memory_space<hbm>>
      %dma_start3A_278 = tpu.memref_squeeze %dma_start3A_277 : memref<1x10240x128xf32, #tpu.memory_space<hbm>> -> memref<10240x128xf32, #tpu.memory_space<hbm>>
      %dma_start3A_279 = arith.constant 0 : i32
      %dma_start3A_280 = tpu.memref_slice %dma_start3A_278[%add3A_253, %dma_start3A_279] : memref<10240x128xf32, #tpu.memory_space<hbm>> -> memref<64x128xf32, #tpu.memory_space<hbm>>
      %dma_start3A_281 = arith.constant 0 : i32
      %dma_start3A_282 = arith.constant 0 : i32
      %dma_start3A_283 = tpu.memref_slice %arg4[%arg0, %dma_start3A_281, %dma_start3A_282] : memref<2x10240x128xf32, #tpu.memory_space<hbm>> -> memref<1x10240x128xf32, #tpu.memory_space<hbm>>
      %dma_start3A_284 = tpu.memref_squeeze %dma_start3A_283 : memref<1x10240x128xf32, #tpu.memory_space<hbm>> -> memref<10240x128xf32, #tpu.memory_space<hbm>>
      %dma_start3A_285 = arith.constant 0 : i32
      %dma_start3A_286 = tpu.memref_slice %dma_start3A_284[%add3A_253, %dma_start3A_285] : memref<10240x128xf32, #tpu.memory_space<hbm>> -> memref<64x128xf32, #tpu.memory_space<hbm>>
      tpu.enqueue_dma source(%arg10 : memref<64x128xf32, #tpu.memory_space<vmem>>) target(%dma_start3A_286 : memref<64x128xf32, #tpu.memory_space<hbm>>) target_semaphore(%run_scoped3A_274 : memref<!tpu.dma_semaphore, #tpu.memory_space<semaphore_mem>>)
      %dma_wait3A_287 = arith.constant 0 : i32
      %dma_wait3A_288 = arith.constant 0 : i32
      %dma_wait3A_289 = tpu.memref_slice %arg4[%arg0, %dma_wait3A_287, %dma_wait3A_288] : memref<2x10240x128xf32, #tpu.memory_space<hbm>> -> memref<1x10240x128xf32, #tpu.memory_space<hbm>>
      %dma_wait3A_290 = tpu.memref_squeeze %dma_wait3A_289 : memref<1x10240x128xf32, #tpu.memory_space<hbm>> -> memref<10240x128xf32, #tpu.memory_space<hbm>>
      %dma_wait3A_291 = arith.constant 0 : i32
      %dma_wait3A_292 = tpu.memref_slice %dma_wait3A_290[%add3A_253, %dma_wait3A_291] : memref<10240x128xf32, #tpu.memory_space<hbm>> -> memref<64x128xf32, #tpu.memory_space<hbm>>
      %dma_wait3A_293 = arith.constant 0 : i32
      %dma_wait3A_294 = arith.constant 0 : i32
      %dma_wait3A_295 = tpu.memref_slice %arg4[%arg0, %dma_wait3A_293, %dma_wait3A_294] : memref<2x10240x128xf32, #tpu.memory_space<hbm>> -> memref<1x10240x128xf32, #tpu.memory_space<hbm>>
      %dma_wait3A_296 = tpu.memref_squeeze %dma_wait3A_295 : memref<1x10240x128xf32, #tpu.memory_space<hbm>> -> memref<10240x128xf32, #tpu.memory_space<hbm>>
      %dma_wait3A_297 = arith.constant 0 : i32
      %dma_wait3A_298 = tpu.memref_slice %dma_wait3A_296[%add3A_253, %dma_wait3A_297] : memref<10240x128xf32, #tpu.memory_space<hbm>> -> memref<64x128xf32, #tpu.memory_space<hbm>>
      tpu.wait_dma2 semaphore(%run_scoped3A_274 : memref<!tpu.dma_semaphore, #tpu.memory_space<semaphore_mem>>) src(%arg10 : memref<64x128xf32, #tpu.memory_space<vmem>>) dst(%dma_wait3A_298 : memref<64x128xf32, #tpu.memory_space<hbm>>)
      tpu.yield
    }) : () -> ()
    %mul3A_254 = arith.constant 640 : i32
    %mul3A_255 = arith.muli %arg1, %mul3A_254 : i32
    %add3A_256 = arith.constant 320 : i32
    %add3A_257 = arith.addi %mul3A_255, %add3A_256 : i32
    "tpu.region"() ({
      %run_scoped3A_274 = tpu.sem_alloc : memref<!tpu.dma_semaphore, #tpu.memory_space<semaphore_mem>>
      %dma_start3A_275 = arith.constant 0 : i32
      %dma_start3A_276 = arith.constant 0 : i32
      %dma_start3A_277 = tpu.memref_slice %arg10[%dma_start3A_275, %dma_start3A_276] : memref<64x128xf32, #tpu.memory_space<vmem>> -> memref<64x64xf32, #tpu.memory_space<vmem>>
      %dma_start3A_278 = arith.constant 0 : i32
      %dma_start3A_279 = tpu.memref_slice %arg5[%add3A_257, %dma_start3A_278] : memref<10240x64xf32, #tpu.memory_space<vmem_shared>> -> memref<64x64xf32, #tpu.memory_space<vmem_shared>>
      %dma_start3A_280 = arith.constant 0 : i32
      %dma_start3A_281 = arith.constant 0 : i32
      %dma_start3A_282 = tpu.memref_slice %arg10[%dma_start3A_280, %dma_start3A_281] : memref<64x128xf32, #tpu.memory_space<vmem>> -> memref<64x64xf32, #tpu.memory_space<vmem>>
      %dma_start3A_283 = arith.constant 0 : i32
      %dma_start3A_284 = tpu.memref_slice %arg5[%add3A_257, %dma_start3A_283] : memref<10240x64xf32, #tpu.memory_space<vmem_shared>> -> memref<64x64xf32, #tpu.memory_space<vmem_shared>>
      tpu.enqueue_dma source(%dma_start3A_284 : memref<64x64xf32, #tpu.memory_space<vmem_shared>>) target(%dma_start3A_282 : memref<64x64xf32, #tpu.memory_space<vmem>>) target_semaphore(%run_scoped3A_274 : memref<!tpu.dma_semaphore, #tpu.memory_space<semaphore_mem>>)
      %dma_wait3A_285 = arith.constant 0 : i32
      %dma_wait3A_286 = arith.constant 0 : i32
      %dma_wait3A_287 = tpu.memref_slice %arg10[%dma_wait3A_285, %dma_wait3A_286] : memref<64x128xf32, #tpu.memory_space<vmem>> -> memref<64x64xf32, #tpu.memory_space<vmem>>
      %dma_wait3A_288 = arith.constant 0 : i32
      %dma_wait3A_289 = tpu.memref_slice %arg5[%add3A_257, %dma_wait3A_288] : memref<10240x64xf32, #tpu.memory_space<vmem_shared>> -> memref<64x64xf32, #tpu.memory_space<vmem_shared>>
      %dma_wait3A_290 = arith.constant 0 : i32
      %dma_wait3A_291 = arith.constant 0 : i32
      %dma_wait3A_292 = tpu.memref_slice %arg10[%dma_wait3A_290, %dma_wait3A_291] : memref<64x128xf32, #tpu.memory_space<vmem>> -> memref<64x64xf32, #tpu.memory_space<vmem>>
      %dma_wait3A_293 = arith.constant 0 : i32
      %dma_wait3A_294 = tpu.memref_slice %arg5[%add3A_257, %dma_wait3A_293] : memref<10240x64xf32, #tpu.memory_space<vmem_shared>> -> memref<64x64xf32, #tpu.memory_space<vmem_shared>>
      tpu.wait_dma2 semaphore(%run_scoped3A_274 : memref<!tpu.dma_semaphore, #tpu.memory_space<semaphore_mem>>) src(%dma_wait3A_294 : memref<64x64xf32, #tpu.memory_space<vmem_shared>>) dst(%dma_wait3A_292 : memref<64x64xf32, #tpu.memory_space<vmem>>)
      tpu.yield
    }) : () -> ()
    "tpu.region"() ({
      %run_scoped3A_274 = tpu.sem_alloc : memref<!tpu.dma_semaphore, #tpu.memory_space<semaphore_mem>>
      %dma_start3A_275 = arith.constant 0 : i32
      %dma_start3A_276 = arith.constant 0 : i32
      %dma_start3A_277 = tpu.memref_slice %arg4[%arg0, %dma_start3A_275, %dma_start3A_276] : memref<2x10240x128xf32, #tpu.memory_space<hbm>> -> memref<1x10240x128xf32, #tpu.memory_space<hbm>>
      %dma_start3A_278 = tpu.memref_squeeze %dma_start3A_277 : memref<1x10240x128xf32, #tpu.memory_space<hbm>> -> memref<10240x128xf32, #tpu.memory_space<hbm>>
      %dma_start3A_279 = arith.constant 0 : i32
      %dma_start3A_280 = tpu.memref_slice %dma_start3A_278[%add3A_257, %dma_start3A_279] : memref<10240x128xf32, #tpu.memory_space<hbm>> -> memref<64x128xf32, #tpu.memory_space<hbm>>
      %dma_start3A_281 = arith.constant 0 : i32
      %dma_start3A_282 = arith.constant 0 : i32
      %dma_start3A_283 = tpu.memref_slice %arg4[%arg0, %dma_start3A_281, %dma_start3A_282] : memref<2x10240x128xf32, #tpu.memory_space<hbm>> -> memref<1x10240x128xf32, #tpu.memory_space<hbm>>
      %dma_start3A_284 = tpu.memref_squeeze %dma_start3A_283 : memref<1x10240x128xf32, #tpu.memory_space<hbm>> -> memref<10240x128xf32, #tpu.memory_space<hbm>>
      %dma_start3A_285 = arith.constant 0 : i32
      %dma_start3A_286 = tpu.memref_slice %dma_start3A_284[%add3A_257, %dma_start3A_285] : memref<10240x128xf32, #tpu.memory_space<hbm>> -> memref<64x128xf32, #tpu.memory_space<hbm>>
      tpu.enqueue_dma source(%arg10 : memref<64x128xf32, #tpu.memory_space<vmem>>) target(%dma_start3A_286 : memref<64x128xf32, #tpu.memory_space<hbm>>) target_semaphore(%run_scoped3A_274 : memref<!tpu.dma_semaphore, #tpu.memory_space<semaphore_mem>>)
      %dma_wait3A_287 = arith.constant 0 : i32
      %dma_wait3A_288 = arith.constant 0 : i32
      %dma_wait3A_289 = tpu.memref_slice %arg4[%arg0, %dma_wait3A_287, %dma_wait3A_288] : memref<2x10240x128xf32, #tpu.memory_space<hbm>> -> memref<1x10240x128xf32, #tpu.memory_space<hbm>>
      %dma_wait3A_290 = tpu.memref_squeeze %dma_wait3A_289 : memref<1x10240x128xf32, #tpu.memory_space<hbm>> -> memref<10240x128xf32, #tpu.memory_space<hbm>>
      %dma_wait3A_291 = arith.constant 0 : i32
      %dma_wait3A_292 = tpu.memref_slice %dma_wait3A_290[%add3A_257, %dma_wait3A_291] : memref<10240x128xf32, #tpu.memory_space<hbm>> -> memref<64x128xf32, #tpu.memory_space<hbm>>
      %dma_wait3A_293 = arith.constant 0 : i32
      %dma_wait3A_294 = arith.constant 0 : i32
      %dma_wait3A_295 = tpu.memref_slice %arg4[%arg0, %dma_wait3A_293, %dma_wait3A_294] : memref<2x10240x128xf32, #tpu.memory_space<hbm>> -> memref<1x10240x128xf32, #tpu.memory_space<hbm>>
      %dma_wait3A_296 = tpu.memref_squeeze %dma_wait3A_295 : memref<1x10240x128xf32, #tpu.memory_space<hbm>> -> memref<10240x128xf32, #tpu.memory_space<hbm>>
      %dma_wait3A_297 = arith.constant 0 : i32
      %dma_wait3A_298 = tpu.memref_slice %dma_wait3A_296[%add3A_257, %dma_wait3A_297] : memref<10240x128xf32, #tpu.memory_space<hbm>> -> memref<64x128xf32, #tpu.memory_space<hbm>>
      tpu.wait_dma2 semaphore(%run_scoped3A_274 : memref<!tpu.dma_semaphore, #tpu.memory_space<semaphore_mem>>) src(%arg10 : memref<64x128xf32, #tpu.memory_space<vmem>>) dst(%dma_wait3A_298 : memref<64x128xf32, #tpu.memory_space<hbm>>)
      tpu.yield
    }) : () -> ()
    %mul3A_258 = arith.constant 640 : i32
    %mul3A_259 = arith.muli %arg1, %mul3A_258 : i32
    %add3A_260 = arith.constant 384 : i32
    %add3A_261 = arith.addi %mul3A_259, %add3A_260 : i32
    "tpu.region"() ({
      %run_scoped3A_274 = tpu.sem_alloc : memref<!tpu.dma_semaphore, #tpu.memory_space<semaphore_mem>>
      %dma_start3A_275 = arith.constant 0 : i32
      %dma_start3A_276 = arith.constant 0 : i32
      %dma_start3A_277 = tpu.memref_slice %arg10[%dma_start3A_275, %dma_start3A_276] : memref<64x128xf32, #tpu.memory_space<vmem>> -> memref<64x64xf32, #tpu.memory_space<vmem>>
      %dma_start3A_278 = arith.constant 0 : i32
      %dma_start3A_279 = tpu.memref_slice %arg5[%add3A_261, %dma_start3A_278] : memref<10240x64xf32, #tpu.memory_space<vmem_shared>> -> memref<64x64xf32, #tpu.memory_space<vmem_shared>>
      %dma_start3A_280 = arith.constant 0 : i32
      %dma_start3A_281 = arith.constant 0 : i32
      %dma_start3A_282 = tpu.memref_slice %arg10[%dma_start3A_280, %dma_start3A_281] : memref<64x128xf32, #tpu.memory_space<vmem>> -> memref<64x64xf32, #tpu.memory_space<vmem>>
      %dma_start3A_283 = arith.constant 0 : i32
      %dma_start3A_284 = tpu.memref_slice %arg5[%add3A_261, %dma_start3A_283] : memref<10240x64xf32, #tpu.memory_space<vmem_shared>> -> memref<64x64xf32, #tpu.memory_space<vmem_shared>>
      tpu.enqueue_dma source(%dma_start3A_284 : memref<64x64xf32, #tpu.memory_space<vmem_shared>>) target(%dma_start3A_282 : memref<64x64xf32, #tpu.memory_space<vmem>>) target_semaphore(%run_scoped3A_274 : memref<!tpu.dma_semaphore, #tpu.memory_space<semaphore_mem>>)
      %dma_wait3A_285 = arith.constant 0 : i32
      %dma_wait3A_286 = arith.constant 0 : i32
      %dma_wait3A_287 = tpu.memref_slice %arg10[%dma_wait3A_285, %dma_wait3A_286] : memref<64x128xf32, #tpu.memory_space<vmem>> -> memref<64x64xf32, #tpu.memory_space<vmem>>
      %dma_wait3A_288 = arith.constant 0 : i32
      %dma_wait3A_289 = tpu.memref_slice %arg5[%add3A_261, %dma_wait3A_288] : memref<10240x64xf32, #tpu.memory_space<vmem_shared>> -> memref<64x64xf32, #tpu.memory_space<vmem_shared>>
      %dma_wait3A_290 = arith.constant 0 : i32
      %dma_wait3A_291 = arith.constant 0 : i32
      %dma_wait3A_292 = tpu.memref_slice %arg10[%dma_wait3A_290, %dma_wait3A_291] : memref<64x128xf32, #tpu.memory_space<vmem>> -> memref<64x64xf32, #tpu.memory_space<vmem>>
      %dma_wait3A_293 = arith.constant 0 : i32
      %dma_wait3A_294 = tpu.memref_slice %arg5[%add3A_261, %dma_wait3A_293] : memref<10240x64xf32, #tpu.memory_space<vmem_shared>> -> memref<64x64xf32, #tpu.memory_space<vmem_shared>>
      tpu.wait_dma2 semaphore(%run_scoped3A_274 : memref<!tpu.dma_semaphore, #tpu.memory_space<semaphore_mem>>) src(%dma_wait3A_294 : memref<64x64xf32, #tpu.memory_space<vmem_shared>>) dst(%dma_wait3A_292 : memref<64x64xf32, #tpu.memory_space<vmem>>)
      tpu.yield
    }) : () -> ()
    "tpu.region"() ({
      %run_scoped3A_274 = tpu.sem_alloc : memref<!tpu.dma_semaphore, #tpu.memory_space<semaphore_mem>>
      %dma_start3A_275 = arith.constant 0 : i32
      %dma_start3A_276 = arith.constant 0 : i32
      %dma_start3A_277 = tpu.memref_slice %arg4[%arg0, %dma_start3A_275, %dma_start3A_276] : memref<2x10240x128xf32, #tpu.memory_space<hbm>> -> memref<1x10240x128xf32, #tpu.memory_space<hbm>>
      %dma_start3A_278 = tpu.memref_squeeze %dma_start3A_277 : memref<1x10240x128xf32, #tpu.memory_space<hbm>> -> memref<10240x128xf32, #tpu.memory_space<hbm>>
      %dma_start3A_279 = arith.constant 0 : i32
      %dma_start3A_280 = tpu.memref_slice %dma_start3A_278[%add3A_261, %dma_start3A_279] : memref<10240x128xf32, #tpu.memory_space<hbm>> -> memref<64x128xf32, #tpu.memory_space<hbm>>
      %dma_start3A_281 = arith.constant 0 : i32
      %dma_start3A_282 = arith.constant 0 : i32
      %dma_start3A_283 = tpu.memref_slice %arg4[%arg0, %dma_start3A_281, %dma_start3A_282] : memref<2x10240x128xf32, #tpu.memory_space<hbm>> -> memref<1x10240x128xf32, #tpu.memory_space<hbm>>
      %dma_start3A_284 = tpu.memref_squeeze %dma_start3A_283 : memref<1x10240x128xf32, #tpu.memory_space<hbm>> -> memref<10240x128xf32, #tpu.memory_space<hbm>>
      %dma_start3A_285 = arith.constant 0 : i32
      %dma_start3A_286 = tpu.memref_slice %dma_start3A_284[%add3A_261, %dma_start3A_285] : memref<10240x128xf32, #tpu.memory_space<hbm>> -> memref<64x128xf32, #tpu.memory_space<hbm>>
      tpu.enqueue_dma source(%arg10 : memref<64x128xf32, #tpu.memory_space<vmem>>) target(%dma_start3A_286 : memref<64x128xf32, #tpu.memory_space<hbm>>) target_semaphore(%run_scoped3A_274 : memref<!tpu.dma_semaphore, #tpu.memory_space<semaphore_mem>>)
      %dma_wait3A_287 = arith.constant 0 : i32
      %dma_wait3A_288 = arith.constant 0 : i32
      %dma_wait3A_289 = tpu.memref_slice %arg4[%arg0, %dma_wait3A_287, %dma_wait3A_288] : memref<2x10240x128xf32, #tpu.memory_space<hbm>> -> memref<1x10240x128xf32, #tpu.memory_space<hbm>>
      %dma_wait3A_290 = tpu.memref_squeeze %dma_wait3A_289 : memref<1x10240x128xf32, #tpu.memory_space<hbm>> -> memref<10240x128xf32, #tpu.memory_space<hbm>>
      %dma_wait3A_291 = arith.constant 0 : i32
      %dma_wait3A_292 = tpu.memref_slice %dma_wait3A_290[%add3A_261, %dma_wait3A_291] : memref<10240x128xf32, #tpu.memory_space<hbm>> -> memref<64x128xf32, #tpu.memory_space<hbm>>
      %dma_wait3A_293 = arith.constant 0 : i32
      %dma_wait3A_294 = arith.constant 0 : i32
      %dma_wait3A_295 = tpu.memref_slice %arg4[%arg0, %dma_wait3A_293, %dma_wait3A_294] : memref<2x10240x128xf32, #tpu.memory_space<hbm>> -> memref<1x10240x128xf32, #tpu.memory_space<hbm>>
      %dma_wait3A_296 = tpu.memref_squeeze %dma_wait3A_295 : memref<1x10240x128xf32, #tpu.memory_space<hbm>> -> memref<10240x128xf32, #tpu.memory_space<hbm>>
      %dma_wait3A_297 = arith.constant 0 : i32
      %dma_wait3A_298 = tpu.memref_slice %dma_wait3A_296[%add3A_261, %dma_wait3A_297] : memref<10240x128xf32, #tpu.memory_space<hbm>> -> memref<64x128xf32, #tpu.memory_space<hbm>>
      tpu.wait_dma2 semaphore(%run_scoped3A_274 : memref<!tpu.dma_semaphore, #tpu.memory_space<semaphore_mem>>) src(%arg10 : memref<64x128xf32, #tpu.memory_space<vmem>>) dst(%dma_wait3A_298 : memref<64x128xf32, #tpu.memory_space<hbm>>)
      tpu.yield
    }) : () -> ()
    %mul3A_262 = arith.constant 640 : i32
    %mul3A_263 = arith.muli %arg1, %mul3A_262 : i32
    %add3A_264 = arith.constant 448 : i32
    %add3A_265 = arith.addi %mul3A_263, %add3A_264 : i32
    "tpu.region"() ({
      %run_scoped3A_274 = tpu.sem_alloc : memref<!tpu.dma_semaphore, #tpu.memory_space<semaphore_mem>>
      %dma_start3A_275 = arith.constant 0 : i32
      %dma_start3A_276 = arith.constant 0 : i32
      %dma_start3A_277 = tpu.memref_slice %arg10[%dma_start3A_275, %dma_start3A_276] : memref<64x128xf32, #tpu.memory_space<vmem>> -> memref<64x64xf32, #tpu.memory_space<vmem>>
      %dma_start3A_278 = arith.constant 0 : i32
      %dma_start3A_279 = tpu.memref_slice %arg5[%add3A_265, %dma_start3A_278] : memref<10240x64xf32, #tpu.memory_space<vmem_shared>> -> memref<64x64xf32, #tpu.memory_space<vmem_shared>>
      %dma_start3A_280 = arith.constant 0 : i32
      %dma_start3A_281 = arith.constant 0 : i32
      %dma_start3A_282 = tpu.memref_slice %arg10[%dma_start3A_280, %dma_start3A_281] : memref<64x128xf32, #tpu.memory_space<vmem>> -> memref<64x64xf32, #tpu.memory_space<vmem>>
      %dma_start3A_283 = arith.constant 0 : i32
      %dma_start3A_284 = tpu.memref_slice %arg5[%add3A_265, %dma_start3A_283] : memref<10240x64xf32, #tpu.memory_space<vmem_shared>> -> memref<64x64xf32, #tpu.memory_space<vmem_shared>>
      tpu.enqueue_dma source(%dma_start3A_284 : memref<64x64xf32, #tpu.memory_space<vmem_shared>>) target(%dma_start3A_282 : memref<64x64xf32, #tpu.memory_space<vmem>>) target_semaphore(%run_scoped3A_274 : memref<!tpu.dma_semaphore, #tpu.memory_space<semaphore_mem>>)
      %dma_wait3A_285 = arith.constant 0 : i32
      %dma_wait3A_286 = arith.constant 0 : i32
      %dma_wait3A_287 = tpu.memref_slice %arg10[%dma_wait3A_285, %dma_wait3A_286] : memref<64x128xf32, #tpu.memory_space<vmem>> -> memref<64x64xf32, #tpu.memory_space<vmem>>
      %dma_wait3A_288 = arith.constant 0 : i32
      %dma_wait3A_289 = tpu.memref_slice %arg5[%add3A_265, %dma_wait3A_288] : memref<10240x64xf32, #tpu.memory_space<vmem_shared>> -> memref<64x64xf32, #tpu.memory_space<vmem_shared>>
      %dma_wait3A_290 = arith.constant 0 : i32
      %dma_wait3A_291 = arith.constant 0 : i32
      %dma_wait3A_292 = tpu.memref_slice %arg10[%dma_wait3A_290, %dma_wait3A_291] : memref<64x128xf32, #tpu.memory_space<vmem>> -> memref<64x64xf32, #tpu.memory_space<vmem>>
      %dma_wait3A_293 = arith.constant 0 : i32
      %dma_wait3A_294 = tpu.memref_slice %arg5[%add3A_265, %dma_wait3A_293] : memref<10240x64xf32, #tpu.memory_space<vmem_shared>> -> memref<64x64xf32, #tpu.memory_space<vmem_shared>>
      tpu.wait_dma2 semaphore(%run_scoped3A_274 : memref<!tpu.dma_semaphore, #tpu.memory_space<semaphore_mem>>) src(%dma_wait3A_294 : memref<64x64xf32, #tpu.memory_space<vmem_shared>>) dst(%dma_wait3A_292 : memref<64x64xf32, #tpu.memory_space<vmem>>)
      tpu.yield
    }) : () -> ()
    "tpu.region"() ({
      %run_scoped3A_274 = tpu.sem_alloc : memref<!tpu.dma_semaphore, #tpu.memory_space<semaphore_mem>>
      %dma_start3A_275 = arith.constant 0 : i32
      %dma_start3A_276 = arith.constant 0 : i32
      %dma_start3A_277 = tpu.memref_slice %arg4[%arg0, %dma_start3A_275, %dma_start3A_276] : memref<2x10240x128xf32, #tpu.memory_space<hbm>> -> memref<1x10240x128xf32, #tpu.memory_space<hbm>>
      %dma_start3A_278 = tpu.memref_squeeze %dma_start3A_277 : memref<1x10240x128xf32, #tpu.memory_space<hbm>> -> memref<10240x128xf32, #tpu.memory_space<hbm>>
      %dma_start3A_279 = arith.constant 0 : i32
      %dma_start3A_280 = tpu.memref_slice %dma_start3A_278[%add3A_265, %dma_start3A_279] : memref<10240x128xf32, #tpu.memory_space<hbm>> -> memref<64x128xf32, #tpu.memory_space<hbm>>
      %dma_start3A_281 = arith.constant 0 : i32
      %dma_start3A_282 = arith.constant 0 : i32
      %dma_start3A_283 = tpu.memref_slice %arg4[%arg0, %dma_start3A_281, %dma_start3A_282] : memref<2x10240x128xf32, #tpu.memory_space<hbm>> -> memref<1x10240x128xf32, #tpu.memory_space<hbm>>
      %dma_start3A_284 = tpu.memref_squeeze %dma_start3A_283 : memref<1x10240x128xf32, #tpu.memory_space<hbm>> -> memref<10240x128xf32, #tpu.memory_space<hbm>>
      %dma_start3A_285 = arith.constant 0 : i32
      %dma_start3A_286 = tpu.memref_slice %dma_start3A_284[%add3A_265, %dma_start3A_285] : memref<10240x128xf32, #tpu.memory_space<hbm>> -> memref<64x128xf32, #tpu.memory_space<hbm>>
      tpu.enqueue_dma source(%arg10 : memref<64x128xf32, #tpu.memory_space<vmem>>) target(%dma_start3A_286 : memref<64x128xf32, #tpu.memory_space<hbm>>) target_semaphore(%run_scoped3A_274 : memref<!tpu.dma_semaphore, #tpu.memory_space<semaphore_mem>>)
      %dma_wait3A_287 = arith.constant 0 : i32
      %dma_wait3A_288 = arith.constant 0 : i32
      %dma_wait3A_289 = tpu.memref_slice %arg4[%arg0, %dma_wait3A_287, %dma_wait3A_288] : memref<2x10240x128xf32, #tpu.memory_space<hbm>> -> memref<1x10240x128xf32, #tpu.memory_space<hbm>>
      %dma_wait3A_290 = tpu.memref_squeeze %dma_wait3A_289 : memref<1x10240x128xf32, #tpu.memory_space<hbm>> -> memref<10240x128xf32, #tpu.memory_space<hbm>>
      %dma_wait3A_291 = arith.constant 0 : i32
      %dma_wait3A_292 = tpu.memref_slice %dma_wait3A_290[%add3A_265, %dma_wait3A_291] : memref<10240x128xf32, #tpu.memory_space<hbm>> -> memref<64x128xf32, #tpu.memory_space<hbm>>
      %dma_wait3A_293 = arith.constant 0 : i32
      %dma_wait3A_294 = arith.constant 0 : i32
      %dma_wait3A_295 = tpu.memref_slice %arg4[%arg0, %dma_wait3A_293, %dma_wait3A_294] : memref<2x10240x128xf32, #tpu.memory_space<hbm>> -> memref<1x10240x128xf32, #tpu.memory_space<hbm>>
      %dma_wait3A_296 = tpu.memref_squeeze %dma_wait3A_295 : memref<1x10240x128xf32, #tpu.memory_space<hbm>> -> memref<10240x128xf32, #tpu.memory_space<hbm>>
      %dma_wait3A_297 = arith.constant 0 : i32
      %dma_wait3A_298 = tpu.memref_slice %dma_wait3A_296[%add3A_265, %dma_wait3A_297] : memref<10240x128xf32, #tpu.memory_space<hbm>> -> memref<64x128xf32, #tpu.memory_space<hbm>>
      tpu.wait_dma2 semaphore(%run_scoped3A_274 : memref<!tpu.dma_semaphore, #tpu.memory_space<semaphore_mem>>) src(%arg10 : memref<64x128xf32, #tpu.memory_space<vmem>>) dst(%dma_wait3A_298 : memref<64x128xf32, #tpu.memory_space<hbm>>)
      tpu.yield
    }) : () -> ()
    %mul3A_266 = arith.constant 640 : i32
    %mul3A_267 = arith.muli %arg1, %mul3A_266 : i32
    %add3A_268 = arith.constant 512 : i32
    %add3A_269 = arith.addi %mul3A_267, %add3A_268 : i32
    "tpu.region"() ({
      %run_scoped3A_274 = tpu.sem_alloc : memref<!tpu.dma_semaphore, #tpu.memory_space<semaphore_mem>>
      %dma_start3A_275 = arith.constant 0 : i32
      %dma_start3A_276 = arith.constant 0 : i32
      %dma_start3A_277 = tpu.memref_slice %arg10[%dma_start3A_275, %dma_start3A_276] : memref<64x128xf32, #tpu.memory_space<vmem>> -> memref<64x64xf32, #tpu.memory_space<vmem>>
      %dma_start3A_278 = arith.constant 0 : i32
      %dma_start3A_279 = tpu.memref_slice %arg5[%add3A_269, %dma_start3A_278] : memref<10240x64xf32, #tpu.memory_space<vmem_shared>> -> memref<64x64xf32, #tpu.memory_space<vmem_shared>>
      %dma_start3A_280 = arith.constant 0 : i32
      %dma_start3A_281 = arith.constant 0 : i32
      %dma_start3A_282 = tpu.memref_slice %arg10[%dma_start3A_280, %dma_start3A_281] : memref<64x128xf32, #tpu.memory_space<vmem>> -> memref<64x64xf32, #tpu.memory_space<vmem>>
      %dma_start3A_283 = arith.constant 0 : i32
      %dma_start3A_284 = tpu.memref_slice %arg5[%add3A_269, %dma_start3A_283] : memref<10240x64xf32, #tpu.memory_space<vmem_shared>> -> memref<64x64xf32, #tpu.memory_space<vmem_shared>>
      tpu.enqueue_dma source(%dma_start3A_284 : memref<64x64xf32, #tpu.memory_space<vmem_shared>>) target(%dma_start3A_282 : memref<64x64xf32, #tpu.memory_space<vmem>>) target_semaphore(%run_scoped3A_274 : memref<!tpu.dma_semaphore, #tpu.memory_space<semaphore_mem>>)
      %dma_wait3A_285 = arith.constant 0 : i32
      %dma_wait3A_286 = arith.constant 0 : i32
      %dma_wait3A_287 = tpu.memref_slice %arg10[%dma_wait3A_285, %dma_wait3A_286] : memref<64x128xf32, #tpu.memory_space<vmem>> -> memref<64x64xf32, #tpu.memory_space<vmem>>
      %dma_wait3A_288 = arith.constant 0 : i32
      %dma_wait3A_289 = tpu.memref_slice %arg5[%add3A_269, %dma_wait3A_288] : memref<10240x64xf32, #tpu.memory_space<vmem_shared>> -> memref<64x64xf32, #tpu.memory_space<vmem_shared>>
      %dma_wait3A_290 = arith.constant 0 : i32
      %dma_wait3A_291 = arith.constant 0 : i32
      %dma_wait3A_292 = tpu.memref_slice %arg10[%dma_wait3A_290, %dma_wait3A_291] : memref<64x128xf32, #tpu.memory_space<vmem>> -> memref<64x64xf32, #tpu.memory_space<vmem>>
      %dma_wait3A_293 = arith.constant 0 : i32
      %dma_wait3A_294 = tpu.memref_slice %arg5[%add3A_269, %dma_wait3A_293] : memref<10240x64xf32, #tpu.memory_space<vmem_shared>> -> memref<64x64xf32, #tpu.memory_space<vmem_shared>>
      tpu.wait_dma2 semaphore(%run_scoped3A_274 : memref<!tpu.dma_semaphore, #tpu.memory_space<semaphore_mem>>) src(%dma_wait3A_294 : memref<64x64xf32, #tpu.memory_space<vmem_shared>>) dst(%dma_wait3A_292 : memref<64x64xf32, #tpu.memory_space<vmem>>)
      tpu.yield
    }) : () -> ()
    "tpu.region"() ({
      %run_scoped3A_274 = tpu.sem_alloc : memref<!tpu.dma_semaphore, #tpu.memory_space<semaphore_mem>>
      %dma_start3A_275 = arith.constant 0 : i32
      %dma_start3A_276 = arith.constant 0 : i32
      %dma_start3A_277 = tpu.memref_slice %arg4[%arg0, %dma_start3A_275, %dma_start3A_276] : memref<2x10240x128xf32, #tpu.memory_space<hbm>> -> memref<1x10240x128xf32, #tpu.memory_space<hbm>>
      %dma_start3A_278 = tpu.memref_squeeze %dma_start3A_277 : memref<1x10240x128xf32, #tpu.memory_space<hbm>> -> memref<10240x128xf32, #tpu.memory_space<hbm>>
      %dma_start3A_279 = arith.constant 0 : i32
      %dma_start3A_280 = tpu.memref_slice %dma_start3A_278[%add3A_269, %dma_start3A_279] : memref<10240x128xf32, #tpu.memory_space<hbm>> -> memref<64x128xf32, #tpu.memory_space<hbm>>
      %dma_start3A_281 = arith.constant 0 : i32
      %dma_start3A_282 = arith.constant 0 : i32
      %dma_start3A_283 = tpu.memref_slice %arg4[%arg0, %dma_start3A_281, %dma_start3A_282] : memref<2x10240x128xf32, #tpu.memory_space<hbm>> -> memref<1x10240x128xf32, #tpu.memory_space<hbm>>
      %dma_start3A_284 = tpu.memref_squeeze %dma_start3A_283 : memref<1x10240x128xf32, #tpu.memory_space<hbm>> -> memref<10240x128xf32, #tpu.memory_space<hbm>>
      %dma_start3A_285 = arith.constant 0 : i32
      %dma_start3A_286 = tpu.memref_slice %dma_start3A_284[%add3A_269, %dma_start3A_285] : memref<10240x128xf32, #tpu.memory_space<hbm>> -> memref<64x128xf32, #tpu.memory_space<hbm>>
      tpu.enqueue_dma source(%arg10 : memref<64x128xf32, #tpu.memory_space<vmem>>) target(%dma_start3A_286 : memref<64x128xf32, #tpu.memory_space<hbm>>) target_semaphore(%run_scoped3A_274 : memref<!tpu.dma_semaphore, #tpu.memory_space<semaphore_mem>>)
      %dma_wait3A_287 = arith.constant 0 : i32
      %dma_wait3A_288 = arith.constant 0 : i32
      %dma_wait3A_289 = tpu.memref_slice %arg4[%arg0, %dma_wait3A_287, %dma_wait3A_288] : memref<2x10240x128xf32, #tpu.memory_space<hbm>> -> memref<1x10240x128xf32, #tpu.memory_space<hbm>>
      %dma_wait3A_290 = tpu.memref_squeeze %dma_wait3A_289 : memref<1x10240x128xf32, #tpu.memory_space<hbm>> -> memref<10240x128xf32, #tpu.memory_space<hbm>>
      %dma_wait3A_291 = arith.constant 0 : i32
      %dma_wait3A_292 = tpu.memref_slice %dma_wait3A_290[%add3A_269, %dma_wait3A_291] : memref<10240x128xf32, #tpu.memory_space<hbm>> -> memref<64x128xf32, #tpu.memory_space<hbm>>
      %dma_wait3A_293 = arith.constant 0 : i32
      %dma_wait3A_294 = arith.constant 0 : i32
      %dma_wait3A_295 = tpu.memref_slice %arg4[%arg0, %dma_wait3A_293, %dma_wait3A_294] : memref<2x10240x128xf32, #tpu.memory_space<hbm>> -> memref<1x10240x128xf32, #tpu.memory_space<hbm>>
      %dma_wait3A_296 = tpu.memref_squeeze %dma_wait3A_295 : memref<1x10240x128xf32, #tpu.memory_space<hbm>> -> memref<10240x128xf32, #tpu.memory_space<hbm>>
      %dma_wait3A_297 = arith.constant 0 : i32
      %dma_wait3A_298 = tpu.memref_slice %dma_wait3A_296[%add3A_269, %dma_wait3A_297] : memref<10240x128xf32, #tpu.memory_space<hbm>> -> memref<64x128xf32, #tpu.memory_space<hbm>>
      tpu.wait_dma2 semaphore(%run_scoped3A_274 : memref<!tpu.dma_semaphore, #tpu.memory_space<semaphore_mem>>) src(%arg10 : memref<64x128xf32, #tpu.memory_space<vmem>>) dst(%dma_wait3A_298 : memref<64x128xf32, #tpu.memory_space<hbm>>)
      tpu.yield
    }) : () -> ()
    %mul3A_270 = arith.constant 640 : i32
    %mul3A_271 = arith.muli %arg1, %mul3A_270 : i32
    %add3A_272 = arith.constant 576 : i32
    %add3A_273 = arith.addi %mul3A_271, %add3A_272 : i32
    "tpu.region"() ({
      %run_scoped3A_274 = tpu.sem_alloc : memref<!tpu.dma_semaphore, #tpu.memory_space<semaphore_mem>>
      %dma_start3A_275 = arith.constant 0 : i32
      %dma_start3A_276 = arith.constant 0 : i32
      %dma_start3A_277 = tpu.memref_slice %arg10[%dma_start3A_275, %dma_start3A_276] : memref<64x128xf32, #tpu.memory_space<vmem>> -> memref<64x64xf32, #tpu.memory_space<vmem>>
      %dma_start3A_278 = arith.constant 0 : i32
      %dma_start3A_279 = tpu.memref_slice %arg5[%add3A_273, %dma_start3A_278] : memref<10240x64xf32, #tpu.memory_space<vmem_shared>> -> memref<64x64xf32, #tpu.memory_space<vmem_shared>>
      %dma_start3A_280 = arith.constant 0 : i32
      %dma_start3A_281 = arith.constant 0 : i32
      %dma_start3A_282 = tpu.memref_slice %arg10[%dma_start3A_280, %dma_start3A_281] : memref<64x128xf32, #tpu.memory_space<vmem>> -> memref<64x64xf32, #tpu.memory_space<vmem>>
      %dma_start3A_283 = arith.constant 0 : i32
      %dma_start3A_284 = tpu.memref_slice %arg5[%add3A_273, %dma_start3A_283] : memref<10240x64xf32, #tpu.memory_space<vmem_shared>> -> memref<64x64xf32, #tpu.memory_space<vmem_shared>>
      tpu.enqueue_dma source(%dma_start3A_284 : memref<64x64xf32, #tpu.memory_space<vmem_shared>>) target(%dma_start3A_282 : memref<64x64xf32, #tpu.memory_space<vmem>>) target_semaphore(%run_scoped3A_274 : memref<!tpu.dma_semaphore, #tpu.memory_space<semaphore_mem>>)
      %dma_wait3A_285 = arith.constant 0 : i32
      %dma_wait3A_286 = arith.constant 0 : i32
      %dma_wait3A_287 = tpu.memref_slice %arg10[%dma_wait3A_285, %dma_wait3A_286] : memref<64x128xf32, #tpu.memory_space<vmem>> -> memref<64x64xf32, #tpu.memory_space<vmem>>
      %dma_wait3A_288 = arith.constant 0 : i32
      %dma_wait3A_289 = tpu.memref_slice %arg5[%add3A_273, %dma_wait3A_288] : memref<10240x64xf32, #tpu.memory_space<vmem_shared>> -> memref<64x64xf32, #tpu.memory_space<vmem_shared>>
      %dma_wait3A_290 = arith.constant 0 : i32
      %dma_wait3A_291 = arith.constant 0 : i32
      %dma_wait3A_292 = tpu.memref_slice %arg10[%dma_wait3A_290, %dma_wait3A_291] : memref<64x128xf32, #tpu.memory_space<vmem>> -> memref<64x64xf32, #tpu.memory_space<vmem>>
      %dma_wait3A_293 = arith.constant 0 : i32
      %dma_wait3A_294 = tpu.memref_slice %arg5[%add3A_273, %dma_wait3A_293] : memref<10240x64xf32, #tpu.memory_space<vmem_shared>> -> memref<64x64xf32, #tpu.memory_space<vmem_shared>>
      tpu.wait_dma2 semaphore(%run_scoped3A_274 : memref<!tpu.dma_semaphore, #tpu.memory_space<semaphore_mem>>) src(%dma_wait3A_294 : memref<64x64xf32, #tpu.memory_space<vmem_shared>>) dst(%dma_wait3A_292 : memref<64x64xf32, #tpu.memory_space<vmem>>)
      tpu.yield
    }) : () -> ()
    "tpu.region"() ({
      %run_scoped3A_274 = tpu.sem_alloc : memref<!tpu.dma_semaphore, #tpu.memory_space<semaphore_mem>>
      %dma_start3A_275 = arith.constant 0 : i32
      %dma_start3A_276 = arith.constant 0 : i32
      %dma_start3A_277 = tpu.memref_slice %arg4[%arg0, %dma_start3A_275, %dma_start3A_276] : memref<2x10240x128xf32, #tpu.memory_space<hbm>> -> memref<1x10240x128xf32, #tpu.memory_space<hbm>>
      %dma_start3A_278 = tpu.memref_squeeze %dma_start3A_277 : memref<1x10240x128xf32, #tpu.memory_space<hbm>> -> memref<10240x128xf32, #tpu.memory_space<hbm>>
      %dma_start3A_279 = arith.constant 0 : i32
      %dma_start3A_280 = tpu.memref_slice %dma_start3A_278[%add3A_273, %dma_start3A_279] : memref<10240x128xf32, #tpu.memory_space<hbm>> -> memref<64x128xf32, #tpu.memory_space<hbm>>
      %dma_start3A_281 = arith.constant 0 : i32
      %dma_start3A_282 = arith.constant 0 : i32
      %dma_start3A_283 = tpu.memref_slice %arg4[%arg0, %dma_start3A_281, %dma_start3A_282] : memref<2x10240x128xf32, #tpu.memory_space<hbm>> -> memref<1x10240x128xf32, #tpu.memory_space<hbm>>
      %dma_start3A_284 = tpu.memref_squeeze %dma_start3A_283 : memref<1x10240x128xf32, #tpu.memory_space<hbm>> -> memref<10240x128xf32, #tpu.memory_space<hbm>>
      %dma_start3A_285 = arith.constant 0 : i32
      %dma_start3A_286 = tpu.memref_slice %dma_start3A_284[%add3A_273, %dma_start3A_285] : memref<10240x128xf32, #tpu.memory_space<hbm>> -> memref<64x128xf32, #tpu.memory_space<hbm>>
      tpu.enqueue_dma source(%arg10 : memref<64x128xf32, #tpu.memory_space<vmem>>) target(%dma_start3A_286 : memref<64x128xf32, #tpu.memory_space<hbm>>) target_semaphore(%run_scoped3A_274 : memref<!tpu.dma_semaphore, #tpu.memory_space<semaphore_mem>>)
      %dma_wait3A_287 = arith.constant 0 : i32
      %dma_wait3A_288 = arith.constant 0 : i32
      %dma_wait3A_289 = tpu.memref_slice %arg4[%arg0, %dma_wait3A_287, %dma_wait3A_288] : memref<2x10240x128xf32, #tpu.memory_space<hbm>> -> memref<1x10240x128xf32, #tpu.memory_space<hbm>>
      %dma_wait3A_290 = tpu.memref_squeeze %dma_wait3A_289 : memref<1x10240x128xf32, #tpu.memory_space<hbm>> -> memref<10240x128xf32, #tpu.memory_space<hbm>>
      %dma_wait3A_291 = arith.constant 0 : i32
      %dma_wait3A_292 = tpu.memref_slice %dma_wait3A_290[%add3A_273, %dma_wait3A_291] : memref<10240x128xf32, #tpu.memory_space<hbm>> -> memref<64x128xf32, #tpu.memory_space<hbm>>
      %dma_wait3A_293 = arith.constant 0 : i32
      %dma_wait3A_294 = arith.constant 0 : i32
      %dma_wait3A_295 = tpu.memref_slice %arg4[%arg0, %dma_wait3A_293, %dma_wait3A_294] : memref<2x10240x128xf32, #tpu.memory_space<hbm>> -> memref<1x10240x128xf32, #tpu.memory_space<hbm>>
      %dma_wait3A_296 = tpu.memref_squeeze %dma_wait3A_295 : memref<1x10240x128xf32, #tpu.memory_space<hbm>> -> memref<10240x128xf32, #tpu.memory_space<hbm>>
      %dma_wait3A_297 = arith.constant 0 : i32
      %dma_wait3A_298 = tpu.memref_slice %dma_wait3A_296[%add3A_273, %dma_wait3A_297] : memref<10240x128xf32, #tpu.memory_space<hbm>> -> memref<64x128xf32, #tpu.memory_space<hbm>>
      tpu.wait_dma2 semaphore(%run_scoped3A_274 : memref<!tpu.dma_semaphore, #tpu.memory_space<semaphore_mem>>) src(%arg10 : memref<64x128xf32, #tpu.memory_space<vmem>>) dst(%dma_wait3A_298 : memref<64x128xf32, #tpu.memory_space<hbm>>)
      tpu.yield
    }) : () -> ()
    return
  }
}

#map = affine_map<(d0, d1) -> (0, 0)>
#map1 = affine_map<(d0, d1) -> (0, 0, 0, 0)>
#map2 = affine_map<(d0, d1) -> (0, 0, 0)>
module attributes {stable_mosaic.version = 14 : i64} {
  func.func @_sc_agg_body(%arg0: i32, %arg1: i32, %arg2: memref<10000x64xf32, #tpu.memory_space<hbm>>, %arg3: memref<2x32x125x80xi32, #tpu.memory_space<hbm>>, %arg4: memref<2x10240x128xf32, #tpu.memory_space<hbm>>, %arg5: memref<10240x64xf32, #tpu.memory_space<vmem_shared>>, %arg6: memref<125x80xi32, #tpu.memory_space<vmem>>, %arg7: memref<125x80xi32, #tpu.memory_space<vmem>>, %arg8: memref<5x80x64xf32, #tpu.memory_space<vmem>>, %arg9: memref<64x64xf32, #tpu.memory_space<vmem>>, %arg10: memref<64x128xf32, #tpu.memory_space<vmem>>, %arg11: memref<5x!tpu.dma_semaphore, #tpu.memory_space<semaphore_mem>>) attributes {dimension_semantics = [#tpu.dimension_semantics<core_parallel>, #tpu.dimension_semantics<subcore_parallel>], iteration_bounds = array<i64: 2, 16>, scalar_prefetch = 0 : i64, scratch_operands = 7 : i64, tpu.core_type = #tpu.core_type<sc_vector_subcore>, window_params = [{transform_indices = #map}, {transform_indices = #map1}, {transform_indices = #map2}]} {
    %mul3A = arith.constant 16 : i32
    %mul3A_0 = arith.muli %arg0, %mul3A : i32
    %add3A = arith.addi %mul3A_0, %arg1 : i32
    %run_scoped3A = arith.constant 0 : i32
    "tpu.region"() ({
      %run_scoped3A_274 = tpu.sem_alloc : memref<!tpu.dma_semaphore, #tpu.memory_space<semaphore_mem>>
      %dma_start3A_275 = arith.constant 0 : i32
      %dma_start3A_276 = arith.constant 0 : i32
      %dma_start3A_277 = tpu.memref_slice %arg3[%run_scoped3A, %add3A, %dma_start3A_275, %dma_start3A_276] : memref<2x32x125x80xi32, #tpu.memory_space<hbm>> -> memref<1x1x125x80xi32, #tpu.memory_space<hbm>>
      %dma_start3A_278 = tpu.memref_squeeze %dma_start3A_277 : memref<1x1x125x80xi32, #tpu.memory_space<hbm>> -> memref<125x80xi32, #tpu.memory_space<hbm>>
      %dma_start3A_279 = arith.constant 0 : i32
      %dma_start3A_280 = arith.constant 0 : i32
      %dma_start3A_281 = tpu.memref_slice %arg3[%run_scoped3A, %add3A, %dma_start3A_279, %dma_start3A_280] : memref<2x32x125x80xi32, #tpu.memory_space<hbm>> -> memref<1x1x125x80xi32, #tpu.memory_space<hbm>>
      %dma_start3A_282 = tpu.memref_squeeze %dma_start3A_281 : memref<1x1x125x80xi32, #tpu.memory_space<hbm>> -> memref<125x80xi32, #tpu.memory_space<hbm>>
      tpu.enqueue_dma source(%dma_start3A_282 : memref<125x80xi32, #tpu.memory_space<hbm>>) target(%arg6 : memref<125x80xi32, #tpu.memory_space<vmem>>) target_semaphore(%run_scoped3A_274 : memref<!tpu.dma_semaphore, #tpu.memory_space<semaphore_mem>>)
      %dma_wait3A_283 = arith.constant 0 : i32
      %dma_wait3A_284 = arith.constant 0 : i32
      %dma_wait3A_285 = tpu.memref_slice %arg3[%run_scoped3A, %add3A, %dma_wait3A_283, %dma_wait3A_284] : memref<2x32x125x80xi32, #tpu.memory_space<hbm>> -> memref<1x1x125x80xi32, #tpu.memory_space<hbm>>
      %dma_wait3A_286 = tpu.memref_squeeze %dma_wait3A_285 : memref<1x1x125x80xi32, #tpu.memory_space<hbm>> -> memref<125x80xi32, #tpu.memory_space<hbm>>
      %dma_wait3A_287 = arith.constant 0 : i32
      %dma_wait3A_288 = arith.constant 0 : i32
      %dma_wait3A_289 = tpu.memref_slice %arg3[%run_scoped3A, %add3A, %dma_wait3A_287, %dma_wait3A_288] : memref<2x32x125x80xi32, #tpu.memory_space<hbm>> -> memref<1x1x125x80xi32, #tpu.memory_space<hbm>>
      %dma_wait3A_290 = tpu.memref_squeeze %dma_wait3A_289 : memref<1x1x125x80xi32, #tpu.memory_space<hbm>> -> memref<125x80xi32, #tpu.memory_space<hbm>>
      tpu.wait_dma2 semaphore(%run_scoped3A_274 : memref<!tpu.dma_semaphore, #tpu.memory_space<semaphore_mem>>) src(%dma_wait3A_290 : memref<125x80xi32, #tpu.memory_space<hbm>>) dst(%arg6 : memref<125x80xi32, #tpu.memory_space<vmem>>)
      tpu.yield
    }) : () -> ()
    %run_scoped3A_1 = arith.constant 1 : i32
    "tpu.region"() ({
      %run_scoped3A_274 = tpu.sem_alloc : memref<!tpu.dma_semaphore, #tpu.memory_space<semaphore_mem>>
      %dma_start3A_275 = arith.constant 0 : i32
      %dma_start3A_276 = arith.constant 0 : i32
      %dma_start3A_277 = tpu.memref_slice %arg3[%run_scoped3A_1, %add3A, %dma_start3A_275, %dma_start3A_276] : memref<2x32x125x80xi32, #tpu.memory_space<hbm>> -> memref<1x1x125x80xi32, #tpu.memory_space<hbm>>
      %dma_start3A_278 = tpu.memref_squeeze %dma_start3A_277 : memref<1x1x125x80xi32, #tpu.memory_space<hbm>> -> memref<125x80xi32, #tpu.memory_space<hbm>>
      %dma_start3A_279 = arith.constant 0 : i32
      %dma_start3A_280 = arith.constant 0 : i32
      %dma_start3A_281 = tpu.memref_slice %arg3[%run_scoped3A_1, %add3A, %dma_start3A_279, %dma_start3A_280] : memref<2x32x125x80xi32, #tpu.memory_space<hbm>> -> memref<1x1x125x80xi32, #tpu.memory_space<hbm>>
      %dma_start3A_282 = tpu.memref_squeeze %dma_start3A_281 : memref<1x1x125x80xi32, #tpu.memory_space<hbm>> -> memref<125x80xi32, #tpu.memory_space<hbm>>
      tpu.enqueue_dma source(%dma_start3A_282 : memref<125x80xi32, #tpu.memory_space<hbm>>) target(%arg7 : memref<125x80xi32, #tpu.memory_space<vmem>>) target_semaphore(%run_scoped3A_274 : memref<!tpu.dma_semaphore, #tpu.memory_space<semaphore_mem>>)
      %dma_wait3A_283 = arith.constant 0 : i32
      %dma_wait3A_284 = arith.constant 0 : i32
      %dma_wait3A_285 = tpu.memref_slice %arg3[%run_scoped3A_1, %add3A, %dma_wait3A_283, %dma_wait3A_284] : memref<2x32x125x80xi32, #tpu.memory_space<hbm>> -> memref<1x1x125x80xi32, #tpu.memory_space<hbm>>
      %dma_wait3A_286 = tpu.memref_squeeze %dma_wait3A_285 : memref<1x1x125x80xi32, #tpu.memory_space<hbm>> -> memref<125x80xi32, #tpu.memory_space<hbm>>
      %dma_wait3A_287 = arith.constant 0 : i32
      %dma_wait3A_288 = arith.constant 0 : i32
      %dma_wait3A_289 = tpu.memref_slice %arg3[%run_scoped3A_1, %add3A, %dma_wait3A_287, %dma_wait3A_288] : memref<2x32x125x80xi32, #tpu.memory_space<hbm>> -> memref<1x1x125x80xi32, #tpu.memory_space<hbm>>
      %dma_wait3A_290 = tpu.memref_squeeze %dma_wait3A_289 : memref<1x1x125x80xi32, #tpu.memory_space<hbm>> -> memref<125x80xi32, #tpu.memory_space<hbm>>
      tpu.wait_dma2 semaphore(%run_scoped3A_274 : memref<!tpu.dma_semaphore, #tpu.memory_space<semaphore_mem>>) src(%dma_wait3A_290 : memref<125x80xi32, #tpu.memory_space<hbm>>) dst(%arg7 : memref<125x80xi32, #tpu.memory_space<vmem>>)
      tpu.yield
    }) : () -> ()
    %broadcast_in_dim3A = arith.constant 0.000000e+00 : f32
    %broadcast_in_dim3A_2 = vector.broadcast %broadcast_in_dim3A : f32 to vector<16xf32>
    %scan3A = arith.constant 0 : i32
    %scan3A_3 = arith.constant 0 : i32
    %scan3A_4 = arith.constant 64 : i32
    %scan3A_5 = arith.addi %scan3A_3, %scan3A_4 : i32
    %scan3A_6 = arith.constant 1 : i32
    scf.for %scan3A_274 = %scan3A_3 to %scan3A_5 step %scan3A_6  : i32 {
      %swap3A = arith.index_cast %scan3A_274 : i32 to index
      %swap3A_275 = arith.constant 0 : index
      %swap3A_276 = tpu.vector_load %arg9[%swap3A, %swap3A_275] {strides = array<i32>} : memref<64x64xf32, #tpu.memory_space<vmem>>, vector<1x16xf32>,
      %swap3A_277 = vector.shape_cast %swap3A_276 : vector<1x16xf32> to vector<16xf32>
      %swap3A_278 = vector.shape_cast %broadcast_in_dim3A_2 : vector<16xf32> to vector<1x16xf32>
      tpu.vector_store %arg9[%swap3A, %swap3A_275], %swap3A_278 {strides = array<i32>} : memref<64x64xf32, #tpu.memory_space<vmem>>, vector<1x16xf32>,
      %swap3A_279 = arith.index_cast %scan3A_274 : i32 to index
      %swap3A_280 = arith.constant 16 : index
      %swap3A_281 = tpu.vector_load %arg9[%swap3A_279, %swap3A_280] {strides = array<i32>} : memref<64x64xf32, #tpu.memory_space<vmem>>, vector<1x16xf32>,
      %swap3A_282 = vector.shape_cast %swap3A_281 : vector<1x16xf32> to vector<16xf32>
      %swap3A_283 = vector.shape_cast %broadcast_in_dim3A_2 : vector<16xf32> to vector<1x16xf32>
      tpu.vector_store %arg9[%swap3A_279, %swap3A_280], %swap3A_283 {strides = array<i32>} : memref<64x64xf32, #tpu.memory_space<vmem>>, vector<1x16xf32>,
      %swap3A_284 = arith.index_cast %scan3A_274 : i32 to index
      %swap3A_285 = arith.constant 32 : index
      %swap3A_286 = tpu.vector_load %arg9[%swap3A_284, %swap3A_285] {strides = array<i32>} : memref<64x64xf32, #tpu.memory_space<vmem>>, vector<1x16xf32>,
      %swap3A_287 = vector.shape_cast %swap3A_286 : vector<1x16xf32> to vector<16xf32>
      %swap3A_288 = vector.shape_cast %broadcast_in_dim3A_2 : vector<16xf32> to vector<1x16xf32>
      tpu.vector_store %arg9[%swap3A_284, %swap3A_285], %swap3A_288 {strides = array<i32>} : memref<64x64xf32, #tpu.memory_space<vmem>>, vector<1x16xf32>,
      %swap3A_289 = arith.index_cast %scan3A_274 : i32 to index
      %swap3A_290 = arith.constant 48 : index
      %swap3A_291 = tpu.vector_load %arg9[%swap3A_289, %swap3A_290] {strides = array<i32>} : memref<64x64xf32, #tpu.memory_space<vmem>>, vector<1x16xf32>,
      %swap3A_292 = vector.shape_cast %swap3A_291 : vector<1x16xf32> to vector<16xf32>
      %swap3A_293 = vector.shape_cast %broadcast_in_dim3A_2 : vector<16xf32> to vector<1x16xf32>
      tpu.vector_store %arg9[%swap3A_289, %swap3A_290], %swap3A_293 {strides = array<i32>} : memref<64x64xf32, #tpu.memory_space<vmem>>, vector<1x16xf32>,
    }
    %scan3A_7 = arith.constant 64 : i32
    %scan3A_8 = arith.constant 0 : i32
    %scan3A_9 = arith.constant 0 : i32
    %scan3A_10 = arith.constant 64 : i32
    %scan3A_11 = arith.addi %scan3A_9, %scan3A_10 : i32
    %scan3A_12 = arith.constant 1 : i32
    scf.for %scan3A_274 = %scan3A_9 to %scan3A_11 step %scan3A_12  : i32 {
      %swap3A = arith.index_cast %scan3A_274 : i32 to index
      %swap3A_275 = arith.constant 0 : index
      %swap3A_276 = tpu.vector_load %arg10[%swap3A, %swap3A_275] {strides = array<i32>} : memref<64x128xf32, #tpu.memory_space<vmem>>, vector<1x16xf32>,
      %swap3A_277 = vector.shape_cast %swap3A_276 : vector<1x16xf32> to vector<16xf32>
      %swap3A_278 = vector.shape_cast %broadcast_in_dim3A_2 : vector<16xf32> to vector<1x16xf32>
      tpu.vector_store %arg10[%swap3A, %swap3A_275], %swap3A_278 {strides = array<i32>} : memref<64x128xf32, #tpu.memory_space<vmem>>, vector<1x16xf32>,
      %swap3A_279 = arith.index_cast %scan3A_274 : i32 to index
      %swap3A_280 = arith.constant 16 : index
      %swap3A_281 = tpu.vector_load %arg10[%swap3A_279, %swap3A_280] {strides = array<i32>} : memref<64x128xf32, #tpu.memory_space<vmem>>, vector<1x16xf32>,
      %swap3A_282 = vector.shape_cast %swap3A_281 : vector<1x16xf32> to vector<16xf32>
      %swap3A_283 = vector.shape_cast %broadcast_in_dim3A_2 : vector<16xf32> to vector<1x16xf32>
      tpu.vector_store %arg10[%swap3A_279, %swap3A_280], %swap3A_283 {strides = array<i32>} : memref<64x128xf32, #tpu.memory_space<vmem>>, vector<1x16xf32>,
      %swap3A_284 = arith.index_cast %scan3A_274 : i32 to index
      %swap3A_285 = arith.constant 32 : index
      %swap3A_286 = tpu.vector_load %arg10[%swap3A_284, %swap3A_285] {strides = array<i32>} : memref<64x128xf32, #tpu.memory_space<vmem>>, vector<1x16xf32>,
      %swap3A_287 = vector.shape_cast %swap3A_286 : vector<1x16xf32> to vector<16xf32>
      %swap3A_288 = vector.shape_cast %broadcast_in_dim3A_2 : vector<16xf32> to vector<1x16xf32>
      tpu.vector_store %arg10[%swap3A_284, %swap3A_285], %swap3A_288 {strides = array<i32>} : memref<64x128xf32, #tpu.memory_space<vmem>>, vector<1x16xf32>,
      %swap3A_289 = arith.index_cast %scan3A_274 : i32 to index
      %swap3A_290 = arith.constant 48 : index
      %swap3A_291 = tpu.vector_load %arg10[%swap3A_289, %swap3A_290] {strides = array<i32>} : memref<64x128xf32, #tpu.memory_space<vmem>>, vector<1x16xf32>,
      %swap3A_292 = vector.shape_cast %swap3A_291 : vector<1x16xf32> to vector<16xf32>
      %swap3A_293 = vector.shape_cast %broadcast_in_dim3A_2 : vector<16xf32> to vector<1x16xf32>
      tpu.vector_store %arg10[%swap3A_289, %swap3A_290], %swap3A_293 {strides = array<i32>} : memref<64x128xf32, #tpu.memory_space<vmem>>, vector<1x16xf32>,
      %swap3A_294 = arith.index_cast %scan3A_274 : i32 to index
      %swap3A_295 = arith.constant 64 : index
      %swap3A_296 = tpu.vector_load %arg10[%swap3A_294, %swap3A_295] {strides = array<i32>} : memref<64x128xf32, #tpu.memory_space<vmem>>, vector<1x16xf32>,
      %swap3A_297 = vector.shape_cast %swap3A_296 : vector<1x16xf32> to vector<16xf32>
      %swap3A_298 = vector.shape_cast %broadcast_in_dim3A_2 : vector<16xf32> to vector<1x16xf32>
      tpu.vector_store %arg10[%swap3A_294, %swap3A_295], %swap3A_298 {strides = array<i32>} : memref<64x128xf32, #tpu.memory_space<vmem>>, vector<1x16xf32>,
      %swap3A_299 = arith.index_cast %scan3A_274 : i32 to index
      %swap3A_300 = arith.constant 80 : index
      %swap3A_301 = tpu.vector_load %arg10[%swap3A_299, %swap3A_300] {strides = array<i32>} : memref<64x128xf32, #tpu.memory_space<vmem>>, vector<1x16xf32>,
      %swap3A_302 = vector.shape_cast %swap3A_301 : vector<1x16xf32> to vector<16xf32>
      %swap3A_303 = vector.shape_cast %broadcast_in_dim3A_2 : vector<16xf32> to vector<1x16xf32>
      tpu.vector_store %arg10[%swap3A_299, %swap3A_300], %swap3A_303 {strides = array<i32>} : memref<64x128xf32, #tpu.memory_space<vmem>>, vector<1x16xf32>,
      %swap3A_304 = arith.index_cast %scan3A_274 : i32 to index
      %swap3A_305 = arith.constant 96 : index
      %swap3A_306 = tpu.vector_load %arg10[%swap3A_304, %swap3A_305] {strides = array<i32>} : memref<64x128xf32, #tpu.memory_space<vmem>>, vector<1x16xf32>,
      %swap3A_307 = vector.shape_cast %swap3A_306 : vector<1x16xf32> to vector<16xf32>
      %swap3A_308 = vector.shape_cast %broadcast_in_dim3A_2 : vector<16xf32> to vector<1x16xf32>
      tpu.vector_store %arg10[%swap3A_304, %swap3A_305], %swap3A_308 {strides = array<i32>} : memref<64x128xf32, #tpu.memory_space<vmem>>, vector<1x16xf32>,
      %swap3A_309 = arith.index_cast %scan3A_274 : i32 to index
      %swap3A_310 = arith.constant 112 : index
      %swap3A_311 = tpu.vector_load %arg10[%swap3A_309, %swap3A_310] {strides = array<i32>} : memref<64x128xf32, #tpu.memory_space<vmem>>, vector<1x16xf32>,
      %swap3A_312 = vector.shape_cast %swap3A_311 : vector<1x16xf32> to vector<16xf32>
      %swap3A_313 = vector.shape_cast %broadcast_in_dim3A_2 : vector<16xf32> to vector<1x16xf32>
      tpu.vector_store %arg10[%swap3A_309, %swap3A_310], %swap3A_313 {strides = array<i32>} : memref<64x128xf32, #tpu.memory_space<vmem>>, vector<1x16xf32>,
    }
    %scan3A_13 = arith.constant 64 : i32
    %mul3A_14 = arith.constant 640 : i32
    %mul3A_15 = arith.muli %arg1, %mul3A_14 : i32
    %add3A_16 = arith.constant 0 : i32
    %add3A_17 = arith.addi %mul3A_15, %add3A_16 : i32
    "tpu.region"() ({
      %run_scoped3A_274 = tpu.sem_alloc : memref<!tpu.dma_semaphore, #tpu.memory_space<semaphore_mem>>
      %dma_start3A_275 = arith.constant 0 : i32
      %dma_start3A_276 = tpu.memref_slice %arg5[%add3A_17, %dma_start3A_275] : memref<10240x64xf32, #tpu.memory_space<vmem_shared>> -> memref<64x64xf32, #tpu.memory_space<vmem_shared>>
      %dma_start3A_277 = arith.constant 0 : i32
      %dma_start3A_278 = tpu.memref_slice %arg5[%add3A_17, %dma_start3A_277] : memref<10240x64xf32, #tpu.memory_space<vmem_shared>> -> memref<64x64xf32, #tpu.memory_space<vmem_shared>>
      tpu.enqueue_dma source(%arg9 : memref<64x64xf32, #tpu.memory_space<vmem>>) target(%dma_start3A_278 : memref<64x64xf32, #tpu.memory_space<vmem_shared>>) target_semaphore(%run_scoped3A_274 : memref<!tpu.dma_semaphore, #tpu.memory_space<semaphore_mem>>)
      %dma_wait3A_279 = arith.constant 0 : i32
      %dma_wait3A_280 = tpu.memref_slice %arg5[%add3A_17, %dma_wait3A_279] : memref<10240x64xf32, #tpu.memory_space<vmem_shared>> -> memref<64x64xf32, #tpu.memory_space<vmem_shared>>
      %dma_wait3A_281 = arith.constant 0 : i32
      %dma_wait3A_282 = tpu.memref_slice %arg5[%add3A_17, %dma_wait3A_281] : memref<10240x64xf32, #tpu.memory_space<vmem_shared>> -> memref<64x64xf32, #tpu.memory_space<vmem_shared>>
      tpu.wait_dma2 semaphore(%run_scoped3A_274 : memref<!tpu.dma_semaphore, #tpu.memory_space<semaphore_mem>>) src(%arg9 : memref<64x64xf32, #tpu.memory_space<vmem>>) dst(%dma_wait3A_282 : memref<64x64xf32, #tpu.memory_space<vmem_shared>>)
      tpu.yield
    }) : () -> ()
    %mul3A_18 = arith.constant 640 : i32
    %mul3A_19 = arith.muli %arg1, %mul3A_18 : i32
    %add3A_20 = arith.constant 64 : i32
    %add3A_21 = arith.addi %mul3A_19, %add3A_20 : i32
    "tpu.region"() ({
      %run_scoped3A_274 = tpu.sem_alloc : memref<!tpu.dma_semaphore, #tpu.memory_space<semaphore_mem>>
      %dma_start3A_275 = arith.constant 0 : i32
      %dma_start3A_276 = tpu.memref_slice %arg5[%add3A_21, %dma_start3A_275] : memref<10240x64xf32, #tpu.memory_space<vmem_shared>> -> memref<64x64xf32, #tpu.memory_space<vmem_shared>>
      %dma_start3A_277 = arith.constant 0 : i32
      %dma_start3A_278 = tpu.memref_slice %arg5[%add3A_21, %dma_start3A_277] : memref<10240x64xf32, #tpu.memory_space<vmem_shared>> -> memref<64x64xf32, #tpu.memory_space<vmem_shared>>
      tpu.enqueue_dma source(%arg9 : memref<64x64xf32, #tpu.memory_space<vmem>>) target(%dma_start3A_278 : memref<64x64xf32, #tpu.memory_space<vmem_shared>>) target_semaphore(%run_scoped3A_274 : memref<!tpu.dma_semaphore, #tpu.memory_space<semaphore_mem>>)
      %dma_wait3A_279 = arith.constant 0 : i32
      %dma_wait3A_280 = tpu.memref_slice %arg5[%add3A_21, %dma_wait3A_279] : memref<10240x64xf32, #tpu.memory_space<vmem_shared>> -> memref<64x64xf32, #tpu.memory_space<vmem_shared>>
      %dma_wait3A_281 = arith.constant 0 : i32
      %dma_wait3A_282 = tpu.memref_slice %arg5[%add3A_21, %dma_wait3A_281] : memref<10240x64xf32, #tpu.memory_space<vmem_shared>> -> memref<64x64xf32, #tpu.memory_space<vmem_shared>>
      tpu.wait_dma2 semaphore(%run_scoped3A_274 : memref<!tpu.dma_semaphore, #tpu.memory_space<semaphore_mem>>) src(%arg9 : memref<64x64xf32, #tpu.memory_space<vmem>>) dst(%dma_wait3A_282 : memref<64x64xf32, #tpu.memory_space<vmem_shared>>)
      tpu.yield
    }) : () -> ()
    %mul3A_22 = arith.constant 640 : i32
    %mul3A_23 = arith.muli %arg1, %mul3A_22 : i32
    %add3A_24 = arith.constant 128 : i32
    %add3A_25 = arith.addi %mul3A_23, %add3A_24 : i32
    "tpu.region"() ({
      %run_scoped3A_274 = tpu.sem_alloc : memref<!tpu.dma_semaphore, #tpu.memory_space<semaphore_mem>>
      %dma_start3A_275 = arith.constant 0 : i32
      %dma_start3A_276 = tpu.memref_slice %arg5[%add3A_25, %dma_start3A_275] : memref<10240x64xf32, #tpu.memory_space<vmem_shared>> -> memref<64x64xf32, #tpu.memory_space<vmem_shared>>
      %dma_start3A_277 = arith.constant 0 : i32
      %dma_start3A_278 = tpu.memref_slice %arg5[%add3A_25, %dma_start3A_277] : memref<10240x64xf32, #tpu.memory_space<vmem_shared>> -> memref<64x64xf32, #tpu.memory_space<vmem_shared>>
      tpu.enqueue_dma source(%arg9 : memref<64x64xf32, #tpu.memory_space<vmem>>) target(%dma_start3A_278 : memref<64x64xf32, #tpu.memory_space<vmem_shared>>) target_semaphore(%run_scoped3A_274 : memref<!tpu.dma_semaphore, #tpu.memory_space<semaphore_mem>>)
      %dma_wait3A_279 = arith.constant 0 : i32
      %dma_wait3A_280 = tpu.memref_slice %arg5[%add3A_25, %dma_wait3A_279] : memref<10240x64xf32, #tpu.memory_space<vmem_shared>> -> memref<64x64xf32, #tpu.memory_space<vmem_shared>>
      %dma_wait3A_281 = arith.constant 0 : i32
      %dma_wait3A_282 = tpu.memref_slice %arg5[%add3A_25, %dma_wait3A_281] : memref<10240x64xf32, #tpu.memory_space<vmem_shared>> -> memref<64x64xf32, #tpu.memory_space<vmem_shared>>
      tpu.wait_dma2 semaphore(%run_scoped3A_274 : memref<!tpu.dma_semaphore, #tpu.memory_space<semaphore_mem>>) src(%arg9 : memref<64x64xf32, #tpu.memory_space<vmem>>) dst(%dma_wait3A_282 : memref<64x64xf32, #tpu.memory_space<vmem_shared>>)
      tpu.yield
    }) : () -> ()
    %mul3A_26 = arith.constant 640 : i32
    %mul3A_27 = arith.muli %arg1, %mul3A_26 : i32
    %add3A_28 = arith.constant 192 : i32
    %add3A_29 = arith.addi %mul3A_27, %add3A_28 : i32
    "tpu.region"() ({
      %run_scoped3A_274 = tpu.sem_alloc : memref<!tpu.dma_semaphore, #tpu.memory_space<semaphore_mem>>
      %dma_start3A_275 = arith.constant 0 : i32
      %dma_start3A_276 = tpu.memref_slice %arg5[%add3A_29, %dma_start3A_275] : memref<10240x64xf32, #tpu.memory_space<vmem_shared>> -> memref<64x64xf32, #tpu.memory_space<vmem_shared>>
      %dma_start3A_277 = arith.constant 0 : i32
      %dma_start3A_278 = tpu.memref_slice %arg5[%add3A_29, %dma_start3A_277] : memref<10240x64xf32, #tpu.memory_space<vmem_shared>> -> memref<64x64xf32, #tpu.memory_space<vmem_shared>>
      tpu.enqueue_dma source(%arg9 : memref<64x64xf32, #tpu.memory_space<vmem>>) target(%dma_start3A_278 : memref<64x64xf32, #tpu.memory_space<vmem_shared>>) target_semaphore(%run_scoped3A_274 : memref<!tpu.dma_semaphore, #tpu.memory_space<semaphore_mem>>)
      %dma_wait3A_279 = arith.constant 0 : i32
      %dma_wait3A_280 = tpu.memref_slice %arg5[%add3A_29, %dma_wait3A_279] : memref<10240x64xf32, #tpu.memory_space<vmem_shared>> -> memref<64x64xf32, #tpu.memory_space<vmem_shared>>
      %dma_wait3A_281 = arith.constant 0 : i32
      %dma_wait3A_282 = tpu.memref_slice %arg5[%add3A_29, %dma_wait3A_281] : memref<10240x64xf32, #tpu.memory_space<vmem_shared>> -> memref<64x64xf32, #tpu.memory_space<vmem_shared>>
      tpu.wait_dma2 semaphore(%run_scoped3A_274 : memref<!tpu.dma_semaphore, #tpu.memory_space<semaphore_mem>>) src(%arg9 : memref<64x64xf32, #tpu.memory_space<vmem>>) dst(%dma_wait3A_282 : memref<64x64xf32, #tpu.memory_space<vmem_shared>>)
      tpu.yield
    }) : () -> ()
    %mul3A_30 = arith.constant 640 : i32
    %mul3A_31 = arith.muli %arg1, %mul3A_30 : i32
    %add3A_32 = arith.constant 256 : i32
    %add3A_33 = arith.addi %mul3A_31, %add3A_32 : i32
    "tpu.region"() ({
      %run_scoped3A_274 = tpu.sem_alloc : memref<!tpu.dma_semaphore, #tpu.memory_space<semaphore_mem>>
      %dma_start3A_275 = arith.constant 0 : i32
      %dma_start3A_276 = tpu.memref_slice %arg5[%add3A_33, %dma_start3A_275] : memref<10240x64xf32, #tpu.memory_space<vmem_shared>> -> memref<64x64xf32, #tpu.memory_space<vmem_shared>>
      %dma_start3A_277 = arith.constant 0 : i32
      %dma_start3A_278 = tpu.memref_slice %arg5[%add3A_33, %dma_start3A_277] : memref<10240x64xf32, #tpu.memory_space<vmem_shared>> -> memref<64x64xf32, #tpu.memory_space<vmem_shared>>
      tpu.enqueue_dma source(%arg9 : memref<64x64xf32, #tpu.memory_space<vmem>>) target(%dma_start3A_278 : memref<64x64xf32, #tpu.memory_space<vmem_shared>>) target_semaphore(%run_scoped3A_274 : memref<!tpu.dma_semaphore, #tpu.memory_space<semaphore_mem>>)
      %dma_wait3A_279 = arith.constant 0 : i32
      %dma_wait3A_280 = tpu.memref_slice %arg5[%add3A_33, %dma_wait3A_279] : memref<10240x64xf32, #tpu.memory_space<vmem_shared>> -> memref<64x64xf32, #tpu.memory_space<vmem_shared>>
      %dma_wait3A_281 = arith.constant 0 : i32
      %dma_wait3A_282 = tpu.memref_slice %arg5[%add3A_33, %dma_wait3A_281] : memref<10240x64xf32, #tpu.memory_space<vmem_shared>> -> memref<64x64xf32, #tpu.memory_space<vmem_shared>>
      tpu.wait_dma2 semaphore(%run_scoped3A_274 : memref<!tpu.dma_semaphore, #tpu.memory_space<semaphore_mem>>) src(%arg9 : memref<64x64xf32, #tpu.memory_space<vmem>>) dst(%dma_wait3A_282 : memref<64x64xf32, #tpu.memory_space<vmem_shared>>)
      tpu.yield
    }) : () -> ()
    %mul3A_34 = arith.constant 640 : i32
    %mul3A_35 = arith.muli %arg1, %mul3A_34 : i32
    %add3A_36 = arith.constant 320 : i32
    %add3A_37 = arith.addi %mul3A_35, %add3A_36 : i32
    "tpu.region"() ({
      %run_scoped3A_274 = tpu.sem_alloc : memref<!tpu.dma_semaphore, #tpu.memory_space<semaphore_mem>>
      %dma_start3A_275 = arith.constant 0 : i32
      %dma_start3A_276 = tpu.memref_slice %arg5[%add3A_37, %dma_start3A_275] : memref<10240x64xf32, #tpu.memory_space<vmem_shared>> -> memref<64x64xf32, #tpu.memory_space<vmem_shared>>
      %dma_start3A_277 = arith.constant 0 : i32
      %dma_start3A_278 = tpu.memref_slice %arg5[%add3A_37, %dma_start3A_277] : memref<10240x64xf32, #tpu.memory_space<vmem_shared>> -> memref<64x64xf32, #tpu.memory_space<vmem_shared>>
      tpu.enqueue_dma source(%arg9 : memref<64x64xf32, #tpu.memory_space<vmem>>) target(%dma_start3A_278 : memref<64x64xf32, #tpu.memory_space<vmem_shared>>) target_semaphore(%run_scoped3A_274 : memref<!tpu.dma_semaphore, #tpu.memory_space<semaphore_mem>>)
      %dma_wait3A_279 = arith.constant 0 : i32
      %dma_wait3A_280 = tpu.memref_slice %arg5[%add3A_37, %dma_wait3A_279] : memref<10240x64xf32, #tpu.memory_space<vmem_shared>> -> memref<64x64xf32, #tpu.memory_space<vmem_shared>>
      %dma_wait3A_281 = arith.constant 0 : i32
      %dma_wait3A_282 = tpu.memref_slice %arg5[%add3A_37, %dma_wait3A_281] : memref<10240x64xf32, #tpu.memory_space<vmem_shared>> -> memref<64x64xf32, #tpu.memory_space<vmem_shared>>
      tpu.wait_dma2 semaphore(%run_scoped3A_274 : memref<!tpu.dma_semaphore, #tpu.memory_space<semaphore_mem>>) src(%arg9 : memref<64x64xf32, #tpu.memory_space<vmem>>) dst(%dma_wait3A_282 : memref<64x64xf32, #tpu.memory_space<vmem_shared>>)
      tpu.yield
    }) : () -> ()
    %mul3A_38 = arith.constant 640 : i32
    %mul3A_39 = arith.muli %arg1, %mul3A_38 : i32
    %add3A_40 = arith.constant 384 : i32
    %add3A_41 = arith.addi %mul3A_39, %add3A_40 : i32
    "tpu.region"() ({
      %run_scoped3A_274 = tpu.sem_alloc : memref<!tpu.dma_semaphore, #tpu.memory_space<semaphore_mem>>
      %dma_start3A_275 = arith.constant 0 : i32
      %dma_start3A_276 = tpu.memref_slice %arg5[%add3A_41, %dma_start3A_275] : memref<10240x64xf32, #tpu.memory_space<vmem_shared>> -> memref<64x64xf32, #tpu.memory_space<vmem_shared>>
      %dma_start3A_277 = arith.constant 0 : i32
      %dma_start3A_278 = tpu.memref_slice %arg5[%add3A_41, %dma_start3A_277] : memref<10240x64xf32, #tpu.memory_space<vmem_shared>> -> memref<64x64xf32, #tpu.memory_space<vmem_shared>>
      tpu.enqueue_dma source(%arg9 : memref<64x64xf32, #tpu.memory_space<vmem>>) target(%dma_start3A_278 : memref<64x64xf32, #tpu.memory_space<vmem_shared>>) target_semaphore(%run_scoped3A_274 : memref<!tpu.dma_semaphore, #tpu.memory_space<semaphore_mem>>)
      %dma_wait3A_279 = arith.constant 0 : i32
      %dma_wait3A_280 = tpu.memref_slice %arg5[%add3A_41, %dma_wait3A_279] : memref<10240x64xf32, #tpu.memory_space<vmem_shared>> -> memref<64x64xf32, #tpu.memory_space<vmem_shared>>
      %dma_wait3A_281 = arith.constant 0 : i32
      %dma_wait3A_282 = tpu.memref_slice %arg5[%add3A_41, %dma_wait3A_281] : memref<10240x64xf32, #tpu.memory_space<vmem_shared>> -> memref<64x64xf32, #tpu.memory_space<vmem_shared>>
      tpu.wait_dma2 semaphore(%run_scoped3A_274 : memref<!tpu.dma_semaphore, #tpu.memory_space<semaphore_mem>>) src(%arg9 : memref<64x64xf32, #tpu.memory_space<vmem>>) dst(%dma_wait3A_282 : memref<64x64xf32, #tpu.memory_space<vmem_shared>>)
      tpu.yield
    }) : () -> ()
    %mul3A_42 = arith.constant 640 : i32
    %mul3A_43 = arith.muli %arg1, %mul3A_42 : i32
    %add3A_44 = arith.constant 448 : i32
    %add3A_45 = arith.addi %mul3A_43, %add3A_44 : i32
    "tpu.region"() ({
      %run_scoped3A_274 = tpu.sem_alloc : memref<!tpu.dma_semaphore, #tpu.memory_space<semaphore_mem>>
      %dma_start3A_275 = arith.constant 0 : i32
      %dma_start3A_276 = tpu.memref_slice %arg5[%add3A_45, %dma_start3A_275] : memref<10240x64xf32, #tpu.memory_space<vmem_shared>> -> memref<64x64xf32, #tpu.memory_space<vmem_shared>>
      %dma_start3A_277 = arith.constant 0 : i32
      %dma_start3A_278 = tpu.memref_slice %arg5[%add3A_45, %dma_start3A_277] : memref<10240x64xf32, #tpu.memory_space<vmem_shared>> -> memref<64x64xf32, #tpu.memory_space<vmem_shared>>
      tpu.enqueue_dma source(%arg9 : memref<64x64xf32, #tpu.memory_space<vmem>>) target(%dma_start3A_278 : memref<64x64xf32, #tpu.memory_space<vmem_shared>>) target_semaphore(%run_scoped3A_274 : memref<!tpu.dma_semaphore, #tpu.memory_space<semaphore_mem>>)
      %dma_wait3A_279 = arith.constant 0 : i32
      %dma_wait3A_280 = tpu.memref_slice %arg5[%add3A_45, %dma_wait3A_279] : memref<10240x64xf32, #tpu.memory_space<vmem_shared>> -> memref<64x64xf32, #tpu.memory_space<vmem_shared>>
      %dma_wait3A_281 = arith.constant 0 : i32
      %dma_wait3A_282 = tpu.memref_slice %arg5[%add3A_45, %dma_wait3A_281] : memref<10240x64xf32, #tpu.memory_space<vmem_shared>> -> memref<64x64xf32, #tpu.memory_space<vmem_shared>>
      tpu.wait_dma2 semaphore(%run_scoped3A_274 : memref<!tpu.dma_semaphore, #tpu.memory_space<semaphore_mem>>) src(%arg9 : memref<64x64xf32, #tpu.memory_space<vmem>>) dst(%dma_wait3A_282 : memref<64x64xf32, #tpu.memory_space<vmem_shared>>)
      tpu.yield
    }) : () -> ()
    %mul3A_46 = arith.constant 640 : i32
    %mul3A_47 = arith.muli %arg1, %mul3A_46 : i32
    %add3A_48 = arith.constant 512 : i32
    %add3A_49 = arith.addi %mul3A_47, %add3A_48 : i32
    "tpu.region"() ({
      %run_scoped3A_274 = tpu.sem_alloc : memref<!tpu.dma_semaphore, #tpu.memory_space<semaphore_mem>>
      %dma_start3A_275 = arith.constant 0 : i32
      %dma_start3A_276 = tpu.memref_slice %arg5[%add3A_49, %dma_start3A_275] : memref<10240x64xf32, #tpu.memory_space<vmem_shared>> -> memref<64x64xf32, #tpu.memory_space<vmem_shared>>
      %dma_start3A_277 = arith.constant 0 : i32
      %dma_start3A_278 = tpu.memref_slice %arg5[%add3A_49, %dma_start3A_277] : memref<10240x64xf32, #tpu.memory_space<vmem_shared>> -> memref<64x64xf32, #tpu.memory_space<vmem_shared>>
      tpu.enqueue_dma source(%arg9 : memref<64x64xf32, #tpu.memory_space<vmem>>) target(%dma_start3A_278 : memref<64x64xf32, #tpu.memory_space<vmem_shared>>) target_semaphore(%run_scoped3A_274 : memref<!tpu.dma_semaphore, #tpu.memory_space<semaphore_mem>>)
      %dma_wait3A_279 = arith.constant 0 : i32
      %dma_wait3A_280 = tpu.memref_slice %arg5[%add3A_49, %dma_wait3A_279] : memref<10240x64xf32, #tpu.memory_space<vmem_shared>> -> memref<64x64xf32, #tpu.memory_space<vmem_shared>>
      %dma_wait3A_281 = arith.constant 0 : i32
      %dma_wait3A_282 = tpu.memref_slice %arg5[%add3A_49, %dma_wait3A_281] : memref<10240x64xf32, #tpu.memory_space<vmem_shared>> -> memref<64x64xf32, #tpu.memory_space<vmem_shared>>
      tpu.wait_dma2 semaphore(%run_scoped3A_274 : memref<!tpu.dma_semaphore, #tpu.memory_space<semaphore_mem>>) src(%arg9 : memref<64x64xf32, #tpu.memory_space<vmem>>) dst(%dma_wait3A_282 : memref<64x64xf32, #tpu.memory_space<vmem_shared>>)
      tpu.yield
    }) : () -> ()
    %mul3A_50 = arith.constant 640 : i32
    %mul3A_51 = arith.muli %arg1, %mul3A_50 : i32
    %add3A_52 = arith.constant 576 : i32
    %add3A_53 = arith.addi %mul3A_51, %add3A_52 : i32
    "tpu.region"() ({
      %run_scoped3A_274 = tpu.sem_alloc : memref<!tpu.dma_semaphore, #tpu.memory_space<semaphore_mem>>
      %dma_start3A_275 = arith.constant 0 : i32
      %dma_start3A_276 = tpu.memref_slice %arg5[%add3A_53, %dma_start3A_275] : memref<10240x64xf32, #tpu.memory_space<vmem_shared>> -> memref<64x64xf32, #tpu.memory_space<vmem_shared>>
      %dma_start3A_277 = arith.constant 0 : i32
      %dma_start3A_278 = tpu.memref_slice %arg5[%add3A_53, %dma_start3A_277] : memref<10240x64xf32, #tpu.memory_space<vmem_shared>> -> memref<64x64xf32, #tpu.memory_space<vmem_shared>>
      tpu.enqueue_dma source(%arg9 : memref<64x64xf32, #tpu.memory_space<vmem>>) target(%dma_start3A_278 : memref<64x64xf32, #tpu.memory_space<vmem_shared>>) target_semaphore(%run_scoped3A_274 : memref<!tpu.dma_semaphore, #tpu.memory_space<semaphore_mem>>)
      %dma_wait3A_279 = arith.constant 0 : i32
      %dma_wait3A_280 = tpu.memref_slice %arg5[%add3A_53, %dma_wait3A_279] : memref<10240x64xf32, #tpu.memory_space<vmem_shared>> -> memref<64x64xf32, #tpu.memory_space<vmem_shared>>
      %dma_wait3A_281 = arith.constant 0 : i32
      %dma_wait3A_282 = tpu.memref_slice %arg5[%add3A_53, %dma_wait3A_281] : memref<10240x64xf32, #tpu.memory_space<vmem_shared>> -> memref<64x64xf32, #tpu.memory_space<vmem_shared>>
      tpu.wait_dma2 semaphore(%run_scoped3A_274 : memref<!tpu.dma_semaphore, #tpu.memory_space<semaphore_mem>>) src(%arg9 : memref<64x64xf32, #tpu.memory_space<vmem>>) dst(%dma_wait3A_282 : memref<64x64xf32, #tpu.memory_space<vmem_shared>>)
      tpu.yield
    }) : () -> ()
    %barrier3A = arith.constant 0 : index
    tpu.barrier barrier_id(%barrier3A)
    %dma_start3A = arith.constant 0 : i32
    %dma_start3A_54 = arith.constant 0 : i32
    %dma_start3A_55 = arith.constant 0 : i32
    %dma_start3A_56 = arith.constant 0 : i32
    %dma_start3A_57 = arith.constant 0 : i32
    %dma_start3A_58 = tpu.memref_slice %arg8[%dma_start3A_54, %dma_start3A_56, %dma_start3A_57] : memref<5x80x64xf32, #tpu.memory_space<vmem>> -> memref<1x80x64xf32, #tpu.memory_space<vmem>>
    %dma_start3A_59 = tpu.memref_squeeze %dma_start3A_58 : memref<1x80x64xf32, #tpu.memory_space<vmem>> -> memref<80x64xf32, #tpu.memory_space<vmem>>
    %dma_start3A_60 = arith.constant 0 : i32
    %dma_start3A_61 = tpu.memref_slice %arg6[%dma_start3A, %dma_start3A_60] : memref<125x80xi32, #tpu.memory_space<vmem>> -> memref<1x80xi32, #tpu.memory_space<vmem>>
    %dma_start3A_62 = tpu.memref_squeeze %dma_start3A_61 : memref<1x80xi32, #tpu.memory_space<vmem>> -> memref<80xi32, #tpu.memory_space<vmem>>
    %dma_start3A_63 = arith.constant 0 : i32
    %dma_start3A_64 = arith.constant 0 : i32
    %dma_start3A_65 = tpu.memref_slice %arg2[%dma_start3A_63, %dma_start3A_64] : memref<10000x64xf32, #tpu.memory_space<hbm>> -> memref<10000x64xf32, #tpu.memory_space<hbm>>
    %dma_start3A_66 = tpu.memref_slice %arg11[%dma_start3A_55] : memref<5x!tpu.dma_semaphore, #tpu.memory_space<semaphore_mem>> -> memref<1x!tpu.dma_semaphore, #tpu.memory_space<semaphore_mem>>
    %dma_start3A_67 = tpu.memref_squeeze %dma_start3A_66 : memref<1x!tpu.dma_semaphore, #tpu.memory_space<semaphore_mem>> -> memref<!tpu.dma_semaphore, #tpu.memory_space<semaphore_mem>>
    tpu.enqueue_indirect_dma source(%dma_start3A_65 : memref<10000x64xf32, #tpu.memory_space<hbm>>) target(%dma_start3A_59 : memref<80x64xf32, #tpu.memory_space<vmem>>) offsets(%dma_start3A_62 : memref<80xi32, #tpu.memory_space<vmem>>) semaphore(%dma_start3A_67 : memref<!tpu.dma_semaphore, #tpu.memory_space<semaphore_mem>>)
    %dma_start3A_68 = arith.constant 1 : i32
    %dma_start3A_69 = arith.constant 1 : i32
    %dma_start3A_70 = arith.constant 1 : i32
    %dma_start3A_71 = arith.constant 0 : i32
    %dma_start3A_72 = arith.constant 0 : i32
    %dma_start3A_73 = tpu.memref_slice %arg8[%dma_start3A_69, %dma_start3A_71, %dma_start3A_72] : memref<5x80x64xf32, #tpu.memory_space<vmem>> -> memref<1x80x64xf32, #tpu.memory_space<vmem>>
    %dma_start3A_74 = tpu.memref_squeeze %dma_start3A_73 : memref<1x80x64xf32, #tpu.memory_space<vmem>> -> memref<80x64xf32, #tpu.memory_space<vmem>>
    %dma_start3A_75 = arith.constant 0 : i32
    %dma_start3A_76 = tpu.memref_slice %arg6[%dma_start3A_68, %dma_start3A_75] : memref<125x80xi32, #tpu.memory_space<vmem>> -> memref<1x80xi32, #tpu.memory_space<vmem>>
    %dma_start3A_77 = tpu.memref_squeeze %dma_start3A_76 : memref<1x80xi32, #tpu.memory_space<vmem>> -> memref<80xi32, #tpu.memory_space<vmem>>
    %dma_start3A_78 = arith.constant 0 : i32
    %dma_start3A_79 = arith.constant 0 : i32
    %dma_start3A_80 = tpu.memref_slice %arg2[%dma_start3A_78, %dma_start3A_79] : memref<10000x64xf32, #tpu.memory_space<hbm>> -> memref<10000x64xf32, #tpu.memory_space<hbm>>
    %dma_start3A_81 = tpu.memref_slice %arg11[%dma_start3A_70] : memref<5x!tpu.dma_semaphore, #tpu.memory_space<semaphore_mem>> -> memref<1x!tpu.dma_semaphore, #tpu.memory_space<semaphore_mem>>
    %dma_start3A_82 = tpu.memref_squeeze %dma_start3A_81 : memref<1x!tpu.dma_semaphore, #tpu.memory_space<semaphore_mem>> -> memref<!tpu.dma_semaphore, #tpu.memory_space<semaphore_mem>>
    tpu.enqueue_indirect_dma source(%dma_start3A_80 : memref<10000x64xf32, #tpu.memory_space<hbm>>) target(%dma_start3A_74 : memref<80x64xf32, #tpu.memory_space<vmem>>) offsets(%dma_start3A_77 : memref<80xi32, #tpu.memory_space<vmem>>) semaphore(%dma_start3A_82 : memref<!tpu.dma_semaphore, #tpu.memory_space<semaphore_mem>>)
    %dma_start3A_83 = arith.constant 2 : i32
    %dma_start3A_84 = arith.constant 2 : i32
    %dma_start3A_85 = arith.constant 2 : i32
    %dma_start3A_86 = arith.constant 0 : i32
    %dma_start3A_87 = arith.constant 0 : i32
    %dma_start3A_88 = tpu.memref_slice %arg8[%dma_start3A_84, %dma_start3A_86, %dma_start3A_87] : memref<5x80x64xf32, #tpu.memory_space<vmem>> -> memref<1x80x64xf32, #tpu.memory_space<vmem>>
    %dma_start3A_89 = tpu.memref_squeeze %dma_start3A_88 : memref<1x80x64xf32, #tpu.memory_space<vmem>> -> memref<80x64xf32, #tpu.memory_space<vmem>>
    %dma_start3A_90 = arith.constant 0 : i32
    %dma_start3A_91 = tpu.memref_slice %arg6[%dma_start3A_83, %dma_start3A_90] : memref<125x80xi32, #tpu.memory_space<vmem>> -> memref<1x80xi32, #tpu.memory_space<vmem>>
    %dma_start3A_92 = tpu.memref_squeeze %dma_start3A_91 : memref<1x80xi32, #tpu.memory_space<vmem>> -> memref<80xi32, #tpu.memory_space<vmem>>
    %dma_start3A_93 = arith.constant 0 : i32
    %dma_start3A_94 = arith.constant 0 : i32
    %dma_start3A_95 = tpu.memref_slice %arg2[%dma_start3A_93, %dma_start3A_94] : memref<10000x64xf32, #tpu.memory_space<hbm>> -> memref<10000x64xf32, #tpu.memory_space<hbm>>
    %dma_start3A_96 = tpu.memref_slice %arg11[%dma_start3A_85] : memref<5x!tpu.dma_semaphore, #tpu.memory_space<semaphore_mem>> -> memref<1x!tpu.dma_semaphore, #tpu.memory_space<semaphore_mem>>
    %dma_start3A_97 = tpu.memref_squeeze %dma_start3A_96 : memref<1x!tpu.dma_semaphore, #tpu.memory_space<semaphore_mem>> -> memref<!tpu.dma_semaphore, #tpu.memory_space<semaphore_mem>>
    tpu.enqueue_indirect_dma source(%dma_start3A_95 : memref<10000x64xf32, #tpu.memory_space<hbm>>) target(%dma_start3A_89 : memref<80x64xf32, #tpu.memory_space<vmem>>) offsets(%dma_start3A_92 : memref<80xi32, #tpu.memory_space<vmem>>) semaphore(%dma_start3A_97 : memref<!tpu.dma_semaphore, #tpu.memory_space<semaphore_mem>>)
    %dma_start3A_98 = arith.constant 3 : i32
    %dma_start3A_99 = arith.constant 3 : i32
    %dma_start3A_100 = arith.constant 3 : i32
    %dma_start3A_101 = arith.constant 0 : i32
    %dma_start3A_102 = arith.constant 0 : i32
    %dma_start3A_103 = tpu.memref_slice %arg8[%dma_start3A_99, %dma_start3A_101, %dma_start3A_102] : memref<5x80x64xf32, #tpu.memory_space<vmem>> -> memref<1x80x64xf32, #tpu.memory_space<vmem>>
    %dma_start3A_104 = tpu.memref_squeeze %dma_start3A_103 : memref<1x80x64xf32, #tpu.memory_space<vmem>> -> memref<80x64xf32, #tpu.memory_space<vmem>>
    %dma_start3A_105 = arith.constant 0 : i32
    %dma_start3A_106 = tpu.memref_slice %arg6[%dma_start3A_98, %dma_start3A_105] : memref<125x80xi32, #tpu.memory_space<vmem>> -> memref<1x80xi32, #tpu.memory_space<vmem>>
    %dma_start3A_107 = tpu.memref_squeeze %dma_start3A_106 : memref<1x80xi32, #tpu.memory_space<vmem>> -> memref<80xi32, #tpu.memory_space<vmem>>
    %dma_start3A_108 = arith.constant 0 : i32
    %dma_start3A_109 = arith.constant 0 : i32
    %dma_start3A_110 = tpu.memref_slice %arg2[%dma_start3A_108, %dma_start3A_109] : memref<10000x64xf32, #tpu.memory_space<hbm>> -> memref<10000x64xf32, #tpu.memory_space<hbm>>
    %dma_start3A_111 = tpu.memref_slice %arg11[%dma_start3A_100] : memref<5x!tpu.dma_semaphore, #tpu.memory_space<semaphore_mem>> -> memref<1x!tpu.dma_semaphore, #tpu.memory_space<semaphore_mem>>
    %dma_start3A_112 = tpu.memref_squeeze %dma_start3A_111 : memref<1x!tpu.dma_semaphore, #tpu.memory_space<semaphore_mem>> -> memref<!tpu.dma_semaphore, #tpu.memory_space<semaphore_mem>>
    tpu.enqueue_indirect_dma source(%dma_start3A_110 : memref<10000x64xf32, #tpu.memory_space<hbm>>) target(%dma_start3A_104 : memref<80x64xf32, #tpu.memory_space<vmem>>) offsets(%dma_start3A_107 : memref<80xi32, #tpu.memory_space<vmem>>) semaphore(%dma_start3A_112 : memref<!tpu.dma_semaphore, #tpu.memory_space<semaphore_mem>>)
    %dma_start3A_113 = arith.constant 4 : i32
    %dma_start3A_114 = arith.constant 4 : i32
    %dma_start3A_115 = arith.constant 4 : i32
    %dma_start3A_116 = arith.constant 0 : i32
    %dma_start3A_117 = arith.constant 0 : i32
    %dma_start3A_118 = tpu.memref_slice %arg8[%dma_start3A_114, %dma_start3A_116, %dma_start3A_117] : memref<5x80x64xf32, #tpu.memory_space<vmem>> -> memref<1x80x64xf32, #tpu.memory_space<vmem>>
    %dma_start3A_119 = tpu.memref_squeeze %dma_start3A_118 : memref<1x80x64xf32, #tpu.memory_space<vmem>> -> memref<80x64xf32, #tpu.memory_space<vmem>>
    %dma_start3A_120 = arith.constant 0 : i32
    %dma_start3A_121 = tpu.memref_slice %arg6[%dma_start3A_113, %dma_start3A_120] : memref<125x80xi32, #tpu.memory_space<vmem>> -> memref<1x80xi32, #tpu.memory_space<vmem>>
    %dma_start3A_122 = tpu.memref_squeeze %dma_start3A_121 : memref<1x80xi32, #tpu.memory_space<vmem>> -> memref<80xi32, #tpu.memory_space<vmem>>
    %dma_start3A_123 = arith.constant 0 : i32
    %dma_start3A_124 = arith.constant 0 : i32
    %dma_start3A_125 = tpu.memref_slice %arg2[%dma_start3A_123, %dma_start3A_124] : memref<10000x64xf32, #tpu.memory_space<hbm>> -> memref<10000x64xf32, #tpu.memory_space<hbm>>
    %dma_start3A_126 = tpu.memref_slice %arg11[%dma_start3A_115] : memref<5x!tpu.dma_semaphore, #tpu.memory_space<semaphore_mem>> -> memref<1x!tpu.dma_semaphore, #tpu.memory_space<semaphore_mem>>
    %dma_start3A_127 = tpu.memref_squeeze %dma_start3A_126 : memref<1x!tpu.dma_semaphore, #tpu.memory_space<semaphore_mem>> -> memref<!tpu.dma_semaphore, #tpu.memory_space<semaphore_mem>>
    tpu.enqueue_indirect_dma source(%dma_start3A_125 : memref<10000x64xf32, #tpu.memory_space<hbm>>) target(%dma_start3A_119 : memref<80x64xf32, #tpu.memory_space<vmem>>) offsets(%dma_start3A_122 : memref<80xi32, #tpu.memory_space<vmem>>) semaphore(%dma_start3A_127 : memref<!tpu.dma_semaphore, #tpu.memory_space<semaphore_mem>>)
    %scan3A_128 = arith.constant 0 : i32
    %scan3A_129 = arith.constant 0 : i32
    %scan3A_130 = arith.constant 24 : i32
    %scan3A_131 = arith.addi %scan3A_129, %scan3A_130 : i32
    %scan3A_132 = arith.constant 1 : i32
    scf.for %scan3A_274 = %scan3A_129 to %scan3A_131 step %scan3A_132  : i32 {
      %mul3A_275 = arith.constant 5 : i32
      %mul3A_276 = arith.muli %scan3A_274, %mul3A_275 : i32
      %add3A_277 = arith.constant 0 : i32
      %add3A_278 = arith.addi %mul3A_276, %add3A_277 : i32
      %dma_wait3A_279 = arith.constant 0 : i32
      %dma_wait3A_280 = arith.constant 0 : i32
      %dma_wait3A_281 = arith.constant 0 : i32
      %dma_wait3A_282 = arith.constant 0 : i32
      %dma_wait3A_283 = tpu.memref_slice %arg8[%dma_wait3A_279, %dma_wait3A_281, %dma_wait3A_282] : memref<5x80x64xf32, #tpu.memory_space<vmem>> -> memref<1x80x64xf32, #tpu.memory_space<vmem>>
      %dma_wait3A_284 = tpu.memref_squeeze %dma_wait3A_283 : memref<1x80x64xf32, #tpu.memory_space<vmem>> -> memref<80x64xf32, #tpu.memory_space<vmem>>
      %dma_wait3A_285 = arith.constant 0 : i32
      %dma_wait3A_286 = arith.constant 0 : i32
      %dma_wait3A_287 = tpu.memref_slice %arg2[%dma_wait3A_285, %dma_wait3A_286] : memref<10000x64xf32, #tpu.memory_space<hbm>> -> memref<80x64xf32, #tpu.memory_space<hbm>>
      %dma_wait3A_288 = tpu.memref_slice %arg11[%dma_wait3A_280] : memref<5x!tpu.dma_semaphore, #tpu.memory_space<semaphore_mem>> -> memref<1x!tpu.dma_semaphore, #tpu.memory_space<semaphore_mem>>
      %dma_wait3A_289 = tpu.memref_squeeze %dma_wait3A_288 : memref<1x!tpu.dma_semaphore, #tpu.memory_space<semaphore_mem>> -> memref<!tpu.dma_semaphore, #tpu.memory_space<semaphore_mem>>
      %dma_wait3A_290 = arith.constant 0 : i32
      %dma_wait3A_291 = arith.constant 0 : i32
      %dma_wait3A_292 = tpu.memref_slice %arg8[%dma_wait3A_279, %dma_wait3A_290, %dma_wait3A_291] : memref<5x80x64xf32, #tpu.memory_space<vmem>> -> memref<1x80x64xf32, #tpu.memory_space<vmem>>
      %dma_wait3A_293 = tpu.memref_squeeze %dma_wait3A_292 : memref<1x80x64xf32, #tpu.memory_space<vmem>> -> memref<80x64xf32, #tpu.memory_space<vmem>>
      %dma_wait3A_294 = arith.constant 0 : i32
      %dma_wait3A_295 = arith.constant 0 : i32
      %dma_wait3A_296 = tpu.memref_slice %arg2[%dma_wait3A_294, %dma_wait3A_295] : memref<10000x64xf32, #tpu.memory_space<hbm>> -> memref<80x64xf32, #tpu.memory_space<hbm>>
      tpu.wait_dma2 semaphore(%dma_wait3A_289 : memref<!tpu.dma_semaphore, #tpu.memory_space<semaphore_mem>>) src(%dma_wait3A_296 : memref<80x64xf32, #tpu.memory_space<hbm>>) dst(%dma_wait3A_293 : memref<80x64xf32, #tpu.memory_space<vmem>>)
      %run_scoped3A_297 = arith.constant 0 : i32
      "tpu.region"() ({
        %run_scoped3A_470 = tpu.sem_alloc : memref<!tpu.dma_semaphore, #tpu.memory_space<semaphore_mem>>
        %dma_start3A_471 = arith.constant 0 : i32
        %dma_start3A_472 = arith.constant 0 : i32
        %dma_start3A_473 = tpu.memref_slice %arg8[%run_scoped3A_297, %dma_start3A_471, %dma_start3A_472] : memref<5x80x64xf32, #tpu.memory_space<vmem>> -> memref<1x80x64xf32, #tpu.memory_space<vmem>>
        %dma_start3A_474 = tpu.memref_squeeze %dma_start3A_473 : memref<1x80x64xf32, #tpu.memory_space<vmem>> -> memref<80x64xf32, #tpu.memory_space<vmem>>
        %dma_start3A_475 = arith.constant 0 : i32
        %dma_start3A_476 = tpu.memref_slice %arg7[%add3A_278, %dma_start3A_475] : memref<125x80xi32, #tpu.memory_space<vmem>> -> memref<1x80xi32, #tpu.memory_space<vmem>>
        %dma_start3A_477 = tpu.memref_squeeze %dma_start3A_476 : memref<1x80xi32, #tpu.memory_space<vmem>> -> memref<80xi32, #tpu.memory_space<vmem>>
        %dma_start3A_478 = arith.constant 0 : i32
        %dma_start3A_479 = arith.constant 0 : i32
        %dma_start3A_480 = tpu.memref_slice %arg5[%dma_start3A_478, %dma_start3A_479] : memref<10240x64xf32, #tpu.memory_space<vmem_shared>> -> memref<10240x64xf32, #tpu.memory_space<vmem_shared>>
        tpu.enqueue_indirect_dma source(%dma_start3A_474 : memref<80x64xf32, #tpu.memory_space<vmem>>) target(%dma_start3A_480 : memref<10240x64xf32, #tpu.memory_space<vmem_shared>>) offsets(%dma_start3A_477 : memref<80xi32, #tpu.memory_space<vmem>>) semaphore(%run_scoped3A_470 : memref<!tpu.dma_semaphore, #tpu.memory_space<semaphore_mem>>) {add = true}
        %dma_wait3A_481 = arith.constant 0 : i32
        %dma_wait3A_482 = arith.constant 0 : i32
        %dma_wait3A_483 = tpu.memref_slice %arg8[%run_scoped3A_297, %dma_wait3A_481, %dma_wait3A_482] : memref<5x80x64xf32, #tpu.memory_space<vmem>> -> memref<1x80x64xf32, #tpu.memory_space<vmem>>
        %dma_wait3A_484 = tpu.memref_squeeze %dma_wait3A_483 : memref<1x80x64xf32, #tpu.memory_space<vmem>> -> memref<80x64xf32, #tpu.memory_space<vmem>>
        %dma_wait3A_485 = arith.constant 0 : i32
        %dma_wait3A_486 = tpu.memref_slice %arg7[%add3A_278, %dma_wait3A_485] : memref<125x80xi32, #tpu.memory_space<vmem>> -> memref<1x80xi32, #tpu.memory_space<vmem>>
        %dma_wait3A_487 = tpu.memref_squeeze %dma_wait3A_486 : memref<1x80xi32, #tpu.memory_space<vmem>> -> memref<80xi32, #tpu.memory_space<vmem>>
        %dma_wait3A_488 = arith.constant 0 : i32
        %dma_wait3A_489 = arith.constant 0 : i32
        %dma_wait3A_490 = tpu.memref_slice %arg5[%dma_wait3A_488, %dma_wait3A_489] : memref<10240x64xf32, #tpu.memory_space<vmem_shared>> -> memref<10240x64xf32, #tpu.memory_space<vmem_shared>>
        tpu.wait_indirect_dma semaphore(%run_scoped3A_470 : memref<!tpu.dma_semaphore, #tpu.memory_space<semaphore_mem>>) src(%dma_wait3A_484 : memref<80x64xf32, #tpu.memory_space<vmem>>) dst(%dma_wait3A_490 : memref<10240x64xf32, #tpu.memory_space<vmem_shared>>)
        tpu.yield
      }) : () -> ()
      %add3A_298 = arith.constant 5 : i32
      %add3A_299 = arith.addi %add3A_278, %add3A_298 : i32
      %dma_start3A_300 = arith.constant 0 : i32
      %dma_start3A_301 = arith.constant 0 : i32
      %dma_start3A_302 = arith.constant 0 : i32
      %dma_start3A_303 = arith.constant 0 : i32
      %dma_start3A_304 = tpu.memref_slice %arg8[%dma_start3A_300, %dma_start3A_302, %dma_start3A_303] : memref<5x80x64xf32, #tpu.memory_space<vmem>> -> memref<1x80x64xf32, #tpu.memory_space<vmem>>
      %dma_start3A_305 = tpu.memref_squeeze %dma_start3A_304 : memref<1x80x64xf32, #tpu.memory_space<vmem>> -> memref<80x64xf32, #tpu.memory_space<vmem>>
      %dma_start3A_306 = arith.constant 0 : i32
      %dma_start3A_307 = tpu.memref_slice %arg6[%add3A_299, %dma_start3A_306] : memref<125x80xi32, #tpu.memory_space<vmem>> -> memref<1x80xi32, #tpu.memory_space<vmem>>
      %dma_start3A_308 = tpu.memref_squeeze %dma_start3A_307 : memref<1x80xi32, #tpu.memory_space<vmem>> -> memref<80xi32, #tpu.memory_space<vmem>>
      %dma_start3A_309 = arith.constant 0 : i32
      %dma_start3A_310 = arith.constant 0 : i32
      %dma_start3A_311 = tpu.memref_slice %arg2[%dma_start3A_309, %dma_start3A_310] : memref<10000x64xf32, #tpu.memory_space<hbm>> -> memref<10000x64xf32, #tpu.memory_space<hbm>>
      %dma_start3A_312 = tpu.memref_slice %arg11[%dma_start3A_301] : memref<5x!tpu.dma_semaphore, #tpu.memory_space<semaphore_mem>> -> memref<1x!tpu.dma_semaphore, #tpu.memory_space<semaphore_mem>>
      %dma_start3A_313 = tpu.memref_squeeze %dma_start3A_312 : memref<1x!tpu.dma_semaphore, #tpu.memory_space<semaphore_mem>> -> memref<!tpu.dma_semaphore, #tpu.memory_space<semaphore_mem>>
      tpu.enqueue_indirect_dma source(%dma_start3A_311 : memref<10000x64xf32, #tpu.memory_space<hbm>>) target(%dma_start3A_305 : memref<80x64xf32, #tpu.memory_space<vmem>>) offsets(%dma_start3A_308 : memref<80xi32, #tpu.memory_space<vmem>>) semaphore(%dma_start3A_313 : memref<!tpu.dma_semaphore, #tpu.memory_space<semaphore_mem>>)
      %mul3A_314 = arith.constant 5 : i32
      %mul3A_315 = arith.muli %scan3A_274, %mul3A_314 : i32
      %add3A_316 = arith.constant 1 : i32
      %add3A_317 = arith.addi %mul3A_315, %add3A_316 : i32
      %dma_wait3A_318 = arith.constant 1 : i32
      %dma_wait3A_319 = arith.constant 1 : i32
      %dma_wait3A_320 = arith.constant 0 : i32
      %dma_wait3A_321 = arith.constant 0 : i32
      %dma_wait3A_322 = tpu.memref_slice %arg8[%dma_wait3A_318, %dma_wait3A_320, %dma_wait3A_321] : memref<5x80x64xf32, #tpu.memory_space<vmem>> -> memref<1x80x64xf32, #tpu.memory_space<vmem>>
      %dma_wait3A_323 = tpu.memref_squeeze %dma_wait3A_322 : memref<1x80x64xf32, #tpu.memory_space<vmem>> -> memref<80x64xf32, #tpu.memory_space<vmem>>
      %dma_wait3A_324 = arith.constant 0 : i32
      %dma_wait3A_325 = arith.constant 0 : i32
      %dma_wait3A_326 = tpu.memref_slice %arg2[%dma_wait3A_324, %dma_wait3A_325] : memref<10000x64xf32, #tpu.memory_space<hbm>> -> memref<80x64xf32, #tpu.memory_space<hbm>>
      %dma_wait3A_327 = tpu.memref_slice %arg11[%dma_wait3A_319] : memref<5x!tpu.dma_semaphore, #tpu.memory_space<semaphore_mem>> -> memref<1x!tpu.dma_semaphore, #tpu.memory_space<semaphore_mem>>
      %dma_wait3A_328 = tpu.memref_squeeze %dma_wait3A_327 : memref<1x!tpu.dma_semaphore, #tpu.memory_space<semaphore_mem>> -> memref<!tpu.dma_semaphore, #tpu.memory_space<semaphore_mem>>
      %dma_wait3A_329 = arith.constant 0 : i32
      %dma_wait3A_330 = arith.constant 0 : i32
      %dma_wait3A_331 = tpu.memref_slice %arg8[%dma_wait3A_318, %dma_wait3A_329, %dma_wait3A_330] : memref<5x80x64xf32, #tpu.memory_space<vmem>> -> memref<1x80x64xf32, #tpu.memory_space<vmem>>
      %dma_wait3A_332 = tpu.memref_squeeze %dma_wait3A_331 : memref<1x80x64xf32, #tpu.memory_space<vmem>> -> memref<80x64xf32, #tpu.memory_space<vmem>>
      %dma_wait3A_333 = arith.constant 0 : i32
      %dma_wait3A_334 = arith.constant 0 : i32
      %dma_wait3A_335 = tpu.memref_slice %arg2[%dma_wait3A_333, %dma_wait3A_334] : memref<10000x64xf32, #tpu.memory_space<hbm>> -> memref<80x64xf32, #tpu.memory_space<hbm>>
      tpu.wait_dma2 semaphore(%dma_wait3A_328 : memref<!tpu.dma_semaphore, #tpu.memory_space<semaphore_mem>>) src(%dma_wait3A_335 : memref<80x64xf32, #tpu.memory_space<hbm>>) dst(%dma_wait3A_332 : memref<80x64xf32, #tpu.memory_space<vmem>>)
      %run_scoped3A_336 = arith.constant 1 : i32
      "tpu.region"() ({
        %run_scoped3A_470 = tpu.sem_alloc : memref<!tpu.dma_semaphore, #tpu.memory_space<semaphore_mem>>
        %dma_start3A_471 = arith.constant 0 : i32
        %dma_start3A_472 = arith.constant 0 : i32
        %dma_start3A_473 = tpu.memref_slice %arg8[%run_scoped3A_336, %dma_start3A_471, %dma_start3A_472] : memref<5x80x64xf32, #tpu.memory_space<vmem>> -> memref<1x80x64xf32, #tpu.memory_space<vmem>>
        %dma_start3A_474 = tpu.memref_squeeze %dma_start3A_473 : memref<1x80x64xf32, #tpu.memory_space<vmem>> -> memref<80x64xf32, #tpu.memory_space<vmem>>
        %dma_start3A_475 = arith.constant 0 : i32
        %dma_start3A_476 = tpu.memref_slice %arg7[%add3A_317, %dma_start3A_475] : memref<125x80xi32, #tpu.memory_space<vmem>> -> memref<1x80xi32, #tpu.memory_space<vmem>>
        %dma_start3A_477 = tpu.memref_squeeze %dma_start3A_476 : memref<1x80xi32, #tpu.memory_space<vmem>> -> memref<80xi32, #tpu.memory_space<vmem>>
        %dma_start3A_478 = arith.constant 0 : i32
        %dma_start3A_479 = arith.constant 0 : i32
        %dma_start3A_480 = tpu.memref_slice %arg5[%dma_start3A_478, %dma_start3A_479] : memref<10240x64xf32, #tpu.memory_space<vmem_shared>> -> memref<10240x64xf32, #tpu.memory_space<vmem_shared>>
        tpu.enqueue_indirect_dma source(%dma_start3A_474 : memref<80x64xf32, #tpu.memory_space<vmem>>) target(%dma_start3A_480 : memref<10240x64xf32, #tpu.memory_space<vmem_shared>>) offsets(%dma_start3A_477 : memref<80xi32, #tpu.memory_space<vmem>>) semaphore(%run_scoped3A_470 : memref<!tpu.dma_semaphore, #tpu.memory_space<semaphore_mem>>) {add = true}
        %dma_wait3A_481 = arith.constant 0 : i32
        %dma_wait3A_482 = arith.constant 0 : i32
        %dma_wait3A_483 = tpu.memref_slice %arg8[%run_scoped3A_336, %dma_wait3A_481, %dma_wait3A_482] : memref<5x80x64xf32, #tpu.memory_space<vmem>> -> memref<1x80x64xf32, #tpu.memory_space<vmem>>
        %dma_wait3A_484 = tpu.memref_squeeze %dma_wait3A_483 : memref<1x80x64xf32, #tpu.memory_space<vmem>> -> memref<80x64xf32, #tpu.memory_space<vmem>>
        %dma_wait3A_485 = arith.constant 0 : i32
        %dma_wait3A_486 = tpu.memref_slice %arg7[%add3A_317, %dma_wait3A_485] : memref<125x80xi32, #tpu.memory_space<vmem>> -> memref<1x80xi32, #tpu.memory_space<vmem>>
        %dma_wait3A_487 = tpu.memref_squeeze %dma_wait3A_486 : memref<1x80xi32, #tpu.memory_space<vmem>> -> memref<80xi32, #tpu.memory_space<vmem>>
        %dma_wait3A_488 = arith.constant 0 : i32
        %dma_wait3A_489 = arith.constant 0 : i32
        %dma_wait3A_490 = tpu.memref_slice %arg5[%dma_wait3A_488, %dma_wait3A_489] : memref<10240x64xf32, #tpu.memory_space<vmem_shared>> -> memref<10240x64xf32, #tpu.memory_space<vmem_shared>>
        tpu.wait_indirect_dma semaphore(%run_scoped3A_470 : memref<!tpu.dma_semaphore, #tpu.memory_space<semaphore_mem>>) src(%dma_wait3A_484 : memref<80x64xf32, #tpu.memory_space<vmem>>) dst(%dma_wait3A_490 : memref<10240x64xf32, #tpu.memory_space<vmem_shared>>)
        tpu.yield
      }) : () -> ()
      %add3A_337 = arith.constant 5 : i32
      %add3A_338 = arith.addi %add3A_317, %add3A_337 : i32
      %dma_start3A_339 = arith.constant 1 : i32
      %dma_start3A_340 = arith.constant 1 : i32
      %dma_start3A_341 = arith.constant 0 : i32
      %dma_start3A_342 = arith.constant 0 : i32
      %dma_start3A_343 = tpu.memref_slice %arg8[%dma_start3A_339, %dma_start3A_341, %dma_start3A_342] : memref<5x80x64xf32, #tpu.memory_space<vmem>> -> memref<1x80x64xf32, #tpu.memory_space<vmem>>
      %dma_start3A_344 = tpu.memref_squeeze %dma_start3A_343 : memref<1x80x64xf32, #tpu.memory_space<vmem>> -> memref<80x64xf32, #tpu.memory_space<vmem>>
      %dma_start3A_345 = arith.constant 0 : i32
      %dma_start3A_346 = tpu.memref_slice %arg6[%add3A_338, %dma_start3A_345] : memref<125x80xi32, #tpu.memory_space<vmem>> -> memref<1x80xi32, #tpu.memory_space<vmem>>
      %dma_start3A_347 = tpu.memref_squeeze %dma_start3A_346 : memref<1x80xi32, #tpu.memory_space<vmem>> -> memref<80xi32, #tpu.memory_space<vmem>>
      %dma_start3A_348 = arith.constant 0 : i32
      %dma_start3A_349 = arith.constant 0 : i32
      %dma_start3A_350 = tpu.memref_slice %arg2[%dma_start3A_348, %dma_start3A_349] : memref<10000x64xf32, #tpu.memory_space<hbm>> -> memref<10000x64xf32, #tpu.memory_space<hbm>>
      %dma_start3A_351 = tpu.memref_slice %arg11[%dma_start3A_340] : memref<5x!tpu.dma_semaphore, #tpu.memory_space<semaphore_mem>> -> memref<1x!tpu.dma_semaphore, #tpu.memory_space<semaphore_mem>>
      %dma_start3A_352 = tpu.memref_squeeze %dma_start3A_351 : memref<1x!tpu.dma_semaphore, #tpu.memory_space<semaphore_mem>> -> memref<!tpu.dma_semaphore, #tpu.memory_space<semaphore_mem>>
      tpu.enqueue_indirect_dma source(%dma_start3A_350 : memref<10000x64xf32, #tpu.memory_space<hbm>>) target(%dma_start3A_344 : memref<80x64xf32, #tpu.memory_space<vmem>>) offsets(%dma_start3A_347 : memref<80xi32, #tpu.memory_space<vmem>>) semaphore(%dma_start3A_352 : memref<!tpu.dma_semaphore, #tpu.memory_space<semaphore_mem>>)
      %mul3A_353 = arith.constant 5 : i32
      %mul3A_354 = arith.muli %scan3A_274, %mul3A_353 : i32
      %add3A_355 = arith.constant 2 : i32
      %add3A_356 = arith.addi %mul3A_354, %add3A_355 : i32
      %dma_wait3A_357 = arith.constant 2 : i32
      %dma_wait3A_358 = arith.constant 2 : i32
      %dma_wait3A_359 = arith.constant 0 : i32
      %dma_wait3A_360 = arith.constant 0 : i32
      %dma_wait3A_361 = tpu.memref_slice %arg8[%dma_wait3A_357, %dma_wait3A_359, %dma_wait3A_360] : memref<5x80x64xf32, #tpu.memory_space<vmem>> -> memref<1x80x64xf32, #tpu.memory_space<vmem>>
      %dma_wait3A_362 = tpu.memref_squeeze %dma_wait3A_361 : memref<1x80x64xf32, #tpu.memory_space<vmem>> -> memref<80x64xf32, #tpu.memory_space<vmem>>
      %dma_wait3A_363 = arith.constant 0 : i32
      %dma_wait3A_364 = arith.constant 0 : i32
      %dma_wait3A_365 = tpu.memref_slice %arg2[%dma_wait3A_363, %dma_wait3A_364] : memref<10000x64xf32, #tpu.memory_space<hbm>> -> memref<80x64xf32, #tpu.memory_space<hbm>>
      %dma_wait3A_366 = tpu.memref_slice %arg11[%dma_wait3A_358] : memref<5x!tpu.dma_semaphore, #tpu.memory_space<semaphore_mem>> -> memref<1x!tpu.dma_semaphore, #tpu.memory_space<semaphore_mem>>
      %dma_wait3A_367 = tpu.memref_squeeze %dma_wait3A_366 : memref<1x!tpu.dma_semaphore, #tpu.memory_space<semaphore_mem>> -> memref<!tpu.dma_semaphore, #tpu.memory_space<semaphore_mem>>
      %dma_wait3A_368 = arith.constant 0 : i32
      %dma_wait3A_369 = arith.constant 0 : i32
      %dma_wait3A_370 = tpu.memref_slice %arg8[%dma_wait3A_357, %dma_wait3A_368, %dma_wait3A_369] : memref<5x80x64xf32, #tpu.memory_space<vmem>> -> memref<1x80x64xf32, #tpu.memory_space<vmem>>
      %dma_wait3A_371 = tpu.memref_squeeze %dma_wait3A_370 : memref<1x80x64xf32, #tpu.memory_space<vmem>> -> memref<80x64xf32, #tpu.memory_space<vmem>>
      %dma_wait3A_372 = arith.constant 0 : i32
      %dma_wait3A_373 = arith.constant 0 : i32
      %dma_wait3A_374 = tpu.memref_slice %arg2[%dma_wait3A_372, %dma_wait3A_373] : memref<10000x64xf32, #tpu.memory_space<hbm>> -> memref<80x64xf32, #tpu.memory_space<hbm>>
      tpu.wait_dma2 semaphore(%dma_wait3A_367 : memref<!tpu.dma_semaphore, #tpu.memory_space<semaphore_mem>>) src(%dma_wait3A_374 : memref<80x64xf32, #tpu.memory_space<hbm>>) dst(%dma_wait3A_371 : memref<80x64xf32, #tpu.memory_space<vmem>>)
      %run_scoped3A_375 = arith.constant 2 : i32
      "tpu.region"() ({
        %run_scoped3A_470 = tpu.sem_alloc : memref<!tpu.dma_semaphore, #tpu.memory_space<semaphore_mem>>
        %dma_start3A_471 = arith.constant 0 : i32
        %dma_start3A_472 = arith.constant 0 : i32
        %dma_start3A_473 = tpu.memref_slice %arg8[%run_scoped3A_375, %dma_start3A_471, %dma_start3A_472] : memref<5x80x64xf32, #tpu.memory_space<vmem>> -> memref<1x80x64xf32, #tpu.memory_space<vmem>>
        %dma_start3A_474 = tpu.memref_squeeze %dma_start3A_473 : memref<1x80x64xf32, #tpu.memory_space<vmem>> -> memref<80x64xf32, #tpu.memory_space<vmem>>
        %dma_start3A_475 = arith.constant 0 : i32
        %dma_start3A_476 = tpu.memref_slice %arg7[%add3A_356, %dma_start3A_475] : memref<125x80xi32, #tpu.memory_space<vmem>> -> memref<1x80xi32, #tpu.memory_space<vmem>>
        %dma_start3A_477 = tpu.memref_squeeze %dma_start3A_476 : memref<1x80xi32, #tpu.memory_space<vmem>> -> memref<80xi32, #tpu.memory_space<vmem>>
        %dma_start3A_478 = arith.constant 0 : i32
        %dma_start3A_479 = arith.constant 0 : i32
        %dma_start3A_480 = tpu.memref_slice %arg5[%dma_start3A_478, %dma_start3A_479] : memref<10240x64xf32, #tpu.memory_space<vmem_shared>> -> memref<10240x64xf32, #tpu.memory_space<vmem_shared>>
        tpu.enqueue_indirect_dma source(%dma_start3A_474 : memref<80x64xf32, #tpu.memory_space<vmem>>) target(%dma_start3A_480 : memref<10240x64xf32, #tpu.memory_space<vmem_shared>>) offsets(%dma_start3A_477 : memref<80xi32, #tpu.memory_space<vmem>>) semaphore(%run_scoped3A_470 : memref<!tpu.dma_semaphore, #tpu.memory_space<semaphore_mem>>) {add = true}
        %dma_wait3A_481 = arith.constant 0 : i32
        %dma_wait3A_482 = arith.constant 0 : i32
        %dma_wait3A_483 = tpu.memref_slice %arg8[%run_scoped3A_375, %dma_wait3A_481, %dma_wait3A_482] : memref<5x80x64xf32, #tpu.memory_space<vmem>> -> memref<1x80x64xf32, #tpu.memory_space<vmem>>
        %dma_wait3A_484 = tpu.memref_squeeze %dma_wait3A_483 : memref<1x80x64xf32, #tpu.memory_space<vmem>> -> memref<80x64xf32, #tpu.memory_space<vmem>>
        %dma_wait3A_485 = arith.constant 0 : i32
        %dma_wait3A_486 = tpu.memref_slice %arg7[%add3A_356, %dma_wait3A_485] : memref<125x80xi32, #tpu.memory_space<vmem>> -> memref<1x80xi32, #tpu.memory_space<vmem>>
        %dma_wait3A_487 = tpu.memref_squeeze %dma_wait3A_486 : memref<1x80xi32, #tpu.memory_space<vmem>> -> memref<80xi32, #tpu.memory_space<vmem>>
        %dma_wait3A_488 = arith.constant 0 : i32
        %dma_wait3A_489 = arith.constant 0 : i32
        %dma_wait3A_490 = tpu.memref_slice %arg5[%dma_wait3A_488, %dma_wait3A_489] : memref<10240x64xf32, #tpu.memory_space<vmem_shared>> -> memref<10240x64xf32, #tpu.memory_space<vmem_shared>>
        tpu.wait_indirect_dma semaphore(%run_scoped3A_470 : memref<!tpu.dma_semaphore, #tpu.memory_space<semaphore_mem>>) src(%dma_wait3A_484 : memref<80x64xf32, #tpu.memory_space<vmem>>) dst(%dma_wait3A_490 : memref<10240x64xf32, #tpu.memory_space<vmem_shared>>)
        tpu.yield
      }) : () -> ()
      %add3A_376 = arith.constant 5 : i32
      %add3A_377 = arith.addi %add3A_356, %add3A_376 : i32
      %dma_start3A_378 = arith.constant 2 : i32
      %dma_start3A_379 = arith.constant 2 : i32
      %dma_start3A_380 = arith.constant 0 : i32
      %dma_start3A_381 = arith.constant 0 : i32
      %dma_start3A_382 = tpu.memref_slice %arg8[%dma_start3A_378, %dma_start3A_380, %dma_start3A_381] : memref<5x80x64xf32, #tpu.memory_space<vmem>> -> memref<1x80x64xf32, #tpu.memory_space<vmem>>
      %dma_start3A_383 = tpu.memref_squeeze %dma_start3A_382 : memref<1x80x64xf32, #tpu.memory_space<vmem>> -> memref<80x64xf32, #tpu.memory_space<vmem>>
      %dma_start3A_384 = arith.constant 0 : i32
      %dma_start3A_385 = tpu.memref_slice %arg6[%add3A_377, %dma_start3A_384] : memref<125x80xi32, #tpu.memory_space<vmem>> -> memref<1x80xi32, #tpu.memory_space<vmem>>
      %dma_start3A_386 = tpu.memref_squeeze %dma_start3A_385 : memref<1x80xi32, #tpu.memory_space<vmem>> -> memref<80xi32, #tpu.memory_space<vmem>>
      %dma_start3A_387 = arith.constant 0 : i32
      %dma_start3A_388 = arith.constant 0 : i32
      %dma_start3A_389 = tpu.memref_slice %arg2[%dma_start3A_387, %dma_start3A_388] : memref<10000x64xf32, #tpu.memory_space<hbm>> -> memref<10000x64xf32, #tpu.memory_space<hbm>>
      %dma_start3A_390 = tpu.memref_slice %arg11[%dma_start3A_379] : memref<5x!tpu.dma_semaphore, #tpu.memory_space<semaphore_mem>> -> memref<1x!tpu.dma_semaphore, #tpu.memory_space<semaphore_mem>>
      %dma_start3A_391 = tpu.memref_squeeze %dma_start3A_390 : memref<1x!tpu.dma_semaphore, #tpu.memory_space<semaphore_mem>> -> memref<!tpu.dma_semaphore, #tpu.memory_space<semaphore_mem>>
      tpu.enqueue_indirect_dma source(%dma_start3A_389 : memref<10000x64xf32, #tpu.memory_space<hbm>>) target(%dma_start3A_383 : memref<80x64xf32, #tpu.memory_space<vmem>>) offsets(%dma_start3A_386 : memref<80xi32, #tpu.memory_space<vmem>>) semaphore(%dma_start3A_391 : memref<!tpu.dma_semaphore, #tpu.memory_space<semaphore_mem>>)
      %mul3A_392 = arith.constant 5 : i32
      %mul3A_393 = arith.muli %scan3A_274, %mul3A_392 : i32
      %add3A_394 = arith.constant 3 : i32
      %add3A_395 = arith.addi %mul3A_393, %add3A_394 : i32
      %dma_wait3A_396 = arith.constant 3 : i32
      %dma_wait3A_397 = arith.constant 3 : i32
      %dma_wait3A_398 = arith.constant 0 : i32
      %dma_wait3A_399 = arith.constant 0 : i32
      %dma_wait3A_400 = tpu.memref_slice %arg8[%dma_wait3A_396, %dma_wait3A_398, %dma_wait3A_399] : memref<5x80x64xf32, #tpu.memory_space<vmem>> -> memref<1x80x64xf32, #tpu.memory_space<vmem>>
      %dma_wait3A_401 = tpu.memref_squeeze %dma_wait3A_400 : memref<1x80x64xf32, #tpu.memory_space<vmem>> -> memref<80x64xf32, #tpu.memory_space<vmem>>
      %dma_wait3A_402 = arith.constant 0 : i32
      %dma_wait3A_403 = arith.constant 0 : i32
      %dma_wait3A_404 = tpu.memref_slice %arg2[%dma_wait3A_402, %dma_wait3A_403] : memref<10000x64xf32, #tpu.memory_space<hbm>> -> memref<80x64xf32, #tpu.memory_space<hbm>>
      %dma_wait3A_405 = tpu.memref_slice %arg11[%dma_wait3A_397] : memref<5x!tpu.dma_semaphore, #tpu.memory_space<semaphore_mem>> -> memref<1x!tpu.dma_semaphore, #tpu.memory_space<semaphore_mem>>
      %dma_wait3A_406 = tpu.memref_squeeze %dma_wait3A_405 : memref<1x!tpu.dma_semaphore, #tpu.memory_space<semaphore_mem>> -> memref<!tpu.dma_semaphore, #tpu.memory_space<semaphore_mem>>
      %dma_wait3A_407 = arith.constant 0 : i32
      %dma_wait3A_408 = arith.constant 0 : i32
      %dma_wait3A_409 = tpu.memref_slice %arg8[%dma_wait3A_396, %dma_wait3A_407, %dma_wait3A_408] : memref<5x80x64xf32, #tpu.memory_space<vmem>> -> memref<1x80x64xf32, #tpu.memory_space<vmem>>
      %dma_wait3A_410 = tpu.memref_squeeze %dma_wait3A_409 : memref<1x80x64xf32, #tpu.memory_space<vmem>> -> memref<80x64xf32, #tpu.memory_space<vmem>>
      %dma_wait3A_411 = arith.constant 0 : i32
      %dma_wait3A_412 = arith.constant 0 : i32
      %dma_wait3A_413 = tpu.memref_slice %arg2[%dma_wait3A_411, %dma_wait3A_412] : memref<10000x64xf32, #tpu.memory_space<hbm>> -> memref<80x64xf32, #tpu.memory_space<hbm>>
      tpu.wait_dma2 semaphore(%dma_wait3A_406 : memref<!tpu.dma_semaphore, #tpu.memory_space<semaphore_mem>>) src(%dma_wait3A_413 : memref<80x64xf32, #tpu.memory_space<hbm>>) dst(%dma_wait3A_410 : memref<80x64xf32, #tpu.memory_space<vmem>>)
      %run_scoped3A_414 = arith.constant 3 : i32
      "tpu.region"() ({
        %run_scoped3A_470 = tpu.sem_alloc : memref<!tpu.dma_semaphore, #tpu.memory_space<semaphore_mem>>
        %dma_start3A_471 = arith.constant 0 : i32
        %dma_start3A_472 = arith.constant 0 : i32
        %dma_start3A_473 = tpu.memref_slice %arg8[%run_scoped3A_414, %dma_start3A_471, %dma_start3A_472] : memref<5x80x64xf32, #tpu.memory_space<vmem>> -> memref<1x80x64xf32, #tpu.memory_space<vmem>>
        %dma_start3A_474 = tpu.memref_squeeze %dma_start3A_473 : memref<1x80x64xf32, #tpu.memory_space<vmem>> -> memref<80x64xf32, #tpu.memory_space<vmem>>
        %dma_start3A_475 = arith.constant 0 : i32
        %dma_start3A_476 = tpu.memref_slice %arg7[%add3A_395, %dma_start3A_475] : memref<125x80xi32, #tpu.memory_space<vmem>> -> memref<1x80xi32, #tpu.memory_space<vmem>>
        %dma_start3A_477 = tpu.memref_squeeze %dma_start3A_476 : memref<1x80xi32, #tpu.memory_space<vmem>> -> memref<80xi32, #tpu.memory_space<vmem>>
        %dma_start3A_478 = arith.constant 0 : i32
        %dma_start3A_479 = arith.constant 0 : i32
        %dma_start3A_480 = tpu.memref_slice %arg5[%dma_start3A_478, %dma_start3A_479] : memref<10240x64xf32, #tpu.memory_space<vmem_shared>> -> memref<10240x64xf32, #tpu.memory_space<vmem_shared>>
        tpu.enqueue_indirect_dma source(%dma_start3A_474 : memref<80x64xf32, #tpu.memory_space<vmem>>) target(%dma_start3A_480 : memref<10240x64xf32, #tpu.memory_space<vmem_shared>>) offsets(%dma_start3A_477 : memref<80xi32, #tpu.memory_space<vmem>>) semaphore(%run_scoped3A_470 : memref<!tpu.dma_semaphore, #tpu.memory_space<semaphore_mem>>) {add = true}
        %dma_wait3A_481 = arith.constant 0 : i32
        %dma_wait3A_482 = arith.constant 0 : i32
        %dma_wait3A_483 = tpu.memref_slice %arg8[%run_scoped3A_414, %dma_wait3A_481, %dma_wait3A_482] : memref<5x80x64xf32, #tpu.memory_space<vmem>> -> memref<1x80x64xf32, #tpu.memory_space<vmem>>
        %dma_wait3A_484 = tpu.memref_squeeze %dma_wait3A_483 : memref<1x80x64xf32, #tpu.memory_space<vmem>> -> memref<80x64xf32, #tpu.memory_space<vmem>>
        %dma_wait3A_485 = arith.constant 0 : i32
        %dma_wait3A_486 = tpu.memref_slice %arg7[%add3A_395, %dma_wait3A_485] : memref<125x80xi32, #tpu.memory_space<vmem>> -> memref<1x80xi32, #tpu.memory_space<vmem>>
        %dma_wait3A_487 = tpu.memref_squeeze %dma_wait3A_486 : memref<1x80xi32, #tpu.memory_space<vmem>> -> memref<80xi32, #tpu.memory_space<vmem>>
        %dma_wait3A_488 = arith.constant 0 : i32
        %dma_wait3A_489 = arith.constant 0 : i32
        %dma_wait3A_490 = tpu.memref_slice %arg5[%dma_wait3A_488, %dma_wait3A_489] : memref<10240x64xf32, #tpu.memory_space<vmem_shared>> -> memref<10240x64xf32, #tpu.memory_space<vmem_shared>>
        tpu.wait_indirect_dma semaphore(%run_scoped3A_470 : memref<!tpu.dma_semaphore, #tpu.memory_space<semaphore_mem>>) src(%dma_wait3A_484 : memref<80x64xf32, #tpu.memory_space<vmem>>) dst(%dma_wait3A_490 : memref<10240x64xf32, #tpu.memory_space<vmem_shared>>)
        tpu.yield
      }) : () -> ()
      %add3A_415 = arith.constant 5 : i32
      %add3A_416 = arith.addi %add3A_395, %add3A_415 : i32
      %dma_start3A_417 = arith.constant 3 : i32
      %dma_start3A_418 = arith.constant 3 : i32
      %dma_start3A_419 = arith.constant 0 : i32
      %dma_start3A_420 = arith.constant 0 : i32
      %dma_start3A_421 = tpu.memref_slice %arg8[%dma_start3A_417, %dma_start3A_419, %dma_start3A_420] : memref<5x80x64xf32, #tpu.memory_space<vmem>> -> memref<1x80x64xf32, #tpu.memory_space<vmem>>
      %dma_start3A_422 = tpu.memref_squeeze %dma_start3A_421 : memref<1x80x64xf32, #tpu.memory_space<vmem>> -> memref<80x64xf32, #tpu.memory_space<vmem>>
      %dma_start3A_423 = arith.constant 0 : i32
      %dma_start3A_424 = tpu.memref_slice %arg6[%add3A_416, %dma_start3A_423] : memref<125x80xi32, #tpu.memory_space<vmem>> -> memref<1x80xi32, #tpu.memory_space<vmem>>
      %dma_start3A_425 = tpu.memref_squeeze %dma_start3A_424 : memref<1x80xi32, #tpu.memory_space<vmem>> -> memref<80xi32, #tpu.memory_space<vmem>>
      %dma_start3A_426 = arith.constant 0 : i32
      %dma_start3A_427 = arith.constant 0 : i32
      %dma_start3A_428 = tpu.memref_slice %arg2[%dma_start3A_426, %dma_start3A_427] : memref<10000x64xf32, #tpu.memory_space<hbm>> -> memref<10000x64xf32, #tpu.memory_space<hbm>>
      %dma_start3A_429 = tpu.memref_slice %arg11[%dma_start3A_418] : memref<5x!tpu.dma_semaphore, #tpu.memory_space<semaphore_mem>> -> memref<1x!tpu.dma_semaphore, #tpu.memory_space<semaphore_mem>>
      %dma_start3A_430 = tpu.memref_squeeze %dma_start3A_429 : memref<1x!tpu.dma_semaphore, #tpu.memory_space<semaphore_mem>> -> memref<!tpu.dma_semaphore, #tpu.memory_space<semaphore_mem>>
      tpu.enqueue_indirect_dma source(%dma_start3A_428 : memref<10000x64xf32, #tpu.memory_space<hbm>>) target(%dma_start3A_422 : memref<80x64xf32, #tpu.memory_space<vmem>>) offsets(%dma_start3A_425 : memref<80xi32, #tpu.memory_space<vmem>>) semaphore(%dma_start3A_430 : memref<!tpu.dma_semaphore, #tpu.memory_space<semaphore_mem>>)
      %mul3A_431 = arith.constant 5 : i32
      %mul3A_432 = arith.muli %scan3A_274, %mul3A_431 : i32
      %add3A_433 = arith.constant 4 : i32
      %add3A_434 = arith.addi %mul3A_432, %add3A_433 : i32
      %dma_wait3A_435 = arith.constant 4 : i32
      %dma_wait3A_436 = arith.constant 4 : i32
      %dma_wait3A_437 = arith.constant 0 : i32
      %dma_wait3A_438 = arith.constant 0 : i32
      %dma_wait3A_439 = tpu.memref_slice %arg8[%dma_wait3A_435, %dma_wait3A_437, %dma_wait3A_438] : memref<5x80x64xf32, #tpu.memory_space<vmem>> -> memref<1x80x64xf32, #tpu.memory_space<vmem>>
      %dma_wait3A_440 = tpu.memref_squeeze %dma_wait3A_439 : memref<1x80x64xf32, #tpu.memory_space<vmem>> -> memref<80x64xf32, #tpu.memory_space<vmem>>
      %dma_wait3A_441 = arith.constant 0 : i32
      %dma_wait3A_442 = arith.constant 0 : i32
      %dma_wait3A_443 = tpu.memref_slice %arg2[%dma_wait3A_441, %dma_wait3A_442] : memref<10000x64xf32, #tpu.memory_space<hbm>> -> memref<80x64xf32, #tpu.memory_space<hbm>>
      %dma_wait3A_444 = tpu.memref_slice %arg11[%dma_wait3A_436] : memref<5x!tpu.dma_semaphore, #tpu.memory_space<semaphore_mem>> -> memref<1x!tpu.dma_semaphore, #tpu.memory_space<semaphore_mem>>
      %dma_wait3A_445 = tpu.memref_squeeze %dma_wait3A_444 : memref<1x!tpu.dma_semaphore, #tpu.memory_space<semaphore_mem>> -> memref<!tpu.dma_semaphore, #tpu.memory_space<semaphore_mem>>
      %dma_wait3A_446 = arith.constant 0 : i32
      %dma_wait3A_447 = arith.constant 0 : i32
      %dma_wait3A_448 = tpu.memref_slice %arg8[%dma_wait3A_435, %dma_wait3A_446, %dma_wait3A_447] : memref<5x80x64xf32, #tpu.memory_space<vmem>> -> memref<1x80x64xf32, #tpu.memory_space<vmem>>
      %dma_wait3A_449 = tpu.memref_squeeze %dma_wait3A_448 : memref<1x80x64xf32, #tpu.memory_space<vmem>> -> memref<80x64xf32, #tpu.memory_space<vmem>>
      %dma_wait3A_450 = arith.constant 0 : i32
      %dma_wait3A_451 = arith.constant 0 : i32
      %dma_wait3A_452 = tpu.memref_slice %arg2[%dma_wait3A_450, %dma_wait3A_451] : memref<10000x64xf32, #tpu.memory_space<hbm>> -> memref<80x64xf32, #tpu.memory_space<hbm>>
      tpu.wait_dma2 semaphore(%dma_wait3A_445 : memref<!tpu.dma_semaphore, #tpu.memory_space<semaphore_mem>>) src(%dma_wait3A_452 : memref<80x64xf32, #tpu.memory_space<hbm>>) dst(%dma_wait3A_449 : memref<80x64xf32, #tpu.memory_space<vmem>>)
      %run_scoped3A_453 = arith.constant 4 : i32
      "tpu.region"() ({
        %run_scoped3A_470 = tpu.sem_alloc : memref<!tpu.dma_semaphore, #tpu.memory_space<semaphore_mem>>
        %dma_start3A_471 = arith.constant 0 : i32
        %dma_start3A_472 = arith.constant 0 : i32
        %dma_start3A_473 = tpu.memref_slice %arg8[%run_scoped3A_453, %dma_start3A_471, %dma_start3A_472] : memref<5x80x64xf32, #tpu.memory_space<vmem>> -> memref<1x80x64xf32, #tpu.memory_space<vmem>>
        %dma_start3A_474 = tpu.memref_squeeze %dma_start3A_473 : memref<1x80x64xf32, #tpu.memory_space<vmem>> -> memref<80x64xf32, #tpu.memory_space<vmem>>
        %dma_start3A_475 = arith.constant 0 : i32
        %dma_start3A_476 = tpu.memref_slice %arg7[%add3A_434, %dma_start3A_475] : memref<125x80xi32, #tpu.memory_space<vmem>> -> memref<1x80xi32, #tpu.memory_space<vmem>>
        %dma_start3A_477 = tpu.memref_squeeze %dma_start3A_476 : memref<1x80xi32, #tpu.memory_space<vmem>> -> memref<80xi32, #tpu.memory_space<vmem>>
        %dma_start3A_478 = arith.constant 0 : i32
        %dma_start3A_479 = arith.constant 0 : i32
        %dma_start3A_480 = tpu.memref_slice %arg5[%dma_start3A_478, %dma_start3A_479] : memref<10240x64xf32, #tpu.memory_space<vmem_shared>> -> memref<10240x64xf32, #tpu.memory_space<vmem_shared>>
        tpu.enqueue_indirect_dma source(%dma_start3A_474 : memref<80x64xf32, #tpu.memory_space<vmem>>) target(%dma_start3A_480 : memref<10240x64xf32, #tpu.memory_space<vmem_shared>>) offsets(%dma_start3A_477 : memref<80xi32, #tpu.memory_space<vmem>>) semaphore(%run_scoped3A_470 : memref<!tpu.dma_semaphore, #tpu.memory_space<semaphore_mem>>) {add = true}
        %dma_wait3A_481 = arith.constant 0 : i32
        %dma_wait3A_482 = arith.constant 0 : i32
        %dma_wait3A_483 = tpu.memref_slice %arg8[%run_scoped3A_453, %dma_wait3A_481, %dma_wait3A_482] : memref<5x80x64xf32, #tpu.memory_space<vmem>> -> memref<1x80x64xf32, #tpu.memory_space<vmem>>
        %dma_wait3A_484 = tpu.memref_squeeze %dma_wait3A_483 : memref<1x80x64xf32, #tpu.memory_space<vmem>> -> memref<80x64xf32, #tpu.memory_space<vmem>>
        %dma_wait3A_485 = arith.constant 0 : i32
        %dma_wait3A_486 = tpu.memref_slice %arg7[%add3A_434, %dma_wait3A_485] : memref<125x80xi32, #tpu.memory_space<vmem>> -> memref<1x80xi32, #tpu.memory_space<vmem>>
        %dma_wait3A_487 = tpu.memref_squeeze %dma_wait3A_486 : memref<1x80xi32, #tpu.memory_space<vmem>> -> memref<80xi32, #tpu.memory_space<vmem>>
        %dma_wait3A_488 = arith.constant 0 : i32
        %dma_wait3A_489 = arith.constant 0 : i32
        %dma_wait3A_490 = tpu.memref_slice %arg5[%dma_wait3A_488, %dma_wait3A_489] : memref<10240x64xf32, #tpu.memory_space<vmem_shared>> -> memref<10240x64xf32, #tpu.memory_space<vmem_shared>>
        tpu.wait_indirect_dma semaphore(%run_scoped3A_470 : memref<!tpu.dma_semaphore, #tpu.memory_space<semaphore_mem>>) src(%dma_wait3A_484 : memref<80x64xf32, #tpu.memory_space<vmem>>) dst(%dma_wait3A_490 : memref<10240x64xf32, #tpu.memory_space<vmem_shared>>)
        tpu.yield
      }) : () -> ()
      %add3A_454 = arith.constant 5 : i32
      %add3A_455 = arith.addi %add3A_434, %add3A_454 : i32
      %dma_start3A_456 = arith.constant 4 : i32
      %dma_start3A_457 = arith.constant 4 : i32
      %dma_start3A_458 = arith.constant 0 : i32
      %dma_start3A_459 = arith.constant 0 : i32
      %dma_start3A_460 = tpu.memref_slice %arg8[%dma_start3A_456, %dma_start3A_458, %dma_start3A_459] : memref<5x80x64xf32, #tpu.memory_space<vmem>> -> memref<1x80x64xf32, #tpu.memory_space<vmem>>
      %dma_start3A_461 = tpu.memref_squeeze %dma_start3A_460 : memref<1x80x64xf32, #tpu.memory_space<vmem>> -> memref<80x64xf32, #tpu.memory_space<vmem>>
      %dma_start3A_462 = arith.constant 0 : i32
      %dma_start3A_463 = tpu.memref_slice %arg6[%add3A_455, %dma_start3A_462] : memref<125x80xi32, #tpu.memory_space<vmem>> -> memref<1x80xi32, #tpu.memory_space<vmem>>
      %dma_start3A_464 = tpu.memref_squeeze %dma_start3A_463 : memref<1x80xi32, #tpu.memory_space<vmem>> -> memref<80xi32, #tpu.memory_space<vmem>>
      %dma_start3A_465 = arith.constant 0 : i32
      %dma_start3A_466 = arith.constant 0 : i32
      %dma_start3A_467 = tpu.memref_slice %arg2[%dma_start3A_465, %dma_start3A_466] : memref<10000x64xf32, #tpu.memory_space<hbm>> -> memref<10000x64xf32, #tpu.memory_space<hbm>>
      %dma_start3A_468 = tpu.memref_slice %arg11[%dma_start3A_457] : memref<5x!tpu.dma_semaphore, #tpu.memory_space<semaphore_mem>> -> memref<1x!tpu.dma_semaphore, #tpu.memory_space<semaphore_mem>>
      %dma_start3A_469 = tpu.memref_squeeze %dma_start3A_468 : memref<1x!tpu.dma_semaphore, #tpu.memory_space<semaphore_mem>> -> memref<!tpu.dma_semaphore, #tpu.memory_space<semaphore_mem>>
      tpu.enqueue_indirect_dma source(%dma_start3A_467 : memref<10000x64xf32, #tpu.memory_space<hbm>>) target(%dma_start3A_461 : memref<80x64xf32, #tpu.memory_space<vmem>>) offsets(%dma_start3A_464 : memref<80xi32, #tpu.memory_space<vmem>>) semaphore(%dma_start3A_469 : memref<!tpu.dma_semaphore, #tpu.memory_space<semaphore_mem>>)
    }
    %scan3A_133 = arith.constant 24 : i32
    %dma_wait3A = arith.constant 0 : i32
    %dma_wait3A_134 = arith.constant 0 : i32
    %dma_wait3A_135 = arith.constant 0 : i32
    %dma_wait3A_136 = arith.constant 0 : i32
    %dma_wait3A_137 = tpu.memref_slice %arg8[%dma_wait3A, %dma_wait3A_135, %dma_wait3A_136] : memref<5x80x64xf32, #tpu.memory_space<vmem>> -> memref<1x80x64xf32, #tpu.memory_space<vmem>>
    %dma_wait3A_138 = tpu.memref_squeeze %dma_wait3A_137 : memref<1x80x64xf32, #tpu.memory_space<vmem>> -> memref<80x64xf32, #tpu.memory_space<vmem>>
    %dma_wait3A_139 = arith.constant 0 : i32
    %dma_wait3A_140 = arith.constant 0 : i32
    %dma_wait3A_141 = tpu.memref_slice %arg2[%dma_wait3A_139, %dma_wait3A_140] : memref<10000x64xf32, #tpu.memory_space<hbm>> -> memref<80x64xf32, #tpu.memory_space<hbm>>
    %dma_wait3A_142 = tpu.memref_slice %arg11[%dma_wait3A_134] : memref<5x!tpu.dma_semaphore, #tpu.memory_space<semaphore_mem>> -> memref<1x!tpu.dma_semaphore, #tpu.memory_space<semaphore_mem>>
    %dma_wait3A_143 = tpu.memref_squeeze %dma_wait3A_142 : memref<1x!tpu.dma_semaphore, #tpu.memory_space<semaphore_mem>> -> memref<!tpu.dma_semaphore, #tpu.memory_space<semaphore_mem>>
    %dma_wait3A_144 = arith.constant 0 : i32
    %dma_wait3A_145 = arith.constant 0 : i32
    %dma_wait3A_146 = tpu.memref_slice %arg8[%dma_wait3A, %dma_wait3A_144, %dma_wait3A_145] : memref<5x80x64xf32, #tpu.memory_space<vmem>> -> memref<1x80x64xf32, #tpu.memory_space<vmem>>
    %dma_wait3A_147 = tpu.memref_squeeze %dma_wait3A_146 : memref<1x80x64xf32, #tpu.memory_space<vmem>> -> memref<80x64xf32, #tpu.memory_space<vmem>>
    %dma_wait3A_148 = arith.constant 0 : i32
    %dma_wait3A_149 = arith.constant 0 : i32
    %dma_wait3A_150 = tpu.memref_slice %arg2[%dma_wait3A_148, %dma_wait3A_149] : memref<10000x64xf32, #tpu.memory_space<hbm>> -> memref<80x64xf32, #tpu.memory_space<hbm>>
    tpu.wait_dma2 semaphore(%dma_wait3A_143 : memref<!tpu.dma_semaphore, #tpu.memory_space<semaphore_mem>>) src(%dma_wait3A_150 : memref<80x64xf32, #tpu.memory_space<hbm>>) dst(%dma_wait3A_147 : memref<80x64xf32, #tpu.memory_space<vmem>>)
    %run_scoped3A_151 = arith.constant 0 : i32
    %run_scoped3A_152 = arith.constant 120 : i32
    "tpu.region"() ({
      %run_scoped3A_274 = tpu.sem_alloc : memref<!tpu.dma_semaphore, #tpu.memory_space<semaphore_mem>>
      %dma_start3A_275 = arith.constant 0 : i32
      %dma_start3A_276 = arith.constant 0 : i32
      %dma_start3A_277 = tpu.memref_slice %arg8[%run_scoped3A_151, %dma_start3A_275, %dma_start3A_276] : memref<5x80x64xf32, #tpu.memory_space<vmem>> -> memref<1x80x64xf32, #tpu.memory_space<vmem>>
      %dma_start3A_278 = tpu.memref_squeeze %dma_start3A_277 : memref<1x80x64xf32, #tpu.memory_space<vmem>> -> memref<80x64xf32, #tpu.memory_space<vmem>>
      %dma_start3A_279 = arith.constant 0 : i32
      %dma_start3A_280 = tpu.memref_slice %arg7[%run_scoped3A_152, %dma_start3A_279] : memref<125x80xi32, #tpu.memory_space<vmem>> -> memref<1x80xi32, #tpu.memory_space<vmem>>
      %dma_start3A_281 = tpu.memref_squeeze %dma_start3A_280 : memref<1x80xi32, #tpu.memory_space<vmem>> -> memref<80xi32, #tpu.memory_space<vmem>>
      %dma_start3A_282 = arith.constant 0 : i32
      %dma_start3A_283 = arith.constant 0 : i32
      %dma_start3A_284 = tpu.memref_slice %arg5[%dma_start3A_282, %dma_start3A_283] : memref<10240x64xf32, #tpu.memory_space<vmem_shared>> -> memref<10240x64xf32, #tpu.memory_space<vmem_shared>>
      tpu.enqueue_indirect_dma source(%dma_start3A_278 : memref<80x64xf32, #tpu.memory_space<vmem>>) target(%dma_start3A_284 : memref<10240x64xf32, #tpu.memory_space<vmem_shared>>) offsets(%dma_start3A_281 : memref<80xi32, #tpu.memory_space<vmem>>) semaphore(%run_scoped3A_274 : memref<!tpu.dma_semaphore, #tpu.memory_space<semaphore_mem>>) {add = true}
      %dma_wait3A_285 = arith.constant 0 : i32
      %dma_wait3A_286 = arith.constant 0 : i32
      %dma_wait3A_287 = tpu.memref_slice %arg8[%run_scoped3A_151, %dma_wait3A_285, %dma_wait3A_286] : memref<5x80x64xf32, #tpu.memory_space<vmem>> -> memref<1x80x64xf32, #tpu.memory_space<vmem>>
      %dma_wait3A_288 = tpu.memref_squeeze %dma_wait3A_287 : memref<1x80x64xf32, #tpu.memory_space<vmem>> -> memref<80x64xf32, #tpu.memory_space<vmem>>
      %dma_wait3A_289 = arith.constant 0 : i32
      %dma_wait3A_290 = tpu.memref_slice %arg7[%run_scoped3A_152, %dma_wait3A_289] : memref<125x80xi32, #tpu.memory_space<vmem>> -> memref<1x80xi32, #tpu.memory_space<vmem>>
      %dma_wait3A_291 = tpu.memref_squeeze %dma_wait3A_290 : memref<1x80xi32, #tpu.memory_space<vmem>> -> memref<80xi32, #tpu.memory_space<vmem>>
      %dma_wait3A_292 = arith.constant 0 : i32
      %dma_wait3A_293 = arith.constant 0 : i32
      %dma_wait3A_294 = tpu.memref_slice %arg5[%dma_wait3A_292, %dma_wait3A_293] : memref<10240x64xf32, #tpu.memory_space<vmem_shared>> -> memref<10240x64xf32, #tpu.memory_space<vmem_shared>>
      tpu.wait_indirect_dma semaphore(%run_scoped3A_274 : memref<!tpu.dma_semaphore, #tpu.memory_space<semaphore_mem>>) src(%dma_wait3A_288 : memref<80x64xf32, #tpu.memory_space<vmem>>) dst(%dma_wait3A_294 : memref<10240x64xf32, #tpu.memory_space<vmem_shared>>)
      tpu.yield
    }) : () -> ()
    %dma_wait3A_153 = arith.constant 1 : i32
    %dma_wait3A_154 = arith.constant 1 : i32
    %dma_wait3A_155 = arith.constant 0 : i32
    %dma_wait3A_156 = arith.constant 0 : i32
    %dma_wait3A_157 = tpu.memref_slice %arg8[%dma_wait3A_153, %dma_wait3A_155, %dma_wait3A_156] : memref<5x80x64xf32, #tpu.memory_space<vmem>> -> memref<1x80x64xf32, #tpu.memory_space<vmem>>
    %dma_wait3A_158 = tpu.memref_squeeze %dma_wait3A_157 : memref<1x80x64xf32, #tpu.memory_space<vmem>> -> memref<80x64xf32, #tpu.memory_space<vmem>>
    %dma_wait3A_159 = arith.constant 0 : i32
    %dma_wait3A_160 = arith.constant 0 : i32
    %dma_wait3A_161 = tpu.memref_slice %arg2[%dma_wait3A_159, %dma_wait3A_160] : memref<10000x64xf32, #tpu.memory_space<hbm>> -> memref<80x64xf32, #tpu.memory_space<hbm>>
    %dma_wait3A_162 = tpu.memref_slice %arg11[%dma_wait3A_154] : memref<5x!tpu.dma_semaphore, #tpu.memory_space<semaphore_mem>> -> memref<1x!tpu.dma_semaphore, #tpu.memory_space<semaphore_mem>>
    %dma_wait3A_163 = tpu.memref_squeeze %dma_wait3A_162 : memref<1x!tpu.dma_semaphore, #tpu.memory_space<semaphore_mem>> -> memref<!tpu.dma_semaphore, #tpu.memory_space<semaphore_mem>>
    %dma_wait3A_164 = arith.constant 0 : i32
    %dma_wait3A_165 = arith.constant 0 : i32
    %dma_wait3A_166 = tpu.memref_slice %arg8[%dma_wait3A_153, %dma_wait3A_164, %dma_wait3A_165] : memref<5x80x64xf32, #tpu.memory_space<vmem>> -> memref<1x80x64xf32, #tpu.memory_space<vmem>>
    %dma_wait3A_167 = tpu.memref_squeeze %dma_wait3A_166 : memref<1x80x64xf32, #tpu.memory_space<vmem>> -> memref<80x64xf32, #tpu.memory_space<vmem>>
    %dma_wait3A_168 = arith.constant 0 : i32
    %dma_wait3A_169 = arith.constant 0 : i32
    %dma_wait3A_170 = tpu.memref_slice %arg2[%dma_wait3A_168, %dma_wait3A_169] : memref<10000x64xf32, #tpu.memory_space<hbm>> -> memref<80x64xf32, #tpu.memory_space<hbm>>
    tpu.wait_dma2 semaphore(%dma_wait3A_163 : memref<!tpu.dma_semaphore, #tpu.memory_space<semaphore_mem>>) src(%dma_wait3A_170 : memref<80x64xf32, #tpu.memory_space<hbm>>) dst(%dma_wait3A_167 : memref<80x64xf32, #tpu.memory_space<vmem>>)
    %run_scoped3A_171 = arith.constant 1 : i32
    %run_scoped3A_172 = arith.constant 121 : i32
    "tpu.region"() ({
      %run_scoped3A_274 = tpu.sem_alloc : memref<!tpu.dma_semaphore, #tpu.memory_space<semaphore_mem>>
      %dma_start3A_275 = arith.constant 0 : i32
      %dma_start3A_276 = arith.constant 0 : i32
      %dma_start3A_277 = tpu.memref_slice %arg8[%run_scoped3A_171, %dma_start3A_275, %dma_start3A_276] : memref<5x80x64xf32, #tpu.memory_space<vmem>> -> memref<1x80x64xf32, #tpu.memory_space<vmem>>
      %dma_start3A_278 = tpu.memref_squeeze %dma_start3A_277 : memref<1x80x64xf32, #tpu.memory_space<vmem>> -> memref<80x64xf32, #tpu.memory_space<vmem>>
      %dma_start3A_279 = arith.constant 0 : i32
      %dma_start3A_280 = tpu.memref_slice %arg7[%run_scoped3A_172, %dma_start3A_279] : memref<125x80xi32, #tpu.memory_space<vmem>> -> memref<1x80xi32, #tpu.memory_space<vmem>>
      %dma_start3A_281 = tpu.memref_squeeze %dma_start3A_280 : memref<1x80xi32, #tpu.memory_space<vmem>> -> memref<80xi32, #tpu.memory_space<vmem>>
      %dma_start3A_282 = arith.constant 0 : i32
      %dma_start3A_283 = arith.constant 0 : i32
      %dma_start3A_284 = tpu.memref_slice %arg5[%dma_start3A_282, %dma_start3A_283] : memref<10240x64xf32, #tpu.memory_space<vmem_shared>> -> memref<10240x64xf32, #tpu.memory_space<vmem_shared>>
      tpu.enqueue_indirect_dma source(%dma_start3A_278 : memref<80x64xf32, #tpu.memory_space<vmem>>) target(%dma_start3A_284 : memref<10240x64xf32, #tpu.memory_space<vmem_shared>>) offsets(%dma_start3A_281 : memref<80xi32, #tpu.memory_space<vmem>>) semaphore(%run_scoped3A_274 : memref<!tpu.dma_semaphore, #tpu.memory_space<semaphore_mem>>) {add = true}
      %dma_wait3A_285 = arith.constant 0 : i32
      %dma_wait3A_286 = arith.constant 0 : i32
      %dma_wait3A_287 = tpu.memref_slice %arg8[%run_scoped3A_171, %dma_wait3A_285, %dma_wait3A_286] : memref<5x80x64xf32, #tpu.memory_space<vmem>> -> memref<1x80x64xf32, #tpu.memory_space<vmem>>
      %dma_wait3A_288 = tpu.memref_squeeze %dma_wait3A_287 : memref<1x80x64xf32, #tpu.memory_space<vmem>> -> memref<80x64xf32, #tpu.memory_space<vmem>>
      %dma_wait3A_289 = arith.constant 0 : i32
      %dma_wait3A_290 = tpu.memref_slice %arg7[%run_scoped3A_172, %dma_wait3A_289] : memref<125x80xi32, #tpu.memory_space<vmem>> -> memref<1x80xi32, #tpu.memory_space<vmem>>
      %dma_wait3A_291 = tpu.memref_squeeze %dma_wait3A_290 : memref<1x80xi32, #tpu.memory_space<vmem>> -> memref<80xi32, #tpu.memory_space<vmem>>
      %dma_wait3A_292 = arith.constant 0 : i32
      %dma_wait3A_293 = arith.constant 0 : i32
      %dma_wait3A_294 = tpu.memref_slice %arg5[%dma_wait3A_292, %dma_wait3A_293] : memref<10240x64xf32, #tpu.memory_space<vmem_shared>> -> memref<10240x64xf32, #tpu.memory_space<vmem_shared>>
      tpu.wait_indirect_dma semaphore(%run_scoped3A_274 : memref<!tpu.dma_semaphore, #tpu.memory_space<semaphore_mem>>) src(%dma_wait3A_288 : memref<80x64xf32, #tpu.memory_space<vmem>>) dst(%dma_wait3A_294 : memref<10240x64xf32, #tpu.memory_space<vmem_shared>>)
      tpu.yield
    }) : () -> ()
    %dma_wait3A_173 = arith.constant 2 : i32
    %dma_wait3A_174 = arith.constant 2 : i32
    %dma_wait3A_175 = arith.constant 0 : i32
    %dma_wait3A_176 = arith.constant 0 : i32
    %dma_wait3A_177 = tpu.memref_slice %arg8[%dma_wait3A_173, %dma_wait3A_175, %dma_wait3A_176] : memref<5x80x64xf32, #tpu.memory_space<vmem>> -> memref<1x80x64xf32, #tpu.memory_space<vmem>>
    %dma_wait3A_178 = tpu.memref_squeeze %dma_wait3A_177 : memref<1x80x64xf32, #tpu.memory_space<vmem>> -> memref<80x64xf32, #tpu.memory_space<vmem>>
    %dma_wait3A_179 = arith.constant 0 : i32
    %dma_wait3A_180 = arith.constant 0 : i32
    %dma_wait3A_181 = tpu.memref_slice %arg2[%dma_wait3A_179, %dma_wait3A_180] : memref<10000x64xf32, #tpu.memory_space<hbm>> -> memref<80x64xf32, #tpu.memory_space<hbm>>
    %dma_wait3A_182 = tpu.memref_slice %arg11[%dma_wait3A_174] : memref<5x!tpu.dma_semaphore, #tpu.memory_space<semaphore_mem>> -> memref<1x!tpu.dma_semaphore, #tpu.memory_space<semaphore_mem>>
    %dma_wait3A_183 = tpu.memref_squeeze %dma_wait3A_182 : memref<1x!tpu.dma_semaphore, #tpu.memory_space<semaphore_mem>> -> memref<!tpu.dma_semaphore, #tpu.memory_space<semaphore_mem>>
    %dma_wait3A_184 = arith.constant 0 : i32
    %dma_wait3A_185 = arith.constant 0 : i32
    %dma_wait3A_186 = tpu.memref_slice %arg8[%dma_wait3A_173, %dma_wait3A_184, %dma_wait3A_185] : memref<5x80x64xf32, #tpu.memory_space<vmem>> -> memref<1x80x64xf32, #tpu.memory_space<vmem>>
    %dma_wait3A_187 = tpu.memref_squeeze %dma_wait3A_186 : memref<1x80x64xf32, #tpu.memory_space<vmem>> -> memref<80x64xf32, #tpu.memory_space<vmem>>
    %dma_wait3A_188 = arith.constant 0 : i32
    %dma_wait3A_189 = arith.constant 0 : i32
    %dma_wait3A_190 = tpu.memref_slice %arg2[%dma_wait3A_188, %dma_wait3A_189] : memref<10000x64xf32, #tpu.memory_space<hbm>> -> memref<80x64xf32, #tpu.memory_space<hbm>>
    tpu.wait_dma2 semaphore(%dma_wait3A_183 : memref<!tpu.dma_semaphore, #tpu.memory_space<semaphore_mem>>) src(%dma_wait3A_190 : memref<80x64xf32, #tpu.memory_space<hbm>>) dst(%dma_wait3A_187 : memref<80x64xf32, #tpu.memory_space<vmem>>)
    %run_scoped3A_191 = arith.constant 2 : i32
    %run_scoped3A_192 = arith.constant 122 : i32
    "tpu.region"() ({
      %run_scoped3A_274 = tpu.sem_alloc : memref<!tpu.dma_semaphore, #tpu.memory_space<semaphore_mem>>
      %dma_start3A_275 = arith.constant 0 : i32
      %dma_start3A_276 = arith.constant 0 : i32
      %dma_start3A_277 = tpu.memref_slice %arg8[%run_scoped3A_191, %dma_start3A_275, %dma_start3A_276] : memref<5x80x64xf32, #tpu.memory_space<vmem>> -> memref<1x80x64xf32, #tpu.memory_space<vmem>>
      %dma_start3A_278 = tpu.memref_squeeze %dma_start3A_277 : memref<1x80x64xf32, #tpu.memory_space<vmem>> -> memref<80x64xf32, #tpu.memory_space<vmem>>
      %dma_start3A_279 = arith.constant 0 : i32
      %dma_start3A_280 = tpu.memref_slice %arg7[%run_scoped3A_192, %dma_start3A_279] : memref<125x80xi32, #tpu.memory_space<vmem>> -> memref<1x80xi32, #tpu.memory_space<vmem>>
      %dma_start3A_281 = tpu.memref_squeeze %dma_start3A_280 : memref<1x80xi32, #tpu.memory_space<vmem>> -> memref<80xi32, #tpu.memory_space<vmem>>
      %dma_start3A_282 = arith.constant 0 : i32
      %dma_start3A_283 = arith.constant 0 : i32
      %dma_start3A_284 = tpu.memref_slice %arg5[%dma_start3A_282, %dma_start3A_283] : memref<10240x64xf32, #tpu.memory_space<vmem_shared>> -> memref<10240x64xf32, #tpu.memory_space<vmem_shared>>
      tpu.enqueue_indirect_dma source(%dma_start3A_278 : memref<80x64xf32, #tpu.memory_space<vmem>>) target(%dma_start3A_284 : memref<10240x64xf32, #tpu.memory_space<vmem_shared>>) offsets(%dma_start3A_281 : memref<80xi32, #tpu.memory_space<vmem>>) semaphore(%run_scoped3A_274 : memref<!tpu.dma_semaphore, #tpu.memory_space<semaphore_mem>>) {add = true}
      %dma_wait3A_285 = arith.constant 0 : i32
      %dma_wait3A_286 = arith.constant 0 : i32
      %dma_wait3A_287 = tpu.memref_slice %arg8[%run_scoped3A_191, %dma_wait3A_285, %dma_wait3A_286] : memref<5x80x64xf32, #tpu.memory_space<vmem>> -> memref<1x80x64xf32, #tpu.memory_space<vmem>>
      %dma_wait3A_288 = tpu.memref_squeeze %dma_wait3A_287 : memref<1x80x64xf32, #tpu.memory_space<vmem>> -> memref<80x64xf32, #tpu.memory_space<vmem>>
      %dma_wait3A_289 = arith.constant 0 : i32
      %dma_wait3A_290 = tpu.memref_slice %arg7[%run_scoped3A_192, %dma_wait3A_289] : memref<125x80xi32, #tpu.memory_space<vmem>> -> memref<1x80xi32, #tpu.memory_space<vmem>>
      %dma_wait3A_291 = tpu.memref_squeeze %dma_wait3A_290 : memref<1x80xi32, #tpu.memory_space<vmem>> -> memref<80xi32, #tpu.memory_space<vmem>>
      %dma_wait3A_292 = arith.constant 0 : i32
      %dma_wait3A_293 = arith.constant 0 : i32
      %dma_wait3A_294 = tpu.memref_slice %arg5[%dma_wait3A_292, %dma_wait3A_293] : memref<10240x64xf32, #tpu.memory_space<vmem_shared>> -> memref<10240x64xf32, #tpu.memory_space<vmem_shared>>
      tpu.wait_indirect_dma semaphore(%run_scoped3A_274 : memref<!tpu.dma_semaphore, #tpu.memory_space<semaphore_mem>>) src(%dma_wait3A_288 : memref<80x64xf32, #tpu.memory_space<vmem>>) dst(%dma_wait3A_294 : memref<10240x64xf32, #tpu.memory_space<vmem_shared>>)
      tpu.yield
    }) : () -> ()
    %dma_wait3A_193 = arith.constant 3 : i32
    %dma_wait3A_194 = arith.constant 3 : i32
    %dma_wait3A_195 = arith.constant 0 : i32
    %dma_wait3A_196 = arith.constant 0 : i32
    %dma_wait3A_197 = tpu.memref_slice %arg8[%dma_wait3A_193, %dma_wait3A_195, %dma_wait3A_196] : memref<5x80x64xf32, #tpu.memory_space<vmem>> -> memref<1x80x64xf32, #tpu.memory_space<vmem>>
    %dma_wait3A_198 = tpu.memref_squeeze %dma_wait3A_197 : memref<1x80x64xf32, #tpu.memory_space<vmem>> -> memref<80x64xf32, #tpu.memory_space<vmem>>
    %dma_wait3A_199 = arith.constant 0 : i32
    %dma_wait3A_200 = arith.constant 0 : i32
    %dma_wait3A_201 = tpu.memref_slice %arg2[%dma_wait3A_199, %dma_wait3A_200] : memref<10000x64xf32, #tpu.memory_space<hbm>> -> memref<80x64xf32, #tpu.memory_space<hbm>>
    %dma_wait3A_202 = tpu.memref_slice %arg11[%dma_wait3A_194] : memref<5x!tpu.dma_semaphore, #tpu.memory_space<semaphore_mem>> -> memref<1x!tpu.dma_semaphore, #tpu.memory_space<semaphore_mem>>
    %dma_wait3A_203 = tpu.memref_squeeze %dma_wait3A_202 : memref<1x!tpu.dma_semaphore, #tpu.memory_space<semaphore_mem>> -> memref<!tpu.dma_semaphore, #tpu.memory_space<semaphore_mem>>
    %dma_wait3A_204 = arith.constant 0 : i32
    %dma_wait3A_205 = arith.constant 0 : i32
    %dma_wait3A_206 = tpu.memref_slice %arg8[%dma_wait3A_193, %dma_wait3A_204, %dma_wait3A_205] : memref<5x80x64xf32, #tpu.memory_space<vmem>> -> memref<1x80x64xf32, #tpu.memory_space<vmem>>
    %dma_wait3A_207 = tpu.memref_squeeze %dma_wait3A_206 : memref<1x80x64xf32, #tpu.memory_space<vmem>> -> memref<80x64xf32, #tpu.memory_space<vmem>>
    %dma_wait3A_208 = arith.constant 0 : i32
    %dma_wait3A_209 = arith.constant 0 : i32
    %dma_wait3A_210 = tpu.memref_slice %arg2[%dma_wait3A_208, %dma_wait3A_209] : memref<10000x64xf32, #tpu.memory_space<hbm>> -> memref<80x64xf32, #tpu.memory_space<hbm>>
    tpu.wait_dma2 semaphore(%dma_wait3A_203 : memref<!tpu.dma_semaphore, #tpu.memory_space<semaphore_mem>>) src(%dma_wait3A_210 : memref<80x64xf32, #tpu.memory_space<hbm>>) dst(%dma_wait3A_207 : memref<80x64xf32, #tpu.memory_space<vmem>>)
    %run_scoped3A_211 = arith.constant 3 : i32
    %run_scoped3A_212 = arith.constant 123 : i32
    "tpu.region"() ({
      %run_scoped3A_274 = tpu.sem_alloc : memref<!tpu.dma_semaphore, #tpu.memory_space<semaphore_mem>>
      %dma_start3A_275 = arith.constant 0 : i32
      %dma_start3A_276 = arith.constant 0 : i32
      %dma_start3A_277 = tpu.memref_slice %arg8[%run_scoped3A_211, %dma_start3A_275, %dma_start3A_276] : memref<5x80x64xf32, #tpu.memory_space<vmem>> -> memref<1x80x64xf32, #tpu.memory_space<vmem>>
      %dma_start3A_278 = tpu.memref_squeeze %dma_start3A_277 : memref<1x80x64xf32, #tpu.memory_space<vmem>> -> memref<80x64xf32, #tpu.memory_space<vmem>>
      %dma_start3A_279 = arith.constant 0 : i32
      %dma_start3A_280 = tpu.memref_slice %arg7[%run_scoped3A_212, %dma_start3A_279] : memref<125x80xi32, #tpu.memory_space<vmem>> -> memref<1x80xi32, #tpu.memory_space<vmem>>
      %dma_start3A_281 = tpu.memref_squeeze %dma_start3A_280 : memref<1x80xi32, #tpu.memory_space<vmem>> -> memref<80xi32, #tpu.memory_space<vmem>>
      %dma_start3A_282 = arith.constant 0 : i32
      %dma_start3A_283 = arith.constant 0 : i32
      %dma_start3A_284 = tpu.memref_slice %arg5[%dma_start3A_282, %dma_start3A_283] : memref<10240x64xf32, #tpu.memory_space<vmem_shared>> -> memref<10240x64xf32, #tpu.memory_space<vmem_shared>>
      tpu.enqueue_indirect_dma source(%dma_start3A_278 : memref<80x64xf32, #tpu.memory_space<vmem>>) target(%dma_start3A_284 : memref<10240x64xf32, #tpu.memory_space<vmem_shared>>) offsets(%dma_start3A_281 : memref<80xi32, #tpu.memory_space<vmem>>) semaphore(%run_scoped3A_274 : memref<!tpu.dma_semaphore, #tpu.memory_space<semaphore_mem>>) {add = true}
      %dma_wait3A_285 = arith.constant 0 : i32
      %dma_wait3A_286 = arith.constant 0 : i32
      %dma_wait3A_287 = tpu.memref_slice %arg8[%run_scoped3A_211, %dma_wait3A_285, %dma_wait3A_286] : memref<5x80x64xf32, #tpu.memory_space<vmem>> -> memref<1x80x64xf32, #tpu.memory_space<vmem>>
      %dma_wait3A_288 = tpu.memref_squeeze %dma_wait3A_287 : memref<1x80x64xf32, #tpu.memory_space<vmem>> -> memref<80x64xf32, #tpu.memory_space<vmem>>
      %dma_wait3A_289 = arith.constant 0 : i32
      %dma_wait3A_290 = tpu.memref_slice %arg7[%run_scoped3A_212, %dma_wait3A_289] : memref<125x80xi32, #tpu.memory_space<vmem>> -> memref<1x80xi32, #tpu.memory_space<vmem>>
      %dma_wait3A_291 = tpu.memref_squeeze %dma_wait3A_290 : memref<1x80xi32, #tpu.memory_space<vmem>> -> memref<80xi32, #tpu.memory_space<vmem>>
      %dma_wait3A_292 = arith.constant 0 : i32
      %dma_wait3A_293 = arith.constant 0 : i32
      %dma_wait3A_294 = tpu.memref_slice %arg5[%dma_wait3A_292, %dma_wait3A_293] : memref<10240x64xf32, #tpu.memory_space<vmem_shared>> -> memref<10240x64xf32, #tpu.memory_space<vmem_shared>>
      tpu.wait_indirect_dma semaphore(%run_scoped3A_274 : memref<!tpu.dma_semaphore, #tpu.memory_space<semaphore_mem>>) src(%dma_wait3A_288 : memref<80x64xf32, #tpu.memory_space<vmem>>) dst(%dma_wait3A_294 : memref<10240x64xf32, #tpu.memory_space<vmem_shared>>)
      tpu.yield
    }) : () -> ()
    %dma_wait3A_213 = arith.constant 4 : i32
    %dma_wait3A_214 = arith.constant 4 : i32
    %dma_wait3A_215 = arith.constant 0 : i32
    %dma_wait3A_216 = arith.constant 0 : i32
    %dma_wait3A_217 = tpu.memref_slice %arg8[%dma_wait3A_213, %dma_wait3A_215, %dma_wait3A_216] : memref<5x80x64xf32, #tpu.memory_space<vmem>> -> memref<1x80x64xf32, #tpu.memory_space<vmem>>
    %dma_wait3A_218 = tpu.memref_squeeze %dma_wait3A_217 : memref<1x80x64xf32, #tpu.memory_space<vmem>> -> memref<80x64xf32, #tpu.memory_space<vmem>>
    %dma_wait3A_219 = arith.constant 0 : i32
    %dma_wait3A_220 = arith.constant 0 : i32
    %dma_wait3A_221 = tpu.memref_slice %arg2[%dma_wait3A_219, %dma_wait3A_220] : memref<10000x64xf32, #tpu.memory_space<hbm>> -> memref<80x64xf32, #tpu.memory_space<hbm>>
    %dma_wait3A_222 = tpu.memref_slice %arg11[%dma_wait3A_214] : memref<5x!tpu.dma_semaphore, #tpu.memory_space<semaphore_mem>> -> memref<1x!tpu.dma_semaphore, #tpu.memory_space<semaphore_mem>>
    %dma_wait3A_223 = tpu.memref_squeeze %dma_wait3A_222 : memref<1x!tpu.dma_semaphore, #tpu.memory_space<semaphore_mem>> -> memref<!tpu.dma_semaphore, #tpu.memory_space<semaphore_mem>>
    %dma_wait3A_224 = arith.constant 0 : i32
    %dma_wait3A_225 = arith.constant 0 : i32
    %dma_wait3A_226 = tpu.memref_slice %arg8[%dma_wait3A_213, %dma_wait3A_224, %dma_wait3A_225] : memref<5x80x64xf32, #tpu.memory_space<vmem>> -> memref<1x80x64xf32, #tpu.memory_space<vmem>>
    %dma_wait3A_227 = tpu.memref_squeeze %dma_wait3A_226 : memref<1x80x64xf32, #tpu.memory_space<vmem>> -> memref<80x64xf32, #tpu.memory_space<vmem>>
    %dma_wait3A_228 = arith.constant 0 : i32
    %dma_wait3A_229 = arith.constant 0 : i32
    %dma_wait3A_230 = tpu.memref_slice %arg2[%dma_wait3A_228, %dma_wait3A_229] : memref<10000x64xf32, #tpu.memory_space<hbm>> -> memref<80x64xf32, #tpu.memory_space<hbm>>
    tpu.wait_dma2 semaphore(%dma_wait3A_223 : memref<!tpu.dma_semaphore, #tpu.memory_space<semaphore_mem>>) src(%dma_wait3A_230 : memref<80x64xf32, #tpu.memory_space<hbm>>) dst(%dma_wait3A_227 : memref<80x64xf32, #tpu.memory_space<vmem>>)
    %run_scoped3A_231 = arith.constant 4 : i32
    %run_scoped3A_232 = arith.constant 124 : i32
    "tpu.region"() ({
      %run_scoped3A_274 = tpu.sem_alloc : memref<!tpu.dma_semaphore, #tpu.memory_space<semaphore_mem>>
      %dma_start3A_275 = arith.constant 0 : i32
      %dma_start3A_276 = arith.constant 0 : i32
      %dma_start3A_277 = tpu.memref_slice %arg8[%run_scoped3A_231, %dma_start3A_275, %dma_start3A_276] : memref<5x80x64xf32, #tpu.memory_space<vmem>> -> memref<1x80x64xf32, #tpu.memory_space<vmem>>
      %dma_start3A_278 = tpu.memref_squeeze %dma_start3A_277 : memref<1x80x64xf32, #tpu.memory_space<vmem>> -> memref<80x64xf32, #tpu.memory_space<vmem>>
      %dma_start3A_279 = arith.constant 0 : i32
      %dma_start3A_280 = tpu.memref_slice %arg7[%run_scoped3A_232, %dma_start3A_279] : memref<125x80xi32, #tpu.memory_space<vmem>> -> memref<1x80xi32, #tpu.memory_space<vmem>>
      %dma_start3A_281 = tpu.memref_squeeze %dma_start3A_280 : memref<1x80xi32, #tpu.memory_space<vmem>> -> memref<80xi32, #tpu.memory_space<vmem>>
      %dma_start3A_282 = arith.constant 0 : i32
      %dma_start3A_283 = arith.constant 0 : i32
      %dma_start3A_284 = tpu.memref_slice %arg5[%dma_start3A_282, %dma_start3A_283] : memref<10240x64xf32, #tpu.memory_space<vmem_shared>> -> memref<10240x64xf32, #tpu.memory_space<vmem_shared>>
      tpu.enqueue_indirect_dma source(%dma_start3A_278 : memref<80x64xf32, #tpu.memory_space<vmem>>) target(%dma_start3A_284 : memref<10240x64xf32, #tpu.memory_space<vmem_shared>>) offsets(%dma_start3A_281 : memref<80xi32, #tpu.memory_space<vmem>>) semaphore(%run_scoped3A_274 : memref<!tpu.dma_semaphore, #tpu.memory_space<semaphore_mem>>) {add = true}
      %dma_wait3A_285 = arith.constant 0 : i32
      %dma_wait3A_286 = arith.constant 0 : i32
      %dma_wait3A_287 = tpu.memref_slice %arg8[%run_scoped3A_231, %dma_wait3A_285, %dma_wait3A_286] : memref<5x80x64xf32, #tpu.memory_space<vmem>> -> memref<1x80x64xf32, #tpu.memory_space<vmem>>
      %dma_wait3A_288 = tpu.memref_squeeze %dma_wait3A_287 : memref<1x80x64xf32, #tpu.memory_space<vmem>> -> memref<80x64xf32, #tpu.memory_space<vmem>>
      %dma_wait3A_289 = arith.constant 0 : i32
      %dma_wait3A_290 = tpu.memref_slice %arg7[%run_scoped3A_232, %dma_wait3A_289] : memref<125x80xi32, #tpu.memory_space<vmem>> -> memref<1x80xi32, #tpu.memory_space<vmem>>
      %dma_wait3A_291 = tpu.memref_squeeze %dma_wait3A_290 : memref<1x80xi32, #tpu.memory_space<vmem>> -> memref<80xi32, #tpu.memory_space<vmem>>
      %dma_wait3A_292 = arith.constant 0 : i32
      %dma_wait3A_293 = arith.constant 0 : i32
      %dma_wait3A_294 = tpu.memref_slice %arg5[%dma_wait3A_292, %dma_wait3A_293] : memref<10240x64xf32, #tpu.memory_space<vmem_shared>> -> memref<10240x64xf32, #tpu.memory_space<vmem_shared>>
      tpu.wait_indirect_dma semaphore(%run_scoped3A_274 : memref<!tpu.dma_semaphore, #tpu.memory_space<semaphore_mem>>) src(%dma_wait3A_288 : memref<80x64xf32, #tpu.memory_space<vmem>>) dst(%dma_wait3A_294 : memref<10240x64xf32, #tpu.memory_space<vmem_shared>>)
      tpu.yield
    }) : () -> ()
    %barrier3A_233 = arith.constant 0 : index
    tpu.barrier barrier_id(%barrier3A_233)
    %mul3A_234 = arith.constant 640 : i32
    %mul3A_235 = arith.muli %arg1, %mul3A_234 : i32
    %add3A_236 = arith.constant 0 : i32
    %add3A_237 = arith.addi %mul3A_235, %add3A_236 : i32
    "tpu.region"() ({
      %run_scoped3A_274 = tpu.sem_alloc : memref<!tpu.dma_semaphore, #tpu.memory_space<semaphore_mem>>
      %dma_start3A_275 = arith.constant 0 : i32
      %dma_start3A_276 = arith.constant 0 : i32
      %dma_start3A_277 = tpu.memref_slice %arg10[%dma_start3A_275, %dma_start3A_276] : memref<64x128xf32, #tpu.memory_space<vmem>> -> memref<64x64xf32, #tpu.memory_space<vmem>>
      %dma_start3A_278 = arith.constant 0 : i32
      %dma_start3A_279 = tpu.memref_slice %arg5[%add3A_237, %dma_start3A_278] : memref<10240x64xf32, #tpu.memory_space<vmem_shared>> -> memref<64x64xf32, #tpu.memory_space<vmem_shared>>
      %dma_start3A_280 = arith.constant 0 : i32
      %dma_start3A_281 = arith.constant 0 : i32
      %dma_start3A_282 = tpu.memref_slice %arg10[%dma_start3A_280, %dma_start3A_281] : memref<64x128xf32, #tpu.memory_space<vmem>> -> memref<64x64xf32, #tpu.memory_space<vmem>>
      %dma_start3A_283 = arith.constant 0 : i32
      %dma_start3A_284 = tpu.memref_slice %arg5[%add3A_237, %dma_start3A_283] : memref<10240x64xf32, #tpu.memory_space<vmem_shared>> -> memref<64x64xf32, #tpu.memory_space<vmem_shared>>
      tpu.enqueue_dma source(%dma_start3A_284 : memref<64x64xf32, #tpu.memory_space<vmem_shared>>) target(%dma_start3A_282 : memref<64x64xf32, #tpu.memory_space<vmem>>) target_semaphore(%run_scoped3A_274 : memref<!tpu.dma_semaphore, #tpu.memory_space<semaphore_mem>>)
      %dma_wait3A_285 = arith.constant 0 : i32
      %dma_wait3A_286 = arith.constant 0 : i32
      %dma_wait3A_287 = tpu.memref_slice %arg10[%dma_wait3A_285, %dma_wait3A_286] : memref<64x128xf32, #tpu.memory_space<vmem>> -> memref<64x64xf32, #tpu.memory_space<vmem>>
      %dma_wait3A_288 = arith.constant 0 : i32
      %dma_wait3A_289 = tpu.memref_slice %arg5[%add3A_237, %dma_wait3A_288] : memref<10240x64xf32, #tpu.memory_space<vmem_shared>> -> memref<64x64xf32, #tpu.memory_space<vmem_shared>>
      %dma_wait3A_290 = arith.constant 0 : i32
      %dma_wait3A_291 = arith.constant 0 : i32
      %dma_wait3A_292 = tpu.memref_slice %arg10[%dma_wait3A_290, %dma_wait3A_291] : memref<64x128xf32, #tpu.memory_space<vmem>> -> memref<64x64xf32, #tpu.memory_space<vmem>>
      %dma_wait3A_293 = arith.constant 0 : i32
      %dma_wait3A_294 = tpu.memref_slice %arg5[%add3A_237, %dma_wait3A_293] : memref<10240x64xf32, #tpu.memory_space<vmem_shared>> -> memref<64x64xf32, #tpu.memory_space<vmem_shared>>
      tpu.wait_dma2 semaphore(%run_scoped3A_274 : memref<!tpu.dma_semaphore, #tpu.memory_space<semaphore_mem>>) src(%dma_wait3A_294 : memref<64x64xf32, #tpu.memory_space<vmem_shared>>) dst(%dma_wait3A_292 : memref<64x64xf32, #tpu.memory_space<vmem>>)
      tpu.yield
    }) : () -> ()
    "tpu.region"() ({
      %run_scoped3A_274 = tpu.sem_alloc : memref<!tpu.dma_semaphore, #tpu.memory_space<semaphore_mem>>
      %dma_start3A_275 = arith.constant 0 : i32
      %dma_start3A_276 = arith.constant 0 : i32
      %dma_start3A_277 = tpu.memref_slice %arg4[%arg0, %dma_start3A_275, %dma_start3A_276] : memref<2x10240x128xf32, #tpu.memory_space<hbm>> -> memref<1x10240x128xf32, #tpu.memory_space<hbm>>
      %dma_start3A_278 = tpu.memref_squeeze %dma_start3A_277 : memref<1x10240x128xf32, #tpu.memory_space<hbm>> -> memref<10240x128xf32, #tpu.memory_space<hbm>>
      %dma_start3A_279 = arith.constant 0 : i32
      %dma_start3A_280 = tpu.memref_slice %dma_start3A_278[%add3A_237, %dma_start3A_279] : memref<10240x128xf32, #tpu.memory_space<hbm>> -> memref<64x128xf32, #tpu.memory_space<hbm>>
      %dma_start3A_281 = arith.constant 0 : i32
      %dma_start3A_282 = arith.constant 0 : i32
      %dma_start3A_283 = tpu.memref_slice %arg4[%arg0, %dma_start3A_281, %dma_start3A_282] : memref<2x10240x128xf32, #tpu.memory_space<hbm>> -> memref<1x10240x128xf32, #tpu.memory_space<hbm>>
      %dma_start3A_284 = tpu.memref_squeeze %dma_start3A_283 : memref<1x10240x128xf32, #tpu.memory_space<hbm>> -> memref<10240x128xf32, #tpu.memory_space<hbm>>
      %dma_start3A_285 = arith.constant 0 : i32
      %dma_start3A_286 = tpu.memref_slice %dma_start3A_284[%add3A_237, %dma_start3A_285] : memref<10240x128xf32, #tpu.memory_space<hbm>> -> memref<64x128xf32, #tpu.memory_space<hbm>>
      tpu.enqueue_dma source(%arg10 : memref<64x128xf32, #tpu.memory_space<vmem>>) target(%dma_start3A_286 : memref<64x128xf32, #tpu.memory_space<hbm>>) target_semaphore(%run_scoped3A_274 : memref<!tpu.dma_semaphore, #tpu.memory_space<semaphore_mem>>)
      %dma_wait3A_287 = arith.constant 0 : i32
      %dma_wait3A_288 = arith.constant 0 : i32
      %dma_wait3A_289 = tpu.memref_slice %arg4[%arg0, %dma_wait3A_287, %dma_wait3A_288] : memref<2x10240x128xf32, #tpu.memory_space<hbm>> -> memref<1x10240x128xf32, #tpu.memory_space<hbm>>
      %dma_wait3A_290 = tpu.memref_squeeze %dma_wait3A_289 : memref<1x10240x128xf32, #tpu.memory_space<hbm>> -> memref<10240x128xf32, #tpu.memory_space<hbm>>
      %dma_wait3A_291 = arith.constant 0 : i32
      %dma_wait3A_292 = tpu.memref_slice %dma_wait3A_290[%add3A_237, %dma_wait3A_291] : memref<10240x128xf32, #tpu.memory_space<hbm>> -> memref<64x128xf32, #tpu.memory_space<hbm>>
      %dma_wait3A_293 = arith.constant 0 : i32
      %dma_wait3A_294 = arith.constant 0 : i32
      %dma_wait3A_295 = tpu.memref_slice %arg4[%arg0, %dma_wait3A_293, %dma_wait3A_294] : memref<2x10240x128xf32, #tpu.memory_space<hbm>> -> memref<1x10240x128xf32, #tpu.memory_space<hbm>>
      %dma_wait3A_296 = tpu.memref_squeeze %dma_wait3A_295 : memref<1x10240x128xf32, #tpu.memory_space<hbm>> -> memref<10240x128xf32, #tpu.memory_space<hbm>>
      %dma_wait3A_297 = arith.constant 0 : i32
      %dma_wait3A_298 = tpu.memref_slice %dma_wait3A_296[%add3A_237, %dma_wait3A_297] : memref<10240x128xf32, #tpu.memory_space<hbm>> -> memref<64x128xf32, #tpu.memory_space<hbm>>
      tpu.wait_dma2 semaphore(%run_scoped3A_274 : memref<!tpu.dma_semaphore, #tpu.memory_space<semaphore_mem>>) src(%arg10 : memref<64x128xf32, #tpu.memory_space<vmem>>) dst(%dma_wait3A_298 : memref<64x128xf32, #tpu.memory_space<hbm>>)
      tpu.yield
    }) : () -> ()
    %mul3A_238 = arith.constant 640 : i32
    %mul3A_239 = arith.muli %arg1, %mul3A_238 : i32
    %add3A_240 = arith.constant 64 : i32
    %add3A_241 = arith.addi %mul3A_239, %add3A_240 : i32
    "tpu.region"() ({
      %run_scoped3A_274 = tpu.sem_alloc : memref<!tpu.dma_semaphore, #tpu.memory_space<semaphore_mem>>
      %dma_start3A_275 = arith.constant 0 : i32
      %dma_start3A_276 = arith.constant 0 : i32
      %dma_start3A_277 = tpu.memref_slice %arg10[%dma_start3A_275, %dma_start3A_276] : memref<64x128xf32, #tpu.memory_space<vmem>> -> memref<64x64xf32, #tpu.memory_space<vmem>>
      %dma_start3A_278 = arith.constant 0 : i32
      %dma_start3A_279 = tpu.memref_slice %arg5[%add3A_241, %dma_start3A_278] : memref<10240x64xf32, #tpu.memory_space<vmem_shared>> -> memref<64x64xf32, #tpu.memory_space<vmem_shared>>
      %dma_start3A_280 = arith.constant 0 : i32
      %dma_start3A_281 = arith.constant 0 : i32
      %dma_start3A_282 = tpu.memref_slice %arg10[%dma_start3A_280, %dma_start3A_281] : memref<64x128xf32, #tpu.memory_space<vmem>> -> memref<64x64xf32, #tpu.memory_space<vmem>>
      %dma_start3A_283 = arith.constant 0 : i32
      %dma_start3A_284 = tpu.memref_slice %arg5[%add3A_241, %dma_start3A_283] : memref<10240x64xf32, #tpu.memory_space<vmem_shared>> -> memref<64x64xf32, #tpu.memory_space<vmem_shared>>
      tpu.enqueue_dma source(%dma_start3A_284 : memref<64x64xf32, #tpu.memory_space<vmem_shared>>) target(%dma_start3A_282 : memref<64x64xf32, #tpu.memory_space<vmem>>) target_semaphore(%run_scoped3A_274 : memref<!tpu.dma_semaphore, #tpu.memory_space<semaphore_mem>>)
      %dma_wait3A_285 = arith.constant 0 : i32
      %dma_wait3A_286 = arith.constant 0 : i32
      %dma_wait3A_287 = tpu.memref_slice %arg10[%dma_wait3A_285, %dma_wait3A_286] : memref<64x128xf32, #tpu.memory_space<vmem>> -> memref<64x64xf32, #tpu.memory_space<vmem>>
      %dma_wait3A_288 = arith.constant 0 : i32
      %dma_wait3A_289 = tpu.memref_slice %arg5[%add3A_241, %dma_wait3A_288] : memref<10240x64xf32, #tpu.memory_space<vmem_shared>> -> memref<64x64xf32, #tpu.memory_space<vmem_shared>>
      %dma_wait3A_290 = arith.constant 0 : i32
      %dma_wait3A_291 = arith.constant 0 : i32
      %dma_wait3A_292 = tpu.memref_slice %arg10[%dma_wait3A_290, %dma_wait3A_291] : memref<64x128xf32, #tpu.memory_space<vmem>> -> memref<64x64xf32, #tpu.memory_space<vmem>>
      %dma_wait3A_293 = arith.constant 0 : i32
      %dma_wait3A_294 = tpu.memref_slice %arg5[%add3A_241, %dma_wait3A_293] : memref<10240x64xf32, #tpu.memory_space<vmem_shared>> -> memref<64x64xf32, #tpu.memory_space<vmem_shared>>
      tpu.wait_dma2 semaphore(%run_scoped3A_274 : memref<!tpu.dma_semaphore, #tpu.memory_space<semaphore_mem>>) src(%dma_wait3A_294 : memref<64x64xf32, #tpu.memory_space<vmem_shared>>) dst(%dma_wait3A_292 : memref<64x64xf32, #tpu.memory_space<vmem>>)
      tpu.yield
    }) : () -> ()
    "tpu.region"() ({
      %run_scoped3A_274 = tpu.sem_alloc : memref<!tpu.dma_semaphore, #tpu.memory_space<semaphore_mem>>
      %dma_start3A_275 = arith.constant 0 : i32
      %dma_start3A_276 = arith.constant 0 : i32
      %dma_start3A_277 = tpu.memref_slice %arg4[%arg0, %dma_start3A_275, %dma_start3A_276] : memref<2x10240x128xf32, #tpu.memory_space<hbm>> -> memref<1x10240x128xf32, #tpu.memory_space<hbm>>
      %dma_start3A_278 = tpu.memref_squeeze %dma_start3A_277 : memref<1x10240x128xf32, #tpu.memory_space<hbm>> -> memref<10240x128xf32, #tpu.memory_space<hbm>>
      %dma_start3A_279 = arith.constant 0 : i32
      %dma_start3A_280 = tpu.memref_slice %dma_start3A_278[%add3A_241, %dma_start3A_279] : memref<10240x128xf32, #tpu.memory_space<hbm>> -> memref<64x128xf32, #tpu.memory_space<hbm>>
      %dma_start3A_281 = arith.constant 0 : i32
      %dma_start3A_282 = arith.constant 0 : i32
      %dma_start3A_283 = tpu.memref_slice %arg4[%arg0, %dma_start3A_281, %dma_start3A_282] : memref<2x10240x128xf32, #tpu.memory_space<hbm>> -> memref<1x10240x128xf32, #tpu.memory_space<hbm>>
      %dma_start3A_284 = tpu.memref_squeeze %dma_start3A_283 : memref<1x10240x128xf32, #tpu.memory_space<hbm>> -> memref<10240x128xf32, #tpu.memory_space<hbm>>
      %dma_start3A_285 = arith.constant 0 : i32
      %dma_start3A_286 = tpu.memref_slice %dma_start3A_284[%add3A_241, %dma_start3A_285] : memref<10240x128xf32, #tpu.memory_space<hbm>> -> memref<64x128xf32, #tpu.memory_space<hbm>>
      tpu.enqueue_dma source(%arg10 : memref<64x128xf32, #tpu.memory_space<vmem>>) target(%dma_start3A_286 : memref<64x128xf32, #tpu.memory_space<hbm>>) target_semaphore(%run_scoped3A_274 : memref<!tpu.dma_semaphore, #tpu.memory_space<semaphore_mem>>)
      %dma_wait3A_287 = arith.constant 0 : i32
      %dma_wait3A_288 = arith.constant 0 : i32
      %dma_wait3A_289 = tpu.memref_slice %arg4[%arg0, %dma_wait3A_287, %dma_wait3A_288] : memref<2x10240x128xf32, #tpu.memory_space<hbm>> -> memref<1x10240x128xf32, #tpu.memory_space<hbm>>
      %dma_wait3A_290 = tpu.memref_squeeze %dma_wait3A_289 : memref<1x10240x128xf32, #tpu.memory_space<hbm>> -> memref<10240x128xf32, #tpu.memory_space<hbm>>
      %dma_wait3A_291 = arith.constant 0 : i32
      %dma_wait3A_292 = tpu.memref_slice %dma_wait3A_290[%add3A_241, %dma_wait3A_291] : memref<10240x128xf32, #tpu.memory_space<hbm>> -> memref<64x128xf32, #tpu.memory_space<hbm>>
      %dma_wait3A_293 = arith.constant 0 : i32
      %dma_wait3A_294 = arith.constant 0 : i32
      %dma_wait3A_295 = tpu.memref_slice %arg4[%arg0, %dma_wait3A_293, %dma_wait3A_294] : memref<2x10240x128xf32, #tpu.memory_space<hbm>> -> memref<1x10240x128xf32, #tpu.memory_space<hbm>>
      %dma_wait3A_296 = tpu.memref_squeeze %dma_wait3A_295 : memref<1x10240x128xf32, #tpu.memory_space<hbm>> -> memref<10240x128xf32, #tpu.memory_space<hbm>>
      %dma_wait3A_297 = arith.constant 0 : i32
      %dma_wait3A_298 = tpu.memref_slice %dma_wait3A_296[%add3A_241, %dma_wait3A_297] : memref<10240x128xf32, #tpu.memory_space<hbm>> -> memref<64x128xf32, #tpu.memory_space<hbm>>
      tpu.wait_dma2 semaphore(%run_scoped3A_274 : memref<!tpu.dma_semaphore, #tpu.memory_space<semaphore_mem>>) src(%arg10 : memref<64x128xf32, #tpu.memory_space<vmem>>) dst(%dma_wait3A_298 : memref<64x128xf32, #tpu.memory_space<hbm>>)
      tpu.yield
    }) : () -> ()
    %mul3A_242 = arith.constant 640 : i32
    %mul3A_243 = arith.muli %arg1, %mul3A_242 : i32
    %add3A_244 = arith.constant 128 : i32
    %add3A_245 = arith.addi %mul3A_243, %add3A_244 : i32
    "tpu.region"() ({
      %run_scoped3A_274 = tpu.sem_alloc : memref<!tpu.dma_semaphore, #tpu.memory_space<semaphore_mem>>
      %dma_start3A_275 = arith.constant 0 : i32
      %dma_start3A_276 = arith.constant 0 : i32
      %dma_start3A_277 = tpu.memref_slice %arg10[%dma_start3A_275, %dma_start3A_276] : memref<64x128xf32, #tpu.memory_space<vmem>> -> memref<64x64xf32, #tpu.memory_space<vmem>>
      %dma_start3A_278 = arith.constant 0 : i32
      %dma_start3A_279 = tpu.memref_slice %arg5[%add3A_245, %dma_start3A_278] : memref<10240x64xf32, #tpu.memory_space<vmem_shared>> -> memref<64x64xf32, #tpu.memory_space<vmem_shared>>
      %dma_start3A_280 = arith.constant 0 : i32
      %dma_start3A_281 = arith.constant 0 : i32
      %dma_start3A_282 = tpu.memref_slice %arg10[%dma_start3A_280, %dma_start3A_281] : memref<64x128xf32, #tpu.memory_space<vmem>> -> memref<64x64xf32, #tpu.memory_space<vmem>>
      %dma_start3A_283 = arith.constant 0 : i32
      %dma_start3A_284 = tpu.memref_slice %arg5[%add3A_245, %dma_start3A_283] : memref<10240x64xf32, #tpu.memory_space<vmem_shared>> -> memref<64x64xf32, #tpu.memory_space<vmem_shared>>
      tpu.enqueue_dma source(%dma_start3A_284 : memref<64x64xf32, #tpu.memory_space<vmem_shared>>) target(%dma_start3A_282 : memref<64x64xf32, #tpu.memory_space<vmem>>) target_semaphore(%run_scoped3A_274 : memref<!tpu.dma_semaphore, #tpu.memory_space<semaphore_mem>>)
      %dma_wait3A_285 = arith.constant 0 : i32
      %dma_wait3A_286 = arith.constant 0 : i32
      %dma_wait3A_287 = tpu.memref_slice %arg10[%dma_wait3A_285, %dma_wait3A_286] : memref<64x128xf32, #tpu.memory_space<vmem>> -> memref<64x64xf32, #tpu.memory_space<vmem>>
      %dma_wait3A_288 = arith.constant 0 : i32
      %dma_wait3A_289 = tpu.memref_slice %arg5[%add3A_245, %dma_wait3A_288] : memref<10240x64xf32, #tpu.memory_space<vmem_shared>> -> memref<64x64xf32, #tpu.memory_space<vmem_shared>>
      %dma_wait3A_290 = arith.constant 0 : i32
      %dma_wait3A_291 = arith.constant 0 : i32
      %dma_wait3A_292 = tpu.memref_slice %arg10[%dma_wait3A_290, %dma_wait3A_291] : memref<64x128xf32, #tpu.memory_space<vmem>> -> memref<64x64xf32, #tpu.memory_space<vmem>>
      %dma_wait3A_293 = arith.constant 0 : i32
      %dma_wait3A_294 = tpu.memref_slice %arg5[%add3A_245, %dma_wait3A_293] : memref<10240x64xf32, #tpu.memory_space<vmem_shared>> -> memref<64x64xf32, #tpu.memory_space<vmem_shared>>
      tpu.wait_dma2 semaphore(%run_scoped3A_274 : memref<!tpu.dma_semaphore, #tpu.memory_space<semaphore_mem>>) src(%dma_wait3A_294 : memref<64x64xf32, #tpu.memory_space<vmem_shared>>) dst(%dma_wait3A_292 : memref<64x64xf32, #tpu.memory_space<vmem>>)
      tpu.yield
    }) : () -> ()
    "tpu.region"() ({
      %run_scoped3A_274 = tpu.sem_alloc : memref<!tpu.dma_semaphore, #tpu.memory_space<semaphore_mem>>
      %dma_start3A_275 = arith.constant 0 : i32
      %dma_start3A_276 = arith.constant 0 : i32
      %dma_start3A_277 = tpu.memref_slice %arg4[%arg0, %dma_start3A_275, %dma_start3A_276] : memref<2x10240x128xf32, #tpu.memory_space<hbm>> -> memref<1x10240x128xf32, #tpu.memory_space<hbm>>
      %dma_start3A_278 = tpu.memref_squeeze %dma_start3A_277 : memref<1x10240x128xf32, #tpu.memory_space<hbm>> -> memref<10240x128xf32, #tpu.memory_space<hbm>>
      %dma_start3A_279 = arith.constant 0 : i32
      %dma_start3A_280 = tpu.memref_slice %dma_start3A_278[%add3A_245, %dma_start3A_279] : memref<10240x128xf32, #tpu.memory_space<hbm>> -> memref<64x128xf32, #tpu.memory_space<hbm>>
      %dma_start3A_281 = arith.constant 0 : i32
      %dma_start3A_282 = arith.constant 0 : i32
      %dma_start3A_283 = tpu.memref_slice %arg4[%arg0, %dma_start3A_281, %dma_start3A_282] : memref<2x10240x128xf32, #tpu.memory_space<hbm>> -> memref<1x10240x128xf32, #tpu.memory_space<hbm>>
      %dma_start3A_284 = tpu.memref_squeeze %dma_start3A_283 : memref<1x10240x128xf32, #tpu.memory_space<hbm>> -> memref<10240x128xf32, #tpu.memory_space<hbm>>
      %dma_start3A_285 = arith.constant 0 : i32
      %dma_start3A_286 = tpu.memref_slice %dma_start3A_284[%add3A_245, %dma_start3A_285] : memref<10240x128xf32, #tpu.memory_space<hbm>> -> memref<64x128xf32, #tpu.memory_space<hbm>>
      tpu.enqueue_dma source(%arg10 : memref<64x128xf32, #tpu.memory_space<vmem>>) target(%dma_start3A_286 : memref<64x128xf32, #tpu.memory_space<hbm>>) target_semaphore(%run_scoped3A_274 : memref<!tpu.dma_semaphore, #tpu.memory_space<semaphore_mem>>)
      %dma_wait3A_287 = arith.constant 0 : i32
      %dma_wait3A_288 = arith.constant 0 : i32
      %dma_wait3A_289 = tpu.memref_slice %arg4[%arg0, %dma_wait3A_287, %dma_wait3A_288] : memref<2x10240x128xf32, #tpu.memory_space<hbm>> -> memref<1x10240x128xf32, #tpu.memory_space<hbm>>
      %dma_wait3A_290 = tpu.memref_squeeze %dma_wait3A_289 : memref<1x10240x128xf32, #tpu.memory_space<hbm>> -> memref<10240x128xf32, #tpu.memory_space<hbm>>
      %dma_wait3A_291 = arith.constant 0 : i32
      %dma_wait3A_292 = tpu.memref_slice %dma_wait3A_290[%add3A_245, %dma_wait3A_291] : memref<10240x128xf32, #tpu.memory_space<hbm>> -> memref<64x128xf32, #tpu.memory_space<hbm>>
      %dma_wait3A_293 = arith.constant 0 : i32
      %dma_wait3A_294 = arith.constant 0 : i32
      %dma_wait3A_295 = tpu.memref_slice %arg4[%arg0, %dma_wait3A_293, %dma_wait3A_294] : memref<2x10240x128xf32, #tpu.memory_space<hbm>> -> memref<1x10240x128xf32, #tpu.memory_space<hbm>>
      %dma_wait3A_296 = tpu.memref_squeeze %dma_wait3A_295 : memref<1x10240x128xf32, #tpu.memory_space<hbm>> -> memref<10240x128xf32, #tpu.memory_space<hbm>>
      %dma_wait3A_297 = arith.constant 0 : i32
      %dma_wait3A_298 = tpu.memref_slice %dma_wait3A_296[%add3A_245, %dma_wait3A_297] : memref<10240x128xf32, #tpu.memory_space<hbm>> -> memref<64x128xf32, #tpu.memory_space<hbm>>
      tpu.wait_dma2 semaphore(%run_scoped3A_274 : memref<!tpu.dma_semaphore, #tpu.memory_space<semaphore_mem>>) src(%arg10 : memref<64x128xf32, #tpu.memory_space<vmem>>) dst(%dma_wait3A_298 : memref<64x128xf32, #tpu.memory_space<hbm>>)
      tpu.yield
    }) : () -> ()
    %mul3A_246 = arith.constant 640 : i32
    %mul3A_247 = arith.muli %arg1, %mul3A_246 : i32
    %add3A_248 = arith.constant 192 : i32
    %add3A_249 = arith.addi %mul3A_247, %add3A_248 : i32
    "tpu.region"() ({
      %run_scoped3A_274 = tpu.sem_alloc : memref<!tpu.dma_semaphore, #tpu.memory_space<semaphore_mem>>
      %dma_start3A_275 = arith.constant 0 : i32
      %dma_start3A_276 = arith.constant 0 : i32
      %dma_start3A_277 = tpu.memref_slice %arg10[%dma_start3A_275, %dma_start3A_276] : memref<64x128xf32, #tpu.memory_space<vmem>> -> memref<64x64xf32, #tpu.memory_space<vmem>>
      %dma_start3A_278 = arith.constant 0 : i32
      %dma_start3A_279 = tpu.memref_slice %arg5[%add3A_249, %dma_start3A_278] : memref<10240x64xf32, #tpu.memory_space<vmem_shared>> -> memref<64x64xf32, #tpu.memory_space<vmem_shared>>
      %dma_start3A_280 = arith.constant 0 : i32
      %dma_start3A_281 = arith.constant 0 : i32
      %dma_start3A_282 = tpu.memref_slice %arg10[%dma_start3A_280, %dma_start3A_281] : memref<64x128xf32, #tpu.memory_space<vmem>> -> memref<64x64xf32, #tpu.memory_space<vmem>>
      %dma_start3A_283 = arith.constant 0 : i32
      %dma_start3A_284 = tpu.memref_slice %arg5[%add3A_249, %dma_start3A_283] : memref<10240x64xf32, #tpu.memory_space<vmem_shared>> -> memref<64x64xf32, #tpu.memory_space<vmem_shared>>
      tpu.enqueue_dma source(%dma_start3A_284 : memref<64x64xf32, #tpu.memory_space<vmem_shared>>) target(%dma_start3A_282 : memref<64x64xf32, #tpu.memory_space<vmem>>) target_semaphore(%run_scoped3A_274 : memref<!tpu.dma_semaphore, #tpu.memory_space<semaphore_mem>>)
      %dma_wait3A_285 = arith.constant 0 : i32
      %dma_wait3A_286 = arith.constant 0 : i32
      %dma_wait3A_287 = tpu.memref_slice %arg10[%dma_wait3A_285, %dma_wait3A_286] : memref<64x128xf32, #tpu.memory_space<vmem>> -> memref<64x64xf32, #tpu.memory_space<vmem>>
      %dma_wait3A_288 = arith.constant 0 : i32
      %dma_wait3A_289 = tpu.memref_slice %arg5[%add3A_249, %dma_wait3A_288] : memref<10240x64xf32, #tpu.memory_space<vmem_shared>> -> memref<64x64xf32, #tpu.memory_space<vmem_shared>>
      %dma_wait3A_290 = arith.constant 0 : i32
      %dma_wait3A_291 = arith.constant 0 : i32
      %dma_wait3A_292 = tpu.memref_slice %arg10[%dma_wait3A_290, %dma_wait3A_291] : memref<64x128xf32, #tpu.memory_space<vmem>> -> memref<64x64xf32, #tpu.memory_space<vmem>>
      %dma_wait3A_293 = arith.constant 0 : i32
      %dma_wait3A_294 = tpu.memref_slice %arg5[%add3A_249, %dma_wait3A_293] : memref<10240x64xf32, #tpu.memory_space<vmem_shared>> -> memref<64x64xf32, #tpu.memory_space<vmem_shared>>
      tpu.wait_dma2 semaphore(%run_scoped3A_274 : memref<!tpu.dma_semaphore, #tpu.memory_space<semaphore_mem>>) src(%dma_wait3A_294 : memref<64x64xf32, #tpu.memory_space<vmem_shared>>) dst(%dma_wait3A_292 : memref<64x64xf32, #tpu.memory_space<vmem>>)
      tpu.yield
    }) : () -> ()
    "tpu.region"() ({
      %run_scoped3A_274 = tpu.sem_alloc : memref<!tpu.dma_semaphore, #tpu.memory_space<semaphore_mem>>
      %dma_start3A_275 = arith.constant 0 : i32
      %dma_start3A_276 = arith.constant 0 : i32
      %dma_start3A_277 = tpu.memref_slice %arg4[%arg0, %dma_start3A_275, %dma_start3A_276] : memref<2x10240x128xf32, #tpu.memory_space<hbm>> -> memref<1x10240x128xf32, #tpu.memory_space<hbm>>
      %dma_start3A_278 = tpu.memref_squeeze %dma_start3A_277 : memref<1x10240x128xf32, #tpu.memory_space<hbm>> -> memref<10240x128xf32, #tpu.memory_space<hbm>>
      %dma_start3A_279 = arith.constant 0 : i32
      %dma_start3A_280 = tpu.memref_slice %dma_start3A_278[%add3A_249, %dma_start3A_279] : memref<10240x128xf32, #tpu.memory_space<hbm>> -> memref<64x128xf32, #tpu.memory_space<hbm>>
      %dma_start3A_281 = arith.constant 0 : i32
      %dma_start3A_282 = arith.constant 0 : i32
      %dma_start3A_283 = tpu.memref_slice %arg4[%arg0, %dma_start3A_281, %dma_start3A_282] : memref<2x10240x128xf32, #tpu.memory_space<hbm>> -> memref<1x10240x128xf32, #tpu.memory_space<hbm>>
      %dma_start3A_284 = tpu.memref_squeeze %dma_start3A_283 : memref<1x10240x128xf32, #tpu.memory_space<hbm>> -> memref<10240x128xf32, #tpu.memory_space<hbm>>
      %dma_start3A_285 = arith.constant 0 : i32
      %dma_start3A_286 = tpu.memref_slice %dma_start3A_284[%add3A_249, %dma_start3A_285] : memref<10240x128xf32, #tpu.memory_space<hbm>> -> memref<64x128xf32, #tpu.memory_space<hbm>>
      tpu.enqueue_dma source(%arg10 : memref<64x128xf32, #tpu.memory_space<vmem>>) target(%dma_start3A_286 : memref<64x128xf32, #tpu.memory_space<hbm>>) target_semaphore(%run_scoped3A_274 : memref<!tpu.dma_semaphore, #tpu.memory_space<semaphore_mem>>)
      %dma_wait3A_287 = arith.constant 0 : i32
      %dma_wait3A_288 = arith.constant 0 : i32
      %dma_wait3A_289 = tpu.memref_slice %arg4[%arg0, %dma_wait3A_287, %dma_wait3A_288] : memref<2x10240x128xf32, #tpu.memory_space<hbm>> -> memref<1x10240x128xf32, #tpu.memory_space<hbm>>
      %dma_wait3A_290 = tpu.memref_squeeze %dma_wait3A_289 : memref<1x10240x128xf32, #tpu.memory_space<hbm>> -> memref<10240x128xf32, #tpu.memory_space<hbm>>
      %dma_wait3A_291 = arith.constant 0 : i32
      %dma_wait3A_292 = tpu.memref_slice %dma_wait3A_290[%add3A_249, %dma_wait3A_291] : memref<10240x128xf32, #tpu.memory_space<hbm>> -> memref<64x128xf32, #tpu.memory_space<hbm>>
      %dma_wait3A_293 = arith.constant 0 : i32
      %dma_wait3A_294 = arith.constant 0 : i32
      %dma_wait3A_295 = tpu.memref_slice %arg4[%arg0, %dma_wait3A_293, %dma_wait3A_294] : memref<2x10240x128xf32, #tpu.memory_space<hbm>> -> memref<1x10240x128xf32, #tpu.memory_space<hbm>>
      %dma_wait3A_296 = tpu.memref_squeeze %dma_wait3A_295 : memref<1x10240x128xf32, #tpu.memory_space<hbm>> -> memref<10240x128xf32, #tpu.memory_space<hbm>>
      %dma_wait3A_297 = arith.constant 0 : i32
      %dma_wait3A_298 = tpu.memref_slice %dma_wait3A_296[%add3A_249, %dma_wait3A_297] : memref<10240x128xf32, #tpu.memory_space<hbm>> -> memref<64x128xf32, #tpu.memory_space<hbm>>
      tpu.wait_dma2 semaphore(%run_scoped3A_274 : memref<!tpu.dma_semaphore, #tpu.memory_space<semaphore_mem>>) src(%arg10 : memref<64x128xf32, #tpu.memory_space<vmem>>) dst(%dma_wait3A_298 : memref<64x128xf32, #tpu.memory_space<hbm>>)
      tpu.yield
    }) : () -> ()
    %mul3A_250 = arith.constant 640 : i32
    %mul3A_251 = arith.muli %arg1, %mul3A_250 : i32
    %add3A_252 = arith.constant 256 : i32
    %add3A_253 = arith.addi %mul3A_251, %add3A_252 : i32
    "tpu.region"() ({
      %run_scoped3A_274 = tpu.sem_alloc : memref<!tpu.dma_semaphore, #tpu.memory_space<semaphore_mem>>
      %dma_start3A_275 = arith.constant 0 : i32
      %dma_start3A_276 = arith.constant 0 : i32
      %dma_start3A_277 = tpu.memref_slice %arg10[%dma_start3A_275, %dma_start3A_276] : memref<64x128xf32, #tpu.memory_space<vmem>> -> memref<64x64xf32, #tpu.memory_space<vmem>>
      %dma_start3A_278 = arith.constant 0 : i32
      %dma_start3A_279 = tpu.memref_slice %arg5[%add3A_253, %dma_start3A_278] : memref<10240x64xf32, #tpu.memory_space<vmem_shared>> -> memref<64x64xf32, #tpu.memory_space<vmem_shared>>
      %dma_start3A_280 = arith.constant 0 : i32
      %dma_start3A_281 = arith.constant 0 : i32
      %dma_start3A_282 = tpu.memref_slice %arg10[%dma_start3A_280, %dma_start3A_281] : memref<64x128xf32, #tpu.memory_space<vmem>> -> memref<64x64xf32, #tpu.memory_space<vmem>>
      %dma_start3A_283 = arith.constant 0 : i32
      %dma_start3A_284 = tpu.memref_slice %arg5[%add3A_253, %dma_start3A_283] : memref<10240x64xf32, #tpu.memory_space<vmem_shared>> -> memref<64x64xf32, #tpu.memory_space<vmem_shared>>
      tpu.enqueue_dma source(%dma_start3A_284 : memref<64x64xf32, #tpu.memory_space<vmem_shared>>) target(%dma_start3A_282 : memref<64x64xf32, #tpu.memory_space<vmem>>) target_semaphore(%run_scoped3A_274 : memref<!tpu.dma_semaphore, #tpu.memory_space<semaphore_mem>>)
      %dma_wait3A_285 = arith.constant 0 : i32
      %dma_wait3A_286 = arith.constant 0 : i32
      %dma_wait3A_287 = tpu.memref_slice %arg10[%dma_wait3A_285, %dma_wait3A_286] : memref<64x128xf32, #tpu.memory_space<vmem>> -> memref<64x64xf32, #tpu.memory_space<vmem>>
      %dma_wait3A_288 = arith.constant 0 : i32
      %dma_wait3A_289 = tpu.memref_slice %arg5[%add3A_253, %dma_wait3A_288] : memref<10240x64xf32, #tpu.memory_space<vmem_shared>> -> memref<64x64xf32, #tpu.memory_space<vmem_shared>>
      %dma_wait3A_290 = arith.constant 0 : i32
      %dma_wait3A_291 = arith.constant 0 : i32
      %dma_wait3A_292 = tpu.memref_slice %arg10[%dma_wait3A_290, %dma_wait3A_291] : memref<64x128xf32, #tpu.memory_space<vmem>> -> memref<64x64xf32, #tpu.memory_space<vmem>>
      %dma_wait3A_293 = arith.constant 0 : i32
      %dma_wait3A_294 = tpu.memref_slice %arg5[%add3A_253, %dma_wait3A_293] : memref<10240x64xf32, #tpu.memory_space<vmem_shared>> -> memref<64x64xf32, #tpu.memory_space<vmem_shared>>
      tpu.wait_dma2 semaphore(%run_scoped3A_274 : memref<!tpu.dma_semaphore, #tpu.memory_space<semaphore_mem>>) src(%dma_wait3A_294 : memref<64x64xf32, #tpu.memory_space<vmem_shared>>) dst(%dma_wait3A_292 : memref<64x64xf32, #tpu.memory_space<vmem>>)
      tpu.yield
    }) : () -> ()
    "tpu.region"() ({
      %run_scoped3A_274 = tpu.sem_alloc : memref<!tpu.dma_semaphore, #tpu.memory_space<semaphore_mem>>
      %dma_start3A_275 = arith.constant 0 : i32
      %dma_start3A_276 = arith.constant 0 : i32
      %dma_start3A_277 = tpu.memref_slice %arg4[%arg0, %dma_start3A_275, %dma_start3A_276] : memref<2x10240x128xf32, #tpu.memory_space<hbm>> -> memref<1x10240x128xf32, #tpu.memory_space<hbm>>
      %dma_start3A_278 = tpu.memref_squeeze %dma_start3A_277 : memref<1x10240x128xf32, #tpu.memory_space<hbm>> -> memref<10240x128xf32, #tpu.memory_space<hbm>>
      %dma_start3A_279 = arith.constant 0 : i32
      %dma_start3A_280 = tpu.memref_slice %dma_start3A_278[%add3A_253, %dma_start3A_279] : memref<10240x128xf32, #tpu.memory_space<hbm>> -> memref<64x128xf32, #tpu.memory_space<hbm>>
      %dma_start3A_281 = arith.constant 0 : i32
      %dma_start3A_282 = arith.constant 0 : i32
      %dma_start3A_283 = tpu.memref_slice %arg4[%arg0, %dma_start3A_281, %dma_start3A_282] : memref<2x10240x128xf32, #tpu.memory_space<hbm>> -> memref<1x10240x128xf32, #tpu.memory_space<hbm>>
      %dma_start3A_284 = tpu.memref_squeeze %dma_start3A_283 : memref<1x10240x128xf32, #tpu.memory_space<hbm>> -> memref<10240x128xf32, #tpu.memory_space<hbm>>
      %dma_start3A_285 = arith.constant 0 : i32
      %dma_start3A_286 = tpu.memref_slice %dma_start3A_284[%add3A_253, %dma_start3A_285] : memref<10240x128xf32, #tpu.memory_space<hbm>> -> memref<64x128xf32, #tpu.memory_space<hbm>>
      tpu.enqueue_dma source(%arg10 : memref<64x128xf32, #tpu.memory_space<vmem>>) target(%dma_start3A_286 : memref<64x128xf32, #tpu.memory_space<hbm>>) target_semaphore(%run_scoped3A_274 : memref<!tpu.dma_semaphore, #tpu.memory_space<semaphore_mem>>)
      %dma_wait3A_287 = arith.constant 0 : i32
      %dma_wait3A_288 = arith.constant 0 : i32
      %dma_wait3A_289 = tpu.memref_slice %arg4[%arg0, %dma_wait3A_287, %dma_wait3A_288] : memref<2x10240x128xf32, #tpu.memory_space<hbm>> -> memref<1x10240x128xf32, #tpu.memory_space<hbm>>
      %dma_wait3A_290 = tpu.memref_squeeze %dma_wait3A_289 : memref<1x10240x128xf32, #tpu.memory_space<hbm>> -> memref<10240x128xf32, #tpu.memory_space<hbm>>
      %dma_wait3A_291 = arith.constant 0 : i32
      %dma_wait3A_292 = tpu.memref_slice %dma_wait3A_290[%add3A_253, %dma_wait3A_291] : memref<10240x128xf32, #tpu.memory_space<hbm>> -> memref<64x128xf32, #tpu.memory_space<hbm>>
      %dma_wait3A_293 = arith.constant 0 : i32
      %dma_wait3A_294 = arith.constant 0 : i32
      %dma_wait3A_295 = tpu.memref_slice %arg4[%arg0, %dma_wait3A_293, %dma_wait3A_294] : memref<2x10240x128xf32, #tpu.memory_space<hbm>> -> memref<1x10240x128xf32, #tpu.memory_space<hbm>>
      %dma_wait3A_296 = tpu.memref_squeeze %dma_wait3A_295 : memref<1x10240x128xf32, #tpu.memory_space<hbm>> -> memref<10240x128xf32, #tpu.memory_space<hbm>>
      %dma_wait3A_297 = arith.constant 0 : i32
      %dma_wait3A_298 = tpu.memref_slice %dma_wait3A_296[%add3A_253, %dma_wait3A_297] : memref<10240x128xf32, #tpu.memory_space<hbm>> -> memref<64x128xf32, #tpu.memory_space<hbm>>
      tpu.wait_dma2 semaphore(%run_scoped3A_274 : memref<!tpu.dma_semaphore, #tpu.memory_space<semaphore_mem>>) src(%arg10 : memref<64x128xf32, #tpu.memory_space<vmem>>) dst(%dma_wait3A_298 : memref<64x128xf32, #tpu.memory_space<hbm>>)
      tpu.yield
    }) : () -> ()
    %mul3A_254 = arith.constant 640 : i32
    %mul3A_255 = arith.muli %arg1, %mul3A_254 : i32
    %add3A_256 = arith.constant 320 : i32
    %add3A_257 = arith.addi %mul3A_255, %add3A_256 : i32
    "tpu.region"() ({
      %run_scoped3A_274 = tpu.sem_alloc : memref<!tpu.dma_semaphore, #tpu.memory_space<semaphore_mem>>
      %dma_start3A_275 = arith.constant 0 : i32
      %dma_start3A_276 = arith.constant 0 : i32
      %dma_start3A_277 = tpu.memref_slice %arg10[%dma_start3A_275, %dma_start3A_276] : memref<64x128xf32, #tpu.memory_space<vmem>> -> memref<64x64xf32, #tpu.memory_space<vmem>>
      %dma_start3A_278 = arith.constant 0 : i32
      %dma_start3A_279 = tpu.memref_slice %arg5[%add3A_257, %dma_start3A_278] : memref<10240x64xf32, #tpu.memory_space<vmem_shared>> -> memref<64x64xf32, #tpu.memory_space<vmem_shared>>
      %dma_start3A_280 = arith.constant 0 : i32
      %dma_start3A_281 = arith.constant 0 : i32
      %dma_start3A_282 = tpu.memref_slice %arg10[%dma_start3A_280, %dma_start3A_281] : memref<64x128xf32, #tpu.memory_space<vmem>> -> memref<64x64xf32, #tpu.memory_space<vmem>>
      %dma_start3A_283 = arith.constant 0 : i32
      %dma_start3A_284 = tpu.memref_slice %arg5[%add3A_257, %dma_start3A_283] : memref<10240x64xf32, #tpu.memory_space<vmem_shared>> -> memref<64x64xf32, #tpu.memory_space<vmem_shared>>
      tpu.enqueue_dma source(%dma_start3A_284 : memref<64x64xf32, #tpu.memory_space<vmem_shared>>) target(%dma_start3A_282 : memref<64x64xf32, #tpu.memory_space<vmem>>) target_semaphore(%run_scoped3A_274 : memref<!tpu.dma_semaphore, #tpu.memory_space<semaphore_mem>>)
      %dma_wait3A_285 = arith.constant 0 : i32
      %dma_wait3A_286 = arith.constant 0 : i32
      %dma_wait3A_287 = tpu.memref_slice %arg10[%dma_wait3A_285, %dma_wait3A_286] : memref<64x128xf32, #tpu.memory_space<vmem>> -> memref<64x64xf32, #tpu.memory_space<vmem>>
      %dma_wait3A_288 = arith.constant 0 : i32
      %dma_wait3A_289 = tpu.memref_slice %arg5[%add3A_257, %dma_wait3A_288] : memref<10240x64xf32, #tpu.memory_space<vmem_shared>> -> memref<64x64xf32, #tpu.memory_space<vmem_shared>>
      %dma_wait3A_290 = arith.constant 0 : i32
      %dma_wait3A_291 = arith.constant 0 : i32
      %dma_wait3A_292 = tpu.memref_slice %arg10[%dma_wait3A_290, %dma_wait3A_291] : memref<64x128xf32, #tpu.memory_space<vmem>> -> memref<64x64xf32, #tpu.memory_space<vmem>>
      %dma_wait3A_293 = arith.constant 0 : i32
      %dma_wait3A_294 = tpu.memref_slice %arg5[%add3A_257, %dma_wait3A_293] : memref<10240x64xf32, #tpu.memory_space<vmem_shared>> -> memref<64x64xf32, #tpu.memory_space<vmem_shared>>
      tpu.wait_dma2 semaphore(%run_scoped3A_274 : memref<!tpu.dma_semaphore, #tpu.memory_space<semaphore_mem>>) src(%dma_wait3A_294 : memref<64x64xf32, #tpu.memory_space<vmem_shared>>) dst(%dma_wait3A_292 : memref<64x64xf32, #tpu.memory_space<vmem>>)
      tpu.yield
    }) : () -> ()
    "tpu.region"() ({
      %run_scoped3A_274 = tpu.sem_alloc : memref<!tpu.dma_semaphore, #tpu.memory_space<semaphore_mem>>
      %dma_start3A_275 = arith.constant 0 : i32
      %dma_start3A_276 = arith.constant 0 : i32
      %dma_start3A_277 = tpu.memref_slice %arg4[%arg0, %dma_start3A_275, %dma_start3A_276] : memref<2x10240x128xf32, #tpu.memory_space<hbm>> -> memref<1x10240x128xf32, #tpu.memory_space<hbm>>
      %dma_start3A_278 = tpu.memref_squeeze %dma_start3A_277 : memref<1x10240x128xf32, #tpu.memory_space<hbm>> -> memref<10240x128xf32, #tpu.memory_space<hbm>>
      %dma_start3A_279 = arith.constant 0 : i32
      %dma_start3A_280 = tpu.memref_slice %dma_start3A_278[%add3A_257, %dma_start3A_279] : memref<10240x128xf32, #tpu.memory_space<hbm>> -> memref<64x128xf32, #tpu.memory_space<hbm>>
      %dma_start3A_281 = arith.constant 0 : i32
      %dma_start3A_282 = arith.constant 0 : i32
      %dma_start3A_283 = tpu.memref_slice %arg4[%arg0, %dma_start3A_281, %dma_start3A_282] : memref<2x10240x128xf32, #tpu.memory_space<hbm>> -> memref<1x10240x128xf32, #tpu.memory_space<hbm>>
      %dma_start3A_284 = tpu.memref_squeeze %dma_start3A_283 : memref<1x10240x128xf32, #tpu.memory_space<hbm>> -> memref<10240x128xf32, #tpu.memory_space<hbm>>
      %dma_start3A_285 = arith.constant 0 : i32
      %dma_start3A_286 = tpu.memref_slice %dma_start3A_284[%add3A_257, %dma_start3A_285] : memref<10240x128xf32, #tpu.memory_space<hbm>> -> memref<64x128xf32, #tpu.memory_space<hbm>>
      tpu.enqueue_dma source(%arg10 : memref<64x128xf32, #tpu.memory_space<vmem>>) target(%dma_start3A_286 : memref<64x128xf32, #tpu.memory_space<hbm>>) target_semaphore(%run_scoped3A_274 : memref<!tpu.dma_semaphore, #tpu.memory_space<semaphore_mem>>)
      %dma_wait3A_287 = arith.constant 0 : i32
      %dma_wait3A_288 = arith.constant 0 : i32
      %dma_wait3A_289 = tpu.memref_slice %arg4[%arg0, %dma_wait3A_287, %dma_wait3A_288] : memref<2x10240x128xf32, #tpu.memory_space<hbm>> -> memref<1x10240x128xf32, #tpu.memory_space<hbm>>
      %dma_wait3A_290 = tpu.memref_squeeze %dma_wait3A_289 : memref<1x10240x128xf32, #tpu.memory_space<hbm>> -> memref<10240x128xf32, #tpu.memory_space<hbm>>
      %dma_wait3A_291 = arith.constant 0 : i32
      %dma_wait3A_292 = tpu.memref_slice %dma_wait3A_290[%add3A_257, %dma_wait3A_291] : memref<10240x128xf32, #tpu.memory_space<hbm>> -> memref<64x128xf32, #tpu.memory_space<hbm>>
      %dma_wait3A_293 = arith.constant 0 : i32
      %dma_wait3A_294 = arith.constant 0 : i32
      %dma_wait3A_295 = tpu.memref_slice %arg4[%arg0, %dma_wait3A_293, %dma_wait3A_294] : memref<2x10240x128xf32, #tpu.memory_space<hbm>> -> memref<1x10240x128xf32, #tpu.memory_space<hbm>>
      %dma_wait3A_296 = tpu.memref_squeeze %dma_wait3A_295 : memref<1x10240x128xf32, #tpu.memory_space<hbm>> -> memref<10240x128xf32, #tpu.memory_space<hbm>>
      %dma_wait3A_297 = arith.constant 0 : i32
      %dma_wait3A_298 = tpu.memref_slice %dma_wait3A_296[%add3A_257, %dma_wait3A_297] : memref<10240x128xf32, #tpu.memory_space<hbm>> -> memref<64x128xf32, #tpu.memory_space<hbm>>
      tpu.wait_dma2 semaphore(%run_scoped3A_274 : memref<!tpu.dma_semaphore, #tpu.memory_space<semaphore_mem>>) src(%arg10 : memref<64x128xf32, #tpu.memory_space<vmem>>) dst(%dma_wait3A_298 : memref<64x128xf32, #tpu.memory_space<hbm>>)
      tpu.yield
    }) : () -> ()
    %mul3A_258 = arith.constant 640 : i32
    %mul3A_259 = arith.muli %arg1, %mul3A_258 : i32
    %add3A_260 = arith.constant 384 : i32
    %add3A_261 = arith.addi %mul3A_259, %add3A_260 : i32
    "tpu.region"() ({
      %run_scoped3A_274 = tpu.sem_alloc : memref<!tpu.dma_semaphore, #tpu.memory_space<semaphore_mem>>
      %dma_start3A_275 = arith.constant 0 : i32
      %dma_start3A_276 = arith.constant 0 : i32
      %dma_start3A_277 = tpu.memref_slice %arg10[%dma_start3A_275, %dma_start3A_276] : memref<64x128xf32, #tpu.memory_space<vmem>> -> memref<64x64xf32, #tpu.memory_space<vmem>>
      %dma_start3A_278 = arith.constant 0 : i32
      %dma_start3A_279 = tpu.memref_slice %arg5[%add3A_261, %dma_start3A_278] : memref<10240x64xf32, #tpu.memory_space<vmem_shared>> -> memref<64x64xf32, #tpu.memory_space<vmem_shared>>
      %dma_start3A_280 = arith.constant 0 : i32
      %dma_start3A_281 = arith.constant 0 : i32
      %dma_start3A_282 = tpu.memref_slice %arg10[%dma_start3A_280, %dma_start3A_281] : memref<64x128xf32, #tpu.memory_space<vmem>> -> memref<64x64xf32, #tpu.memory_space<vmem>>
      %dma_start3A_283 = arith.constant 0 : i32
      %dma_start3A_284 = tpu.memref_slice %arg5[%add3A_261, %dma_start3A_283] : memref<10240x64xf32, #tpu.memory_space<vmem_shared>> -> memref<64x64xf32, #tpu.memory_space<vmem_shared>>
      tpu.enqueue_dma source(%dma_start3A_284 : memref<64x64xf32, #tpu.memory_space<vmem_shared>>) target(%dma_start3A_282 : memref<64x64xf32, #tpu.memory_space<vmem>>) target_semaphore(%run_scoped3A_274 : memref<!tpu.dma_semaphore, #tpu.memory_space<semaphore_mem>>)
      %dma_wait3A_285 = arith.constant 0 : i32
      %dma_wait3A_286 = arith.constant 0 : i32
      %dma_wait3A_287 = tpu.memref_slice %arg10[%dma_wait3A_285, %dma_wait3A_286] : memref<64x128xf32, #tpu.memory_space<vmem>> -> memref<64x64xf32, #tpu.memory_space<vmem>>
      %dma_wait3A_288 = arith.constant 0 : i32
      %dma_wait3A_289 = tpu.memref_slice %arg5[%add3A_261, %dma_wait3A_288] : memref<10240x64xf32, #tpu.memory_space<vmem_shared>> -> memref<64x64xf32, #tpu.memory_space<vmem_shared>>
      %dma_wait3A_290 = arith.constant 0 : i32
      %dma_wait3A_291 = arith.constant 0 : i32
      %dma_wait3A_292 = tpu.memref_slice %arg10[%dma_wait3A_290, %dma_wait3A_291] : memref<64x128xf32, #tpu.memory_space<vmem>> -> memref<64x64xf32, #tpu.memory_space<vmem>>
      %dma_wait3A_293 = arith.constant 0 : i32
      %dma_wait3A_294 = tpu.memref_slice %arg5[%add3A_261, %dma_wait3A_293] : memref<10240x64xf32, #tpu.memory_space<vmem_shared>> -> memref<64x64xf32, #tpu.memory_space<vmem_shared>>
      tpu.wait_dma2 semaphore(%run_scoped3A_274 : memref<!tpu.dma_semaphore, #tpu.memory_space<semaphore_mem>>) src(%dma_wait3A_294 : memref<64x64xf32, #tpu.memory_space<vmem_shared>>) dst(%dma_wait3A_292 : memref<64x64xf32, #tpu.memory_space<vmem>>)
      tpu.yield
    }) : () -> ()
    "tpu.region"() ({
      %run_scoped3A_274 = tpu.sem_alloc : memref<!tpu.dma_semaphore, #tpu.memory_space<semaphore_mem>>
      %dma_start3A_275 = arith.constant 0 : i32
      %dma_start3A_276 = arith.constant 0 : i32
      %dma_start3A_277 = tpu.memref_slice %arg4[%arg0, %dma_start3A_275, %dma_start3A_276] : memref<2x10240x128xf32, #tpu.memory_space<hbm>> -> memref<1x10240x128xf32, #tpu.memory_space<hbm>>
      %dma_start3A_278 = tpu.memref_squeeze %dma_start3A_277 : memref<1x10240x128xf32, #tpu.memory_space<hbm>> -> memref<10240x128xf32, #tpu.memory_space<hbm>>
      %dma_start3A_279 = arith.constant 0 : i32
      %dma_start3A_280 = tpu.memref_slice %dma_start3A_278[%add3A_261, %dma_start3A_279] : memref<10240x128xf32, #tpu.memory_space<hbm>> -> memref<64x128xf32, #tpu.memory_space<hbm>>
      %dma_start3A_281 = arith.constant 0 : i32
      %dma_start3A_282 = arith.constant 0 : i32
      %dma_start3A_283 = tpu.memref_slice %arg4[%arg0, %dma_start3A_281, %dma_start3A_282] : memref<2x10240x128xf32, #tpu.memory_space<hbm>> -> memref<1x10240x128xf32, #tpu.memory_space<hbm>>
      %dma_start3A_284 = tpu.memref_squeeze %dma_start3A_283 : memref<1x10240x128xf32, #tpu.memory_space<hbm>> -> memref<10240x128xf32, #tpu.memory_space<hbm>>
      %dma_start3A_285 = arith.constant 0 : i32
      %dma_start3A_286 = tpu.memref_slice %dma_start3A_284[%add3A_261, %dma_start3A_285] : memref<10240x128xf32, #tpu.memory_space<hbm>> -> memref<64x128xf32, #tpu.memory_space<hbm>>
      tpu.enqueue_dma source(%arg10 : memref<64x128xf32, #tpu.memory_space<vmem>>) target(%dma_start3A_286 : memref<64x128xf32, #tpu.memory_space<hbm>>) target_semaphore(%run_scoped3A_274 : memref<!tpu.dma_semaphore, #tpu.memory_space<semaphore_mem>>)
      %dma_wait3A_287 = arith.constant 0 : i32
      %dma_wait3A_288 = arith.constant 0 : i32
      %dma_wait3A_289 = tpu.memref_slice %arg4[%arg0, %dma_wait3A_287, %dma_wait3A_288] : memref<2x10240x128xf32, #tpu.memory_space<hbm>> -> memref<1x10240x128xf32, #tpu.memory_space<hbm>>
      %dma_wait3A_290 = tpu.memref_squeeze %dma_wait3A_289 : memref<1x10240x128xf32, #tpu.memory_space<hbm>> -> memref<10240x128xf32, #tpu.memory_space<hbm>>
      %dma_wait3A_291 = arith.constant 0 : i32
      %dma_wait3A_292 = tpu.memref_slice %dma_wait3A_290[%add3A_261, %dma_wait3A_291] : memref<10240x128xf32, #tpu.memory_space<hbm>> -> memref<64x128xf32, #tpu.memory_space<hbm>>
      %dma_wait3A_293 = arith.constant 0 : i32
      %dma_wait3A_294 = arith.constant 0 : i32
      %dma_wait3A_295 = tpu.memref_slice %arg4[%arg0, %dma_wait3A_293, %dma_wait3A_294] : memref<2x10240x128xf32, #tpu.memory_space<hbm>> -> memref<1x10240x128xf32, #tpu.memory_space<hbm>>
      %dma_wait3A_296 = tpu.memref_squeeze %dma_wait3A_295 : memref<1x10240x128xf32, #tpu.memory_space<hbm>> -> memref<10240x128xf32, #tpu.memory_space<hbm>>
      %dma_wait3A_297 = arith.constant 0 : i32
      %dma_wait3A_298 = tpu.memref_slice %dma_wait3A_296[%add3A_261, %dma_wait3A_297] : memref<10240x128xf32, #tpu.memory_space<hbm>> -> memref<64x128xf32, #tpu.memory_space<hbm>>
      tpu.wait_dma2 semaphore(%run_scoped3A_274 : memref<!tpu.dma_semaphore, #tpu.memory_space<semaphore_mem>>) src(%arg10 : memref<64x128xf32, #tpu.memory_space<vmem>>) dst(%dma_wait3A_298 : memref<64x128xf32, #tpu.memory_space<hbm>>)
      tpu.yield
    }) : () -> ()
    %mul3A_262 = arith.constant 640 : i32
    %mul3A_263 = arith.muli %arg1, %mul3A_262 : i32
    %add3A_264 = arith.constant 448 : i32
    %add3A_265 = arith.addi %mul3A_263, %add3A_264 : i32
    "tpu.region"() ({
      %run_scoped3A_274 = tpu.sem_alloc : memref<!tpu.dma_semaphore, #tpu.memory_space<semaphore_mem>>
      %dma_start3A_275 = arith.constant 0 : i32
      %dma_start3A_276 = arith.constant 0 : i32
      %dma_start3A_277 = tpu.memref_slice %arg10[%dma_start3A_275, %dma_start3A_276] : memref<64x128xf32, #tpu.memory_space<vmem>> -> memref<64x64xf32, #tpu.memory_space<vmem>>
      %dma_start3A_278 = arith.constant 0 : i32
      %dma_start3A_279 = tpu.memref_slice %arg5[%add3A_265, %dma_start3A_278] : memref<10240x64xf32, #tpu.memory_space<vmem_shared>> -> memref<64x64xf32, #tpu.memory_space<vmem_shared>>
      %dma_start3A_280 = arith.constant 0 : i32
      %dma_start3A_281 = arith.constant 0 : i32
      %dma_start3A_282 = tpu.memref_slice %arg10[%dma_start3A_280, %dma_start3A_281] : memref<64x128xf32, #tpu.memory_space<vmem>> -> memref<64x64xf32, #tpu.memory_space<vmem>>
      %dma_start3A_283 = arith.constant 0 : i32
      %dma_start3A_284 = tpu.memref_slice %arg5[%add3A_265, %dma_start3A_283] : memref<10240x64xf32, #tpu.memory_space<vmem_shared>> -> memref<64x64xf32, #tpu.memory_space<vmem_shared>>
      tpu.enqueue_dma source(%dma_start3A_284 : memref<64x64xf32, #tpu.memory_space<vmem_shared>>) target(%dma_start3A_282 : memref<64x64xf32, #tpu.memory_space<vmem>>) target_semaphore(%run_scoped3A_274 : memref<!tpu.dma_semaphore, #tpu.memory_space<semaphore_mem>>)
      %dma_wait3A_285 = arith.constant 0 : i32
      %dma_wait3A_286 = arith.constant 0 : i32
      %dma_wait3A_287 = tpu.memref_slice %arg10[%dma_wait3A_285, %dma_wait3A_286] : memref<64x128xf32, #tpu.memory_space<vmem>> -> memref<64x64xf32, #tpu.memory_space<vmem>>
      %dma_wait3A_288 = arith.constant 0 : i32
      %dma_wait3A_289 = tpu.memref_slice %arg5[%add3A_265, %dma_wait3A_288] : memref<10240x64xf32, #tpu.memory_space<vmem_shared>> -> memref<64x64xf32, #tpu.memory_space<vmem_shared>>
      %dma_wait3A_290 = arith.constant 0 : i32
      %dma_wait3A_291 = arith.constant 0 : i32
      %dma_wait3A_292 = tpu.memref_slice %arg10[%dma_wait3A_290, %dma_wait3A_291] : memref<64x128xf32, #tpu.memory_space<vmem>> -> memref<64x64xf32, #tpu.memory_space<vmem>>
      %dma_wait3A_293 = arith.constant 0 : i32
      %dma_wait3A_294 = tpu.memref_slice %arg5[%add3A_265, %dma_wait3A_293] : memref<10240x64xf32, #tpu.memory_space<vmem_shared>> -> memref<64x64xf32, #tpu.memory_space<vmem_shared>>
      tpu.wait_dma2 semaphore(%run_scoped3A_274 : memref<!tpu.dma_semaphore, #tpu.memory_space<semaphore_mem>>) src(%dma_wait3A_294 : memref<64x64xf32, #tpu.memory_space<vmem_shared>>) dst(%dma_wait3A_292 : memref<64x64xf32, #tpu.memory_space<vmem>>)
      tpu.yield
    }) : () -> ()
    "tpu.region"() ({
      %run_scoped3A_274 = tpu.sem_alloc : memref<!tpu.dma_semaphore, #tpu.memory_space<semaphore_mem>>
      %dma_start3A_275 = arith.constant 0 : i32
      %dma_start3A_276 = arith.constant 0 : i32
      %dma_start3A_277 = tpu.memref_slice %arg4[%arg0, %dma_start3A_275, %dma_start3A_276] : memref<2x10240x128xf32, #tpu.memory_space<hbm>> -> memref<1x10240x128xf32, #tpu.memory_space<hbm>>
      %dma_start3A_278 = tpu.memref_squeeze %dma_start3A_277 : memref<1x10240x128xf32, #tpu.memory_space<hbm>> -> memref<10240x128xf32, #tpu.memory_space<hbm>>
      %dma_start3A_279 = arith.constant 0 : i32
      %dma_start3A_280 = tpu.memref_slice %dma_start3A_278[%add3A_265, %dma_start3A_279] : memref<10240x128xf32, #tpu.memory_space<hbm>> -> memref<64x128xf32, #tpu.memory_space<hbm>>
      %dma_start3A_281 = arith.constant 0 : i32
      %dma_start3A_282 = arith.constant 0 : i32
      %dma_start3A_283 = tpu.memref_slice %arg4[%arg0, %dma_start3A_281, %dma_start3A_282] : memref<2x10240x128xf32, #tpu.memory_space<hbm>> -> memref<1x10240x128xf32, #tpu.memory_space<hbm>>
      %dma_start3A_284 = tpu.memref_squeeze %dma_start3A_283 : memref<1x10240x128xf32, #tpu.memory_space<hbm>> -> memref<10240x128xf32, #tpu.memory_space<hbm>>
      %dma_start3A_285 = arith.constant 0 : i32
      %dma_start3A_286 = tpu.memref_slice %dma_start3A_284[%add3A_265, %dma_start3A_285] : memref<10240x128xf32, #tpu.memory_space<hbm>> -> memref<64x128xf32, #tpu.memory_space<hbm>>
      tpu.enqueue_dma source(%arg10 : memref<64x128xf32, #tpu.memory_space<vmem>>) target(%dma_start3A_286 : memref<64x128xf32, #tpu.memory_space<hbm>>) target_semaphore(%run_scoped3A_274 : memref<!tpu.dma_semaphore, #tpu.memory_space<semaphore_mem>>)
      %dma_wait3A_287 = arith.constant 0 : i32
      %dma_wait3A_288 = arith.constant 0 : i32
      %dma_wait3A_289 = tpu.memref_slice %arg4[%arg0, %dma_wait3A_287, %dma_wait3A_288] : memref<2x10240x128xf32, #tpu.memory_space<hbm>> -> memref<1x10240x128xf32, #tpu.memory_space<hbm>>
      %dma_wait3A_290 = tpu.memref_squeeze %dma_wait3A_289 : memref<1x10240x128xf32, #tpu.memory_space<hbm>> -> memref<10240x128xf32, #tpu.memory_space<hbm>>
      %dma_wait3A_291 = arith.constant 0 : i32
      %dma_wait3A_292 = tpu.memref_slice %dma_wait3A_290[%add3A_265, %dma_wait3A_291] : memref<10240x128xf32, #tpu.memory_space<hbm>> -> memref<64x128xf32, #tpu.memory_space<hbm>>
      %dma_wait3A_293 = arith.constant 0 : i32
      %dma_wait3A_294 = arith.constant 0 : i32
      %dma_wait3A_295 = tpu.memref_slice %arg4[%arg0, %dma_wait3A_293, %dma_wait3A_294] : memref<2x10240x128xf32, #tpu.memory_space<hbm>> -> memref<1x10240x128xf32, #tpu.memory_space<hbm>>
      %dma_wait3A_296 = tpu.memref_squeeze %dma_wait3A_295 : memref<1x10240x128xf32, #tpu.memory_space<hbm>> -> memref<10240x128xf32, #tpu.memory_space<hbm>>
      %dma_wait3A_297 = arith.constant 0 : i32
      %dma_wait3A_298 = tpu.memref_slice %dma_wait3A_296[%add3A_265, %dma_wait3A_297] : memref<10240x128xf32, #tpu.memory_space<hbm>> -> memref<64x128xf32, #tpu.memory_space<hbm>>
      tpu.wait_dma2 semaphore(%run_scoped3A_274 : memref<!tpu.dma_semaphore, #tpu.memory_space<semaphore_mem>>) src(%arg10 : memref<64x128xf32, #tpu.memory_space<vmem>>) dst(%dma_wait3A_298 : memref<64x128xf32, #tpu.memory_space<hbm>>)
      tpu.yield
    }) : () -> ()
    %mul3A_266 = arith.constant 640 : i32
    %mul3A_267 = arith.muli %arg1, %mul3A_266 : i32
    %add3A_268 = arith.constant 512 : i32
    %add3A_269 = arith.addi %mul3A_267, %add3A_268 : i32
    "tpu.region"() ({
      %run_scoped3A_274 = tpu.sem_alloc : memref<!tpu.dma_semaphore, #tpu.memory_space<semaphore_mem>>
      %dma_start3A_275 = arith.constant 0 : i32
      %dma_start3A_276 = arith.constant 0 : i32
      %dma_start3A_277 = tpu.memref_slice %arg10[%dma_start3A_275, %dma_start3A_276] : memref<64x128xf32, #tpu.memory_space<vmem>> -> memref<64x64xf32, #tpu.memory_space<vmem>>
      %dma_start3A_278 = arith.constant 0 : i32
      %dma_start3A_279 = tpu.memref_slice %arg5[%add3A_269, %dma_start3A_278] : memref<10240x64xf32, #tpu.memory_space<vmem_shared>> -> memref<64x64xf32, #tpu.memory_space<vmem_shared>>
      %dma_start3A_280 = arith.constant 0 : i32
      %dma_start3A_281 = arith.constant 0 : i32
      %dma_start3A_282 = tpu.memref_slice %arg10[%dma_start3A_280, %dma_start3A_281] : memref<64x128xf32, #tpu.memory_space<vmem>> -> memref<64x64xf32, #tpu.memory_space<vmem>>
      %dma_start3A_283 = arith.constant 0 : i32
      %dma_start3A_284 = tpu.memref_slice %arg5[%add3A_269, %dma_start3A_283] : memref<10240x64xf32, #tpu.memory_space<vmem_shared>> -> memref<64x64xf32, #tpu.memory_space<vmem_shared>>
      tpu.enqueue_dma source(%dma_start3A_284 : memref<64x64xf32, #tpu.memory_space<vmem_shared>>) target(%dma_start3A_282 : memref<64x64xf32, #tpu.memory_space<vmem>>) target_semaphore(%run_scoped3A_274 : memref<!tpu.dma_semaphore, #tpu.memory_space<semaphore_mem>>)
      %dma_wait3A_285 = arith.constant 0 : i32
      %dma_wait3A_286 = arith.constant 0 : i32
      %dma_wait3A_287 = tpu.memref_slice %arg10[%dma_wait3A_285, %dma_wait3A_286] : memref<64x128xf32, #tpu.memory_space<vmem>> -> memref<64x64xf32, #tpu.memory_space<vmem>>
      %dma_wait3A_288 = arith.constant 0 : i32
      %dma_wait3A_289 = tpu.memref_slice %arg5[%add3A_269, %dma_wait3A_288] : memref<10240x64xf32, #tpu.memory_space<vmem_shared>> -> memref<64x64xf32, #tpu.memory_space<vmem_shared>>
      %dma_wait3A_290 = arith.constant 0 : i32
      %dma_wait3A_291 = arith.constant 0 : i32
      %dma_wait3A_292 = tpu.memref_slice %arg10[%dma_wait3A_290, %dma_wait3A_291] : memref<64x128xf32, #tpu.memory_space<vmem>> -> memref<64x64xf32, #tpu.memory_space<vmem>>
      %dma_wait3A_293 = arith.constant 0 : i32
      %dma_wait3A_294 = tpu.memref_slice %arg5[%add3A_269, %dma_wait3A_293] : memref<10240x64xf32, #tpu.memory_space<vmem_shared>> -> memref<64x64xf32, #tpu.memory_space<vmem_shared>>
      tpu.wait_dma2 semaphore(%run_scoped3A_274 : memref<!tpu.dma_semaphore, #tpu.memory_space<semaphore_mem>>) src(%dma_wait3A_294 : memref<64x64xf32, #tpu.memory_space<vmem_shared>>) dst(%dma_wait3A_292 : memref<64x64xf32, #tpu.memory_space<vmem>>)
      tpu.yield
    }) : () -> ()
    "tpu.region"() ({
      %run_scoped3A_274 = tpu.sem_alloc : memref<!tpu.dma_semaphore, #tpu.memory_space<semaphore_mem>>
      %dma_start3A_275 = arith.constant 0 : i32
      %dma_start3A_276 = arith.constant 0 : i32
      %dma_start3A_277 = tpu.memref_slice %arg4[%arg0, %dma_start3A_275, %dma_start3A_276] : memref<2x10240x128xf32, #tpu.memory_space<hbm>> -> memref<1x10240x128xf32, #tpu.memory_space<hbm>>
      %dma_start3A_278 = tpu.memref_squeeze %dma_start3A_277 : memref<1x10240x128xf32, #tpu.memory_space<hbm>> -> memref<10240x128xf32, #tpu.memory_space<hbm>>
      %dma_start3A_279 = arith.constant 0 : i32
      %dma_start3A_280 = tpu.memref_slice %dma_start3A_278[%add3A_269, %dma_start3A_279] : memref<10240x128xf32, #tpu.memory_space<hbm>> -> memref<64x128xf32, #tpu.memory_space<hbm>>
      %dma_start3A_281 = arith.constant 0 : i32
      %dma_start3A_282 = arith.constant 0 : i32
      %dma_start3A_283 = tpu.memref_slice %arg4[%arg0, %dma_start3A_281, %dma_start3A_282] : memref<2x10240x128xf32, #tpu.memory_space<hbm>> -> memref<1x10240x128xf32, #tpu.memory_space<hbm>>
      %dma_start3A_284 = tpu.memref_squeeze %dma_start3A_283 : memref<1x10240x128xf32, #tpu.memory_space<hbm>> -> memref<10240x128xf32, #tpu.memory_space<hbm>>
      %dma_start3A_285 = arith.constant 0 : i32
      %dma_start3A_286 = tpu.memref_slice %dma_start3A_284[%add3A_269, %dma_start3A_285] : memref<10240x128xf32, #tpu.memory_space<hbm>> -> memref<64x128xf32, #tpu.memory_space<hbm>>
      tpu.enqueue_dma source(%arg10 : memref<64x128xf32, #tpu.memory_space<vmem>>) target(%dma_start3A_286 : memref<64x128xf32, #tpu.memory_space<hbm>>) target_semaphore(%run_scoped3A_274 : memref<!tpu.dma_semaphore, #tpu.memory_space<semaphore_mem>>)
      %dma_wait3A_287 = arith.constant 0 : i32
      %dma_wait3A_288 = arith.constant 0 : i32
      %dma_wait3A_289 = tpu.memref_slice %arg4[%arg0, %dma_wait3A_287, %dma_wait3A_288] : memref<2x10240x128xf32, #tpu.memory_space<hbm>> -> memref<1x10240x128xf32, #tpu.memory_space<hbm>>
      %dma_wait3A_290 = tpu.memref_squeeze %dma_wait3A_289 : memref<1x10240x128xf32, #tpu.memory_space<hbm>> -> memref<10240x128xf32, #tpu.memory_space<hbm>>
      %dma_wait3A_291 = arith.constant 0 : i32
      %dma_wait3A_292 = tpu.memref_slice %dma_wait3A_290[%add3A_269, %dma_wait3A_291] : memref<10240x128xf32, #tpu.memory_space<hbm>> -> memref<64x128xf32, #tpu.memory_space<hbm>>
      %dma_wait3A_293 = arith.constant 0 : i32
      %dma_wait3A_294 = arith.constant 0 : i32
      %dma_wait3A_295 = tpu.memref_slice %arg4[%arg0, %dma_wait3A_293, %dma_wait3A_294] : memref<2x10240x128xf32, #tpu.memory_space<hbm>> -> memref<1x10240x128xf32, #tpu.memory_space<hbm>>
      %dma_wait3A_296 = tpu.memref_squeeze %dma_wait3A_295 : memref<1x10240x128xf32, #tpu.memory_space<hbm>> -> memref<10240x128xf32, #tpu.memory_space<hbm>>
      %dma_wait3A_297 = arith.constant 0 : i32
      %dma_wait3A_298 = tpu.memref_slice %dma_wait3A_296[%add3A_269, %dma_wait3A_297] : memref<10240x128xf32, #tpu.memory_space<hbm>> -> memref<64x128xf32, #tpu.memory_space<hbm>>
      tpu.wait_dma2 semaphore(%run_scoped3A_274 : memref<!tpu.dma_semaphore, #tpu.memory_space<semaphore_mem>>) src(%arg10 : memref<64x128xf32, #tpu.memory_space<vmem>>) dst(%dma_wait3A_298 : memref<64x128xf32, #tpu.memory_space<hbm>>)
      tpu.yield
    }) : () -> ()
    %mul3A_270 = arith.constant 640 : i32
    %mul3A_271 = arith.muli %arg1, %mul3A_270 : i32
    %add3A_272 = arith.constant 576 : i32
    %add3A_273 = arith.addi %mul3A_271, %add3A_272 : i32
    "tpu.region"() ({
      %run_scoped3A_274 = tpu.sem_alloc : memref<!tpu.dma_semaphore, #tpu.memory_space<semaphore_mem>>
      %dma_start3A_275 = arith.constant 0 : i32
      %dma_start3A_276 = arith.constant 0 : i32
      %dma_start3A_277 = tpu.memref_slice %arg10[%dma_start3A_275, %dma_start3A_276] : memref<64x128xf32, #tpu.memory_space<vmem>> -> memref<64x64xf32, #tpu.memory_space<vmem>>
      %dma_start3A_278 = arith.constant 0 : i32
      %dma_start3A_279 = tpu.memref_slice %arg5[%add3A_273, %dma_start3A_278] : memref<10240x64xf32, #tpu.memory_space<vmem_shared>> -> memref<64x64xf32, #tpu.memory_space<vmem_shared>>
      %dma_start3A_280 = arith.constant 0 : i32
      %dma_start3A_281 = arith.constant 0 : i32
      %dma_start3A_282 = tpu.memref_slice %arg10[%dma_start3A_280, %dma_start3A_281] : memref<64x128xf32, #tpu.memory_space<vmem>> -> memref<64x64xf32, #tpu.memory_space<vmem>>
      %dma_start3A_283 = arith.constant 0 : i32
      %dma_start3A_284 = tpu.memref_slice %arg5[%add3A_273, %dma_start3A_283] : memref<10240x64xf32, #tpu.memory_space<vmem_shared>> -> memref<64x64xf32, #tpu.memory_space<vmem_shared>>
      tpu.enqueue_dma source(%dma_start3A_284 : memref<64x64xf32, #tpu.memory_space<vmem_shared>>) target(%dma_start3A_282 : memref<64x64xf32, #tpu.memory_space<vmem>>) target_semaphore(%run_scoped3A_274 : memref<!tpu.dma_semaphore, #tpu.memory_space<semaphore_mem>>)
      %dma_wait3A_285 = arith.constant 0 : i32
      %dma_wait3A_286 = arith.constant 0 : i32
      %dma_wait3A_287 = tpu.memref_slice %arg10[%dma_wait3A_285, %dma_wait3A_286] : memref<64x128xf32, #tpu.memory_space<vmem>> -> memref<64x64xf32, #tpu.memory_space<vmem>>
      %dma_wait3A_288 = arith.constant 0 : i32
      %dma_wait3A_289 = tpu.memref_slice %arg5[%add3A_273, %dma_wait3A_288] : memref<10240x64xf32, #tpu.memory_space<vmem_shared>> -> memref<64x64xf32, #tpu.memory_space<vmem_shared>>
      %dma_wait3A_290 = arith.constant 0 : i32
      %dma_wait3A_291 = arith.constant 0 : i32
      %dma_wait3A_292 = tpu.memref_slice %arg10[%dma_wait3A_290, %dma_wait3A_291] : memref<64x128xf32, #tpu.memory_space<vmem>> -> memref<64x64xf32, #tpu.memory_space<vmem>>
      %dma_wait3A_293 = arith.constant 0 : i32
      %dma_wait3A_294 = tpu.memref_slice %arg5[%add3A_273, %dma_wait3A_293] : memref<10240x64xf32, #tpu.memory_space<vmem_shared>> -> memref<64x64xf32, #tpu.memory_space<vmem_shared>>
      tpu.wait_dma2 semaphore(%run_scoped3A_274 : memref<!tpu.dma_semaphore, #tpu.memory_space<semaphore_mem>>) src(%dma_wait3A_294 : memref<64x64xf32, #tpu.memory_space<vmem_shared>>) dst(%dma_wait3A_292 : memref<64x64xf32, #tpu.memory_space<vmem>>)
      tpu.yield
    }) : () -> ()
    "tpu.region"() ({
      %run_scoped3A_274 = tpu.sem_alloc : memref<!tpu.dma_semaphore, #tpu.memory_space<semaphore_mem>>
      %dma_start3A_275 = arith.constant 0 : i32
      %dma_start3A_276 = arith.constant 0 : i32
      %dma_start3A_277 = tpu.memref_slice %arg4[%arg0, %dma_start3A_275, %dma_start3A_276] : memref<2x10240x128xf32, #tpu.memory_space<hbm>> -> memref<1x10240x128xf32, #tpu.memory_space<hbm>>
      %dma_start3A_278 = tpu.memref_squeeze %dma_start3A_277 : memref<1x10240x128xf32, #tpu.memory_space<hbm>> -> memref<10240x128xf32, #tpu.memory_space<hbm>>
      %dma_start3A_279 = arith.constant 0 : i32
      %dma_start3A_280 = tpu.memref_slice %dma_start3A_278[%add3A_273, %dma_start3A_279] : memref<10240x128xf32, #tpu.memory_space<hbm>> -> memref<64x128xf32, #tpu.memory_space<hbm>>
      %dma_start3A_281 = arith.constant 0 : i32
      %dma_start3A_282 = arith.constant 0 : i32
      %dma_start3A_283 = tpu.memref_slice %arg4[%arg0, %dma_start3A_281, %dma_start3A_282] : memref<2x10240x128xf32, #tpu.memory_space<hbm>> -> memref<1x10240x128xf32, #tpu.memory_space<hbm>>
      %dma_start3A_284 = tpu.memref_squeeze %dma_start3A_283 : memref<1x10240x128xf32, #tpu.memory_space<hbm>> -> memref<10240x128xf32, #tpu.memory_space<hbm>>
      %dma_start3A_285 = arith.constant 0 : i32
      %dma_start3A_286 = tpu.memref_slice %dma_start3A_284[%add3A_273, %dma_start3A_285] : memref<10240x128xf32, #tpu.memory_space<hbm>> -> memref<64x128xf32, #tpu.memory_space<hbm>>
      tpu.enqueue_dma source(%arg10 : memref<64x128xf32, #tpu.memory_space<vmem>>) target(%dma_start3A_286 : memref<64x128xf32, #tpu.memory_space<hbm>>) target_semaphore(%run_scoped3A_274 : memref<!tpu.dma_semaphore, #tpu.memory_space<semaphore_mem>>)
      %dma_wait3A_287 = arith.constant 0 : i32
      %dma_wait3A_288 = arith.constant 0 : i32
      %dma_wait3A_289 = tpu.memref_slice %arg4[%arg0, %dma_wait3A_287, %dma_wait3A_288] : memref<2x10240x128xf32, #tpu.memory_space<hbm>> -> memref<1x10240x128xf32, #tpu.memory_space<hbm>>
      %dma_wait3A_290 = tpu.memref_squeeze %dma_wait3A_289 : memref<1x10240x128xf32, #tpu.memory_space<hbm>> -> memref<10240x128xf32, #tpu.memory_space<hbm>>
      %dma_wait3A_291 = arith.constant 0 : i32
      %dma_wait3A_292 = tpu.memref_slice %dma_wait3A_290[%add3A_273, %dma_wait3A_291] : memref<10240x128xf32, #tpu.memory_space<hbm>> -> memref<64x128xf32, #tpu.memory_space<hbm>>
      %dma_wait3A_293 = arith.constant 0 : i32
      %dma_wait3A_294 = arith.constant 0 : i32
      %dma_wait3A_295 = tpu.memref_slice %arg4[%arg0, %dma_wait3A_293, %dma_wait3A_294] : memref<2x10240x128xf32, #tpu.memory_space<hbm>> -> memref<1x10240x128xf32, #tpu.memory_space<hbm>>
      %dma_wait3A_296 = tpu.memref_squeeze %dma_wait3A_295 : memref<1x10240x128xf32, #tpu.memory_space<hbm>> -> memref<10240x128xf32, #tpu.memory_space<hbm>>
      %dma_wait3A_297 = arith.constant 0 : i32
      %dma_wait3A_298 = tpu.memref_slice %dma_wait3A_296[%add3A_273, %dma_wait3A_297] : memref<10240x128xf32, #tpu.memory_space<hbm>> -> memref<64x128xf32, #tpu.memory_space<hbm>>
      tpu.wait_dma2 semaphore(%run_scoped3A_274 : memref<!tpu.dma_semaphore, #tpu.memory_space<semaphore_mem>>) src(%arg10 : memref<64x128xf32, #tpu.memory_space<vmem>>) dst(%dma_wait3A_298 : memref<64x128xf32, #tpu.memory_space<hbm>>)
      tpu.yield
    }) : () -> ()
    return
  }
}

module attributes {stable_mosaic.version = 14 : i64} {
  func.func @_mm_body(%arg0: memref<10000x128xf32, #tpu.memory_space<vmem>>, %arg1: memref<128x64xf32, #tpu.memory_space<vmem>>, %arg2: memref<1x64xf32, #tpu.memory_space<vmem>>, %arg3: memref<10000x64xf32, #tpu.memory_space<vmem>>) attributes {dimension_semantics = [], scalar_prefetch = 0 : i64, scratch_operands = 0 : i64, tpu.core_type = #tpu.core_type<tc>} {
    %get3A = arith.constant 0 : index
    %get3A_0 = arith.constant 0 : index
    %get3A_1 = vector.load %arg0[%get3A, %get3A_0] : memref<10000x128xf32, #tpu.memory_space<vmem>>, vector<10000x128xf32>
    %get3A_2 = arith.constant 0 : index
    %get3A_3 = arith.constant 0 : index
    %get3A_4 = vector.load %arg1[%get3A_2, %get3A_3] : memref<128x64xf32, #tpu.memory_space<vmem>>, vector<128x64xf32>
    %dot_general3A = arith.constant dense<0.000000e+00> : vector<10000x64xf32>
    %dot_general3A_5 = tpu.matmul %get3A_1, %get3A_4, %dot_general3A {dimension_numbers = #tpu.dot_dimension_numbers<[1], [0], [0], [1], [0, 0, 1, 1], [], []>, transpose_lhs_hint = false} : vector<10000x128xf32>, vector<128x64xf32>, vector<10000x64xf32> -> vector<10000x64xf32>
    %get3A_6 = arith.constant 0 : index
    %get3A_7 = arith.constant 0 : index
    %get3A_8 = vector.load %arg2[%get3A_6, %get3A_7] : memref<1x64xf32, #tpu.memory_space<vmem>>, vector<1x64xf32>
    %add3A = vector.broadcast %get3A_8 : vector<1x64xf32> to vector<10000x64xf32>
    %add3A_9 = arith.addf %dot_general3A_5, %add3A : vector<10000x64xf32>
    %swap3A = arith.constant 0 : index
    %swap3A_10 = arith.constant 0 : index
    %swap3A_11 = vector.load %arg3[%swap3A, %swap3A_10] : memref<10000x64xf32, #tpu.memory_space<vmem>>, vector<10000x64xf32>
    tpu.vector_store %arg3[%swap3A, %swap3A_10], %add3A_9 {strides = array<i32>} : memref<10000x64xf32, #tpu.memory_space<vmem>>, vector<10000x64xf32>,
    return
  }
}

module attributes {stable_mosaic.version = 14 : i64} {
  func.func @_mm_relu_body(%arg0: memref<10000x128xf32, #tpu.memory_space<vmem>>, %arg1: memref<128x64xf32, #tpu.memory_space<vmem>>, %arg2: memref<1x64xf32, #tpu.memory_space<vmem>>, %arg3: memref<10000x64xf32, #tpu.memory_space<vmem>>) attributes {dimension_semantics = [], scalar_prefetch = 0 : i64, scratch_operands = 0 : i64, tpu.core_type = #tpu.core_type<tc>} {
    %get3A = arith.constant 0 : index
    %get3A_0 = arith.constant 0 : index
    %get3A_1 = vector.load %arg0[%get3A, %get3A_0] : memref<10000x128xf32, #tpu.memory_space<vmem>>, vector<10000x128xf32>
    %get3A_2 = arith.constant 0 : index
    %get3A_3 = arith.constant 0 : index
    %get3A_4 = vector.load %arg1[%get3A_2, %get3A_3] : memref<128x64xf32, #tpu.memory_space<vmem>>, vector<128x64xf32>
    %dot_general3A = arith.constant dense<0.000000e+00> : vector<10000x64xf32>
    %dot_general3A_5 = tpu.matmul %get3A_1, %get3A_4, %dot_general3A {dimension_numbers = #tpu.dot_dimension_numbers<[1], [0], [0], [1], [0, 0, 1, 1], [], []>, transpose_lhs_hint = false} : vector<10000x128xf32>, vector<128x64xf32>, vector<10000x64xf32> -> vector<10000x64xf32>
    %get3A_6 = arith.constant 0 : index
    %get3A_7 = arith.constant 0 : index
    %get3A_8 = vector.load %arg2[%get3A_6, %get3A_7] : memref<1x64xf32, #tpu.memory_space<vmem>>, vector<1x64xf32>
    %add3A = vector.broadcast %get3A_8 : vector<1x64xf32> to vector<10000x64xf32>
    %add3A_9 = arith.addf %dot_general3A_5, %add3A : vector<10000x64xf32>
    %max3A = arith.constant 0.000000e+00 : f32
    %max3A_10 = vector.broadcast %max3A : f32 to vector<10000x64xf32>
    %max3A_11 = arith.maximumf %add3A_9, %max3A_10 : vector<10000x64xf32>
    %swap3A = arith.constant 0 : index
    %swap3A_12 = arith.constant 0 : index
    %swap3A_13 = vector.load %arg3[%swap3A, %swap3A_12] : memref<10000x64xf32, #tpu.memory_space<vmem>>, vector<10000x64xf32>
    tpu.vector_store %arg3[%swap3A, %swap3A_12], %max3A_11 {strides = array<i32>} : memref<10000x64xf32, #tpu.memory_space<vmem>>, vector<10000x64xf32>,
    return
  }
}

module attributes {stable_mosaic.version = 14 : i64} {
  func.func @_k2_body(%arg0: memref<2x10240x128xf32, #tpu.memory_space<vmem>>, %arg1: memref<10000x64xf32, #tpu.memory_space<vmem>>, %arg2: memref<1x64xf32, #tpu.memory_space<vmem>>, %arg3: memref<1x64xf32, #tpu.memory_space<vmem>>, %arg4: memref<64x64xf32, #tpu.memory_space<vmem>>, %arg5: memref<1x64xf32, #tpu.memory_space<vmem>>, %arg6: memref<10000x64xf32, #tpu.memory_space<vmem>>, %arg7: memref<10000x64xf32, #tpu.memory_space<vmem>>) attributes {dimension_semantics = [], scalar_prefetch = 0 : i64, scratch_operands = 0 : i64, tpu.core_type = #tpu.core_type<tc>} {
    %get3A = arith.constant 0 : index
    %get3A_0 = arith.constant 0 : index
    %get3A_1 = arith.constant 0 : index
    %get3A_2 = vector.load %arg0[%get3A, %get3A_0, %get3A_1] : memref<2x10240x128xf32, #tpu.memory_space<vmem>>, vector<1x10000x64xf32>
    %get3A_3 = vector.shape_cast %get3A_2 : vector<1x10000x64xf32> to vector<10000x64xf32>
    %get3A_4 = arith.constant 1 : index
    %get3A_5 = arith.constant 0 : index
    %get3A_6 = arith.constant 0 : index
    %get3A_7 = vector.load %arg0[%get3A_4, %get3A_5, %get3A_6] : memref<2x10240x128xf32, #tpu.memory_space<vmem>>, vector<1x10000x64xf32>
    %get3A_8 = vector.shape_cast %get3A_7 : vector<1x10000x64xf32> to vector<10000x64xf32>
    %add3A = arith.addf %get3A_3, %get3A_8 : vector<10000x64xf32>
    %max3A = arith.constant 0.000000e+00 : f32
    %max3A_9 = vector.broadcast %max3A : f32 to vector<10000x64xf32>
    %max3A_10 = arith.maximumf %add3A, %max3A_9 : vector<10000x64xf32>
    %get3A_11 = arith.constant 0 : index
    %get3A_12 = arith.constant 0 : index
    %get3A_13 = vector.load %arg1[%get3A_11, %get3A_12] : memref<10000x64xf32, #tpu.memory_space<vmem>>, vector<10000x64xf32>
    %add3A_14 = arith.addf %max3A_10, %get3A_13 : vector<10000x64xf32>
    %get3A_15 = arith.constant 0 : index
    %get3A_16 = arith.constant 0 : index
    %get3A_17 = vector.load %arg2[%get3A_15, %get3A_16] : memref<1x64xf32, #tpu.memory_space<vmem>>, vector<1x64xf32>
    %get3A_18 = arith.constant 0 : index
    %get3A_19 = arith.constant 0 : index
    %get3A_20 = vector.load %arg3[%get3A_18, %get3A_19] : memref<1x64xf32, #tpu.memory_space<vmem>>, vector<1x64xf32>
    %reduce_sum3A = arith.constant dense<0.000000e+00> : vector<64xf32>
    %reduce_sum3A_21 = vector.multi_reduction <add>, %add3A_14, %reduce_sum3A [0] : vector<10000x64xf32> to vector<64xf32>
    %broadcast_in_dim3A = vector.shape_cast %reduce_sum3A_21 : vector<64xf32> to vector<1x64xf32>
    %div3A = arith.constant 1.000000e+04 : f32
    %div3A_22 = vector.broadcast %div3A : f32 to vector<1x64xf32>
    %div3A_23 = arith.divf %broadcast_in_dim3A, %div3A_22 : vector<1x64xf32>
    %mul3A = arith.mulf %add3A_14, %add3A_14 : vector<10000x64xf32>
    %reduce_sum3A_24 = arith.constant dense<0.000000e+00> : vector<64xf32>
    %reduce_sum3A_25 = vector.multi_reduction <add>, %mul3A, %reduce_sum3A_24 [0] : vector<10000x64xf32> to vector<64xf32>
    %broadcast_in_dim3A_26 = vector.shape_cast %reduce_sum3A_25 : vector<64xf32> to vector<1x64xf32>
    %div3A_27 = arith.constant 1.000000e+04 : f32
    %div3A_28 = vector.broadcast %div3A_27 : f32 to vector<1x64xf32>
    %div3A_29 = arith.divf %broadcast_in_dim3A_26, %div3A_28 : vector<1x64xf32>
    %mul3A_30 = arith.mulf %div3A_23, %div3A_23 : vector<1x64xf32>
    %sub3A = arith.subf %div3A_29, %mul3A_30 : vector<1x64xf32>
    %sub3A_31 = vector.broadcast %div3A_23 : vector<1x64xf32> to vector<10000x64xf32>
    %sub3A_32 = arith.subf %add3A_14, %sub3A_31 : vector<10000x64xf32>
    %add3A_33 = arith.constant 9.99999974E-6 : f32
    %add3A_34 = vector.broadcast %add3A_33 : f32 to vector<1x64xf32>
    %add3A_35 = arith.addf %sub3A, %add3A_34 : vector<1x64xf32>
    %rsqrt3A = math.rsqrt %add3A_35 : vector<1x64xf32>
    %mul3A_36 = vector.broadcast %rsqrt3A : vector<1x64xf32> to vector<10000x64xf32>
    %mul3A_37 = arith.mulf %sub3A_32, %mul3A_36 : vector<10000x64xf32>
    %mul3A_38 = vector.broadcast %get3A_17 : vector<1x64xf32> to vector<10000x64xf32>
    %mul3A_39 = arith.mulf %mul3A_37, %mul3A_38 : vector<10000x64xf32>
    %add3A_40 = vector.broadcast %get3A_20 : vector<1x64xf32> to vector<10000x64xf32>
    %add3A_41 = arith.addf %mul3A_39, %add3A_40 : vector<10000x64xf32>
    %get3A_42 = arith.constant 0 : index
    %get3A_43 = arith.constant 0 : index
    %get3A_44 = vector.load %arg4[%get3A_42, %get3A_43] : memref<64x64xf32, #tpu.memory_space<vmem>>, vector<64x64xf32>
    %dot_general3A = arith.constant dense<0.000000e+00> : vector<10000x64xf32>
    %dot_general3A_45 = tpu.matmul %add3A_41, %get3A_44, %dot_general3A {dimension_numbers = #tpu.dot_dimension_numbers<[1], [0], [0], [1], [0, 0, 1, 1], [], []>, transpose_lhs_hint = false} : vector<10000x64xf32>, vector<64x64xf32>, vector<10000x64xf32> -> vector<10000x64xf32>
    %get3A_46 = arith.constant 0 : index
    %get3A_47 = arith.constant 0 : index
    %get3A_48 = vector.load %arg5[%get3A_46, %get3A_47] : memref<1x64xf32, #tpu.memory_space<vmem>>, vector<1x64xf32>
    %add3A_49 = vector.broadcast %get3A_48 : vector<1x64xf32> to vector<10000x64xf32>
    %add3A_50 = arith.addf %dot_general3A_45, %add3A_49 : vector<10000x64xf32>
    %swap3A = arith.constant 0 : index
    %swap3A_51 = arith.constant 0 : index
    %swap3A_52 = vector.load %arg6[%swap3A, %swap3A_51] : memref<10000x64xf32, #tpu.memory_space<vmem>>, vector<10000x64xf32>
    tpu.vector_store %arg6[%swap3A, %swap3A_51], %add3A_50 {strides = array<i32>} : memref<10000x64xf32, #tpu.memory_space<vmem>>, vector<10000x64xf32>,
    %swap3A_53 = arith.constant 0 : index
    %swap3A_54 = arith.constant 0 : index
    %swap3A_55 = vector.load %arg7[%swap3A_53, %swap3A_54] : memref<10000x64xf32, #tpu.memory_space<vmem>>, vector<10000x64xf32>
    tpu.vector_store %arg7[%swap3A_53, %swap3A_54], %add3A_41 {strides = array<i32>} : memref<10000x64xf32, #tpu.memory_space<vmem>>, vector<10000x64xf32>,
    return
  }
}

module attributes {stable_mosaic.version = 14 : i64} {
  func.func @_mm_relu_body(%arg0: memref<10000x64xf32, #tpu.memory_space<vmem>>, %arg1: memref<64x64xf32, #tpu.memory_space<vmem>>, %arg2: memref<1x64xf32, #tpu.memory_space<vmem>>, %arg3: memref<10000x64xf32, #tpu.memory_space<vmem>>) attributes {dimension_semantics = [], scalar_prefetch = 0 : i64, scratch_operands = 0 : i64, tpu.core_type = #tpu.core_type<tc>} {
    %get3A = arith.constant 0 : index
    %get3A_0 = arith.constant 0 : index
    %get3A_1 = vector.load %arg0[%get3A, %get3A_0] : memref<10000x64xf32, #tpu.memory_space<vmem>>, vector<10000x64xf32>
    %get3A_2 = arith.constant 0 : index
    %get3A_3 = arith.constant 0 : index
    %get3A_4 = vector.load %arg1[%get3A_2, %get3A_3] : memref<64x64xf32, #tpu.memory_space<vmem>>, vector<64x64xf32>
    %dot_general3A = arith.constant dense<0.000000e+00> : vector<10000x64xf32>
    %dot_general3A_5 = tpu.matmul %get3A_1, %get3A_4, %dot_general3A {dimension_numbers = #tpu.dot_dimension_numbers<[1], [0], [0], [1], [0, 0, 1, 1], [], []>, transpose_lhs_hint = false} : vector<10000x64xf32>, vector<64x64xf32>, vector<10000x64xf32> -> vector<10000x64xf32>
    %get3A_6 = arith.constant 0 : index
    %get3A_7 = arith.constant 0 : index
    %get3A_8 = vector.load %arg2[%get3A_6, %get3A_7] : memref<1x64xf32, #tpu.memory_space<vmem>>, vector<1x64xf32>
    %add3A = vector.broadcast %get3A_8 : vector<1x64xf32> to vector<10000x64xf32>
    %add3A_9 = arith.addf %dot_general3A_5, %add3A : vector<10000x64xf32>
    %max3A = arith.constant 0.000000e+00 : f32
    %max3A_10 = vector.broadcast %max3A : f32 to vector<10000x64xf32>
    %max3A_11 = arith.maximumf %add3A_9, %max3A_10 : vector<10000x64xf32>
    %swap3A = arith.constant 0 : index
    %swap3A_12 = arith.constant 0 : index
    %swap3A_13 = vector.load %arg3[%swap3A, %swap3A_12] : memref<10000x64xf32, #tpu.memory_space<vmem>>, vector<10000x64xf32>
    tpu.vector_store %arg3[%swap3A, %swap3A_12], %max3A_11 {strides = array<i32>} : memref<10000x64xf32, #tpu.memory_space<vmem>>, vector<10000x64xf32>,
    return
  }
}

module attributes {stable_mosaic.version = 14 : i64} {
  func.func @_k3_body(%arg0: memref<2x10240x128xf32, #tpu.memory_space<vmem>>, %arg1: memref<10000x64xf32, #tpu.memory_space<vmem>>, %arg2: memref<1x64xf32, #tpu.memory_space<vmem>>, %arg3: memref<1x64xf32, #tpu.memory_space<vmem>>, %arg4: memref<64x2xf32, #tpu.memory_space<vmem>>, %arg5: memref<1x2xf32, #tpu.memory_space<vmem>>, %arg6: memref<10000x2xf32, #tpu.memory_space<vmem>>) attributes {dimension_semantics = [], scalar_prefetch = 0 : i64, scratch_operands = 0 : i64, tpu.core_type = #tpu.core_type<tc>} {
    %get3A = arith.constant 0 : index
    %get3A_0 = arith.constant 0 : index
    %get3A_1 = arith.constant 0 : index
    %get3A_2 = vector.load %arg0[%get3A, %get3A_0, %get3A_1] : memref<2x10240x128xf32, #tpu.memory_space<vmem>>, vector<1x10000x64xf32>
    %get3A_3 = vector.shape_cast %get3A_2 : vector<1x10000x64xf32> to vector<10000x64xf32>
    %get3A_4 = arith.constant 1 : index
    %get3A_5 = arith.constant 0 : index
    %get3A_6 = arith.constant 0 : index
    %get3A_7 = vector.load %arg0[%get3A_4, %get3A_5, %get3A_6] : memref<2x10240x128xf32, #tpu.memory_space<vmem>>, vector<1x10000x64xf32>
    %get3A_8 = vector.shape_cast %get3A_7 : vector<1x10000x64xf32> to vector<10000x64xf32>
    %add3A = arith.addf %get3A_3, %get3A_8 : vector<10000x64xf32>
    %max3A = arith.constant 0.000000e+00 : f32
    %max3A_9 = vector.broadcast %max3A : f32 to vector<10000x64xf32>
    %max3A_10 = arith.maximumf %add3A, %max3A_9 : vector<10000x64xf32>
    %get3A_11 = arith.constant 0 : index
    %get3A_12 = arith.constant 0 : index
    %get3A_13 = vector.load %arg1[%get3A_11, %get3A_12] : memref<10000x64xf32, #tpu.memory_space<vmem>>, vector<10000x64xf32>
    %add3A_14 = arith.addf %max3A_10, %get3A_13 : vector<10000x64xf32>
    %get3A_15 = arith.constant 0 : index
    %get3A_16 = arith.constant 0 : index
    %get3A_17 = vector.load %arg2[%get3A_15, %get3A_16] : memref<1x64xf32, #tpu.memory_space<vmem>>, vector<1x64xf32>
    %get3A_18 = arith.constant 0 : index
    %get3A_19 = arith.constant 0 : index
    %get3A_20 = vector.load %arg3[%get3A_18, %get3A_19] : memref<1x64xf32, #tpu.memory_space<vmem>>, vector<1x64xf32>
    %reduce_sum3A = arith.constant dense<0.000000e+00> : vector<64xf32>
    %reduce_sum3A_21 = vector.multi_reduction <add>, %add3A_14, %reduce_sum3A [0] : vector<10000x64xf32> to vector<64xf32>
    %broadcast_in_dim3A = vector.shape_cast %reduce_sum3A_21 : vector<64xf32> to vector<1x64xf32>
    %div3A = arith.constant 1.000000e+04 : f32
    %div3A_22 = vector.broadcast %div3A : f32 to vector<1x64xf32>
    %div3A_23 = arith.divf %broadcast_in_dim3A, %div3A_22 : vector<1x64xf32>
    %mul3A = arith.mulf %add3A_14, %add3A_14 : vector<10000x64xf32>
    %reduce_sum3A_24 = arith.constant dense<0.000000e+00> : vector<64xf32>
    %reduce_sum3A_25 = vector.multi_reduction <add>, %mul3A, %reduce_sum3A_24 [0] : vector<10000x64xf32> to vector<64xf32>
    %broadcast_in_dim3A_26 = vector.shape_cast %reduce_sum3A_25 : vector<64xf32> to vector<1x64xf32>
    %div3A_27 = arith.constant 1.000000e+04 : f32
    %div3A_28 = vector.broadcast %div3A_27 : f32 to vector<1x64xf32>
    %div3A_29 = arith.divf %broadcast_in_dim3A_26, %div3A_28 : vector<1x64xf32>
    %mul3A_30 = arith.mulf %div3A_23, %div3A_23 : vector<1x64xf32>
    %sub3A = arith.subf %div3A_29, %mul3A_30 : vector<1x64xf32>
    %sub3A_31 = vector.broadcast %div3A_23 : vector<1x64xf32> to vector<10000x64xf32>
    %sub3A_32 = arith.subf %add3A_14, %sub3A_31 : vector<10000x64xf32>
    %add3A_33 = arith.constant 9.99999974E-6 : f32
    %add3A_34 = vector.broadcast %add3A_33 : f32 to vector<1x64xf32>
    %add3A_35 = arith.addf %sub3A, %add3A_34 : vector<1x64xf32>
    %rsqrt3A = math.rsqrt %add3A_35 : vector<1x64xf32>
    %mul3A_36 = vector.broadcast %rsqrt3A : vector<1x64xf32> to vector<10000x64xf32>
    %mul3A_37 = arith.mulf %sub3A_32, %mul3A_36 : vector<10000x64xf32>
    %mul3A_38 = vector.broadcast %get3A_17 : vector<1x64xf32> to vector<10000x64xf32>
    %mul3A_39 = arith.mulf %mul3A_37, %mul3A_38 : vector<10000x64xf32>
    %add3A_40 = vector.broadcast %get3A_20 : vector<1x64xf32> to vector<10000x64xf32>
    %add3A_41 = arith.addf %mul3A_39, %add3A_40 : vector<10000x64xf32>
    %get3A_42 = arith.constant 0 : index
    %get3A_43 = arith.constant 0 : index
    %get3A_44 = vector.load %arg4[%get3A_42, %get3A_43] : memref<64x2xf32, #tpu.memory_space<vmem>>, vector<64x2xf32>
    %dot_general3A = arith.constant dense<0.000000e+00> : vector<10000x2xf32>
    %dot_general3A_45 = tpu.matmul %add3A_41, %get3A_44, %dot_general3A {dimension_numbers = #tpu.dot_dimension_numbers<[1], [0], [0], [1], [0, 0, 1, 1], [], []>, transpose_lhs_hint = false} : vector<10000x64xf32>, vector<64x2xf32>, vector<10000x2xf32> -> vector<10000x2xf32>
    %get3A_46 = arith.constant 0 : index
    %get3A_47 = arith.constant 0 : index
    %get3A_48 = vector.load %arg5[%get3A_46, %get3A_47] : memref<1x2xf32, #tpu.memory_space<vmem>>, vector<1x2xf32>
    %add3A_49 = vector.broadcast %get3A_48 : vector<1x2xf32> to vector<10000x2xf32>
    %add3A_50 = arith.addf %dot_general3A_45, %add3A_49 : vector<10000x2xf32>
    %reduce_max3A = arith.constant dense<0xFF800000> : vector<10000xf32>
    %reduce_max3A_51 = vector.multi_reduction <maximumf>, %add3A_50, %reduce_max3A [1] : vector<10000x2xf32> to vector<10000xf32>
    %broadcast_in_dim3A_52 = vector.shape_cast %reduce_max3A_51 : vector<10000xf32> to vector<10000x1xf32>
    %sub3A_53 = vector.broadcast %broadcast_in_dim3A_52 : vector<10000x1xf32> to vector<10000x2xf32>
    %sub3A_54 = arith.subf %add3A_50, %sub3A_53 : vector<10000x2xf32>
    %exp3A = math.exp %sub3A_54 : vector<10000x2xf32>
    %reduce_sum3A_55 = arith.constant dense<0.000000e+00> : vector<10000xf32>
    %reduce_sum3A_56 = vector.multi_reduction <add>, %exp3A, %reduce_sum3A_55 [1] : vector<10000x2xf32> to vector<10000xf32>
    %broadcast_in_dim3A_57 = vector.shape_cast %reduce_sum3A_56 : vector<10000xf32> to vector<10000x1xf32>
    %div3A_58 = vector.broadcast %broadcast_in_dim3A_57 : vector<10000x1xf32> to vector<10000x2xf32>
    %div3A_59 = arith.divf %exp3A, %div3A_58 : vector<10000x2xf32>
    %swap3A = arith.constant 0 : index
    %swap3A_60 = arith.constant 0 : index
    %swap3A_61 = vector.load %arg6[%swap3A, %swap3A_60] : memref<10000x2xf32, #tpu.memory_space<vmem>>, vector<10000x2xf32>
    tpu.vector_store %arg6[%swap3A, %swap3A_60], %div3A_59 {strides = array<i32>} : memref<10000x2xf32, #tpu.memory_space<vmem>>, vector<10000x2xf32>,
    return
  }
}

</mosaic_0001>

<sc_bundles>
// kernel: kernel.12.cloned.1.call-start
scs
__scs_entry_jumppad:
0x0: {  	(pc) =	sbr.rel $0x88, $3  }
0x1: {  	(tag) =	ssettag $0x0;
	lr =	simm.s32 $0x1  }
0x2: {  	[smem:$0x3F91] =	sst lr;
	_ =	strace $0xD0000000  }
0x3: {  	_ = 	snop  }
0x4: {  	_ = 	snop  }
0x5: {  	_ = 	snop  }
0x6: {  	_ = 	snop  }
0x7: {  	_ = 	snop  }
__scs_overlays_trampoline_lowered:
0x8: {  	[smem:$0x3FA0] =	sst s0  }
0x9: {  	[smem:$0x3FA1] =	sst s1  }
0xa: {  	[smem:$0x3FA2] =	sst s2  }
0xb: {  	[smem:$0x3FA3] =	sst s3  }
0xc: {  	[smem:$0x3FA4] =	sst s4  }
0xd: {  	[smem:$0x3FA5] =	sst s5  }
0xe: {  	[smem:$0x3FA6] =	sst s6  }
0xf: {  	[smem:$0x3FA7] =	sst s7  }
0x10: {  	[smem:$0x3FA8] =	sst s8  }
0x11: {  	[smem:$0x3FA9] =	sst s9;
	s0 =	simm.s32 @!p0 $0x0  }
0x12: {  	s1 =	sld [smem:$0x3F8F];
	s0 =	simm.s32 @p0 $0x1  }
0x13: {  	[smem:$0x3FAA] =	sst s0;
	s0 =	simm.s32 @!p1 $0x0  }
0x14: {  	s2 =	sld [smem:$0x3F8E];
	s0 =	simm.s32 @p1 $0x1  }
0x15: {  	[smem:$0x3FAB] =	sst s0;
	s0 =	simm.s32 @!p2 $0x0  }
0x16: {  	s3 =	sld [smem:$0x3FDB];
	s0 =	simm.s32 @p2 $0x1  }
0x17: {  	s4 =	simm.s32 $0x1BF5;
	[smem:$0x3FAD] =	sst s0  }
0x18: {  	s0 =	sld [smem:$0x3F90];
	_ =	swait.ge [sflag:s4], $0x0  }
0x19: {  	s7 =	sld [smem:$0x3F91]  }
0x1a: {  	s8 =	sadd.s32 $0xFFFFE003, lr  }
0x1b: {  	s9 =	sadd.s32 $0xFFFFFEF7, lr;
	s5 =	simm.s32 $0xFFFFFFFF;
	p2 =	slt.u32 s8, $0xFFFFF086  }
0x1c: {  	p1 =	slt.u32 s9, $0xF7A;
	s5 =	simm.s32 @!p2 $0x0  }
0x1d: {  	s5 =	simm.s32 @p1 $0x1;
	p0 =	seq.s32 s7, s2  }
0x1e: {  	s7 =	smul.u32 @!p0 $0xF7A, s2;
	p2 =	seq.s32 @!p0 s5, $0x0  }
0x1f: {  	s9 =	smul.u32 $0xF7A, s1;
	s8 =	simm.s32 @!p0 $0x1BF5;
	p2 =	por !p2, p0  }
0x20: {  	[sflag:s8] =	ssyncset.s32 @!p0 $0xFFFFF086;
	s6 =	sadd.s32 @!p0 s3, s7;
	s7 =	simm.s32 @!p0 $0x108  }
0x21: {  	s3 =	sadd.s32 s3, s9;
	s6 =	sadd.s32 @!p0 $0x88, s6;
	s7 =	simm.s32 @p2 $0x1082  }
0x22: {  	[simem:s7], [sflag:s8] =	dma.local @!p0 [hbm:s6], $0xF7A  }
0x23: {  	s9 =	sor.u32 $0xD0000000, s2;
	s6 =	simm.s32 $0x108;
	_ =	swait.ge @!p0 [sflag:s8], $0x0  }
0x24: {  	s3 =	sadd.s32 $0x88, s3;
	s6 =	simm.s32 @!p1 $0x1082;
	[sflag:s4] =	ssyncset.s32 $0xFFFFF086  }
0x25: {  	[simem:s6], [sflag:s4] =	dma.local [hbm:s3], $0xF7A  }
0x26: {  	[smem:$0x3F91] =	sst s1;
	(tag) =	ssettag s2;
	_ =	strace s9  }
0x27: {  	s1 =	sld [smem:$0x3FA1]  }
0x28: {  	s2 =	sld [smem:$0x3FA2]  }
0x29: {  	s4 =	sld [smem:$0x3FA4]  }
0x2a: {  	p0 =	seq.s32 s5, $0x0;
	s5 =	sld [smem:$0x3FA5]  }
0x2b: {  	s6 =	sld [smem:$0x3FA6]  }
0x2c: {  	s7 =	sld [smem:$0x3FA7]  }
0x2d: {  	s3 =	simm.s32 $0x108;
	s8 =	sld [smem:$0x3FA8]  }
0x2e: {  	s3 =	simm.s32 @!p0 $0x1082;
	s9 =	sld [smem:$0x3FA9]  }
0x2f: {  	lr =	sadd.s32 s0, s3;
	s0 =	sld [smem:$0x3FA0]  }
0x30: {  	s3 =	sld [smem:$0x3FA3]  }
0x31: {  	[smem:$0x3FAC] =	sst s10  }
0x32: {  	s10 =	sld [smem:$0x3FAA];
	_ =	sdelay $0x3  }
0x33: {  	p0 =	seq.s32 s10, $0x1;
	s10 =	sld [smem:$0x3FAC];
	_ =	sdelay $0x3  }
0x34: {  	[smem:$0x3FAC] =	sst s10  }
0x35: {  	s10 =	sld [smem:$0x3FAB];
	_ =	sdelay $0x3  }
0x36: {  	p1 =	seq.s32 s10, $0x1;
	s10 =	sld [smem:$0x3FAC];
	_ =	sdelay $0x3  }
0x37: {  	[smem:$0x3FAC] =	sst s10  }
0x38: {  	s10 =	sld [smem:$0x3FAD]  }
0x39: {  	_ = 	snop;
	(pc) =	sbr.ind lr, $3  }
0x3a: {  	_ = 	snop  }
0x3b: {  	_ = 	snop  }
0x3c: {  	p2 =	seq.s32 s10, $0x1;
	s10 =	sld [smem:$0x3FAC]  }
0x3d: {  	_ =	shalt  }
0x3e: {  	_ =	shalt  }
0x3f: {  	_ =	shalt  }
0x40: {  	_ =	shalt  }
0x41: {  	_ =	shalt  }
0x42: {  	_ =	shalt  }
0x43: {  	_ =	shalt  }
0x44: {  	_ =	shalt  }
0x45: {  	_ =	shalt  }
0x46: {  	_ =	shalt  }
0x47: {  	_ =	shalt  }
0x48: {  	_ =	shalt  }
0x49: {  	_ =	shalt  }
0x4a: {  	_ =	shalt  }
0x4b: {  	_ =	shalt  }
0x4c: {  	_ =	shalt  }
0x4d: {  	_ =	shalt  }
0x4e: {  	_ =	shalt  }
0x4f: {  	_ =	shalt  }
0x50: {  	_ =	shalt  }
0x51: {  	_ =	shalt  }
0x52: {  	_ =	shalt  }
0x53: {  	_ =	shalt  }
0x54: {  	_ =	shalt  }
0x55: {  	_ =	shalt  }
0x56: {  	_ =	shalt  }
0x57: {  	_ =	shalt  }
0x58: {  	_ =	shalt  }
0x59: {  	_ =	shalt  }
0x5a: {  	_ =	shalt  }
0x5b: {  	_ =	shalt  }
0x5c: {  	_ =	shalt  }
0x5d: {  	_ =	shalt  }
0x5e: {  	_ =	shalt  }
0x5f: {  	_ =	shalt  }
0x60: {  	_ =	shalt  }
0x61: {  	_ =	shalt  }
0x62: {  	_ =	shalt  }
0x63: {  	_ =	shalt  }
0x64: {  	_ =	shalt  }
0x65: {  	_ =	shalt  }
0x66: {  	_ =	shalt  }
0x67: {  	_ =	shalt  }
0x68: {  	_ =	shalt  }
0x69: {  	_ =	shalt  }
0x6a: {  	_ =	shalt  }
0x6b: {  	_ =	shalt  }
0x6c: {  	_ =	shalt  }
0x6d: {  	_ =	shalt  }
0x6e: {  	_ =	shalt  }
0x6f: {  	_ =	shalt  }
0x70: {  	_ =	shalt  }
0x71: {  	_ =	shalt  }
0x72: {  	_ =	shalt  }
0x73: {  	_ =	shalt  }
0x74: {  	_ =	shalt  }
0x75: {  	_ =	shalt  }
0x76: {  	_ =	shalt  }
0x77: {  	_ =	shalt  }
0x78: {  	_ =	shalt  }
0x79: {  	_ =	shalt  }
0x7a: {  	_ =	shalt  }
0x7b: {  	_ =	shalt  }
0x7c: {  	_ =	shalt  }
0x7d: {  	_ =	shalt  }
0x7e: {  	_ =	shalt  }
0x7f: {  	_ =	shalt  }
0x80: {  	_ =	shalt  }
0x81: {  	_ =	shalt  }
0x82: {  	_ =	shalt  }
0x83: {  	_ =	shalt  }
0x84: {  	_ =	shalt  }
0x85: {  	_ =	shalt  }
0x86: {  	_ =	shalt  }
0x87: {  	_ =	shalt  }
.Lfunc_end0:
.L_simem_size_0:
called_computation.1_lowered:
.L_overlay_start_0:
0x88: {  	s2 =	sld [smem:$0x3FD9]  }
0x89: {  	s3 =	sld [smem:$0x3FFE];
	_ =	sdelay $0x1  }
0x8a: {  	s1 =	srdreg.scid  }
0x8b: {  	s0 =	sand.u32 $0x1, s1  }
0x8c: {  	s16 =	sshll.u32 s0, $0xA;
	s2 =	sadd.s32 s3, s2  }
0x8d: {  	s2 =	sadd.s32 s2, s16  }
0x8e: {  	[smem:$0x3FB8] =	sst s2  }
0x8f: {  	_ = 	snop  }
0x90: {  	(tm) =	ssettm $0x1  }
0x91: {  	s17 =	sld [smem:$0x3FFB];
	_ =	sdelay $0x3  }
0x92: {  	_ =	strace s17  }
0x93: {  	s2 =	sld [smem:$0x3FFC];
	_ =	sdelay $0x3  }
0x94: {  	_ =	strace s2  }
0x95: {  	s2 =	sld [smem:$0x3FFD];
	_ =	sdelay $0x3  }
0x96: {  	_ =	strace s2  }
0x97: {  	_ =	strace $0x8FFFFFFF  }
0x98: {  	s18 =	sld [smem:$0x3FDB];
	_ =	sdelay $0x1  }
0x99: {  	s19 =	simm.s32 $_scs_section_size  }
0x9a: {  	s4 =	simm.s32 $_size__tile_overlayer_lowered;
	s5 =	simm.s32 $_tile_overlayer_lowered  }
0x9b: {  	s22 =	simm.s32 $0x1BFF;
	s21 =	sshll.u32 s5, $0x1;
	s2 =	sadd.s32 s19, s18  }
0x9c: {  	s6 =	simm.s32 $0x0;
	s20 =	sshll.u32 s4, $0x1;
	s4 =	sadd.s32 s21, s2  }
0x9d: {  	[timem:s6], [sflag:s22] =	dma.local [hbm:s4], s20  }
0x9e: {  	_ =	swait.ge [sflag:s22], s20  }
0x9f: {  	s3 =	ssub.s32 $0x0, s20;
	[sflag:s22] =	ssyncset.done $0x0  }
0xa0: {  	[sflag:s22] =	ssyncadd.s32 s3;
	_ =	sdelay $0x1  }
0xa1: {  	s23 =	simm.s32 $0x1B8B  }
0xa2: {  	_ =	swait.ge [sflag:s23], $0x1  }
0xa3: {  	[sflag:s23] =	ssyncset.done $0x0  }
0xa4: {  	s25 =	simm.s32 $0x1B8E;
	s24 =	sld [smem:$0x3FFE];
	[sflag:s23] =	ssyncadd.s32 $0xFFFFFFFF  }
0xa5: {  	s26 =	simm.s32 $execute0_lowered;
	[smem:$0x3FD2] =	sst s25  }
0xa6: {  	s4 =	sshll.u32 s26, $0x1;
	_ =	strace $0x80000049;
	[dreg:$0x1] =	wrdreg $0xFFFFFFFF  }
0xa7: {  	s28 =	simm.s32 $_size_execute0_lowered;
	s2 =	sadd.s32 s2, s4;
	[dreg:$0x0] =	wrdreg $0x0  }
0xa8: {  	s4 =	sshll.u32 s28, $0x1;
	[dreg:$0x2] =	wrdreg s2  }
0xa9: {  	[dreg:$0x3] =	wrdreg s4  }
0xaa: {  	[dreg:$0x4] =	wrdreg $0xC0  }
0xab: {  	_ =	task [dreg:s6], $0x5FFFF  }
0xac: {  	[dreg:$0x1] =	wrdreg $0xFFFFFFFF  }
0xad: {  	[dreg:$0x0] =	wrdreg $0x60  }
0xae: {  	[dreg:$0x2] =	wrdreg s24  }
0xaf: {  	[dreg:$0x3] =	wrdreg $0x0  }
0xb0: {  	[dreg:$0x4] =	wrdreg $0x9  }
0xb1: {  	_ =	task.clear_ibuf [dreg:s6], $0x5FFFF;
	_ =	strace $0x90000049  }
0xb2: {  	s29 =	simm.s32 $0x9;
	_ =	strace $0x8000004B  }
0xb3: {  	_ =	swait.ge [sflag:s29], $0x1  }
0xb4: {  	[sflag:s29] =	ssyncadd.s32 $0xFFFFFFFF  }
0xb5: {  	_ =	strace $0x9000004B  }
0xb6: {  	_ =	sfence  }
0xb7: {  	s30 =	sld [smem:$0x0];
	_ =	sdelay $0x2  }
0xb8: {  	s31 =	sshll.u32 s1, $0xD;
	s1 =	sshrl.u32 s1, $0x2  }
0xb9: {  	s3 =	sand.u32 $0x4000, s31;
	s1 =	sadd.s32 s1, s30  }
0xba: {  	s0 =	sor.u32 s3, s0;
	s1 =	sshll.u32 s1, $0x11  }
0xbb: {  	s0 =	sor.u32 s1, s0  }
0xbc: {  	s0 =	sadd.s32 $0x8F2B, s0  }
0xbd: {  	[sflag:s0] =	ssyncadd.remote.s32 $0x1  }
0xbe: {  	_ =	sfence.sel $0xFFFF  }
0xbf: {  	[dreg:$0x0] =	wrdreg $0xFFFFFFFF;
	(pc) =	sbr.abs _section_cstart, $3  }
0xc0: {  	[dreg:$0x1] =	wrdreg $0xFFFFFFFF  }
0xc1: {  	_ =	task.clear_ibuf [dreg:s6], $0x2FFFF;
	_ =	strace $0x9FFFFFFF  }
0xc2: {  	(tm) =	ssettm $0x7FFFFFFF  }
0xc3: {  	_ =	shalt  }
tec
execute0_lowered:
.L_overlay_start_1:
0x0: {  	(tag) =	ssettag $0x1  }
0x1: {  	s0 =	srdreg.scid;
	s24 =	stileid.u32  }
0x2: {  	s1 =	rddreg [dreg:$0x0];
	s7 =	smul.u32 $0x280, s24  }
0x3: {  	s2 =	rddreg [dreg:$0x1];
	s30 =	simm.s32 $0xA000;
	s14 =	smul.u32 $0x2800, s24  }
0x4: {  	s31 =	simm.s32 $0x6;
	s0 =	sand.u32 $0x1, s0;
	s25 =	smul.u32 $0x28000, s24  }
0x5: {  	s3 =	sshll.u32 s0, $0x4;
	s5 =	smul.u32 $0x28000, s0;
	s0 =	ssub.s32 $0x2, s0  }
0x6: {  	s3 =	sor.u32 s24, s3;
	s6 =	sshrl.u32 s0, $0x1;
	s8 =	sadd.s32 $0x80, s7  }
0x7: {  	s9 =	sadd.s32 $0xC0, s7;
	s10 =	sadd.s32 $0x100, s7;
	s11 =	sadd.s32 $0x140, s7  }
0x8: {  	s12 =	sadd.s32 $0x180, s7;
	s13 =	sadd.s32 $0x1C0, s7;
	s15 =	sadd.s32 $0x200, s7  }
0x9: {  	s4 =	smul.u32 $0x2710, s3;
	s3 =	simm.s32 $0x0;
	s5 =	sadd.s32 s5, s1  }
0xa: {  	s0 =	ssub.s32 s0, s6;
	s6 =	sor.u32 $0x40, s7;
	s7 =	sadd.s32 $0x240, s7  }
0xb: {  	s17 =	sshll.u32 s8, $0x4;
	s18 =	sshll.u32 s9, $0x4;
	s19 =	sshll.u32 s10, $0x4  }
0xc: {  	s20 =	sshll.u32 s11, $0x4;
	s21 =	sshll.u32 s12, $0x4;
	s5 =	sadd.s32 $0x29E00, s5  }
0xd: {  	[smem:$0x7FF] =	sst s3;
	s16 =	sshll.u32 s6, $0x4;
	s14 =	sadd.s32 s14, s5  }
0xe: {  	s22 =	sshll.u32 s13, $0x4;
	s16 =	sadd.s32 s16, s5;
	[dreg:$0x3] =	wrdreg s14  }
0xf: {  	s23 =	sshll.u32 s15, $0x4;
	s17 =	sadd.s32 s17, s5;
	[dreg:$0x4] =	wrdreg s16  }
0x10: {  	s24 =	sshll.u32 s13, $0x6;
	s18 =	sadd.s32 s18, s5;
	[dreg:$0x5] =	wrdreg s17  }
0x11: {  	s13 =	simm.s32 $0x5;
	s19 =	sadd.s32 s19, s5;
	[dreg:$0x6] =	wrdreg s18  }
0x12: {  	s26 =	sshll.u32 s7, $0x4;
	s20 =	sadd.s32 s20, s5;
	[dreg:$0x7] =	wrdreg s19  }
0x13: {  	s24 =	sadd.s32 s24, s2;
	s21 =	sadd.s32 s21, s5;
	[dreg:$0x8] =	wrdreg s20  }
0x14: {  	s28 =	smax.u32 s0, $0x1;
	s22 =	sadd.s32 s22, s5;
	[dreg:$0x9] =	wrdreg s21  }
0x15: {  	s0 =	simm.s32 $0x15220;
	s23 =	sadd.s32 s23, s5;
	[dreg:$0xa] =	wrdreg s22  }
0x16: {  	s4 =	sshrl.u32 s4, $0x3;
	s5 =	sadd.s32 s26, s5;
	[dreg:$0xb] =	wrdreg s23  }
0x17: {  	s26 =	sshll.u32 s7, $0x6;
	s7 =	simm.s32 $0x12A20;
	[dreg:$0xc] =	wrdreg s5  }
0x18: {  	s4 =	sadd.s32 s4, s1;
	s14 =	sadd.s32 $0x16400, s1;
	s16 =	sshrl.u32 s25, $0x2  }
0x19: {  	s18 =	sshll.u32 s6, $0x6;
	s19 =	sshll.u32 s8, $0x6;
	s20 =	sshll.u32 s9, $0x6  }
0x1a: {  	s21 =	sshll.u32 s10, $0x6;
	s22 =	sshll.u32 s11, $0x6;
	s23 =	sshll.u32 s12, $0x6  }
0x1b: {  	s25 =	sshll.u32 s15, $0x6;
	s26 =	sadd.s32 s26, s2;
	s5 =	simm.s32 $0x10220  }
0x1c: {  	s6 =	simm.s32 $0x11620;
	s8 =	simm.s32 $0x13E20;
	s9 =	simm.s32 $0x1  }
0x1d: {  	s10 =	simm.s32 $0x2;
	s11 =	simm.s32 $0x3;
	s12 =	simm.s32 $0x4  }
0x1e: {  	s15 =	simm.s32 $0x0;
	_ =	strace $0x8000004A;
	s17 =	sadd.s32 $0x2A00, s4  }
0x1f: {  	s4 =	sadd.s32 $0xC640, s4;
	s1 =	sadd.s32 s18, s2;
	s19 =	sadd.s32 s19, s2  }
0x20: {  	s20 =	sadd.s32 s20, s2;
	s21 =	sadd.s32 s21, s2;
	[dreg:$0xd] =	wrdreg s17  }
0x21: {  	s22 =	sadd.s32 s22, s2;
	s23 =	sadd.s32 s23, s2;
	[dreg:$0xe] =	wrdreg s4  }
0x22: {  	s25 =	sadd.s32 s25, s2;
	s17 =	sadd.s32 s16, s2;
	[dreg:$0xf] =	wrdreg s1  }
0x23: {  	v0 =	vimm.f32 $0.0e+00;
	s1 =	simm.s32 $0x50;
	s4 =	simm.s32 $0xEE20;
	s29 =	sadd.s32 $0x1000, s17  }
.LBB2_1:
0x24: {  	s16 =	rddreg [dreg:$0xd]  }
0x25: {  	[tilespmem:s30], [sflag:$0x6] =	stream.linear.gather [hbm4b:s16+s3], $0x2710, $0x38;
	[tilespmem:$0x18220] =	vst v63  }
0x26: {  	_ =	swait.ge [sflag:s31], $0x2710  }
0x27: {  	[sflag:s31] =	ssyncset.done $0x0  }
0x28: {  	s18 =	simm.s32 $0xC710;
	s16 =	rddreg [dreg:$0xe];
	[sflag:s31] =	ssyncadd.s32 $0xFFFFD8F0  }
0x29: {  	[tilespmem:s18], [sflag:$0x6] =	stream.linear.gather [hbm4b:s16+s3], $0x2710, $0x38;
	[tilespmem:$0x18220] =	vst v63  }
0x2a: {  	_ =	swait.ge [sflag:s31], $0x2710  }
0x2b: {  	[sflag:s31] =	ssyncset.done $0x0  }
0x2c: {  	s16 =	simm.s32 $0x0;
	[sflag:s31] =	ssyncadd.s32 $0xFFFFD8F0  }
.LBB2_2:
0x2d: {  	p0 =	sne.s32 s16, $0x3F00  }
.Ltmp0:
0x2e: {  	s18 =	sshra.s32 s16, $0x2;
	(pc) =	sbr.rel @p0 .LBB2_2-.Ltmp0, $4  }
0x2f: {  	[tilespmem:s18+$0x15220] =	vst v0  }
0x30: {  	[tilespmem:s18+$0x15230] =	vst v0  }
0x31: {  	[tilespmem:s18+$0x15240] =	vst v0  }
0x32: {  	s16 =	sadd.s32 $0x100, s16;
	[tilespmem:s18+$0x15250] =	vst v0  }
0x33: {  	s16 =	simm.s32 $0x0;
	s18 =	simm.s32 $0x200  }
.LBB2_4:
0x34: {  	p0 =	sne.s32 s18, $0x7E00;
	[tilespmem:s16+$0x16290] =	vst v0  }
0x35: {  	[tilespmem:s16+$0x16220] =	vst v0  }
0x36: {  	[tilespmem:s16+$0x16230] =	vst v0  }
.Ltmp1:
0x37: {  	[tilespmem:s16+$0x16240] =	vst v0;
	(pc) =	sbr.rel @p0 .LBB2_4-.Ltmp1, $4  }
0x38: {  	[tilespmem:s16+$0x16250] =	vst v0  }
0x39: {  	[tilespmem:s16+$0x16260] =	vst v0  }
0x3a: {  	[tilespmem:s16+$0x16270] =	vst v0  }
0x3b: {  	[tilespmem:s16+$0x16280] =	vst v0;
	s16 =	sshra.s32 s18, $0x2;
	s18 =	sadd.s32 $0x200, s18  }
0x3c: {  	[tilespmem:s16+$0x16290] =	vst v0  }
0x3d: {  	[tilespmem:s16+$0x16220] =	vst v0  }
0x3e: {  	[tilespmem:s16+$0x16230] =	vst v0  }
0x3f: {  	[tilespmem:s16+$0x16240] =	vst v0  }
0x40: {  	[tilespmem:s16+$0x16250] =	vst v0  }
0x41: {  	[tilespmem:s16+$0x16260] =	vst v0  }
0x42: {  	[tilespmem:s16+$0x16270] =	vst v0  }
0x43: {  	[tilespmem:s16+$0x16280] =	vst v0  }
0x44: {  	[spmem:s17] =	stream.linear.scatter [tilespmem:s0], [sflag:$0x6], $0x1000, $0x38;
	[tilespmem:$0x18220] =	vst v63  }
0x45: {  	_ =	swait.ge [sflag:s31], $0x1000  }
0x46: {  	[sflag:s31] =	ssyncset.done $0x0  }
0x47: {  	s18 =	rddreg [dreg:$0xf];
	[sflag:s31] =	ssyncadd.s32 $0xFFFFF000  }
0x48: {  	[spmem:s18] =	stream.linear.scatter [tilespmem:s0], [sflag:$0x6], $0x1000, $0x38;
	[tilespmem:$0x18220] =	vst v63  }
0x49: {  	_ =	swait.ge [sflag:s31], $0x1000  }
0x4a: {  	[sflag:s31] =	ssyncset.done $0x0  }
0x4b: {  	[sflag:s31] =	ssyncadd.s32 $0xFFFFF000  }
0x4c: {  	[spmem:s19] =	stream.linear.scatter [tilespmem:s0], [sflag:$0x6], $0x1000, $0x38;
	[tilespmem:$0x18220] =	vst v63  }
0x4d: {  	_ =	swait.ge [sflag:s31], $0x1000  }
0x4e: {  	[sflag:s31] =	ssyncset.done $0x0  }
0x4f: {  	[sflag:s31] =	ssyncadd.s32 $0xFFFFF000  }
0x50: {  	[spmem:s20] =	stream.linear.scatter [tilespmem:s0], [sflag:$0x6], $0x1000, $0x38;
	[tilespmem:$0x18220] =	vst v63  }
0x51: {  	_ =	swait.ge [sflag:s31], $0x1000  }
0x52: {  	[sflag:s31] =	ssyncset.done $0x0  }
0x53: {  	[sflag:s31] =	ssyncadd.s32 $0xFFFFF000  }
0x54: {  	[spmem:s21] =	stream.linear.scatter [tilespmem:s0], [sflag:$0x6], $0x1000, $0x38;
	[tilespmem:$0x18220] =	vst v63  }
0x55: {  	_ =	swait.ge [sflag:s31], $0x1000  }
0x56: {  	[sflag:s31] =	ssyncset.done $0x0  }
0x57: {  	[sflag:s31] =	ssyncadd.s32 $0xFFFFF000  }
0x58: {  	[spmem:s22] =	stream.linear.scatter [tilespmem:s0], [sflag:$0x6], $0x1000, $0x38;
	[tilespmem:$0x18220] =	vst v63  }
0x59: {  	_ =	swait.ge [sflag:s31], $0x1000  }
0x5a: {  	[sflag:s31] =	ssyncset.done $0x0  }
0x5b: {  	[sflag:s31] =	ssyncadd.s32 $0xFFFFF000  }
0x5c: {  	[spmem:s23] =	stream.linear.scatter [tilespmem:s0], [sflag:$0x6], $0x1000, $0x38;
	[tilespmem:$0x18220] =	vst v63  }
0x5d: {  	_ =	swait.ge [sflag:s31], $0x1000  }
0x5e: {  	[sflag:s31] =	ssyncset.done $0x0  }
0x5f: {  	[sflag:s31] =	ssyncadd.s32 $0xFFFFF000  }
0x60: {  	[spmem:s24] =	stream.linear.scatter [tilespmem:s0], [sflag:$0x6], $0x1000, $0x38;
	[tilespmem:$0x18220] =	vst v63  }
0x61: {  	_ =	swait.ge [sflag:s31], $0x1000  }
0x62: {  	[sflag:s31] =	ssyncset.done $0x0  }
0x63: {  	[sflag:s31] =	ssyncadd.s32 $0xFFFFF000  }
0x64: {  	[spmem:s25] =	stream.linear.scatter [tilespmem:s0], [sflag:$0x6], $0x1000, $0x38;
	[tilespmem:$0x18220] =	vst v63  }
0x65: {  	_ =	swait.ge [sflag:s31], $0x1000  }
0x66: {  	[sflag:s31] =	ssyncset.done $0x0  }
0x67: {  	[sflag:s31] =	ssyncadd.s32 $0xFFFFF000  }
0x68: {  	[spmem:s26] =	stream.linear.scatter [tilespmem:s0], [sflag:$0x6], $0x1000, $0x38;
	[tilespmem:$0x18220] =	vst v63  }
0x69: {  	_ =	swait.ge [sflag:s31], $0x1000  }
0x6a: {  	[sflag:s31] =	ssyncset.done $0x0  }
0x6b: {  	[sflag:s31] =	ssyncadd.s32 $0xFFFFF000  }
0x6c: {  	[bflag:$0x0] =	sbarrier.arrive $0xFFFF  }
0x6d: {  	[tilespmem:s4], [sflag:$0x1] =	stream.indirect.gather [hbm4b:s14+s1], $0x40, s30, s1, $0xb8;
	[tilespmem:$0x18220] =	vst v63  }
0x6e: {  	s30 =	simm.s32 $0xA050  }
0x6f: {  	[tilespmem:s5], [sflag:$0x2] =	stream.indirect.gather [hbm4b:s14+s1], $0x40, s30, s1, $0xb8;
	[tilespmem:$0x18220] =	vst v63  }
0x70: {  	s18 =	simm.s32 $0xA0A0  }
0x71: {  	[tilespmem:s6], [sflag:$0x3] =	stream.indirect.gather [hbm4b:s14+s1], $0x40, s18, s1, $0xb8;
	[tilespmem:$0x18220] =	vst v63  }
0x72: {  	s30 =	simm.s32 $0xA0F0  }
0x73: {  	[tilespmem:s7], [sflag:$0x4] =	stream.indirect.gather [hbm4b:s14+s1], $0x40, s30, s1, $0xb8;
	[tilespmem:$0x18220] =	vst v63  }
0x74: {  	s18 =	simm.s32 $0xA140  }
0x75: {  	[tilespmem:s8], [sflag:$0x5] =	stream.indirect.gather [hbm4b:s14+s1], $0x40, s18, s1, $0xb8;
	[tilespmem:$0x18220] =	vst v63  }
0x76: {  	_ =	swait.ge [sflag:s9], $0x1400  }
0x77: {  	[sflag:s9] =	ssyncset.done $0x0  }
0x78: {  	s30 =	simm.s32 $0xC710;
	[sflag:s9] =	ssyncadd.s32 $0xFFFFEC00  }
0x79: {  	[spmem:s2] =	stream.indirect.scatter.add.f32 [tilespmem:s4], [sflag:$0x6], $0x40, s30, s1, $0xb8;
	[tilespmem:$0x18220] =	vst v63  }
0x7a: {  	_ =	swait.ge [sflag:s31], $0x1400  }
0x7b: {  	[sflag:s31] =	ssyncset.done $0x0  }
0x7c: {  	s18 =	simm.s32 $0xA190;
	[sflag:s31] =	ssyncadd.s32 $0xFFFFEC00  }
0x7d: {  	[tilespmem:s4], [sflag:$0x1] =	stream.indirect.gather [hbm4b:s14+s1], $0x40, s18, s1, $0xb8;
	[tilespmem:$0x18220] =	vst v63  }
0x7e: {  	_ =	swait.ge [sflag:s10], $0x1400  }
0x7f: {  	[sflag:s10] =	ssyncset.done $0x0  }
0x80: {  	s30 =	simm.s32 $0xC760;
	[sflag:s10] =	ssyncadd.s32 $0xFFFFEC00  }
0x81: {  	[spmem:s2] =	stream.indirect.scatter.add.f32 [tilespmem:s5], [sflag:$0x6], $0x40, s30, s1, $0xb8;
	[tilespmem:$0x18220] =	vst v63  }
0x82: {  	_ =	swait.ge [sflag:s31], $0x1400  }
0x83: {  	[sflag:s31] =	ssyncset.done $0x0  }
0x84: {  	s18 =	simm.s32 $0xA1E0;
	[sflag:s31] =	ssyncadd.s32 $0xFFFFEC00  }
0x85: {  	[tilespmem:s5], [sflag:$0x2] =	stream.indirect.gather [hbm4b:s14+s1], $0x40, s18, s1, $0xb8;
	[tilespmem:$0x18220] =	vst v63  }
0x86: {  	_ =	swait.ge [sflag:s11], $0x1400  }
0x87: {  	[sflag:s11] =	ssyncset.done $0x0  }
0x88: {  	s30 =	simm.s32 $0xC7B0;
	[sflag:s11] =	ssyncadd.s32 $0xFFFFEC00  }
0x89: {  	[spmem:s2] =	stream.indirect.scatter.add.f32 [tilespmem:s6], [sflag:$0x6], $0x40, s30, s1, $0xb8;
	[tilespmem:$0x18220] =	vst v63  }
0x8a: {  	_ =	swait.ge [sflag:s31], $0x1400  }
0x8b: {  	[sflag:s31] =	ssyncset.done $0x0  }
0x8c: {  	s18 =	simm.s32 $0xA230;
	[sflag:s31] =	ssyncadd.s32 $0xFFFFEC00  }
0x8d: {  	[tilespmem:s6], [sflag:$0x3] =	stream.indirect.gather [hbm4b:s14+s1], $0x40, s18, s1, $0xb8;
	[tilespmem:$0x18220] =	vst v63  }
0x8e: {  	_ =	swait.ge [sflag:s12], $0x1400  }
0x8f: {  	[sflag:s12] =	ssyncset.done $0x0  }
0x90: {  	s30 =	simm.s32 $0xC800;
	[sflag:s12] =	ssyncadd.s32 $0xFFFFEC00  }
0x91: {  	[spmem:s2] =	stream.indirect.scatter.add.f32 [tilespmem:s7], [sflag:$0x6], $0x40, s30, s1, $0xb8;
	[tilespmem:$0x18220] =	vst v63  }
0x92: {  	_ =	swait.ge [sflag:s31], $0x1400  }
0x93: {  	[sflag:s31] =	ssyncset.done $0x0  }
0x94: {  	s18 =	simm.s32 $0xA280;
	[sflag:s31] =	ssyncadd.s32 $0xFFFFEC00  }
0x95: {  	[tilespmem:s7], [sflag:$0x4] =	stream.indirect.gather [hbm4b:s14+s1], $0x40, s18, s1, $0xb8;
	[tilespmem:$0x18220] =	vst v63  }
0x96: {  	_ =	swait.ge [sflag:s13], $0x1400  }
0x97: {  	[sflag:s13] =	ssyncset.done $0x0  }
0x98: {  	s30 =	simm.s32 $0xC850;
	[sflag:s13] =	ssyncadd.s32 $0xFFFFEC00  }
0x99: {  	[spmem:s2] =	stream.indirect.scatter.add.f32 [tilespmem:s8], [sflag:$0x6], $0x40, s30, s1, $0xb8;
	[tilespmem:$0x18220] =	vst v63  }
0x9a: {  	_ =	swait.ge [sflag:s31], $0x1400  }
0x9b: {  	[sflag:s31] =	ssyncset.done $0x0  }
0x9c: {  	s16 =	simm.s32 $0x640;
	s18 =	simm.s32 $0xA2D0;
	[sflag:s31] =	ssyncadd.s32 $0xFFFFEC00  }
.LBB2_6:
0x9d: {  	[tilespmem:s8], [sflag:$0x5] =	stream.indirect.gather [hbm4b:s14+s1], $0x40, s18, s1, $0xb8;
	[tilespmem:$0x18220] =	vst v63  }
0x9e: {  	s18 =	smov.u32 s16  }
0x9f: {  	p0 =	sne.s32 s16, $0x8FC0;
	s16 =	sadd.s32 $0x640, s16;
	_ =	swait.ge [sflag:s9], $0x1400  }
0xa0: {  	s18 =	sshra.s32 s18, $0x2;
	[sflag:s9] =	ssyncset.done $0x0  }
0xa1: {  	s30 =	sadd.s32 $0xC710, s18;
	[sflag:s9] =	ssyncadd.s32 $0xFFFFEC00  }
0xa2: {  	[spmem:s2] =	stream.indirect.scatter.add.f32 [tilespmem:s4], [sflag:$0x6], $0x40, s30, s1, $0xb8;
	[tilespmem:$0x18220] =	vst v63  }
0xa3: {  	_ =	swait.ge [sflag:s31], $0x1400  }
0xa4: {  	[sflag:s31] =	ssyncset.done $0x0  }
0xa5: {  	s30 =	sadd.s32 $0xA190, s18;
	[sflag:s31] =	ssyncadd.s32 $0xFFFFEC00  }
0xa6: {  	[tilespmem:s4], [sflag:$0x1] =	stream.indirect.gather [hbm4b:s14+s1], $0x40, s30, s1, $0xb8;
	[tilespmem:$0x18220] =	vst v63  }
0xa7: {  	_ =	swait.ge [sflag:s10], $0x1400  }
0xa8: {  	[sflag:s10] =	ssyncset.done $0x0  }
0xa9: {  	s30 =	sadd.s32 $0xC760, s18;
	[sflag:s10] =	ssyncadd.s32 $0xFFFFEC00  }
0xaa: {  	[spmem:s2] =	stream.indirect.scatter.add.f32 [tilespmem:s5], [sflag:$0x6], $0x40, s30, s1, $0xb8;
	[tilespmem:$0x18220] =	vst v63  }
0xab: {  	_ =	swait.ge [sflag:s31], $0x1400  }
0xac: {  	[sflag:s31] =	ssyncset.done $0x0  }
0xad: {  	s30 =	sadd.s32 $0xA1E0, s18;
	[sflag:s31] =	ssyncadd.s32 $0xFFFFEC00  }
0xae: {  	[tilespmem:s5], [sflag:$0x2] =	stream.indirect.gather [hbm4b:s14+s1], $0x40, s30, s1, $0xb8;
	[tilespmem:$0x18220] =	vst v63  }
0xaf: {  	_ =	swait.ge [sflag:s11], $0x1400  }
0xb0: {  	[sflag:s11] =	ssyncset.done $0x0  }
0xb1: {  	s30 =	sadd.s32 $0xC7B0, s18;
	[sflag:s11] =	ssyncadd.s32 $0xFFFFEC00  }
0xb2: {  	[spmem:s2] =	stream.indirect.scatter.add.f32 [tilespmem:s6], [sflag:$0x6], $0x40, s30, s1, $0xb8;
	[tilespmem:$0x18220] =	vst v63  }
0xb3: {  	_ =	swait.ge [sflag:s31], $0x1400  }
0xb4: {  	[sflag:s31] =	ssyncset.done $0x0  }
0xb5: {  	s30 =	sadd.s32 $0xA230, s18;
	[sflag:s31] =	ssyncadd.s32 $0xFFFFEC00  }
0xb6: {  	[tilespmem:s6], [sflag:$0x3] =	stream.indirect.gather [hbm4b:s14+s1], $0x40, s30, s1, $0xb8;
	[tilespmem:$0x18220] =	vst v63  }
0xb7: {  	_ =	swait.ge [sflag:s12], $0x1400  }
0xb8: {  	[sflag:s12] =	ssyncset.done $0x0  }
0xb9: {  	s30 =	sadd.s32 $0xC800, s18;
	[sflag:s12] =	ssyncadd.s32 $0xFFFFEC00  }
0xba: {  	[spmem:s2] =	stream.indirect.scatter.add.f32 [tilespmem:s7], [sflag:$0x6], $0x40, s30, s1, $0xb8;
	[tilespmem:$0x18220] =	vst v63  }
0xbb: {  	_ =	swait.ge [sflag:s31], $0x1400  }
0xbc: {  	[sflag:s31] =	ssyncset.done $0x0  }
0xbd: {  	s30 =	sadd.s32 $0xA280, s18;
	[sflag:s31] =	ssyncadd.s32 $0xFFFFEC00  }
0xbe: {  	[tilespmem:s7], [sflag:$0x4] =	stream.indirect.gather [hbm4b:s14+s1], $0x40, s30, s1, $0xb8;
	[tilespmem:$0x18220] =	vst v63  }
0xbf: {  	_ =	swait.ge [sflag:s13], $0x1400  }
0xc0: {  	[sflag:s13] =	ssyncset.done $0x0  }
.Ltmp2:
0xc1: {  	s30 =	sadd.s32 $0xC850, s18;
	[sflag:s13] =	ssyncadd.s32 $0xFFFFEC00;
	(pc) =	sbr.rel @p0 .LBB2_6-.Ltmp2, $4  }
0xc2: {  	[spmem:s2] =	stream.indirect.scatter.add.f32 [tilespmem:s8], [sflag:$0x6], $0x40, s30, s1, $0xb8;
	[tilespmem:$0x18220] =	vst v63  }
0xc3: {  	_ =	swait.ge [sflag:s31], $0x1400  }
0xc4: {  	[sflag:s31] =	ssyncset.done $0x0  }
0xc5: {  	s18 =	sadd.s32 $0xA2D0, s18;
	[sflag:s31] =	ssyncadd.s32 $0xFFFFEC00  }
0xc6: {  	[tilespmem:s8], [sflag:$0x5] =	stream.indirect.gather [hbm4b:s14+s1], $0x40, s18, s1, $0xb8;
	[tilespmem:$0x18220] =	vst v63  }
0xc7: {  	_ =	swait.ge [sflag:s9], $0x1400  }
0xc8: {  	[sflag:s9] =	ssyncset.done $0x0  }
0xc9: {  	s16 =	simm.s32 $0xEC90;
	[sflag:s9] =	ssyncadd.s32 $0xFFFFEC00  }
0xca: {  	[spmem:s2] =	stream.indirect.scatter.add.f32 [tilespmem:s4], [sflag:$0x6], $0x40, s16, s1, $0xb8;
	[tilespmem:$0x18220] =	vst v63  }
0xcb: {  	_ =	swait.ge [sflag:s31], $0x1400  }
0xcc: {  	[sflag:s31] =	ssyncset.done $0x0  }
0xcd: {  	[sflag:s31] =	ssyncadd.s32 $0xFFFFEC00  }
0xce: {  	_ =	swait.ge [sflag:s10], $0x1400  }
0xcf: {  	[sflag:s10] =	ssyncset.done $0x0  }
0xd0: {  	s30 =	simm.s32 $0xECE0;
	[sflag:s10] =	ssyncadd.s32 $0xFFFFEC00  }
0xd1: {  	[spmem:s2] =	stream.indirect.scatter.add.f32 [tilespmem:s5], [sflag:$0x6], $0x40, s30, s1, $0xb8;
	[tilespmem:$0x18220] =	vst v63  }
0xd2: {  	_ =	swait.ge [sflag:s31], $0x1400  }
0xd3: {  	[sflag:s31] =	ssyncset.done $0x0  }
0xd4: {  	[sflag:s31] =	ssyncadd.s32 $0xFFFFEC00  }
0xd5: {  	_ =	swait.ge [sflag:s11], $0x1400  }
0xd6: {  	[sflag:s11] =	ssyncset.done $0x0  }
0xd7: {  	s18 =	simm.s32 $0xED30;
	[sflag:s11] =	ssyncadd.s32 $0xFFFFEC00  }
0xd8: {  	[spmem:s2] =	stream.indirect.scatter.add.f32 [tilespmem:s6], [sflag:$0x6], $0x40, s18, s1, $0xb8;
	[tilespmem:$0x18220] =	vst v63  }
0xd9: {  	_ =	swait.ge [sflag:s31], $0x1400  }
0xda: {  	[sflag:s31] =	ssyncset.done $0x0  }
0xdb: {  	[sflag:s31] =	ssyncadd.s32 $0xFFFFEC00  }
0xdc: {  	_ =	swait.ge [sflag:s12], $0x1400  }
0xdd: {  	[sflag:s12] =	ssyncset.done $0x0  }
0xde: {  	s30 =	simm.s32 $0xED80;
	[sflag:s12] =	ssyncadd.s32 $0xFFFFEC00  }
0xdf: {  	[spmem:s2] =	stream.indirect.scatter.add.f32 [tilespmem:s7], [sflag:$0x6], $0x40, s30, s1, $0xb8;
	[tilespmem:$0x18220] =	vst v63  }
0xe0: {  	_ =	swait.ge [sflag:s31], $0x1400  }
0xe1: {  	[sflag:s31] =	ssyncset.done $0x0  }
0xe2: {  	[sflag:s31] =	ssyncadd.s32 $0xFFFFEC00  }
0xe3: {  	_ =	swait.ge [sflag:s13], $0x1400  }
0xe4: {  	[sflag:s13] =	ssyncset.done $0x0  }
0xe5: {  	s18 =	simm.s32 $0xEDD0;
	[sflag:s13] =	ssyncadd.s32 $0xFFFFEC00  }
0xe6: {  	[spmem:s2] =	stream.indirect.scatter.add.f32 [tilespmem:s8], [sflag:$0x6], $0x40, s18, s1, $0xb8;
	[tilespmem:$0x18220] =	vst v63  }
0xe7: {  	_ =	swait.ge [sflag:s31], $0x1400  }
0xe8: {  	[sflag:s31] =	ssyncset.done $0x0  }
0xe9: {  	s16 =	simm.s32 $0x16220;
	[sflag:s31] =	ssyncadd.s32 $0xFFFFEC00  }
0xea: {  	s30 =	sadd.s32 $0x0, s17;
	s18 =	simm.s32 $0x100;
	[bflag:$0x0] =	sbarrier.arrive $0xFFFF  }
0xeb: {  	[tilespmem:s16], [sflag:$0x6] =	stream.linear.gather [spmem:s30], $0x40, $0x38;
	[tilespmem:$0x18220] =	vst v63  }
.LBB2_8:
0xec: {  	p0 =	sne.s32 s18, $0x3F00  }
.Ltmp3:
0xed: {  	_ = 	snop;
	(pc) =	sbr.rel @p0 .LBB2_8-.Ltmp3, $4  }
0xee: {  	_ = 	snop  }
0xef: {  	s30 =	sshra.s32 s18, $0x2;
	s18 =	sadd.s32 $0x100, s18  }
0xf0: {  	s16 =	sadd.s32 $0x80, s16;
	s30 =	sadd.s32 s30, s17  }
0xf1: {  	[tilespmem:s16], [sflag:$0x6] =	stream.linear.gather [spmem:s30], $0x40, $0x38;
	[tilespmem:$0x18220] =	vst v63  }
0xf2: {  	_ =	swait.ge [sflag:s31], $0x1000  }
0xf3: {  	s18 =	simm.s32 $0x0;
	[sflag:s31] =	ssyncset.done $0x0  }
0xf4: {  	s16 =	simm.s32 $0x16220;
	s30 =	rddreg [dreg:$0x3];
	[sflag:s31] =	ssyncadd.s32 $0xFFFFF000  }
0xf5: {  	[hbm4b:s30+s18] =	stream.linear.scatter [tilespmem:s16], [sflag:$0x6], $0x2000, $0x38;
	[tilespmem:$0x18220] =	vst v63  }
0xf6: {  	_ =	swait.ge [sflag:s31], $0x2000  }
0xf7: {  	[sflag:s31] =	ssyncset.done $0x0  }
0xf8: {  	s30 =	sadd.s32 $0x0, s29;
	s18 =	simm.s32 $0x100;
	[sflag:s31] =	ssyncadd.s32 $0xFFFFE000  }
0xf9: {  	[tilespmem:s16], [sflag:$0x6] =	stream.linear.gather [spmem:s30], $0x40, $0x38;
	[tilespmem:$0x18220] =	vst v63  }
.LBB2_10:
0xfa: {  	p0 =	sne.s32 s18, $0x3F00  }
.Ltmp4:
0xfb: {  	_ = 	snop;
	(pc) =	sbr.rel @p0 .LBB2_10-.Ltmp4, $4  }
0xfc: {  	_ = 	snop  }
0xfd: {  	s30 =	sshra.s32 s18, $0x2;
	s18 =	sadd.s32 $0x100, s18  }
0xfe: {  	s16 =	sadd.s32 $0x80, s16;
	s30 =	sadd.s32 s30, s29  }
0xff: {  	[tilespmem:s16], [sflag:$0x6] =	stream.linear.gather [spmem:s30], $0x40, $0x38;
	[tilespmem:$0x18220] =	vst v63  }
0x100: {  	_ =	swait.ge [sflag:s31], $0x1000  }
0x101: {  	s18 =	simm.s32 $0x0;
	[sflag:s31] =	ssyncset.done $0x0  }
0x102: {  	s16 =	simm.s32 $0x16220;
	s30 =	rddreg [dreg:$0x4];
	[sflag:s31] =	ssyncadd.s32 $0xFFFFF000  }
0x103: {  	[hbm4b:s30+s18] =	stream.linear.scatter [tilespmem:s16], [sflag:$0x6], $0x2000, $0x38;
	[tilespmem:$0x18220] =	vst v63  }
0x104: {  	_ =	swait.ge [sflag:s31], $0x2000  }
0x105: {  	[sflag:s31] =	ssyncset.done $0x0  }
0x106: {  	s30 =	sadd.s32 $0x0, s19;
	s18 =	simm.s32 $0x100;
	[sflag:s31] =	ssyncadd.s32 $0xFFFFE000  }
0x107: {  	[tilespmem:s16], [sflag:$0x6] =	stream.linear.gather [spmem:s30], $0x40, $0x38;
	[tilespmem:$0x18220] =	vst v63  }
.LBB2_12:
0x108: {  	p0 =	sne.s32 s18, $0x3F00  }
.Ltmp5:
0x109: {  	_ = 	snop;
	(pc) =	sbr.rel @p0 .LBB2_12-.Ltmp5, $4  }
0x10a: {  	_ = 	snop  }
0x10b: {  	s30 =	sshra.s32 s18, $0x2;
	s18 =	sadd.s32 $0x100, s18  }
0x10c: {  	s16 =	sadd.s32 $0x80, s16;
	s30 =	sadd.s32 s30, s19  }
0x10d: {  	[tilespmem:s16], [sflag:$0x6] =	stream.linear.gather [spmem:s30], $0x40, $0x38;
	[tilespmem:$0x18220] =	vst v63  }
0x10e: {  	_ =	swait.ge [sflag:s31], $0x1000  }
0x10f: {  	s18 =	simm.s32 $0x0;
	[sflag:s31] =	ssyncset.done $0x0  }
0x110: {  	s16 =	simm.s32 $0x16220;
	s30 =	rddreg [dreg:$0x5];
	[sflag:s31] =	ssyncadd.s32 $0xFFFFF000  }
0x111: {  	[hbm4b:s30+s18] =	stream.linear.scatter [tilespmem:s16], [sflag:$0x6], $0x2000, $0x38;
	[tilespmem:$0x18220] =	vst v63  }
0x112: {  	_ =	swait.ge [sflag:s31], $0x2000  }
0x113: {  	[sflag:s31] =	ssyncset.done $0x0  }
0x114: {  	s30 =	sadd.s32 $0x0, s20;
	s18 =	simm.s32 $0x100;
	[sflag:s31] =	ssyncadd.s32 $0xFFFFE000  }
0x115: {  	[tilespmem:s16], [sflag:$0x6] =	stream.linear.gather [spmem:s30], $0x40, $0x38;
	[tilespmem:$0x18220] =	vst v63  }
.LBB2_14:
0x116: {  	p0 =	sne.s32 s18, $0x3F00  }
.Ltmp6:
0x117: {  	_ = 	snop;
	(pc) =	sbr.rel @p0 .LBB2_14-.Ltmp6, $4  }
0x118: {  	_ = 	snop  }
0x119: {  	s30 =	sshra.s32 s18, $0x2;
	s18 =	sadd.s32 $0x100, s18  }
0x11a: {  	s16 =	sadd.s32 $0x80, s16;
	s30 =	sadd.s32 s30, s20  }
0x11b: {  	[tilespmem:s16], [sflag:$0x6] =	stream.linear.gather [spmem:s30], $0x40, $0x38;
	[tilespmem:$0x18220] =	vst v63  }
0x11c: {  	_ =	swait.ge [sflag:s31], $0x1000  }
0x11d: {  	s18 =	simm.s32 $0x0;
	[sflag:s31] =	ssyncset.done $0x0  }
0x11e: {  	s16 =	simm.s32 $0x16220;
	s30 =	rddreg [dreg:$0x6];
	[sflag:s31] =	ssyncadd.s32 $0xFFFFF000  }
0x11f: {  	[hbm4b:s30+s18] =	stream.linear.scatter [tilespmem:s16], [sflag:$0x6], $0x2000, $0x38;
	[tilespmem:$0x18220] =	vst v63  }
0x120: {  	_ =	swait.ge [sflag:s31], $0x2000  }
0x121: {  	[sflag:s31] =	ssyncset.done $0x0  }
0x122: {  	s30 =	sadd.s32 $0x0, s21;
	s18 =	simm.s32 $0x100;
	[sflag:s31] =	ssyncadd.s32 $0xFFFFE000  }
0x123: {  	[tilespmem:s16], [sflag:$0x6] =	stream.linear.gather [spmem:s30], $0x40, $0x38;
	[tilespmem:$0x18220] =	vst v63  }
.LBB2_16:
0x124: {  	p0 =	sne.s32 s18, $0x3F00  }
.Ltmp7:
0x125: {  	_ = 	snop;
	(pc) =	sbr.rel @p0 .LBB2_16-.Ltmp7, $4  }
0x126: {  	_ = 	snop  }
0x127: {  	s30 =	sshra.s32 s18, $0x2;
	s18 =	sadd.s32 $0x100, s18  }
0x128: {  	s16 =	sadd.s32 $0x80, s16;
	s30 =	sadd.s32 s30, s21  }
0x129: {  	[tilespmem:s16], [sflag:$0x6] =	stream.linear.gather [spmem:s30], $0x40, $0x38;
	[tilespmem:$0x18220] =	vst v63  }
0x12a: {  	_ =	swait.ge [sflag:s31], $0x1000  }
0x12b: {  	s18 =	simm.s32 $0x0;
	[sflag:s31] =	ssyncset.done $0x0  }
0x12c: {  	s16 =	simm.s32 $0x16220;
	s30 =	rddreg [dreg:$0x7];
	[sflag:s31] =	ssyncadd.s32 $0xFFFFF000  }
0x12d: {  	[hbm4b:s30+s18] =	stream.linear.scatter [tilespmem:s16], [sflag:$0x6], $0x2000, $0x38;
	[tilespmem:$0x18220] =	vst v63  }
0x12e: {  	_ =	swait.ge [sflag:s31], $0x2000  }
0x12f: {  	[sflag:s31] =	ssyncset.done $0x0  }
0x130: {  	s30 =	sadd.s32 $0x0, s22;
	s18 =	simm.s32 $0x100;
	[sflag:s31] =	ssyncadd.s32 $0xFFFFE000  }
0x131: {  	[tilespmem:s16], [sflag:$0x6] =	stream.linear.gather [spmem:s30], $0x40, $0x38;
	[tilespmem:$0x18220] =	vst v63  }
.LBB2_18:
0x132: {  	p0 =	sne.s32 s18, $0x3F00  }
.Ltmp8:
0x133: {  	_ = 	snop;
	(pc) =	sbr.rel @p0 .LBB2_18-.Ltmp8, $4  }
0x134: {  	_ = 	snop  }
0x135: {  	s30 =	sshra.s32 s18, $0x2;
	s18 =	sadd.s32 $0x100, s18  }
0x136: {  	s16 =	sadd.s32 $0x80, s16;
	s30 =	sadd.s32 s30, s22  }
0x137: {  	[tilespmem:s16], [sflag:$0x6] =	stream.linear.gather [spmem:s30], $0x40, $0x38;
	[tilespmem:$0x18220] =	vst v63  }
0x138: {  	_ =	swait.ge [sflag:s31], $0x1000  }
0x139: {  	s18 =	simm.s32 $0x0;
	[sflag:s31] =	ssyncset.done $0x0  }
0x13a: {  	s16 =	simm.s32 $0x16220;
	s30 =	rddreg [dreg:$0x8];
	[sflag:s31] =	ssyncadd.s32 $0xFFFFF000  }
0x13b: {  	[hbm4b:s30+s18] =	stream.linear.scatter [tilespmem:s16], [sflag:$0x6], $0x2000, $0x38;
	[tilespmem:$0x18220] =	vst v63  }
0x13c: {  	_ =	swait.ge [sflag:s31], $0x2000  }
0x13d: {  	[sflag:s31] =	ssyncset.done $0x0  }
0x13e: {  	s30 =	sadd.s32 $0x0, s23;
	s18 =	simm.s32 $0x100;
	[sflag:s31] =	ssyncadd.s32 $0xFFFFE000  }
0x13f: {  	[tilespmem:s16], [sflag:$0x6] =	stream.linear.gather [spmem:s30], $0x40, $0x38;
	[tilespmem:$0x18220] =	vst v63  }
.LBB2_20:
0x140: {  	p0 =	sne.s32 s18, $0x3F00  }
.Ltmp9:
0x141: {  	_ = 	snop;
	(pc) =	sbr.rel @p0 .LBB2_20-.Ltmp9, $4  }
0x142: {  	_ = 	snop  }
0x143: {  	s30 =	sshra.s32 s18, $0x2;
	s18 =	sadd.s32 $0x100, s18  }
0x144: {  	s16 =	sadd.s32 $0x80, s16;
	s30 =	sadd.s32 s30, s23  }
0x145: {  	[tilespmem:s16], [sflag:$0x6] =	stream.linear.gather [spmem:s30], $0x40, $0x38;
	[tilespmem:$0x18220] =	vst v63  }
0x146: {  	_ =	swait.ge [sflag:s31], $0x1000  }
0x147: {  	s18 =	simm.s32 $0x0;
	[sflag:s31] =	ssyncset.done $0x0  }
0x148: {  	s16 =	simm.s32 $0x16220;
	s30 =	rddreg [dreg:$0x9];
	[sflag:s31] =	ssyncadd.s32 $0xFFFFF000  }
0x149: {  	[hbm4b:s30+s18] =	stream.linear.scatter [tilespmem:s16], [sflag:$0x6], $0x2000, $0x38;
	[tilespmem:$0x18220] =	vst v63  }
0x14a: {  	_ =	swait.ge [sflag:s31], $0x2000  }
0x14b: {  	[sflag:s31] =	ssyncset.done $0x0  }
0x14c: {  	s30 =	sadd.s32 $0x0, s24;
	s18 =	simm.s32 $0x100;
	[sflag:s31] =	ssyncadd.s32 $0xFFFFE000  }
0x14d: {  	[tilespmem:s16], [sflag:$0x6] =	stream.linear.gather [spmem:s30], $0x40, $0x38;
	[tilespmem:$0x18220] =	vst v63  }
.LBB2_22:
0x14e: {  	p0 =	sne.s32 s18, $0x3F00  }
.Ltmp10:
0x14f: {  	_ = 	snop;
	(pc) =	sbr.rel @p0 .LBB2_22-.Ltmp10, $4  }
0x150: {  	_ = 	snop  }
0x151: {  	s30 =	sshra.s32 s18, $0x2;
	s18 =	sadd.s32 $0x100, s18  }
0x152: {  	s16 =	sadd.s32 $0x80, s16;
	s30 =	sadd.s32 s30, s24  }
0x153: {  	[tilespmem:s16], [sflag:$0x6] =	stream.linear.gather [spmem:s30], $0x40, $0x38;
	[tilespmem:$0x18220] =	vst v63  }
0x154: {  	_ =	swait.ge [sflag:s31], $0x1000  }
0x155: {  	s18 =	simm.s32 $0x0;
	[sflag:s31] =	ssyncset.done $0x0  }
0x156: {  	s16 =	simm.s32 $0x16220;
	s30 =	rddreg [dreg:$0xa];
	[sflag:s31] =	ssyncadd.s32 $0xFFFFF000  }
0x157: {  	[hbm4b:s30+s18] =	stream.linear.scatter [tilespmem:s16], [sflag:$0x6], $0x2000, $0x38;
	[tilespmem:$0x18220] =	vst v63  }
0x158: {  	_ =	swait.ge [sflag:s31], $0x2000  }
0x159: {  	[sflag:s31] =	ssyncset.done $0x0  }
0x15a: {  	s30 =	sadd.s32 $0x0, s25;
	s18 =	simm.s32 $0x100;
	[sflag:s31] =	ssyncadd.s32 $0xFFFFE000  }
0x15b: {  	[tilespmem:s16], [sflag:$0x6] =	stream.linear.gather [spmem:s30], $0x40, $0x38;
	[tilespmem:$0x18220] =	vst v63  }
.LBB2_24:
0x15c: {  	p0 =	sne.s32 s18, $0x3F00  }
.Ltmp11:
0x15d: {  	_ = 	snop;
	(pc) =	sbr.rel @p0 .LBB2_24-.Ltmp11, $4  }
0x15e: {  	_ = 	snop  }
0x15f: {  	s30 =	sshra.s32 s18, $0x2;
	s18 =	sadd.s32 $0x100, s18  }
0x160: {  	s16 =	sadd.s32 $0x80, s16;
	s30 =	sadd.s32 s30, s25  }
0x161: {  	[tilespmem:s16], [sflag:$0x6] =	stream.linear.gather [spmem:s30], $0x40, $0x38;
	[tilespmem:$0x18220] =	vst v63  }
0x162: {  	_ =	swait.ge [sflag:s31], $0x1000  }
0x163: {  	s18 =	simm.s32 $0x0;
	[sflag:s31] =	ssyncset.done $0x0  }
0x164: {  	s16 =	simm.s32 $0x16220;
	s30 =	rddreg [dreg:$0xb];
	[sflag:s31] =	ssyncadd.s32 $0xFFFFF000  }
0x165: {  	[hbm4b:s30+s18] =	stream.linear.scatter [tilespmem:s16], [sflag:$0x6], $0x2000, $0x38;
	[tilespmem:$0x18220] =	vst v63  }
0x166: {  	_ =	swait.ge [sflag:s31], $0x2000  }
0x167: {  	[sflag:s31] =	ssyncset.done $0x0  }
0x168: {  	s30 =	sadd.s32 $0x0, s26;
	s18 =	simm.s32 $0x100;
	[sflag:s31] =	ssyncadd.s32 $0xFFFFE000  }
0x169: {  	[tilespmem:s16], [sflag:$0x6] =	stream.linear.gather [spmem:s30], $0x40, $0x38;
	[tilespmem:$0x18220] =	vst v63  }
.LBB2_26:
0x16a: {  	p0 =	sne.s32 s18, $0x3F00  }
.Ltmp12:
0x16b: {  	_ = 	snop;
	(pc) =	sbr.rel @p0 .LBB2_26-.Ltmp12, $4  }
0x16c: {  	_ = 	snop  }
0x16d: {  	s30 =	sshra.s32 s18, $0x2;
	s18 =	sadd.s32 $0x100, s18  }
0x16e: {  	s16 =	sadd.s32 $0x80, s16;
	s30 =	sadd.s32 s30, s26  }
0x16f: {  	[tilespmem:s16], [sflag:$0x6] =	stream.linear.gather [spmem:s30], $0x40, $0x38;
	[tilespmem:$0x18220] =	vst v63  }
0x170: {  	_ =	swait.ge [sflag:s31], $0x1000;
	s15 =	sadd.s32 $0x1, s15  }
0x171: {  	s18 =	simm.s32 $0x16220;
	[sflag:s31] =	ssyncset.done $0x0;
	p0 =	sne.s32 s15, s28  }
.Ltmp13:
0x172: {  	s16 =	rddreg [dreg:$0xc];
	[sflag:s31] =	ssyncadd.s32 $0xFFFFF000;
	(pc) =	sbr.rel @p0 .LBB2_1-.Ltmp13, $4  }
0x173: {  	[hbm4b:s16+s3] =	stream.linear.scatter [tilespmem:s18], [sflag:$0x6], $0x2000, $0x38;
	[tilespmem:$0x18220] =	vst v63  }
0x174: {  	_ =	swait.ge [sflag:s31], $0x2000  }
0x175: {  	[sflag:s31] =	ssyncset.done $0x0  }
0x176: {  	s30 =	simm.s32 $0xA000;
	[sflag:s31] =	ssyncadd.s32 $0xFFFFE000  }
0x177: {  	_ =	sfence.sel $0x180000  }
0x178: {  	[bflag:$0x0] =	sbarrier.arrive $0xFFFF  }
0x179: {  	_ =	strace $0x9000004A  }
0x17a: {  	s0 =	stileid.u32;
	[bflag:$0x2] =	sbarrier.arrive $0xFFFF  }
0x17b: {  	p0 =	sne.s32 s0, $0x0;
	s0 =	rddreg [dreg:$0x2]  }
0x17c: {  	s0 =	sadd.s32 @!p0 $0x100000, s0  }
0x17d: {  	[sflag:s0] =	ssyncadd.tile.s32 @!p0 $0x1;
	_ =	shalt  }
.Lfunc_end2:
_tile_overlayer_lowered:
.L_overlay_start_2:
0x17e: {  	(tag) =	ssettag $0x2  }
0x17f: {  	s0 =	rddreg [dreg:$0x0];
	s2 =	stileid.u32  }
0x180: {  	s1 =	rddreg [dreg:$0x1];
	p0 =	sne.s32 s2, $0x0  }
0x181: {  	s3 =	rddreg [dreg:$0x2];
	[bflag:$0x3] =	sbarrier.arrive $0xFFFF;
	s2 =	simm.s32 @!p0 $0x1C06  }
0x182: {  	[timem:s3], [sflag:s2] =	dma.local @!p0 [hbm:s0], s1  }
0x183: {  	s0 =	simm.s32 @!p0 $0x6  }
0x184: {  	_ =	swait.ge @!p0 [sflag:s0], s1  }
0x185: {  	s1 =	ssub.s32 @!p0 $0x0, s1;
	[sflag:s0] =	ssyncset.done @!p0 $0x0  }
0x186: {  	[sflag:s0] =	ssyncadd.s32 @!p0 s1  }
0x187: {  	[bflag:$0x3] =	sbarrier.arrive $0xFFFF  }
0x188: {  	_ =	shalt  }

// kernel: kernel.9.cloned.1.call-start
scs
__scs_entry_jumppad:
0x0: {  	(pc) =	sbr.rel $0x88, $3  }
0x1: {  	(tag) =	ssettag $0x0;
	lr =	simm.s32 $0x1  }
0x2: {  	[smem:$0x3F91] =	sst lr;
	_ =	strace $0xD0000000  }
0x3: {  	_ = 	snop  }
0x4: {  	_ = 	snop  }
0x5: {  	_ = 	snop  }
0x6: {  	_ = 	snop  }
0x7: {  	_ = 	snop  }
__scs_overlays_trampoline_lowered:
0x8: {  	[smem:$0x3FA0] =	sst s0  }
0x9: {  	[smem:$0x3FA1] =	sst s1  }
0xa: {  	[smem:$0x3FA2] =	sst s2  }
0xb: {  	[smem:$0x3FA3] =	sst s3  }
0xc: {  	[smem:$0x3FA4] =	sst s4  }
0xd: {  	[smem:$0x3FA5] =	sst s5  }
0xe: {  	[smem:$0x3FA6] =	sst s6  }
0xf: {  	[smem:$0x3FA7] =	sst s7  }
0x10: {  	[smem:$0x3FA8] =	sst s8  }
0x11: {  	[smem:$0x3FA9] =	sst s9;
	s0 =	simm.s32 @!p0 $0x0  }
0x12: {  	s1 =	sld [smem:$0x3F8F];
	s0 =	simm.s32 @p0 $0x1  }
0x13: {  	[smem:$0x3FAA] =	sst s0;
	s0 =	simm.s32 @!p1 $0x0  }
0x14: {  	s2 =	sld [smem:$0x3F8E];
	s0 =	simm.s32 @p1 $0x1  }
0x15: {  	[smem:$0x3FAB] =	sst s0;
	s0 =	simm.s32 @!p2 $0x0  }
0x16: {  	s3 =	sld [smem:$0x3FDB];
	s0 =	simm.s32 @p2 $0x1  }
0x17: {  	s4 =	simm.s32 $0x1BF5;
	[smem:$0x3FAD] =	sst s0  }
0x18: {  	s0 =	sld [smem:$0x3F90];
	_ =	swait.ge [sflag:s4], $0x0  }
0x19: {  	s7 =	sld [smem:$0x3F91]  }
0x1a: {  	s8 =	sadd.s32 $0xFFFFE003, lr  }
0x1b: {  	s9 =	sadd.s32 $0xFFFFFEF7, lr;
	s5 =	simm.s32 $0xFFFFFFFF;
	p2 =	slt.u32 s8, $0xFFFFF086  }
0x1c: {  	p1 =	slt.u32 s9, $0xF7A;
	s5 =	simm.s32 @!p2 $0x0  }
0x1d: {  	s5 =	simm.s32 @p1 $0x1;
	p0 =	seq.s32 s7, s2  }
0x1e: {  	s7 =	smul.u32 @!p0 $0xF7A, s2;
	p2 =	seq.s32 @!p0 s5, $0x0  }
0x1f: {  	s9 =	smul.u32 $0xF7A, s1;
	s8 =	simm.s32 @!p0 $0x1BF5;
	p2 =	por !p2, p0  }
0x20: {  	[sflag:s8] =	ssyncset.s32 @!p0 $0xFFFFF086;
	s6 =	sadd.s32 @!p0 s3, s7;
	s7 =	simm.s32 @!p0 $0x108  }
0x21: {  	s3 =	sadd.s32 s3, s9;
	s6 =	sadd.s32 @!p0 $0x88, s6;
	s7 =	simm.s32 @p2 $0x1082  }
0x22: {  	[simem:s7], [sflag:s8] =	dma.local @!p0 [hbm:s6], $0xF7A  }
0x23: {  	s9 =	sor.u32 $0xD0000000, s2;
	s6 =	simm.s32 $0x108;
	_ =	swait.ge @!p0 [sflag:s8], $0x0  }
0x24: {  	s3 =	sadd.s32 $0x88, s3;
	s6 =	simm.s32 @!p1 $0x1082;
	[sflag:s4] =	ssyncset.s32 $0xFFFFF086  }
0x25: {  	[simem:s6], [sflag:s4] =	dma.local [hbm:s3], $0xF7A  }
0x26: {  	[smem:$0x3F91] =	sst s1;
	(tag) =	ssettag s2;
	_ =	strace s9  }
0x27: {  	s1 =	sld [smem:$0x3FA1]  }
0x28: {  	s2 =	sld [smem:$0x3FA2]  }
0x29: {  	s4 =	sld [smem:$0x3FA4]  }
0x2a: {  	p0 =	seq.s32 s5, $0x0;
	s5 =	sld [smem:$0x3FA5]  }
0x2b: {  	s6 =	sld [smem:$0x3FA6]  }
0x2c: {  	s7 =	sld [smem:$0x3FA7]  }
0x2d: {  	s3 =	simm.s32 $0x108;
	s8 =	sld [smem:$0x3FA8]  }
0x2e: {  	s3 =	simm.s32 @!p0 $0x1082;
	s9 =	sld [smem:$0x3FA9]  }
0x2f: {  	lr =	sadd.s32 s0, s3;
	s0 =	sld [smem:$0x3FA0]  }
0x30: {  	s3 =	sld [smem:$0x3FA3]  }
0x31: {  	[smem:$0x3FAC] =	sst s10  }
0x32: {  	s10 =	sld [smem:$0x3FAA];
	_ =	sdelay $0x3  }
0x33: {  	p0 =	seq.s32 s10, $0x1;
	s10 =	sld [smem:$0x3FAC];
	_ =	sdelay $0x3  }
0x34: {  	[smem:$0x3FAC] =	sst s10  }
0x35: {  	s10 =	sld [smem:$0x3FAB];
	_ =	sdelay $0x3  }
0x36: {  	p1 =	seq.s32 s10, $0x1;
	s10 =	sld [smem:$0x3FAC];
	_ =	sdelay $0x3  }
0x37: {  	[smem:$0x3FAC] =	sst s10  }
0x38: {  	s10 =	sld [smem:$0x3FAD]  }
0x39: {  	_ = 	snop;
	(pc) =	sbr.ind lr, $3  }
0x3a: {  	_ = 	snop  }
0x3b: {  	_ = 	snop  }
0x3c: {  	p2 =	seq.s32 s10, $0x1;
	s10 =	sld [smem:$0x3FAC]  }
0x3d: {  	_ =	shalt  }
0x3e: {  	_ =	shalt  }
0x3f: {  	_ =	shalt  }
0x40: {  	_ =	shalt  }
0x41: {  	_ =	shalt  }
0x42: {  	_ =	shalt  }
0x43: {  	_ =	shalt  }
0x44: {  	_ =	shalt  }
0x45: {  	_ =	shalt  }
0x46: {  	_ =	shalt  }
0x47: {  	_ =	shalt  }
0x48: {  	_ =	shalt  }
0x49: {  	_ =	shalt  }
0x4a: {  	_ =	shalt  }
0x4b: {  	_ =	shalt  }
0x4c: {  	_ =	shalt  }
0x4d: {  	_ =	shalt  }
0x4e: {  	_ =	shalt  }
0x4f: {  	_ =	shalt  }
0x50: {  	_ =	shalt  }
0x51: {  	_ =	shalt  }
0x52: {  	_ =	shalt  }
0x53: {  	_ =	shalt  }
0x54: {  	_ =	shalt  }
0x55: {  	_ =	shalt  }
0x56: {  	_ =	shalt  }
0x57: {  	_ =	shalt  }
0x58: {  	_ =	shalt  }
0x59: {  	_ =	shalt  }
0x5a: {  	_ =	shalt  }
0x5b: {  	_ =	shalt  }
0x5c: {  	_ =	shalt  }
0x5d: {  	_ =	shalt  }
0x5e: {  	_ =	shalt  }
0x5f: {  	_ =	shalt  }
0x60: {  	_ =	shalt  }
0x61: {  	_ =	shalt  }
0x62: {  	_ =	shalt  }
0x63: {  	_ =	shalt  }
0x64: {  	_ =	shalt  }
0x65: {  	_ =	shalt  }
0x66: {  	_ =	shalt  }
0x67: {  	_ =	shalt  }
0x68: {  	_ =	shalt  }
0x69: {  	_ =	shalt  }
0x6a: {  	_ =	shalt  }
0x6b: {  	_ =	shalt  }
0x6c: {  	_ =	shalt  }
0x6d: {  	_ =	shalt  }
0x6e: {  	_ =	shalt  }
0x6f: {  	_ =	shalt  }
0x70: {  	_ =	shalt  }
0x71: {  	_ =	shalt  }
0x72: {  	_ =	shalt  }
0x73: {  	_ =	shalt  }
0x74: {  	_ =	shalt  }
0x75: {  	_ =	shalt  }
0x76: {  	_ =	shalt  }
0x77: {  	_ =	shalt  }
0x78: {  	_ =	shalt  }
0x79: {  	_ =	shalt  }
0x7a: {  	_ =	shalt  }
0x7b: {  	_ =	shalt  }
0x7c: {  	_ =	shalt  }
0x7d: {  	_ =	shalt  }
0x7e: {  	_ =	shalt  }
0x7f: {  	_ =	shalt  }
0x80: {  	_ =	shalt  }
0x81: {  	_ =	shalt  }
0x82: {  	_ =	shalt  }
0x83: {  	_ =	shalt  }
0x84: {  	_ =	shalt  }
0x85: {  	_ =	shalt  }
0x86: {  	_ =	shalt  }
0x87: {  	_ =	shalt  }
.Lfunc_end0:
.L_simem_size_0:
called_computation_lowered:
.L_overlay_start_0:
0x88: {  	s2 =	sld [smem:$0x3FD9]  }
0x89: {  	s3 =	sld [smem:$0x3FFE];
	_ =	sdelay $0x1  }
0x8a: {  	s1 =	srdreg.scid  }
0x8b: {  	s0 =	sand.u32 $0x1, s1  }
0x8c: {  	s16 =	sshll.u32 s0, $0xA;
	s2 =	sadd.s32 s3, s2  }
0x8d: {  	s2 =	sadd.s32 s2, s16  }
0x8e: {  	[smem:$0x3FB8] =	sst s2  }
0x8f: {  	_ = 	snop  }
0x90: {  	(tm) =	ssettm $0x1  }
0x91: {  	s17 =	sld [smem:$0x3FFB];
	_ =	sdelay $0x3  }
0x92: {  	_ =	strace s17  }
0x93: {  	s2 =	sld [smem:$0x3FFC];
	_ =	sdelay $0x3  }
0x94: {  	_ =	strace s2  }
0x95: {  	s2 =	sld [smem:$0x3FFD];
	_ =	sdelay $0x3  }
0x96: {  	_ =	strace s2  }
0x97: {  	_ =	strace $0x8FFFFFFF  }
0x98: {  	s18 =	sld [smem:$0x3FDB];
	_ =	sdelay $0x1  }
0x99: {  	s19 =	simm.s32 $_scs_section_size  }
0x9a: {  	s4 =	simm.s32 $_size__tile_overlayer_lowered;
	s5 =	simm.s32 $_tile_overlayer_lowered  }
0x9b: {  	s22 =	simm.s32 $0x1BFF;
	s21 =	sshll.u32 s5, $0x1;
	s2 =	sadd.s32 s19, s18  }
0x9c: {  	s6 =	simm.s32 $0x0;
	s20 =	sshll.u32 s4, $0x1;
	s4 =	sadd.s32 s21, s2  }
0x9d: {  	[timem:s6], [sflag:s22] =	dma.local [hbm:s4], s20  }
0x9e: {  	_ =	swait.ge [sflag:s22], s20  }
0x9f: {  	s3 =	ssub.s32 $0x0, s20;
	[sflag:s22] =	ssyncset.done $0x0  }
0xa0: {  	[sflag:s22] =	ssyncadd.s32 s3;
	_ =	sdelay $0x1  }
0xa1: {  	s23 =	simm.s32 $0x1B8B  }
0xa2: {  	_ =	swait.ge [sflag:s23], $0x1  }
0xa3: {  	[sflag:s23] =	ssyncset.done $0x0  }
0xa4: {  	s25 =	simm.s32 $0x1B8E;
	s24 =	sld [smem:$0x3FFE];
	[sflag:s23] =	ssyncadd.s32 $0xFFFFFFFF  }
0xa5: {  	s26 =	simm.s32 $execute0_lowered;
	[smem:$0x3FD2] =	sst s25  }
0xa6: {  	s4 =	sshll.u32 s26, $0x1;
	_ =	strace $0x80000046;
	[dreg:$0x1] =	wrdreg $0xFFFFFFFF  }
0xa7: {  	s28 =	simm.s32 $_size_execute0_lowered;
	s2 =	sadd.s32 s2, s4;
	[dreg:$0x0] =	wrdreg $0x0  }
0xa8: {  	s4 =	sshll.u32 s28, $0x1;
	[dreg:$0x2] =	wrdreg s2  }
0xa9: {  	[dreg:$0x3] =	wrdreg s4  }
0xaa: {  	[dreg:$0x4] =	wrdreg $0xC0  }
0xab: {  	_ =	task [dreg:s6], $0x5FFFF  }
0xac: {  	[dreg:$0x1] =	wrdreg $0xFFFFFFFF  }
0xad: {  	[dreg:$0x0] =	wrdreg $0x60  }
0xae: {  	[dreg:$0x2] =	wrdreg s24  }
0xaf: {  	[dreg:$0x3] =	wrdreg $0x0  }
0xb0: {  	[dreg:$0x4] =	wrdreg $0x9  }
0xb1: {  	_ =	task.clear_ibuf [dreg:s6], $0x5FFFF;
	_ =	strace $0x90000046  }
0xb2: {  	s29 =	simm.s32 $0x9;
	_ =	strace $0x80000048  }
0xb3: {  	_ =	swait.ge [sflag:s29], $0x1  }
0xb4: {  	[sflag:s29] =	ssyncadd.s32 $0xFFFFFFFF  }
0xb5: {  	_ =	strace $0x90000048  }
0xb6: {  	_ =	sfence  }
0xb7: {  	s30 =	sld [smem:$0x0];
	_ =	sdelay $0x2  }
0xb8: {  	s31 =	sshll.u32 s1, $0xD;
	s1 =	sshrl.u32 s1, $0x2  }
0xb9: {  	s3 =	sand.u32 $0x4000, s31;
	s1 =	sadd.s32 s1, s30  }
0xba: {  	s0 =	sor.u32 s3, s0;
	s1 =	sshll.u32 s1, $0x11  }
0xbb: {  	s0 =	sor.u32 s1, s0  }
0xbc: {  	s0 =	sadd.s32 $0x8F2B, s0  }
0xbd: {  	[sflag:s0] =	ssyncadd.remote.s32 $0x1  }
0xbe: {  	_ =	sfence.sel $0xFFFF  }
0xbf: {  	[dreg:$0x0] =	wrdreg $0xFFFFFFFF;
	(pc) =	sbr.abs _section_cstart, $3  }
0xc0: {  	[dreg:$0x1] =	wrdreg $0xFFFFFFFF  }
0xc1: {  	_ =	task.clear_ibuf [dreg:s6], $0x2FFFF;
	_ =	strace $0x9FFFFFFF  }
0xc2: {  	(tm) =	ssettm $0x7FFFFFFF  }
0xc3: {  	_ =	shalt  }
tec
execute0_lowered:
.L_overlay_start_1:
0x0: {  	(tag) =	ssettag $0x1  }
0x1: {  	s0 =	srdreg.scid;
	s24 =	stileid.u32  }
0x2: {  	s1 =	rddreg [dreg:$0x0];
	s7 =	smul.u32 $0x280, s24  }
0x3: {  	s2 =	rddreg [dreg:$0x1];
	s30 =	simm.s32 $0xA000;
	s14 =	smul.u32 $0x2800, s24  }
0x4: {  	s31 =	simm.s32 $0x6;
	s0 =	sand.u32 $0x1, s0;
	s25 =	smul.u32 $0x28000, s24  }
0x5: {  	s3 =	sshll.u32 s0, $0x4;
	s5 =	smul.u32 $0x28000, s0;
	s0 =	ssub.s32 $0x2, s0  }
0x6: {  	s3 =	sor.u32 s24, s3;
	s6 =	sshrl.u32 s0, $0x1;
	s8 =	sadd.s32 $0x80, s7  }
0x7: {  	s9 =	sadd.s32 $0xC0, s7;
	s10 =	sadd.s32 $0x100, s7;
	s11 =	sadd.s32 $0x140, s7  }
0x8: {  	s12 =	sadd.s32 $0x180, s7;
	s13 =	sadd.s32 $0x1C0, s7;
	s15 =	sadd.s32 $0x200, s7  }
0x9: {  	s4 =	smul.u32 $0x2710, s3;
	s3 =	simm.s32 $0x0;
	s5 =	sadd.s32 s5, s1  }
0xa: {  	s0 =	ssub.s32 s0, s6;
	s6 =	sor.u32 $0x40, s7;
	s7 =	sadd.s32 $0x240, s7  }
0xb: {  	s17 =	sshll.u32 s8, $0x4;
	s18 =	sshll.u32 s9, $0x4;
	s19 =	sshll.u32 s10, $0x4  }
0xc: {  	s20 =	sshll.u32 s11, $0x4;
	s21 =	sshll.u32 s12, $0x4;
	s5 =	sadd.s32 $0x29E00, s5  }
0xd: {  	[smem:$0x7FF] =	sst s3;
	s16 =	sshll.u32 s6, $0x4;
	s14 =	sadd.s32 s14, s5  }
0xe: {  	s22 =	sshll.u32 s13, $0x4;
	s16 =	sadd.s32 s16, s5;
	[dreg:$0x3] =	wrdreg s14  }
0xf: {  	s23 =	sshll.u32 s15, $0x4;
	s17 =	sadd.s32 s17, s5;
	[dreg:$0x4] =	wrdreg s16  }
0x10: {  	s24 =	sshll.u32 s13, $0x6;
	s18 =	sadd.s32 s18, s5;
	[dreg:$0x5] =	wrdreg s17  }
0x11: {  	s13 =	simm.s32 $0x5;
	s19 =	sadd.s32 s19, s5;
	[dreg:$0x6] =	wrdreg s18  }
0x12: {  	s26 =	sshll.u32 s7, $0x4;
	s20 =	sadd.s32 s20, s5;
	[dreg:$0x7] =	wrdreg s19  }
0x13: {  	s24 =	sadd.s32 s24, s2;
	s21 =	sadd.s32 s21, s5;
	[dreg:$0x8] =	wrdreg s20  }
0x14: {  	s28 =	smax.u32 s0, $0x1;
	s22 =	sadd.s32 s22, s5;
	[dreg:$0x9] =	wrdreg s21  }
0x15: {  	s0 =	simm.s32 $0x15220;
	s23 =	sadd.s32 s23, s5;
	[dreg:$0xa] =	wrdreg s22  }
0x16: {  	s4 =	sshrl.u32 s4, $0x3;
	s5 =	sadd.s32 s26, s5;
	[dreg:$0xb] =	wrdreg s23  }
0x17: {  	s26 =	sshll.u32 s7, $0x6;
	s7 =	simm.s32 $0x12A20;
	[dreg:$0xc] =	wrdreg s5  }
0x18: {  	s4 =	sadd.s32 s4, s1;
	s14 =	sadd.s32 $0x16400, s1;
	s16 =	sshrl.u32 s25, $0x2  }
0x19: {  	s18 =	sshll.u32 s6, $0x6;
	s19 =	sshll.u32 s8, $0x6;
	s20 =	sshll.u32 s9, $0x6  }
0x1a: {  	s21 =	sshll.u32 s10, $0x6;
	s22 =	sshll.u32 s11, $0x6;
	s23 =	sshll.u32 s12, $0x6  }
0x1b: {  	s25 =	sshll.u32 s15, $0x6;
	s26 =	sadd.s32 s26, s2;
	s5 =	simm.s32 $0x10220  }
0x1c: {  	s6 =	simm.s32 $0x11620;
	s8 =	simm.s32 $0x13E20;
	s9 =	simm.s32 $0x1  }
0x1d: {  	s10 =	simm.s32 $0x2;
	s11 =	simm.s32 $0x3;
	s12 =	simm.s32 $0x4  }
0x1e: {  	s15 =	simm.s32 $0x0;
	_ =	strace $0x80000047;
	s17 =	sadd.s32 $0x2A00, s4  }
0x1f: {  	s4 =	sadd.s32 $0xC640, s4;
	s1 =	sadd.s32 s18, s2;
	s19 =	sadd.s32 s19, s2  }
0x20: {  	s20 =	sadd.s32 s20, s2;
	s21 =	sadd.s32 s21, s2;
	[dreg:$0xd] =	wrdreg s17  }
0x21: {  	s22 =	sadd.s32 s22, s2;
	s23 =	sadd.s32 s23, s2;
	[dreg:$0xe] =	wrdreg s4  }
0x22: {  	s25 =	sadd.s32 s25, s2;
	s17 =	sadd.s32 s16, s2;
	[dreg:$0xf] =	wrdreg s1  }
0x23: {  	v0 =	vimm.f32 $0.0e+00;
	s1 =	simm.s32 $0x50;
	s4 =	simm.s32 $0xEE20;
	s29 =	sadd.s32 $0x1000, s17  }
.LBB2_1:
0x24: {  	s16 =	rddreg [dreg:$0xd]  }
0x25: {  	[tilespmem:s30], [sflag:$0x6] =	stream.linear.gather [hbm4b:s16+s3], $0x2710, $0x38;
	[tilespmem:$0x18220] =	vst v63  }
0x26: {  	_ =	swait.ge [sflag:s31], $0x2710  }
0x27: {  	[sflag:s31] =	ssyncset.done $0x0  }
0x28: {  	s18 =	simm.s32 $0xC710;
	s16 =	rddreg [dreg:$0xe];
	[sflag:s31] =	ssyncadd.s32 $0xFFFFD8F0  }
0x29: {  	[tilespmem:s18], [sflag:$0x6] =	stream.linear.gather [hbm4b:s16+s3], $0x2710, $0x38;
	[tilespmem:$0x18220] =	vst v63  }
0x2a: {  	_ =	swait.ge [sflag:s31], $0x2710  }
0x2b: {  	[sflag:s31] =	ssyncset.done $0x0  }
0x2c: {  	s16 =	simm.s32 $0x0;
	[sflag:s31] =	ssyncadd.s32 $0xFFFFD8F0  }
.LBB2_2:
0x2d: {  	p0 =	sne.s32 s16, $0x3F00  }
.Ltmp0:
0x2e: {  	s18 =	sshra.s32 s16, $0x2;
	(pc) =	sbr.rel @p0 .LBB2_2-.Ltmp0, $4  }
0x2f: {  	[tilespmem:s18+$0x15220] =	vst v0  }
0x30: {  	[tilespmem:s18+$0x15230] =	vst v0  }
0x31: {  	[tilespmem:s18+$0x15240] =	vst v0  }
0x32: {  	s16 =	sadd.s32 $0x100, s16;
	[tilespmem:s18+$0x15250] =	vst v0  }
0x33: {  	s16 =	simm.s32 $0x0;
	s18 =	simm.s32 $0x200  }
.LBB2_4:
0x34: {  	p0 =	sne.s32 s18, $0x7E00;
	[tilespmem:s16+$0x16290] =	vst v0  }
0x35: {  	[tilespmem:s16+$0x16220] =	vst v0  }
0x36: {  	[tilespmem:s16+$0x16230] =	vst v0  }
.Ltmp1:
0x37: {  	[tilespmem:s16+$0x16240] =	vst v0;
	(pc) =	sbr.rel @p0 .LBB2_4-.Ltmp1, $4  }
0x38: {  	[tilespmem:s16+$0x16250] =	vst v0  }
0x39: {  	[tilespmem:s16+$0x16260] =	vst v0  }
0x3a: {  	[tilespmem:s16+$0x16270] =	vst v0  }
0x3b: {  	[tilespmem:s16+$0x16280] =	vst v0;
	s16 =	sshra.s32 s18, $0x2;
	s18 =	sadd.s32 $0x200, s18  }
0x3c: {  	[tilespmem:s16+$0x16290] =	vst v0  }
0x3d: {  	[tilespmem:s16+$0x16220] =	vst v0  }
0x3e: {  	[tilespmem:s16+$0x16230] =	vst v0  }
0x3f: {  	[tilespmem:s16+$0x16240] =	vst v0  }
0x40: {  	[tilespmem:s16+$0x16250] =	vst v0  }
0x41: {  	[tilespmem:s16+$0x16260] =	vst v0  }
0x42: {  	[tilespmem:s16+$0x16270] =	vst v0  }
0x43: {  	[tilespmem:s16+$0x16280] =	vst v0  }
0x44: {  	[spmem:s17] =	stream.linear.scatter [tilespmem:s0], [sflag:$0x6], $0x1000, $0x38;
	[tilespmem:$0x18220] =	vst v63  }
0x45: {  	_ =	swait.ge [sflag:s31], $0x1000  }
0x46: {  	[sflag:s31] =	ssyncset.done $0x0  }
0x47: {  	s18 =	rddreg [dreg:$0xf];
	[sflag:s31] =	ssyncadd.s32 $0xFFFFF000  }
0x48: {  	[spmem:s18] =	stream.linear.scatter [tilespmem:s0], [sflag:$0x6], $0x1000, $0x38;
	[tilespmem:$0x18220] =	vst v63  }
0x49: {  	_ =	swait.ge [sflag:s31], $0x1000  }
0x4a: {  	[sflag:s31] =	ssyncset.done $0x0  }
0x4b: {  	[sflag:s31] =	ssyncadd.s32 $0xFFFFF000  }
0x4c: {  	[spmem:s19] =	stream.linear.scatter [tilespmem:s0], [sflag:$0x6], $0x1000, $0x38;
	[tilespmem:$0x18220] =	vst v63  }
0x4d: {  	_ =	swait.ge [sflag:s31], $0x1000  }
0x4e: {  	[sflag:s31] =	ssyncset.done $0x0  }
0x4f: {  	[sflag:s31] =	ssyncadd.s32 $0xFFFFF000  }
0x50: {  	[spmem:s20] =	stream.linear.scatter [tilespmem:s0], [sflag:$0x6], $0x1000, $0x38;
	[tilespmem:$0x18220] =	vst v63  }
0x51: {  	_ =	swait.ge [sflag:s31], $0x1000  }
0x52: {  	[sflag:s31] =	ssyncset.done $0x0  }
0x53: {  	[sflag:s31] =	ssyncadd.s32 $0xFFFFF000  }
0x54: {  	[spmem:s21] =	stream.linear.scatter [tilespmem:s0], [sflag:$0x6], $0x1000, $0x38;
	[tilespmem:$0x18220] =	vst v63  }
0x55: {  	_ =	swait.ge [sflag:s31], $0x1000  }
0x56: {  	[sflag:s31] =	ssyncset.done $0x0  }
0x57: {  	[sflag:s31] =	ssyncadd.s32 $0xFFFFF000  }
0x58: {  	[spmem:s22] =	stream.linear.scatter [tilespmem:s0], [sflag:$0x6], $0x1000, $0x38;
	[tilespmem:$0x18220] =	vst v63  }
0x59: {  	_ =	swait.ge [sflag:s31], $0x1000  }
0x5a: {  	[sflag:s31] =	ssyncset.done $0x0  }
0x5b: {  	[sflag:s31] =	ssyncadd.s32 $0xFFFFF000  }
0x5c: {  	[spmem:s23] =	stream.linear.scatter [tilespmem:s0], [sflag:$0x6], $0x1000, $0x38;
	[tilespmem:$0x18220] =	vst v63  }
0x5d: {  	_ =	swait.ge [sflag:s31], $0x1000  }
0x5e: {  	[sflag:s31] =	ssyncset.done $0x0  }
0x5f: {  	[sflag:s31] =	ssyncadd.s32 $0xFFFFF000  }
0x60: {  	[spmem:s24] =	stream.linear.scatter [tilespmem:s0], [sflag:$0x6], $0x1000, $0x38;
	[tilespmem:$0x18220] =	vst v63  }
0x61: {  	_ =	swait.ge [sflag:s31], $0x1000  }
0x62: {  	[sflag:s31] =	ssyncset.done $0x0  }
0x63: {  	[sflag:s31] =	ssyncadd.s32 $0xFFFFF000  }
0x64: {  	[spmem:s25] =	stream.linear.scatter [tilespmem:s0], [sflag:$0x6], $0x1000, $0x38;
	[tilespmem:$0x18220] =	vst v63  }
0x65: {  	_ =	swait.ge [sflag:s31], $0x1000  }
0x66: {  	[sflag:s31] =	ssyncset.done $0x0  }
0x67: {  	[sflag:s31] =	ssyncadd.s32 $0xFFFFF000  }
0x68: {  	[spmem:s26] =	stream.linear.scatter [tilespmem:s0], [sflag:$0x6], $0x1000, $0x38;
	[tilespmem:$0x18220] =	vst v63  }
0x69: {  	_ =	swait.ge [sflag:s31], $0x1000  }
0x6a: {  	[sflag:s31] =	ssyncset.done $0x0  }
0x6b: {  	[sflag:s31] =	ssyncadd.s32 $0xFFFFF000  }
0x6c: {  	[bflag:$0x0] =	sbarrier.arrive $0xFFFF  }
0x6d: {  	[tilespmem:s4], [sflag:$0x1] =	stream.indirect.gather [hbm4b:s14+s1], $0x40, s30, s1, $0xb8;
	[tilespmem:$0x18220] =	vst v63  }
0x6e: {  	s30 =	simm.s32 $0xA050  }
0x6f: {  	[tilespmem:s5], [sflag:$0x2] =	stream.indirect.gather [hbm4b:s14+s1], $0x40, s30, s1, $0xb8;
	[tilespmem:$0x18220] =	vst v63  }
0x70: {  	s18 =	simm.s32 $0xA0A0  }
0x71: {  	[tilespmem:s6], [sflag:$0x3] =	stream.indirect.gather [hbm4b:s14+s1], $0x40, s18, s1, $0xb8;
	[tilespmem:$0x18220] =	vst v63  }
0x72: {  	s30 =	simm.s32 $0xA0F0  }
0x73: {  	[tilespmem:s7], [sflag:$0x4] =	stream.indirect.gather [hbm4b:s14+s1], $0x40, s30, s1, $0xb8;
	[tilespmem:$0x18220] =	vst v63  }
0x74: {  	s18 =	simm.s32 $0xA140  }
0x75: {  	[tilespmem:s8], [sflag:$0x5] =	stream.indirect.gather [hbm4b:s14+s1], $0x40, s18, s1, $0xb8;
	[tilespmem:$0x18220] =	vst v63  }
0x76: {  	_ =	swait.ge [sflag:s9], $0x1400  }
0x77: {  	[sflag:s9] =	ssyncset.done $0x0  }
0x78: {  	s30 =	simm.s32 $0xC710;
	[sflag:s9] =	ssyncadd.s32 $0xFFFFEC00  }
0x79: {  	[spmem:s2] =	stream.indirect.scatter.add.f32 [tilespmem:s4], [sflag:$0x6], $0x40, s30, s1, $0xb8;
	[tilespmem:$0x18220] =	vst v63  }
0x7a: {  	_ =	swait.ge [sflag:s31], $0x1400  }
0x7b: {  	[sflag:s31] =	ssyncset.done $0x0  }
0x7c: {  	s18 =	simm.s32 $0xA190;
	[sflag:s31] =	ssyncadd.s32 $0xFFFFEC00  }
0x7d: {  	[tilespmem:s4], [sflag:$0x1] =	stream.indirect.gather [hbm4b:s14+s1], $0x40, s18, s1, $0xb8;
	[tilespmem:$0x18220] =	vst v63  }
0x7e: {  	_ =	swait.ge [sflag:s10], $0x1400  }
0x7f: {  	[sflag:s10] =	ssyncset.done $0x0  }
0x80: {  	s30 =	simm.s32 $0xC760;
	[sflag:s10] =	ssyncadd.s32 $0xFFFFEC00  }
0x81: {  	[spmem:s2] =	stream.indirect.scatter.add.f32 [tilespmem:s5], [sflag:$0x6], $0x40, s30, s1, $0xb8;
	[tilespmem:$0x18220] =	vst v63  }
0x82: {  	_ =	swait.ge [sflag:s31], $0x1400  }
0x83: {  	[sflag:s31] =	ssyncset.done $0x0  }
0x84: {  	s18 =	simm.s32 $0xA1E0;
	[sflag:s31] =	ssyncadd.s32 $0xFFFFEC00  }
0x85: {  	[tilespmem:s5], [sflag:$0x2] =	stream.indirect.gather [hbm4b:s14+s1], $0x40, s18, s1, $0xb8;
	[tilespmem:$0x18220] =	vst v63  }
0x86: {  	_ =	swait.ge [sflag:s11], $0x1400  }
0x87: {  	[sflag:s11] =	ssyncset.done $0x0  }
0x88: {  	s30 =	simm.s32 $0xC7B0;
	[sflag:s11] =	ssyncadd.s32 $0xFFFFEC00  }
0x89: {  	[spmem:s2] =	stream.indirect.scatter.add.f32 [tilespmem:s6], [sflag:$0x6], $0x40, s30, s1, $0xb8;
	[tilespmem:$0x18220] =	vst v63  }
0x8a: {  	_ =	swait.ge [sflag:s31], $0x1400  }
0x8b: {  	[sflag:s31] =	ssyncset.done $0x0  }
0x8c: {  	s18 =	simm.s32 $0xA230;
	[sflag:s31] =	ssyncadd.s32 $0xFFFFEC00  }
0x8d: {  	[tilespmem:s6], [sflag:$0x3] =	stream.indirect.gather [hbm4b:s14+s1], $0x40, s18, s1, $0xb8;
	[tilespmem:$0x18220] =	vst v63  }
0x8e: {  	_ =	swait.ge [sflag:s12], $0x1400  }
0x8f: {  	[sflag:s12] =	ssyncset.done $0x0  }
0x90: {  	s30 =	simm.s32 $0xC800;
	[sflag:s12] =	ssyncadd.s32 $0xFFFFEC00  }
0x91: {  	[spmem:s2] =	stream.indirect.scatter.add.f32 [tilespmem:s7], [sflag:$0x6], $0x40, s30, s1, $0xb8;
	[tilespmem:$0x18220] =	vst v63  }
0x92: {  	_ =	swait.ge [sflag:s31], $0x1400  }
0x93: {  	[sflag:s31] =	ssyncset.done $0x0  }
0x94: {  	s18 =	simm.s32 $0xA280;
	[sflag:s31] =	ssyncadd.s32 $0xFFFFEC00  }
0x95: {  	[tilespmem:s7], [sflag:$0x4] =	stream.indirect.gather [hbm4b:s14+s1], $0x40, s18, s1, $0xb8;
	[tilespmem:$0x18220] =	vst v63  }
0x96: {  	_ =	swait.ge [sflag:s13], $0x1400  }
0x97: {  	[sflag:s13] =	ssyncset.done $0x0  }
0x98: {  	s30 =	simm.s32 $0xC850;
	[sflag:s13] =	ssyncadd.s32 $0xFFFFEC00  }
0x99: {  	[spmem:s2] =	stream.indirect.scatter.add.f32 [tilespmem:s8], [sflag:$0x6], $0x40, s30, s1, $0xb8;
	[tilespmem:$0x18220] =	vst v63  }
0x9a: {  	_ =	swait.ge [sflag:s31], $0x1400  }
0x9b: {  	[sflag:s31] =	ssyncset.done $0x0  }
0x9c: {  	s16 =	simm.s32 $0x640;
	s18 =	simm.s32 $0xA2D0;
	[sflag:s31] =	ssyncadd.s32 $0xFFFFEC00  }
.LBB2_6:
0x9d: {  	[tilespmem:s8], [sflag:$0x5] =	stream.indirect.gather [hbm4b:s14+s1], $0x40, s18, s1, $0xb8;
	[tilespmem:$0x18220] =	vst v63  }
0x9e: {  	s18 =	smov.u32 s16  }
0x9f: {  	p0 =	sne.s32 s16, $0x8FC0;
	s16 =	sadd.s32 $0x640, s16;
	_ =	swait.ge [sflag:s9], $0x1400  }
0xa0: {  	s18 =	sshra.s32 s18, $0x2;
	[sflag:s9] =	ssyncset.done $0x0  }
0xa1: {  	s30 =	sadd.s32 $0xC710, s18;
	[sflag:s9] =	ssyncadd.s32 $0xFFFFEC00  }
0xa2: {  	[spmem:s2] =	stream.indirect.scatter.add.f32 [tilespmem:s4], [sflag:$0x6], $0x40, s30, s1, $0xb8;
	[tilespmem:$0x18220] =	vst v63  }
0xa3: {  	_ =	swait.ge [sflag:s31], $0x1400  }
0xa4: {  	[sflag:s31] =	ssyncset.done $0x0  }
0xa5: {  	s30 =	sadd.s32 $0xA190, s18;
	[sflag:s31] =	ssyncadd.s32 $0xFFFFEC00  }
0xa6: {  	[tilespmem:s4], [sflag:$0x1] =	stream.indirect.gather [hbm4b:s14+s1], $0x40, s30, s1, $0xb8;
	[tilespmem:$0x18220] =	vst v63  }
0xa7: {  	_ =	swait.ge [sflag:s10], $0x1400  }
0xa8: {  	[sflag:s10] =	ssyncset.done $0x0  }
0xa9: {  	s30 =	sadd.s32 $0xC760, s18;
	[sflag:s10] =	ssyncadd.s32 $0xFFFFEC00  }
0xaa: {  	[spmem:s2] =	stream.indirect.scatter.add.f32 [tilespmem:s5], [sflag:$0x6], $0x40, s30, s1, $0xb8;
	[tilespmem:$0x18220] =	vst v63  }
0xab: {  	_ =	swait.ge [sflag:s31], $0x1400  }
0xac: {  	[sflag:s31] =	ssyncset.done $0x0  }
0xad: {  	s30 =	sadd.s32 $0xA1E0, s18;
	[sflag:s31] =	ssyncadd.s32 $0xFFFFEC00  }
0xae: {  	[tilespmem:s5], [sflag:$0x2] =	stream.indirect.gather [hbm4b:s14+s1], $0x40, s30, s1, $0xb8;
	[tilespmem:$0x18220] =	vst v63  }
0xaf: {  	_ =	swait.ge [sflag:s11], $0x1400  }
0xb0: {  	[sflag:s11] =	ssyncset.done $0x0  }
0xb1: {  	s30 =	sadd.s32 $0xC7B0, s18;
	[sflag:s11] =	ssyncadd.s32 $0xFFFFEC00  }
0xb2: {  	[spmem:s2] =	stream.indirect.scatter.add.f32 [tilespmem:s6], [sflag:$0x6], $0x40, s30, s1, $0xb8;
	[tilespmem:$0x18220] =	vst v63  }
0xb3: {  	_ =	swait.ge [sflag:s31], $0x1400  }
0xb4: {  	[sflag:s31] =	ssyncset.done $0x0  }
0xb5: {  	s30 =	sadd.s32 $0xA230, s18;
	[sflag:s31] =	ssyncadd.s32 $0xFFFFEC00  }
0xb6: {  	[tilespmem:s6], [sflag:$0x3] =	stream.indirect.gather [hbm4b:s14+s1], $0x40, s30, s1, $0xb8;
	[tilespmem:$0x18220] =	vst v63  }
0xb7: {  	_ =	swait.ge [sflag:s12], $0x1400  }
0xb8: {  	[sflag:s12] =	ssyncset.done $0x0  }
0xb9: {  	s30 =	sadd.s32 $0xC800, s18;
	[sflag:s12] =	ssyncadd.s32 $0xFFFFEC00  }
0xba: {  	[spmem:s2] =	stream.indirect.scatter.add.f32 [tilespmem:s7], [sflag:$0x6], $0x40, s30, s1, $0xb8;
	[tilespmem:$0x18220] =	vst v63  }
0xbb: {  	_ =	swait.ge [sflag:s31], $0x1400  }
0xbc: {  	[sflag:s31] =	ssyncset.done $0x0  }
0xbd: {  	s30 =	sadd.s32 $0xA280, s18;
	[sflag:s31] =	ssyncadd.s32 $0xFFFFEC00  }
0xbe: {  	[tilespmem:s7], [sflag:$0x4] =	stream.indirect.gather [hbm4b:s14+s1], $0x40, s30, s1, $0xb8;
	[tilespmem:$0x18220] =	vst v63  }
0xbf: {  	_ =	swait.ge [sflag:s13], $0x1400  }
0xc0: {  	[sflag:s13] =	ssyncset.done $0x0  }
.Ltmp2:
0xc1: {  	s30 =	sadd.s32 $0xC850, s18;
	[sflag:s13] =	ssyncadd.s32 $0xFFFFEC00;
	(pc) =	sbr.rel @p0 .LBB2_6-.Ltmp2, $4  }
0xc2: {  	[spmem:s2] =	stream.indirect.scatter.add.f32 [tilespmem:s8], [sflag:$0x6], $0x40, s30, s1, $0xb8;
	[tilespmem:$0x18220] =	vst v63  }
0xc3: {  	_ =	swait.ge [sflag:s31], $0x1400  }
0xc4: {  	[sflag:s31] =	ssyncset.done $0x0  }
0xc5: {  	s18 =	sadd.s32 $0xA2D0, s18;
	[sflag:s31] =	ssyncadd.s32 $0xFFFFEC00  }
0xc6: {  	[tilespmem:s8], [sflag:$0x5] =	stream.indirect.gather [hbm4b:s14+s1], $0x40, s18, s1, $0xb8;
	[tilespmem:$0x18220] =	vst v63  }
0xc7: {  	_ =	swait.ge [sflag:s9], $0x1400  }
0xc8: {  	[sflag:s9] =	ssyncset.done $0x0  }
0xc9: {  	s16 =	simm.s32 $0xEC90;
	[sflag:s9] =	ssyncadd.s32 $0xFFFFEC00  }
0xca: {  	[spmem:s2] =	stream.indirect.scatter.add.f32 [tilespmem:s4], [sflag:$0x6], $0x40, s16, s1, $0xb8;
	[tilespmem:$0x18220] =	vst v63  }
0xcb: {  	_ =	swait.ge [sflag:s31], $0x1400  }
0xcc: {  	[sflag:s31] =	ssyncset.done $0x0  }
0xcd: {  	[sflag:s31] =	ssyncadd.s32 $0xFFFFEC00  }
0xce: {  	_ =	swait.ge [sflag:s10], $0x1400  }
0xcf: {  	[sflag:s10] =	ssyncset.done $0x0  }
0xd0: {  	s30 =	simm.s32 $0xECE0;
	[sflag:s10] =	ssyncadd.s32 $0xFFFFEC00  }
0xd1: {  	[spmem:s2] =	stream.indirect.scatter.add.f32 [tilespmem:s5], [sflag:$0x6], $0x40, s30, s1, $0xb8;
	[tilespmem:$0x18220] =	vst v63  }
0xd2: {  	_ =	swait.ge [sflag:s31], $0x1400  }
0xd3: {  	[sflag:s31] =	ssyncset.done $0x0  }
0xd4: {  	[sflag:s31] =	ssyncadd.s32 $0xFFFFEC00  }
0xd5: {  	_ =	swait.ge [sflag:s11], $0x1400  }
0xd6: {  	[sflag:s11] =	ssyncset.done $0x0  }
0xd7: {  	s18 =	simm.s32 $0xED30;
	[sflag:s11] =	ssyncadd.s32 $0xFFFFEC00  }
0xd8: {  	[spmem:s2] =	stream.indirect.scatter.add.f32 [tilespmem:s6], [sflag:$0x6], $0x40, s18, s1, $0xb8;
	[tilespmem:$0x18220] =	vst v63  }
0xd9: {  	_ =	swait.ge [sflag:s31], $0x1400  }
0xda: {  	[sflag:s31] =	ssyncset.done $0x0  }
0xdb: {  	[sflag:s31] =	ssyncadd.s32 $0xFFFFEC00  }
0xdc: {  	_ =	swait.ge [sflag:s12], $0x1400  }
0xdd: {  	[sflag:s12] =	ssyncset.done $0x0  }
0xde: {  	s30 =	simm.s32 $0xED80;
	[sflag:s12] =	ssyncadd.s32 $0xFFFFEC00  }
0xdf: {  	[spmem:s2] =	stream.indirect.scatter.add.f32 [tilespmem:s7], [sflag:$0x6], $0x40, s30, s1, $0xb8;
	[tilespmem:$0x18220] =	vst v63  }
0xe0: {  	_ =	swait.ge [sflag:s31], $0x1400  }
0xe1: {  	[sflag:s31] =	ssyncset.done $0x0  }
0xe2: {  	[sflag:s31] =	ssyncadd.s32 $0xFFFFEC00  }
0xe3: {  	_ =	swait.ge [sflag:s13], $0x1400  }
0xe4: {  	[sflag:s13] =	ssyncset.done $0x0  }
0xe5: {  	s18 =	simm.s32 $0xEDD0;
	[sflag:s13] =	ssyncadd.s32 $0xFFFFEC00  }
0xe6: {  	[spmem:s2] =	stream.indirect.scatter.add.f32 [tilespmem:s8], [sflag:$0x6], $0x40, s18, s1, $0xb8;
	[tilespmem:$0x18220] =	vst v63  }
0xe7: {  	_ =	swait.ge [sflag:s31], $0x1400  }
0xe8: {  	[sflag:s31] =	ssyncset.done $0x0  }
0xe9: {  	s16 =	simm.s32 $0x16220;
	[sflag:s31] =	ssyncadd.s32 $0xFFFFEC00  }
0xea: {  	s30 =	sadd.s32 $0x0, s17;
	s18 =	simm.s32 $0x100;
	[bflag:$0x0] =	sbarrier.arrive $0xFFFF  }
0xeb: {  	[tilespmem:s16], [sflag:$0x6] =	stream.linear.gather [spmem:s30], $0x40, $0x38;
	[tilespmem:$0x18220] =	vst v63  }
.LBB2_8:
0xec: {  	p0 =	sne.s32 s18, $0x3F00  }
.Ltmp3:
0xed: {  	_ = 	snop;
	(pc) =	sbr.rel @p0 .LBB2_8-.Ltmp3, $4  }
0xee: {  	_ = 	snop  }
0xef: {  	s30 =	sshra.s32 s18, $0x2;
	s18 =	sadd.s32 $0x100, s18  }
0xf0: {  	s16 =	sadd.s32 $0x80, s16;
	s30 =	sadd.s32 s30, s17  }
0xf1: {  	[tilespmem:s16], [sflag:$0x6] =	stream.linear.gather [spmem:s30], $0x40, $0x38;
	[tilespmem:$0x18220] =	vst v63  }
0xf2: {  	_ =	swait.ge [sflag:s31], $0x1000  }
0xf3: {  	s18 =	simm.s32 $0x0;
	[sflag:s31] =	ssyncset.done $0x0  }
0xf4: {  	s16 =	simm.s32 $0x16220;
	s30 =	rddreg [dreg:$0x3];
	[sflag:s31] =	ssyncadd.s32 $0xFFFFF000  }
0xf5: {  	[hbm4b:s30+s18] =	stream.linear.scatter [tilespmem:s16], [sflag:$0x6], $0x2000, $0x38;
	[tilespmem:$0x18220] =	vst v63  }
0xf6: {  	_ =	swait.ge [sflag:s31], $0x2000  }
0xf7: {  	[sflag:s31] =	ssyncset.done $0x0  }
0xf8: {  	s30 =	sadd.s32 $0x0, s29;
	s18 =	simm.s32 $0x100;
	[sflag:s31] =	ssyncadd.s32 $0xFFFFE000  }
0xf9: {  	[tilespmem:s16], [sflag:$0x6] =	stream.linear.gather [spmem:s30], $0x40, $0x38;
	[tilespmem:$0x18220] =	vst v63  }
.LBB2_10:
0xfa: {  	p0 =	sne.s32 s18, $0x3F00  }
.Ltmp4:
0xfb: {  	_ = 	snop;
	(pc) =	sbr.rel @p0 .LBB2_10-.Ltmp4, $4  }
0xfc: {  	_ = 	snop  }
0xfd: {  	s30 =	sshra.s32 s18, $0x2;
	s18 =	sadd.s32 $0x100, s18  }
0xfe: {  	s16 =	sadd.s32 $0x80, s16;
	s30 =	sadd.s32 s30, s29  }
0xff: {  	[tilespmem:s16], [sflag:$0x6] =	stream.linear.gather [spmem:s30], $0x40, $0x38;
	[tilespmem:$0x18220] =	vst v63  }
0x100: {  	_ =	swait.ge [sflag:s31], $0x1000  }
0x101: {  	s18 =	simm.s32 $0x0;
	[sflag:s31] =	ssyncset.done $0x0  }
0x102: {  	s16 =	simm.s32 $0x16220;
	s30 =	rddreg [dreg:$0x4];
	[sflag:s31] =	ssyncadd.s32 $0xFFFFF000  }
0x103: {  	[hbm4b:s30+s18] =	stream.linear.scatter [tilespmem:s16], [sflag:$0x6], $0x2000, $0x38;
	[tilespmem:$0x18220] =	vst v63  }
0x104: {  	_ =	swait.ge [sflag:s31], $0x2000  }
0x105: {  	[sflag:s31] =	ssyncset.done $0x0  }
0x106: {  	s30 =	sadd.s32 $0x0, s19;
	s18 =	simm.s32 $0x100;
	[sflag:s31] =	ssyncadd.s32 $0xFFFFE000  }
0x107: {  	[tilespmem:s16], [sflag:$0x6] =	stream.linear.gather [spmem:s30], $0x40, $0x38;
	[tilespmem:$0x18220] =	vst v63  }
.LBB2_12:
0x108: {  	p0 =	sne.s32 s18, $0x3F00  }
.Ltmp5:
0x109: {  	_ = 	snop;
	(pc) =	sbr.rel @p0 .LBB2_12-.Ltmp5, $4  }
0x10a: {  	_ = 	snop  }
0x10b: {  	s30 =	sshra.s32 s18, $0x2;
	s18 =	sadd.s32 $0x100, s18  }
0x10c: {  	s16 =	sadd.s32 $0x80, s16;
	s30 =	sadd.s32 s30, s19  }
0x10d: {  	[tilespmem:s16], [sflag:$0x6] =	stream.linear.gather [spmem:s30], $0x40, $0x38;
	[tilespmem:$0x18220] =	vst v63  }
0x10e: {  	_ =	swait.ge [sflag:s31], $0x1000  }
0x10f: {  	s18 =	simm.s32 $0x0;
	[sflag:s31] =	ssyncset.done $0x0  }
0x110: {  	s16 =	simm.s32 $0x16220;
	s30 =	rddreg [dreg:$0x5];
	[sflag:s31] =	ssyncadd.s32 $0xFFFFF000  }
0x111: {  	[hbm4b:s30+s18] =	stream.linear.scatter [tilespmem:s16], [sflag:$0x6], $0x2000, $0x38;
	[tilespmem:$0x18220] =	vst v63  }
0x112: {  	_ =	swait.ge [sflag:s31], $0x2000  }
0x113: {  	[sflag:s31] =	ssyncset.done $0x0  }
0x114: {  	s30 =	sadd.s32 $0x0, s20;
	s18 =	simm.s32 $0x100;
	[sflag:s31] =	ssyncadd.s32 $0xFFFFE000  }
0x115: {  	[tilespmem:s16], [sflag:$0x6] =	stream.linear.gather [spmem:s30], $0x40, $0x38;
	[tilespmem:$0x18220] =	vst v63  }
.LBB2_14:
0x116: {  	p0 =	sne.s32 s18, $0x3F00  }
.Ltmp6:
0x117: {  	_ = 	snop;
	(pc) =	sbr.rel @p0 .LBB2_14-.Ltmp6, $4  }
0x118: {  	_ = 	snop  }
0x119: {  	s30 =	sshra.s32 s18, $0x2;
	s18 =	sadd.s32 $0x100, s18  }
0x11a: {  	s16 =	sadd.s32 $0x80, s16;
	s30 =	sadd.s32 s30, s20  }
0x11b: {  	[tilespmem:s16], [sflag:$0x6] =	stream.linear.gather [spmem:s30], $0x40, $0x38;
	[tilespmem:$0x18220] =	vst v63  }
0x11c: {  	_ =	swait.ge [sflag:s31], $0x1000  }
0x11d: {  	s18 =	simm.s32 $0x0;
	[sflag:s31] =	ssyncset.done $0x0  }
0x11e: {  	s16 =	simm.s32 $0x16220;
	s30 =	rddreg [dreg:$0x6];
	[sflag:s31] =	ssyncadd.s32 $0xFFFFF000  }
0x11f: {  	[hbm4b:s30+s18] =	stream.linear.scatter [tilespmem:s16], [sflag:$0x6], $0x2000, $0x38;
	[tilespmem:$0x18220] =	vst v63  }
0x120: {  	_ =	swait.ge [sflag:s31], $0x2000  }
0x121: {  	[sflag:s31] =	ssyncset.done $0x0  }
0x122: {  	s30 =	sadd.s32 $0x0, s21;
	s18 =	simm.s32 $0x100;
	[sflag:s31] =	ssyncadd.s32 $0xFFFFE000  }
0x123: {  	[tilespmem:s16], [sflag:$0x6] =	stream.linear.gather [spmem:s30], $0x40, $0x38;
	[tilespmem:$0x18220] =	vst v63  }
.LBB2_16:
0x124: {  	p0 =	sne.s32 s18, $0x3F00  }
.Ltmp7:
0x125: {  	_ = 	snop;
	(pc) =	sbr.rel @p0 .LBB2_16-.Ltmp7, $4  }
0x126: {  	_ = 	snop  }
0x127: {  	s30 =	sshra.s32 s18, $0x2;
	s18 =	sadd.s32 $0x100, s18  }
0x128: {  	s16 =	sadd.s32 $0x80, s16;
	s30 =	sadd.s32 s30, s21  }
0x129: {  	[tilespmem:s16], [sflag:$0x6] =	stream.linear.gather [spmem:s30], $0x40, $0x38;
	[tilespmem:$0x18220] =	vst v63  }
0x12a: {  	_ =	swait.ge [sflag:s31], $0x1000  }
0x12b: {  	s18 =	simm.s32 $0x0;
	[sflag:s31] =	ssyncset.done $0x0  }
0x12c: {  	s16 =	simm.s32 $0x16220;
	s30 =	rddreg [dreg:$0x7];
	[sflag:s31] =	ssyncadd.s32 $0xFFFFF000  }
0x12d: {  	[hbm4b:s30+s18] =	stream.linear.scatter [tilespmem:s16], [sflag:$0x6], $0x2000, $0x38;
	[tilespmem:$0x18220] =	vst v63  }
0x12e: {  	_ =	swait.ge [sflag:s31], $0x2000  }
0x12f: {  	[sflag:s31] =	ssyncset.done $0x0  }
0x130: {  	s30 =	sadd.s32 $0x0, s22;
	s18 =	simm.s32 $0x100;
	[sflag:s31] =	ssyncadd.s32 $0xFFFFE000  }
0x131: {  	[tilespmem:s16], [sflag:$0x6] =	stream.linear.gather [spmem:s30], $0x40, $0x38;
	[tilespmem:$0x18220] =	vst v63  }
.LBB2_18:
0x132: {  	p0 =	sne.s32 s18, $0x3F00  }
.Ltmp8:
0x133: {  	_ = 	snop;
	(pc) =	sbr.rel @p0 .LBB2_18-.Ltmp8, $4  }
0x134: {  	_ = 	snop  }
0x135: {  	s30 =	sshra.s32 s18, $0x2;
	s18 =	sadd.s32 $0x100, s18  }
0x136: {  	s16 =	sadd.s32 $0x80, s16;
	s30 =	sadd.s32 s30, s22  }
0x137: {  	[tilespmem:s16], [sflag:$0x6] =	stream.linear.gather [spmem:s30], $0x40, $0x38;
	[tilespmem:$0x18220] =	vst v63  }
0x138: {  	_ =	swait.ge [sflag:s31], $0x1000  }
0x139: {  	s18 =	simm.s32 $0x0;
	[sflag:s31] =	ssyncset.done $0x0  }
0x13a: {  	s16 =	simm.s32 $0x16220;
	s30 =	rddreg [dreg:$0x8];
	[sflag:s31] =	ssyncadd.s32 $0xFFFFF000  }
0x13b: {  	[hbm4b:s30+s18] =	stream.linear.scatter [tilespmem:s16], [sflag:$0x6], $0x2000, $0x38;
	[tilespmem:$0x18220] =	vst v63  }
0x13c: {  	_ =	swait.ge [sflag:s31], $0x2000  }
0x13d: {  	[sflag:s31] =	ssyncset.done $0x0  }
0x13e: {  	s30 =	sadd.s32 $0x0, s23;
	s18 =	simm.s32 $0x100;
	[sflag:s31] =	ssyncadd.s32 $0xFFFFE000  }
0x13f: {  	[tilespmem:s16], [sflag:$0x6] =	stream.linear.gather [spmem:s30], $0x40, $0x38;
	[tilespmem:$0x18220] =	vst v63  }
.LBB2_20:
0x140: {  	p0 =	sne.s32 s18, $0x3F00  }
.Ltmp9:
0x141: {  	_ = 	snop;
	(pc) =	sbr.rel @p0 .LBB2_20-.Ltmp9, $4  }
0x142: {  	_ = 	snop  }
0x143: {  	s30 =	sshra.s32 s18, $0x2;
	s18 =	sadd.s32 $0x100, s18  }
0x144: {  	s16 =	sadd.s32 $0x80, s16;
	s30 =	sadd.s32 s30, s23  }
0x145: {  	[tilespmem:s16], [sflag:$0x6] =	stream.linear.gather [spmem:s30], $0x40, $0x38;
	[tilespmem:$0x18220] =	vst v63  }
0x146: {  	_ =	swait.ge [sflag:s31], $0x1000  }
0x147: {  	s18 =	simm.s32 $0x0;
	[sflag:s31] =	ssyncset.done $0x0  }
0x148: {  	s16 =	simm.s32 $0x16220;
	s30 =	rddreg [dreg:$0x9];
	[sflag:s31] =	ssyncadd.s32 $0xFFFFF000  }
0x149: {  	[hbm4b:s30+s18] =	stream.linear.scatter [tilespmem:s16], [sflag:$0x6], $0x2000, $0x38;
	[tilespmem:$0x18220] =	vst v63  }
0x14a: {  	_ =	swait.ge [sflag:s31], $0x2000  }
0x14b: {  	[sflag:s31] =	ssyncset.done $0x0  }
0x14c: {  	s30 =	sadd.s32 $0x0, s24;
	s18 =	simm.s32 $0x100;
	[sflag:s31] =	ssyncadd.s32 $0xFFFFE000  }
0x14d: {  	[tilespmem:s16], [sflag:$0x6] =	stream.linear.gather [spmem:s30], $0x40, $0x38;
	[tilespmem:$0x18220] =	vst v63  }
.LBB2_22:
0x14e: {  	p0 =	sne.s32 s18, $0x3F00  }
.Ltmp10:
0x14f: {  	_ = 	snop;
	(pc) =	sbr.rel @p0 .LBB2_22-.Ltmp10, $4  }
0x150: {  	_ = 	snop  }
0x151: {  	s30 =	sshra.s32 s18, $0x2;
	s18 =	sadd.s32 $0x100, s18  }
0x152: {  	s16 =	sadd.s32 $0x80, s16;
	s30 =	sadd.s32 s30, s24  }
0x153: {  	[tilespmem:s16], [sflag:$0x6] =	stream.linear.gather [spmem:s30], $0x40, $0x38;
	[tilespmem:$0x18220] =	vst v63  }
0x154: {  	_ =	swait.ge [sflag:s31], $0x1000  }
0x155: {  	s18 =	simm.s32 $0x0;
	[sflag:s31] =	ssyncset.done $0x0  }
0x156: {  	s16 =	simm.s32 $0x16220;
	s30 =	rddreg [dreg:$0xa];
	[sflag:s31] =	ssyncadd.s32 $0xFFFFF000  }
0x157: {  	[hbm4b:s30+s18] =	stream.linear.scatter [tilespmem:s16], [sflag:$0x6], $0x2000, $0x38;
	[tilespmem:$0x18220] =	vst v63  }
0x158: {  	_ =	swait.ge [sflag:s31], $0x2000  }
0x159: {  	[sflag:s31] =	ssyncset.done $0x0  }
0x15a: {  	s30 =	sadd.s32 $0x0, s25;
	s18 =	simm.s32 $0x100;
	[sflag:s31] =	ssyncadd.s32 $0xFFFFE000  }
0x15b: {  	[tilespmem:s16], [sflag:$0x6] =	stream.linear.gather [spmem:s30], $0x40, $0x38;
	[tilespmem:$0x18220] =	vst v63  }
.LBB2_24:
0x15c: {  	p0 =	sne.s32 s18, $0x3F00  }
.Ltmp11:
0x15d: {  	_ = 	snop;
	(pc) =	sbr.rel @p0 .LBB2_24-.Ltmp11, $4  }
0x15e: {  	_ = 	snop  }
0x15f: {  	s30 =	sshra.s32 s18, $0x2;
	s18 =	sadd.s32 $0x100, s18  }
0x160: {  	s16 =	sadd.s32 $0x80, s16;
	s30 =	sadd.s32 s30, s25  }
0x161: {  	[tilespmem:s16], [sflag:$0x6] =	stream.linear.gather [spmem:s30], $0x40, $0x38;
	[tilespmem:$0x18220] =	vst v63  }
0x162: {  	_ =	swait.ge [sflag:s31], $0x1000  }
0x163: {  	s18 =	simm.s32 $0x0;
	[sflag:s31] =	ssyncset.done $0x0  }
0x164: {  	s16 =	simm.s32 $0x16220;
	s30 =	rddreg [dreg:$0xb];
	[sflag:s31] =	ssyncadd.s32 $0xFFFFF000  }
0x165: {  	[hbm4b:s30+s18] =	stream.linear.scatter [tilespmem:s16], [sflag:$0x6], $0x2000, $0x38;
	[tilespmem:$0x18220] =	vst v63  }
0x166: {  	_ =	swait.ge [sflag:s31], $0x2000  }
0x167: {  	[sflag:s31] =	ssyncset.done $0x0  }
0x168: {  	s30 =	sadd.s32 $0x0, s26;
	s18 =	simm.s32 $0x100;
	[sflag:s31] =	ssyncadd.s32 $0xFFFFE000  }
0x169: {  	[tilespmem:s16], [sflag:$0x6] =	stream.linear.gather [spmem:s30], $0x40, $0x38;
	[tilespmem:$0x18220] =	vst v63  }
.LBB2_26:
0x16a: {  	p0 =	sne.s32 s18, $0x3F00  }
.Ltmp12:
0x16b: {  	_ = 	snop;
	(pc) =	sbr.rel @p0 .LBB2_26-.Ltmp12, $4  }
0x16c: {  	_ = 	snop  }
0x16d: {  	s30 =	sshra.s32 s18, $0x2;
	s18 =	sadd.s32 $0x100, s18  }
0x16e: {  	s16 =	sadd.s32 $0x80, s16;
	s30 =	sadd.s32 s30, s26  }
0x16f: {  	[tilespmem:s16], [sflag:$0x6] =	stream.linear.gather [spmem:s30], $0x40, $0x38;
	[tilespmem:$0x18220] =	vst v63  }
0x170: {  	_ =	swait.ge [sflag:s31], $0x1000;
	s15 =	sadd.s32 $0x1, s15  }
0x171: {  	s18 =	simm.s32 $0x16220;
	[sflag:s31] =	ssyncset.done $0x0;
	p0 =	sne.s32 s15, s28  }
.Ltmp13:
0x172: {  	s16 =	rddreg [dreg:$0xc];
	[sflag:s31] =	ssyncadd.s32 $0xFFFFF000;
	(pc) =	sbr.rel @p0 .LBB2_1-.Ltmp13, $4  }
0x173: {  	[hbm4b:s16+s3] =	stream.linear.scatter [tilespmem:s18], [sflag:$0x6], $0x2000, $0x38;
	[tilespmem:$0x18220] =	vst v63  }
0x174: {  	_ =	swait.ge [sflag:s31], $0x2000  }
0x175: {  	[sflag:s31] =	ssyncset.done $0x0  }
0x176: {  	s30 =	simm.s32 $0xA000;
	[sflag:s31] =	ssyncadd.s32 $0xFFFFE000  }
0x177: {  	_ =	sfence.sel $0x180000  }
0x178: {  	[bflag:$0x0] =	sbarrier.arrive $0xFFFF  }
0x179: {  	_ =	strace $0x90000047  }
0x17a: {  	s0 =	stileid.u32;
	[bflag:$0x2] =	sbarrier.arrive $0xFFFF  }
0x17b: {  	p0 =	sne.s32 s0, $0x0;
	s0 =	rddreg [dreg:$0x2]  }
0x17c: {  	s0 =	sadd.s32 @!p0 $0x100000, s0  }
0x17d: {  	[sflag:s0] =	ssyncadd.tile.s32 @!p0 $0x1;
	_ =	shalt  }
.Lfunc_end2:
_tile_overlayer_lowered:
.L_overlay_start_2:
0x17e: {  	(tag) =	ssettag $0x2  }
0x17f: {  	s0 =	rddreg [dreg:$0x0];
	s2 =	stileid.u32  }
0x180: {  	s1 =	rddreg [dreg:$0x1];
	p0 =	sne.s32 s2, $0x0  }
0x181: {  	s3 =	rddreg [dreg:$0x2];
	[bflag:$0x3] =	sbarrier.arrive $0xFFFF;
	s2 =	simm.s32 @!p0 $0x1C06  }
0x182: {  	[timem:s3], [sflag:s2] =	dma.local @!p0 [hbm:s0], s1  }
0x183: {  	s0 =	simm.s32 @!p0 $0x6  }
0x184: {  	_ =	swait.ge @!p0 [sflag:s0], s1  }
0x185: {  	s1 =	ssub.s32 @!p0 $0x0, s1;
	[sflag:s0] =	ssyncset.done @!p0 $0x0  }
0x186: {  	[sflag:s0] =	ssyncadd.s32 @!p0 s1  }
0x187: {  	[bflag:$0x3] =	sbarrier.arrive $0xFFFF  }
0x188: {  	_ =	shalt  }

</sc_bundles>
